<compile_context>
chip_gen: v7x
topology: tpu7x:2x2x1
jax: 0.10.2.dev20260603
libtpu: 0.0.44.dev20260713+nightly
codegen_flags: <defaults>
</compile_context>

<pallas_src>
import jax
import jax.numpy as jnp
from jax import lax
from jax.experimental import pallas as pl
from jax.experimental.pallas import tpu as pltpu
from jax.experimental.pallas import tpu_sc as plsc

EMBED_DIM = 32
NUM_CORES = 2
NUM_SUBCORES = 16
NUM_WORKERS = NUM_CORES * NUM_SUBCORES
B0 = 16384
B1 = 50
COLS = B0 // NUM_WORKERS
NBLK = COLS // 128
TPAD = 133


def _embed_kernel(idx_hbm, table_hbm, out_hbm, idx_blk, idx_list, rows_v,
                  t_v, isem, gsem, wsem):
    wid = lax.axis_index("s") * NUM_CORES + lax.axis_index("c")
    col0 = wid * COLS
    viota = lax.iota(jnp.int32, 16)
    p_lo = (viota // 8) * 32 + (viota % 8)
    p_hi = ((viota + 16) // 8) * 32 + (viota % 8)

    def extract_idx(b1, buf):
        cols = jnp.full((16,), 0, jnp.int32) + b1
        for j in range(COLS // 16):
            rows = viota + (16 * j)
            vals = plsc.load_gather(idx_blk, [rows, cols])
            idx_list[buf, pl.ds(16 * j, 16)] = vals

    def issue_gather(buf):
        return pltpu.async_copy(
            table_hbm.at[idx_list.at[buf]], rows_v.at[buf], gsem.at[buf]
        )

    def wait_gather(buf):
        pltpu.make_async_copy(
            table_hbm.at[idx_list.at[buf]], rows_v.at[buf], gsem.at[buf]
        ).wait()

    def transpose(buf):
        t2d = t_v.at[buf]

        def bb_body(bb, carry):
            row_lo = p_lo + bb * 8
            row_hi = p_hi + bb * 8

            def cc_body(cc, carry2):
                for k in range(16):
                    r = bb * 128 + cc * 16 + k
                    c = jnp.full((16,), 0, jnp.int32) + (cc * 16 + k)
                    v_lo = rows_v[buf, r, pl.ds(0, 16)]
                    v_hi = rows_v[buf, r, pl.ds(16, 16)]
                    plsc.store_scatter(t2d, [row_lo, c], v_lo)
                    plsc.store_scatter(t2d, [row_hi, c], v_hi)
                return carry2

            return lax.fori_loop(0, 8, cc_body, carry)

        lax.fori_loop(0, NBLK, bb_body, 0)

    def issue_wb(i, buf):
        for f_blk in range(4):
            pltpu.async_copy(
                t_v.at[buf, pl.ds(f_blk * 32, 32), pl.ds(0, 128)],
                out_hbm.at[i, pl.ds(f_blk * 1024 + wid * 32, 32), :],
                wsem.at[buf],
            )

    def wait_wb(buf):
        for f_blk in range(4):
            pltpu.make_async_copy(
                t_v.at[buf, pl.ds(f_blk * 32, 32), pl.ds(0, 128)],
                out_hbm.at[0, pl.ds(f_blk * 1024, 32), :],
                wsem.at[buf],
            ).wait()

    pltpu.async_copy(
        idx_hbm.at[pl.ds(col0, COLS), :], idx_blk, isem
    ).wait()

    extract_idx(0, 0)
    issue_gather(0)

    def body(g, carry):
        for buf in range(2):
            i = g * 2 + buf

            @pl.when(i + 1 < B1)
            def _():
                extract_idx(i + 1, 1 - buf)

            wait_gather(buf)

            @pl.when(i + 1 < B1)
            def _():
                issue_gather(1 - buf)

            @pl.when(i >= 2)
            def _():
                wait_wb(buf)

            transpose(buf)
            issue_wb(i, buf)
        return carry

    lax.fori_loop(0, B1 // 2, body, 0)
    for buf in range(2):
        wait_wb(buf)


def kernel(input, weight):
    idx = input.astype(jnp.int32)

    mesh = plsc.VectorSubcoreMesh(core_axis_name="c", subcore_axis_name="s")
    run = pl.kernel(
        _embed_kernel,
        mesh=mesh,
        out_type=jax.ShapeDtypeStruct((B1, 4096, 128), jnp.float32),
        scratch_types=[
            pltpu.VMEM((COLS, B1), jnp.int32),
            pltpu.VMEM((2, COLS), jnp.int32),
            pltpu.VMEM((2, COLS, EMBED_DIM), jnp.float32),
            pltpu.VMEM((2, 128, TPAD), jnp.float32),
            pltpu.SemaphoreType.DMA,
            pltpu.SemaphoreType.DMA((2,)),
            pltpu.SemaphoreType.DMA((2,)),
        ],
        compiler_params=pltpu.CompilerParams(
            use_tc_tiling_on_sc=False, needs_layout_passes=False
        ),
    )
    out3d = run(idx, weight)
    return (
        out3d.reshape(B1, 4, 128, 8, 128)
        .transpose(2, 4, 0, 1, 3)
        .reshape(B0, B1, EMBED_DIM)
    )

# --- scband reference (transcript-rebuilt; emitter-appended) ---
"""Pipeline reference for scband-dynamic-embedding-33466385171101 (READ-ONLY COPY).

The authoritative reference and input builder live on the scoring server;
editing this copy changes nothing except your own understanding.
"""

import jax, jax.numpy as jnp
import numpy as np

EMBED_DIM = 32
MAX_SIZE = 1000000
PADDING_IDX = 0

def setup_inputs(seed: int = 0) -> dict:
    key = jax.random.key(seed)
    k_idx, k_w = jax.random.split(key)
    indices = jax.random.randint(k_idx, (16384, 50), 0, MAX_SIZE, dtype=jnp.int64 if jax.config.jax_enable_x64 else jnp.int32)
    weight = jax.random.normal(k_w, (MAX_SIZE, EMBED_DIM), dtype=jnp.float32)
    # padding_idx row is zeroed at init, matching reset_parameters()
    weight = weight.at[PADDING_IDX].set(0.0)
    return {"input": indices, "weight": weight}

def reference(input, weight):
    # F.embedding forward: plain gather of rows. Since max(input) < max_size,
    # the dynamic-growth branch is not taken. padding_idx only affects grads,
    # and the padding row is already zero in the table.
    return jnp.take(weight, input, axis=0)

if __name__ == "__main__":
    import jax
    _d = setup_inputs()
    print(jax.jit(kernel)(*tuple(_d.values())))

</pallas_src>

<mosaic_0001>
#map = affine_map<(d0, d1) -> (0, 0)>
#map1 = affine_map<(d0, d1) -> (0, 0, 0)>
module attributes {stable_mosaic.version = 14 : i64} {
  func.func @_embed_kernel(%arg0: i32, %arg1: i32, %arg2: memref<16384x50xi32, #tpu.memory_space<hbm>>, %arg3: memref<1000000x32xf32, #tpu.memory_space<hbm>>, %arg4: memref<50x4096x128xf32, #tpu.memory_space<hbm>>, %arg5: memref<512x50xi32, #tpu.memory_space<vmem>>, %arg6: memref<2x512xi32, #tpu.memory_space<vmem>>, %arg7: memref<2x512x32xf32, #tpu.memory_space<vmem>>, %arg8: memref<2x128x133xf32, #tpu.memory_space<vmem>>, %arg9: memref<!tpu.dma_semaphore, #tpu.memory_space<semaphore_mem>>, %arg10: memref<2x!tpu.dma_semaphore, #tpu.memory_space<semaphore_mem>>, %arg11: memref<2x!tpu.dma_semaphore, #tpu.memory_space<semaphore_mem>>) attributes {dimension_semantics = [#tpu.dimension_semantics<core_parallel>, #tpu.dimension_semantics<subcore_parallel>], iteration_bounds = array<i64: 2, 16>, scalar_prefetch = 0 : i64, scratch_operands = 7 : i64, tpu.core_type = #tpu.core_type<sc_vector_subcore>, window_params = [{transform_indices = #map}, {transform_indices = #map}, {transform_indices = #map1}]} {
    %mul3A = arith.constant 2 : i32
    %mul3A_0 = arith.muli %arg1, %mul3A : i32
    %add3A = arith.addi %mul3A_0, %arg0 : i32
    %mul3A_1 = arith.constant 512 : i32
    %mul3A_2 = arith.muli %add3A, %mul3A_1 : i32
    %iota3A = tpu.iota {dimensions = array<i32: 0>} : vector<16xi32>
    %jit3A = arith.constant 8 : i32
    %div3A = vector.broadcast %jit3A : i32 to vector<16xi32>
    %div3A_3 = arith.divsi %iota3A, %div3A : vector<16xi32>
    %sign3A = arith.constant 0 : i32
    %sign3A_4 = vector.broadcast %sign3A : i32 to vector<16xi32>
    %sign3A_5 = arith.cmpi sgt, %iota3A, %sign3A_4 : vector<16xi32>
    %sign3A_6 = arith.extui %sign3A_5 : vector<16xi1> to vector<16xi32>
    %sign3A_7 = arith.constant 0 : i32
    %sign3A_8 = vector.broadcast %sign3A_7 : i32 to vector<16xi32>
    %sign3A_9 = arith.cmpi slt, %iota3A, %sign3A_8 : vector<16xi32>
    %sign3A_10 = arith.extui %sign3A_9 : vector<16xi1> to vector<16xi32>
    %sign3A_11 = arith.subi %sign3A_6, %sign3A_10 : vector<16xi32>
    %sign3A_12 = arith.constant 0 : i32
    %sign3A_13 = arith.cmpi sgt, %jit3A, %sign3A_12 : i32
    %sign3A_14 = arith.extui %sign3A_13 : i1 to i32
    %sign3A_15 = arith.constant 0 : i32
    %sign3A_16 = arith.cmpi slt, %jit3A, %sign3A_15 : i32
    %sign3A_17 = arith.extui %sign3A_16 : i1 to i32
    %sign3A_18 = arith.subi %sign3A_14, %sign3A_17 : i32
    %ne3A = vector.broadcast %sign3A_18 : i32 to vector<16xi32>
    %ne3A_19 = arith.cmpi ne, %sign3A_11, %ne3A : vector<16xi32>
    %rem3A = vector.broadcast %jit3A : i32 to vector<16xi32>
    %rem3A_20 = arith.remsi %iota3A, %rem3A : vector<16xi32>
    %ne3A_21 = arith.constant 0 : i32
    %ne3A_22 = vector.broadcast %ne3A_21 : i32 to vector<16xi32>
    %ne3A_23 = arith.cmpi ne, %rem3A_20, %ne3A_22 : vector<16xi32>
    %and3A = arith.andi %ne3A_19, %ne3A_23 : vector<16xi1>
    %sub3A = arith.constant 1 : i32
    %sub3A_24 = vector.broadcast %sub3A : i32 to vector<16xi32>
    %sub3A_25 = arith.subi %div3A_3, %sub3A_24 : vector<16xi32>
    %select_n3A = arith.select %and3A, %sub3A_25, %div3A_3 : vector<16xi1>, vector<16xi32>
    %mul3A_26 = arith.constant 32 : i32
    %mul3A_27 = vector.broadcast %mul3A_26 : i32 to vector<16xi32>
    %mul3A_28 = arith.muli %select_n3A, %mul3A_27 : vector<16xi32>
    %jit3A_29 = arith.constant 8 : i32
    %eq3A = arith.constant 0 : i32
    %eq3A_30 = arith.cmpi eq, %jit3A_29, %eq3A : i32
    %jit3A_31 = arith.constant 1 : i32
    %select_n3A_32 = arith.select %eq3A_30, %jit3A_31, %jit3A_29 : i32
    %rem3A_33 = vector.broadcast %select_n3A_32 : i32 to vector<16xi32>
    %rem3A_34 = arith.remsi %iota3A, %rem3A_33 : vector<16xi32>
    %ne3A_35 = arith.constant 0 : i32
    %ne3A_36 = vector.broadcast %ne3A_35 : i32 to vector<16xi32>
    %ne3A_37 = arith.cmpi ne, %rem3A_34, %ne3A_36 : vector<16xi32>
    %lt3A = arith.constant 0 : i32
    %lt3A_38 = vector.broadcast %lt3A : i32 to vector<16xi32>
    %lt3A_39 = arith.cmpi slt, %rem3A_34, %lt3A_38 : vector<16xi32>
    %lt3A_40 = arith.constant 0 : i32
    %lt3A_41 = arith.cmpi slt, %select_n3A_32, %lt3A_40 : i32
    %ne3A_42 = vector.broadcast %lt3A_41 : i1 to vector<16xi1>
    %ne3A_43 = vector.broadcast %ne3A_42 : vector<16xi1> to vector<16xi1>
    %ne3A_44 = arith.xori %lt3A_39, %ne3A_43 : vector<16xi1>
    %and3A_45 = arith.andi %ne3A_44, %ne3A_37 : vector<16xi1>
    %add3A_46 = vector.broadcast %select_n3A_32 : i32 to vector<16xi32>
    %add3A_47 = arith.addi %rem3A_34, %add3A_46 : vector<16xi32>
    %select_n3A_48 = arith.select %and3A_45, %add3A_47, %rem3A_34 : vector<16xi1>, vector<16xi32>
    %add3A_49 = arith.addi %mul3A_28, %select_n3A_48 : vector<16xi32>
    %add3A_50 = arith.constant 16 : i32
    %add3A_51 = vector.broadcast %add3A_50 : i32 to vector<16xi32>
    %add3A_52 = arith.addi %iota3A, %add3A_51 : vector<16xi32>
    %jit3A_53 = arith.constant 8 : i32
    %div3A_54 = vector.broadcast %jit3A_53 : i32 to vector<16xi32>
    %div3A_55 = arith.divsi %add3A_52, %div3A_54 : vector<16xi32>
    %sign3A_56 = arith.constant 0 : i32
    %sign3A_57 = vector.broadcast %sign3A_56 : i32 to vector<16xi32>
    %sign3A_58 = arith.cmpi sgt, %add3A_52, %sign3A_57 : vector<16xi32>
    %sign3A_59 = arith.extui %sign3A_58 : vector<16xi1> to vector<16xi32>
    %sign3A_60 = arith.constant 0 : i32
    %sign3A_61 = vector.broadcast %sign3A_60 : i32 to vector<16xi32>
    %sign3A_62 = arith.cmpi slt, %add3A_52, %sign3A_61 : vector<16xi32>
    %sign3A_63 = arith.extui %sign3A_62 : vector<16xi1> to vector<16xi32>
    %sign3A_64 = arith.subi %sign3A_59, %sign3A_63 : vector<16xi32>
    %sign3A_65 = arith.constant 0 : i32
    %sign3A_66 = arith.cmpi sgt, %jit3A_53, %sign3A_65 : i32
    %sign3A_67 = arith.extui %sign3A_66 : i1 to i32
    %sign3A_68 = arith.constant 0 : i32
    %sign3A_69 = arith.cmpi slt, %jit3A_53, %sign3A_68 : i32
    %sign3A_70 = arith.extui %sign3A_69 : i1 to i32
    %sign3A_71 = arith.subi %sign3A_67, %sign3A_70 : i32
    %ne3A_72 = vector.broadcast %sign3A_71 : i32 to vector<16xi32>
    %ne3A_73 = arith.cmpi ne, %sign3A_64, %ne3A_72 : vector<16xi32>
    %rem3A_74 = vector.broadcast %jit3A_53 : i32 to vector<16xi32>
    %rem3A_75 = arith.remsi %add3A_52, %rem3A_74 : vector<16xi32>
    %ne3A_76 = arith.constant 0 : i32
    %ne3A_77 = vector.broadcast %ne3A_76 : i32 to vector<16xi32>
    %ne3A_78 = arith.cmpi ne, %rem3A_75, %ne3A_77 : vector<16xi32>
    %and3A_79 = arith.andi %ne3A_73, %ne3A_78 : vector<16xi1>
    %sub3A_80 = arith.constant 1 : i32
    %sub3A_81 = vector.broadcast %sub3A_80 : i32 to vector<16xi32>
    %sub3A_82 = arith.subi %div3A_55, %sub3A_81 : vector<16xi32>
    %select_n3A_83 = arith.select %and3A_79, %sub3A_82, %div3A_55 : vector<16xi1>, vector<16xi32>
    %mul3A_84 = arith.constant 32 : i32
    %mul3A_85 = vector.broadcast %mul3A_84 : i32 to vector<16xi32>
    %mul3A_86 = arith.muli %select_n3A_83, %mul3A_85 : vector<16xi32>
    %jit3A_87 = arith.constant 8 : i32
    %eq3A_88 = arith.constant 0 : i32
    %eq3A_89 = arith.cmpi eq, %jit3A_87, %eq3A_88 : i32
    %jit3A_90 = arith.constant 1 : i32
    %select_n3A_91 = arith.select %eq3A_89, %jit3A_90, %jit3A_87 : i32
    %rem3A_92 = vector.broadcast %select_n3A_91 : i32 to vector<16xi32>
    %rem3A_93 = arith.remsi %iota3A, %rem3A_92 : vector<16xi32>
    %ne3A_94 = arith.constant 0 : i32
    %ne3A_95 = vector.broadcast %ne3A_94 : i32 to vector<16xi32>
    %ne3A_96 = arith.cmpi ne, %rem3A_93, %ne3A_95 : vector<16xi32>
    %lt3A_97 = arith.constant 0 : i32
    %lt3A_98 = vector.broadcast %lt3A_97 : i32 to vector<16xi32>
    %lt3A_99 = arith.cmpi slt, %rem3A_93, %lt3A_98 : vector<16xi32>
    %lt3A_100 = arith.constant 0 : i32
    %lt3A_101 = arith.cmpi slt, %select_n3A_91, %lt3A_100 : i32
    %ne3A_102 = vector.broadcast %lt3A_101 : i1 to vector<16xi1>
    %ne3A_103 = vector.broadcast %ne3A_102 : vector<16xi1> to vector<16xi1>
    %ne3A_104 = arith.xori %lt3A_99, %ne3A_103 : vector<16xi1>
    %and3A_105 = arith.andi %ne3A_104, %ne3A_96 : vector<16xi1>
    %add3A_106 = vector.broadcast %select_n3A_91 : i32 to vector<16xi32>
    %add3A_107 = arith.addi %rem3A_93, %add3A_106 : vector<16xi32>
    %select_n3A_108 = arith.select %and3A_105, %add3A_107, %rem3A_93 : vector<16xi1>, vector<16xi32>
    %add3A_109 = arith.addi %mul3A_86, %select_n3A_108 : vector<16xi32>
    %dma_start3A = arith.constant 0 : i32
    %dma_start3A_110 = tpu.memref_slice %arg2[%mul3A_2, %dma_start3A] : memref<16384x50xi32, #tpu.memory_space<hbm>> -> memref<512x50xi32, #tpu.memory_space<hbm>>
    %dma_start3A_111 = arith.constant 0 : i32
    %dma_start3A_112 = tpu.memref_slice %arg2[%mul3A_2, %dma_start3A_111] : memref<16384x50xi32, #tpu.memory_space<hbm>> -> memref<512x50xi32, #tpu.memory_space<hbm>>
    tpu.enqueue_dma source(%dma_start3A_112 : memref<512x50xi32, #tpu.memory_space<hbm>>) target(%arg5 : memref<512x50xi32, #tpu.memory_space<vmem>>) target_semaphore(%arg9 : memref<!tpu.dma_semaphore, #tpu.memory_space<semaphore_mem>>)
    %dma_wait3A = arith.constant 0 : i32
    %dma_wait3A_113 = tpu.memref_slice %arg2[%mul3A_2, %dma_wait3A] : memref<16384x50xi32, #tpu.memory_space<hbm>> -> memref<512x50xi32, #tpu.memory_space<hbm>>
    %dma_wait3A_114 = arith.constant 0 : i32
    %dma_wait3A_115 = tpu.memref_slice %arg2[%mul3A_2, %dma_wait3A_114] : memref<16384x50xi32, #tpu.memory_space<hbm>> -> memref<512x50xi32, #tpu.memory_space<hbm>>
    tpu.wait_dma2 semaphore(%arg9 : memref<!tpu.dma_semaphore, #tpu.memory_space<semaphore_mem>>) src(%dma_wait3A_115 : memref<512x50xi32, #tpu.memory_space<hbm>>) dst(%arg5 : memref<512x50xi32, #tpu.memory_space<vmem>>)
    %broadcast_in_dim3A = arith.constant 0 : i32
    %broadcast_in_dim3A_116 = vector.broadcast %broadcast_in_dim3A : i32 to vector<16xi32>
    %add3A_117 = arith.constant 0 : i32
    %add3A_118 = vector.broadcast %add3A_117 : i32 to vector<16xi32>
    %add3A_119 = arith.addi %broadcast_in_dim3A_116, %add3A_118 : vector<16xi32>
    %add3A_120 = arith.constant 0 : i32
    %add3A_121 = vector.broadcast %add3A_120 : i32 to vector<16xi32>
    %add3A_122 = arith.addi %iota3A, %add3A_121 : vector<16xi32>
    %gather3A = tpu.vector_load_idx %arg5[%add3A_122, %add3A_119] : memref<512x50xi32, #tpu.memory_space<vmem>>[vector<16xi32>, vector<16xi32>], vector<16xi32>,
    %swap3A = arith.constant 0 : i32
    %swap3A_123 = arith.index_cast %swap3A : i32 to index
    %swap3A_124 = arith.constant 0 : index
    %swap3A_125 = tpu.vector_load %arg6[%swap3A_123, %swap3A_124] {strides = array<i32>} : memref<2x512xi32, #tpu.memory_space<vmem>>, vector<16xi32>,
    tpu.vector_store %arg6[%swap3A_123, %swap3A_124], %gather3A {strides = array<i32>} : memref<2x512xi32, #tpu.memory_space<vmem>>, vector<16xi32>,
    %add3A_126 = arith.constant 16 : i32
    %add3A_127 = vector.broadcast %add3A_126 : i32 to vector<16xi32>
    %add3A_128 = arith.addi %iota3A, %add3A_127 : vector<16xi32>
    %gather3A_129 = tpu.vector_load_idx %arg5[%add3A_128, %add3A_119] : memref<512x50xi32, #tpu.memory_space<vmem>>[vector<16xi32>, vector<16xi32>], vector<16xi32>,
    %swap3A_130 = arith.constant 0 : i32
    %swap3A_131 = arith.index_cast %swap3A_130 : i32 to index
    %swap3A_132 = arith.constant 16 : index
    %swap3A_133 = tpu.vector_load %arg6[%swap3A_131, %swap3A_132] {strides = array<i32>} : memref<2x512xi32, #tpu.memory_space<vmem>>, vector<16xi32>,
    tpu.vector_store %arg6[%swap3A_131, %swap3A_132], %gather3A_129 {strides = array<i32>} : memref<2x512xi32, #tpu.memory_space<vmem>>, vector<16xi32>,
    %add3A_134 = arith.constant 32 : i32
    %add3A_135 = vector.broadcast %add3A_134 : i32 to vector<16xi32>
    %add3A_136 = arith.addi %iota3A, %add3A_135 : vector<16xi32>
    %gather3A_137 = tpu.vector_load_idx %arg5[%add3A_136, %add3A_119] : memref<512x50xi32, #tpu.memory_space<vmem>>[vector<16xi32>, vector<16xi32>], vector<16xi32>,
    %swap3A_138 = arith.constant 0 : i32
    %swap3A_139 = arith.index_cast %swap3A_138 : i32 to index
    %swap3A_140 = arith.constant 32 : index
    %swap3A_141 = tpu.vector_load %arg6[%swap3A_139, %swap3A_140] {strides = array<i32>} : memref<2x512xi32, #tpu.memory_space<vmem>>, vector<16xi32>,
    tpu.vector_store %arg6[%swap3A_139, %swap3A_140], %gather3A_137 {strides = array<i32>} : memref<2x512xi32, #tpu.memory_space<vmem>>, vector<16xi32>,
    %add3A_142 = arith.constant 48 : i32
    %add3A_143 = vector.broadcast %add3A_142 : i32 to vector<16xi32>
    %add3A_144 = arith.addi %iota3A, %add3A_143 : vector<16xi32>
    %gather3A_145 = tpu.vector_load_idx %arg5[%add3A_144, %add3A_119] : memref<512x50xi32, #tpu.memory_space<vmem>>[vector<16xi32>, vector<16xi32>], vector<16xi32>,
    %swap3A_146 = arith.constant 0 : i32
    %swap3A_147 = arith.index_cast %swap3A_146 : i32 to index
    %swap3A_148 = arith.constant 48 : index
    %swap3A_149 = tpu.vector_load %arg6[%swap3A_147, %swap3A_148] {strides = array<i32>} : memref<2x512xi32, #tpu.memory_space<vmem>>, vector<16xi32>,
    tpu.vector_store %arg6[%swap3A_147, %swap3A_148], %gather3A_145 {strides = array<i32>} : memref<2x512xi32, #tpu.memory_space<vmem>>, vector<16xi32>,
    %add3A_150 = arith.constant 64 : i32
    %add3A_151 = vector.broadcast %add3A_150 : i32 to vector<16xi32>
    %add3A_152 = arith.addi %iota3A, %add3A_151 : vector<16xi32>
    %gather3A_153 = tpu.vector_load_idx %arg5[%add3A_152, %add3A_119] : memref<512x50xi32, #tpu.memory_space<vmem>>[vector<16xi32>, vector<16xi32>], vector<16xi32>,
    %swap3A_154 = arith.constant 0 : i32
    %swap3A_155 = arith.index_cast %swap3A_154 : i32 to index
    %swap3A_156 = arith.constant 64 : index
    %swap3A_157 = tpu.vector_load %arg6[%swap3A_155, %swap3A_156] {strides = array<i32>} : memref<2x512xi32, #tpu.memory_space<vmem>>, vector<16xi32>,
    tpu.vector_store %arg6[%swap3A_155, %swap3A_156], %gather3A_153 {strides = array<i32>} : memref<2x512xi32, #tpu.memory_space<vmem>>, vector<16xi32>,
    %add3A_158 = arith.constant 80 : i32
    %add3A_159 = vector.broadcast %add3A_158 : i32 to vector<16xi32>
    %add3A_160 = arith.addi %iota3A, %add3A_159 : vector<16xi32>
    %gather3A_161 = tpu.vector_load_idx %arg5[%add3A_160, %add3A_119] : memref<512x50xi32, #tpu.memory_space<vmem>>[vector<16xi32>, vector<16xi32>], vector<16xi32>,
    %swap3A_162 = arith.constant 0 : i32
    %swap3A_163 = arith.index_cast %swap3A_162 : i32 to index
    %swap3A_164 = arith.constant 80 : index
    %swap3A_165 = tpu.vector_load %arg6[%swap3A_163, %swap3A_164] {strides = array<i32>} : memref<2x512xi32, #tpu.memory_space<vmem>>, vector<16xi32>,
    tpu.vector_store %arg6[%swap3A_163, %swap3A_164], %gather3A_161 {strides = array<i32>} : memref<2x512xi32, #tpu.memory_space<vmem>>, vector<16xi32>,
    %add3A_166 = arith.constant 96 : i32
    %add3A_167 = vector.broadcast %add3A_166 : i32 to vector<16xi32>
    %add3A_168 = arith.addi %iota3A, %add3A_167 : vector<16xi32>
    %gather3A_169 = tpu.vector_load_idx %arg5[%add3A_168, %add3A_119] : memref<512x50xi32, #tpu.memory_space<vmem>>[vector<16xi32>, vector<16xi32>], vector<16xi32>,
    %swap3A_170 = arith.constant 0 : i32
    %swap3A_171 = arith.index_cast %swap3A_170 : i32 to index
    %swap3A_172 = arith.constant 96 : index
    %swap3A_173 = tpu.vector_load %arg6[%swap3A_171, %swap3A_172] {strides = array<i32>} : memref<2x512xi32, #tpu.memory_space<vmem>>, vector<16xi32>,
    tpu.vector_store %arg6[%swap3A_171, %swap3A_172], %gather3A_169 {strides = array<i32>} : memref<2x512xi32, #tpu.memory_space<vmem>>, vector<16xi32>,
    %add3A_174 = arith.constant 112 : i32
    %add3A_175 = vector.broadcast %add3A_174 : i32 to vector<16xi32>
    %add3A_176 = arith.addi %iota3A, %add3A_175 : vector<16xi32>
    %gather3A_177 = tpu.vector_load_idx %arg5[%add3A_176, %add3A_119] : memref<512x50xi32, #tpu.memory_space<vmem>>[vector<16xi32>, vector<16xi32>], vector<16xi32>,
    %swap3A_178 = arith.constant 0 : i32
    %swap3A_179 = arith.index_cast %swap3A_178 : i32 to index
    %swap3A_180 = arith.constant 112 : index
    %swap3A_181 = tpu.vector_load %arg6[%swap3A_179, %swap3A_180] {strides = array<i32>} : memref<2x512xi32, #tpu.memory_space<vmem>>, vector<16xi32>,
    tpu.vector_store %arg6[%swap3A_179, %swap3A_180], %gather3A_177 {strides = array<i32>} : memref<2x512xi32, #tpu.memory_space<vmem>>, vector<16xi32>,
    %add3A_182 = arith.constant 128 : i32
    %add3A_183 = vector.broadcast %add3A_182 : i32 to vector<16xi32>
    %add3A_184 = arith.addi %iota3A, %add3A_183 : vector<16xi32>
    %gather3A_185 = tpu.vector_load_idx %arg5[%add3A_184, %add3A_119] : memref<512x50xi32, #tpu.memory_space<vmem>>[vector<16xi32>, vector<16xi32>], vector<16xi32>,
    %swap3A_186 = arith.constant 0 : i32
    %swap3A_187 = arith.index_cast %swap3A_186 : i32 to index
    %swap3A_188 = arith.constant 128 : index
    %swap3A_189 = tpu.vector_load %arg6[%swap3A_187, %swap3A_188] {strides = array<i32>} : memref<2x512xi32, #tpu.memory_space<vmem>>, vector<16xi32>,
    tpu.vector_store %arg6[%swap3A_187, %swap3A_188], %gather3A_185 {strides = array<i32>} : memref<2x512xi32, #tpu.memory_space<vmem>>, vector<16xi32>,
    %add3A_190 = arith.constant 144 : i32
    %add3A_191 = vector.broadcast %add3A_190 : i32 to vector<16xi32>
    %add3A_192 = arith.addi %iota3A, %add3A_191 : vector<16xi32>
    %gather3A_193 = tpu.vector_load_idx %arg5[%add3A_192, %add3A_119] : memref<512x50xi32, #tpu.memory_space<vmem>>[vector<16xi32>, vector<16xi32>], vector<16xi32>,
    %swap3A_194 = arith.constant 0 : i32
    %swap3A_195 = arith.index_cast %swap3A_194 : i32 to index
    %swap3A_196 = arith.constant 144 : index
    %swap3A_197 = tpu.vector_load %arg6[%swap3A_195, %swap3A_196] {strides = array<i32>} : memref<2x512xi32, #tpu.memory_space<vmem>>, vector<16xi32>,
    tpu.vector_store %arg6[%swap3A_195, %swap3A_196], %gather3A_193 {strides = array<i32>} : memref<2x512xi32, #tpu.memory_space<vmem>>, vector<16xi32>,
    %add3A_198 = arith.constant 160 : i32
    %add3A_199 = vector.broadcast %add3A_198 : i32 to vector<16xi32>
    %add3A_200 = arith.addi %iota3A, %add3A_199 : vector<16xi32>
    %gather3A_201 = tpu.vector_load_idx %arg5[%add3A_200, %add3A_119] : memref<512x50xi32, #tpu.memory_space<vmem>>[vector<16xi32>, vector<16xi32>], vector<16xi32>,
    %swap3A_202 = arith.constant 0 : i32
    %swap3A_203 = arith.index_cast %swap3A_202 : i32 to index
    %swap3A_204 = arith.constant 160 : index
    %swap3A_205 = tpu.vector_load %arg6[%swap3A_203, %swap3A_204] {strides = array<i32>} : memref<2x512xi32, #tpu.memory_space<vmem>>, vector<16xi32>,
    tpu.vector_store %arg6[%swap3A_203, %swap3A_204], %gather3A_201 {strides = array<i32>} : memref<2x512xi32, #tpu.memory_space<vmem>>, vector<16xi32>,
    %add3A_206 = arith.constant 176 : i32
    %add3A_207 = vector.broadcast %add3A_206 : i32 to vector<16xi32>
    %add3A_208 = arith.addi %iota3A, %add3A_207 : vector<16xi32>
    %gather3A_209 = tpu.vector_load_idx %arg5[%add3A_208, %add3A_119] : memref<512x50xi32, #tpu.memory_space<vmem>>[vector<16xi32>, vector<16xi32>], vector<16xi32>,
    %swap3A_210 = arith.constant 0 : i32
    %swap3A_211 = arith.index_cast %swap3A_210 : i32 to index
    %swap3A_212 = arith.constant 176 : index
    %swap3A_213 = tpu.vector_load %arg6[%swap3A_211, %swap3A_212] {strides = array<i32>} : memref<2x512xi32, #tpu.memory_space<vmem>>, vector<16xi32>,
    tpu.vector_store %arg6[%swap3A_211, %swap3A_212], %gather3A_209 {strides = array<i32>} : memref<2x512xi32, #tpu.memory_space<vmem>>, vector<16xi32>,
    %add3A_214 = arith.constant 192 : i32
    %add3A_215 = vector.broadcast %add3A_214 : i32 to vector<16xi32>
    %add3A_216 = arith.addi %iota3A, %add3A_215 : vector<16xi32>
    %gather3A_217 = tpu.vector_load_idx %arg5[%add3A_216, %add3A_119] : memref<512x50xi32, #tpu.memory_space<vmem>>[vector<16xi32>, vector<16xi32>], vector<16xi32>,
    %swap3A_218 = arith.constant 0 : i32
    %swap3A_219 = arith.index_cast %swap3A_218 : i32 to index
    %swap3A_220 = arith.constant 192 : index
    %swap3A_221 = tpu.vector_load %arg6[%swap3A_219, %swap3A_220] {strides = array<i32>} : memref<2x512xi32, #tpu.memory_space<vmem>>, vector<16xi32>,
    tpu.vector_store %arg6[%swap3A_219, %swap3A_220], %gather3A_217 {strides = array<i32>} : memref<2x512xi32, #tpu.memory_space<vmem>>, vector<16xi32>,
    %add3A_222 = arith.constant 208 : i32
    %add3A_223 = vector.broadcast %add3A_222 : i32 to vector<16xi32>
    %add3A_224 = arith.addi %iota3A, %add3A_223 : vector<16xi32>
    %gather3A_225 = tpu.vector_load_idx %arg5[%add3A_224, %add3A_119] : memref<512x50xi32, #tpu.memory_space<vmem>>[vector<16xi32>, vector<16xi32>], vector<16xi32>,
    %swap3A_226 = arith.constant 0 : i32
    %swap3A_227 = arith.index_cast %swap3A_226 : i32 to index
    %swap3A_228 = arith.constant 208 : index
    %swap3A_229 = tpu.vector_load %arg6[%swap3A_227, %swap3A_228] {strides = array<i32>} : memref<2x512xi32, #tpu.memory_space<vmem>>, vector<16xi32>,
    tpu.vector_store %arg6[%swap3A_227, %swap3A_228], %gather3A_225 {strides = array<i32>} : memref<2x512xi32, #tpu.memory_space<vmem>>, vector<16xi32>,
    %add3A_230 = arith.constant 224 : i32
    %add3A_231 = vector.broadcast %add3A_230 : i32 to vector<16xi32>
    %add3A_232 = arith.addi %iota3A, %add3A_231 : vector<16xi32>
    %gather3A_233 = tpu.vector_load_idx %arg5[%add3A_232, %add3A_119] : memref<512x50xi32, #tpu.memory_space<vmem>>[vector<16xi32>, vector<16xi32>], vector<16xi32>,
    %swap3A_234 = arith.constant 0 : i32
    %swap3A_235 = arith.index_cast %swap3A_234 : i32 to index
    %swap3A_236 = arith.constant 224 : index
    %swap3A_237 = tpu.vector_load %arg6[%swap3A_235, %swap3A_236] {strides = array<i32>} : memref<2x512xi32, #tpu.memory_space<vmem>>, vector<16xi32>,
    tpu.vector_store %arg6[%swap3A_235, %swap3A_236], %gather3A_233 {strides = array<i32>} : memref<2x512xi32, #tpu.memory_space<vmem>>, vector<16xi32>,
    %add3A_238 = arith.constant 240 : i32
    %add3A_239 = vector.broadcast %add3A_238 : i32 to vector<16xi32>
    %add3A_240 = arith.addi %iota3A, %add3A_239 : vector<16xi32>
    %gather3A_241 = tpu.vector_load_idx %arg5[%add3A_240, %add3A_119] : memref<512x50xi32, #tpu.memory_space<vmem>>[vector<16xi32>, vector<16xi32>], vector<16xi32>,
    %swap3A_242 = arith.constant 0 : i32
    %swap3A_243 = arith.index_cast %swap3A_242 : i32 to index
    %swap3A_244 = arith.constant 240 : index
    %swap3A_245 = tpu.vector_load %arg6[%swap3A_243, %swap3A_244] {strides = array<i32>} : memref<2x512xi32, #tpu.memory_space<vmem>>, vector<16xi32>,
    tpu.vector_store %arg6[%swap3A_243, %swap3A_244], %gather3A_241 {strides = array<i32>} : memref<2x512xi32, #tpu.memory_space<vmem>>, vector<16xi32>,
    %add3A_246 = arith.constant 256 : i32
    %add3A_247 = vector.broadcast %add3A_246 : i32 to vector<16xi32>
    %add3A_248 = arith.addi %iota3A, %add3A_247 : vector<16xi32>
    %gather3A_249 = tpu.vector_load_idx %arg5[%add3A_248, %add3A_119] : memref<512x50xi32, #tpu.memory_space<vmem>>[vector<16xi32>, vector<16xi32>], vector<16xi32>,
    %swap3A_250 = arith.constant 0 : i32
    %swap3A_251 = arith.index_cast %swap3A_250 : i32 to index
    %swap3A_252 = arith.constant 256 : index
    %swap3A_253 = tpu.vector_load %arg6[%swap3A_251, %swap3A_252] {strides = array<i32>} : memref<2x512xi32, #tpu.memory_space<vmem>>, vector<16xi32>,
    tpu.vector_store %arg6[%swap3A_251, %swap3A_252], %gather3A_249 {strides = array<i32>} : memref<2x512xi32, #tpu.memory_space<vmem>>, vector<16xi32>,
    %add3A_254 = arith.constant 272 : i32
    %add3A_255 = vector.broadcast %add3A_254 : i32 to vector<16xi32>
    %add3A_256 = arith.addi %iota3A, %add3A_255 : vector<16xi32>
    %gather3A_257 = tpu.vector_load_idx %arg5[%add3A_256, %add3A_119] : memref<512x50xi32, #tpu.memory_space<vmem>>[vector<16xi32>, vector<16xi32>], vector<16xi32>,
    %swap3A_258 = arith.constant 0 : i32
    %swap3A_259 = arith.index_cast %swap3A_258 : i32 to index
    %swap3A_260 = arith.constant 272 : index
    %swap3A_261 = tpu.vector_load %arg6[%swap3A_259, %swap3A_260] {strides = array<i32>} : memref<2x512xi32, #tpu.memory_space<vmem>>, vector<16xi32>,
    tpu.vector_store %arg6[%swap3A_259, %swap3A_260], %gather3A_257 {strides = array<i32>} : memref<2x512xi32, #tpu.memory_space<vmem>>, vector<16xi32>,
    %add3A_262 = arith.constant 288 : i32
    %add3A_263 = vector.broadcast %add3A_262 : i32 to vector<16xi32>
    %add3A_264 = arith.addi %iota3A, %add3A_263 : vector<16xi32>
    %gather3A_265 = tpu.vector_load_idx %arg5[%add3A_264, %add3A_119] : memref<512x50xi32, #tpu.memory_space<vmem>>[vector<16xi32>, vector<16xi32>], vector<16xi32>,
    %swap3A_266 = arith.constant 0 : i32
    %swap3A_267 = arith.index_cast %swap3A_266 : i32 to index
    %swap3A_268 = arith.constant 288 : index
    %swap3A_269 = tpu.vector_load %arg6[%swap3A_267, %swap3A_268] {strides = array<i32>} : memref<2x512xi32, #tpu.memory_space<vmem>>, vector<16xi32>,
    tpu.vector_store %arg6[%swap3A_267, %swap3A_268], %gather3A_265 {strides = array<i32>} : memref<2x512xi32, #tpu.memory_space<vmem>>, vector<16xi32>,
    %add3A_270 = arith.constant 304 : i32
    %add3A_271 = vector.broadcast %add3A_270 : i32 to vector<16xi32>
    %add3A_272 = arith.addi %iota3A, %add3A_271 : vector<16xi32>
    %gather3A_273 = tpu.vector_load_idx %arg5[%add3A_272, %add3A_119] : memref<512x50xi32, #tpu.memory_space<vmem>>[vector<16xi32>, vector<16xi32>], vector<16xi32>,
    %swap3A_274 = arith.constant 0 : i32
    %swap3A_275 = arith.index_cast %swap3A_274 : i32 to index
    %swap3A_276 = arith.constant 304 : index
    %swap3A_277 = tpu.vector_load %arg6[%swap3A_275, %swap3A_276] {strides = array<i32>} : memref<2x512xi32, #tpu.memory_space<vmem>>, vector<16xi32>,
    tpu.vector_store %arg6[%swap3A_275, %swap3A_276], %gather3A_273 {strides = array<i32>} : memref<2x512xi32, #tpu.memory_space<vmem>>, vector<16xi32>,
    %add3A_278 = arith.constant 320 : i32
    %add3A_279 = vector.broadcast %add3A_278 : i32 to vector<16xi32>
    %add3A_280 = arith.addi %iota3A, %add3A_279 : vector<16xi32>
    %gather3A_281 = tpu.vector_load_idx %arg5[%add3A_280, %add3A_119] : memref<512x50xi32, #tpu.memory_space<vmem>>[vector<16xi32>, vector<16xi32>], vector<16xi32>,
    %swap3A_282 = arith.constant 0 : i32
    %swap3A_283 = arith.index_cast %swap3A_282 : i32 to index
    %swap3A_284 = arith.constant 320 : index
    %swap3A_285 = tpu.vector_load %arg6[%swap3A_283, %swap3A_284] {strides = array<i32>} : memref<2x512xi32, #tpu.memory_space<vmem>>, vector<16xi32>,
    tpu.vector_store %arg6[%swap3A_283, %swap3A_284], %gather3A_281 {strides = array<i32>} : memref<2x512xi32, #tpu.memory_space<vmem>>, vector<16xi32>,
    %add3A_286 = arith.constant 336 : i32
    %add3A_287 = vector.broadcast %add3A_286 : i32 to vector<16xi32>
    %add3A_288 = arith.addi %iota3A, %add3A_287 : vector<16xi32>
    %gather3A_289 = tpu.vector_load_idx %arg5[%add3A_288, %add3A_119] : memref<512x50xi32, #tpu.memory_space<vmem>>[vector<16xi32>, vector<16xi32>], vector<16xi32>,
    %swap3A_290 = arith.constant 0 : i32
    %swap3A_291 = arith.index_cast %swap3A_290 : i32 to index
    %swap3A_292 = arith.constant 336 : index
    %swap3A_293 = tpu.vector_load %arg6[%swap3A_291, %swap3A_292] {strides = array<i32>} : memref<2x512xi32, #tpu.memory_space<vmem>>, vector<16xi32>,
    tpu.vector_store %arg6[%swap3A_291, %swap3A_292], %gather3A_289 {strides = array<i32>} : memref<2x512xi32, #tpu.memory_space<vmem>>, vector<16xi32>,
    %add3A_294 = arith.constant 352 : i32
    %add3A_295 = vector.broadcast %add3A_294 : i32 to vector<16xi32>
    %add3A_296 = arith.addi %iota3A, %add3A_295 : vector<16xi32>
    %gather3A_297 = tpu.vector_load_idx %arg5[%add3A_296, %add3A_119] : memref<512x50xi32, #tpu.memory_space<vmem>>[vector<16xi32>, vector<16xi32>], vector<16xi32>,
    %swap3A_298 = arith.constant 0 : i32
    %swap3A_299 = arith.index_cast %swap3A_298 : i32 to index
    %swap3A_300 = arith.constant 352 : index
    %swap3A_301 = tpu.vector_load %arg6[%swap3A_299, %swap3A_300] {strides = array<i32>} : memref<2x512xi32, #tpu.memory_space<vmem>>, vector<16xi32>,
    tpu.vector_store %arg6[%swap3A_299, %swap3A_300], %gather3A_297 {strides = array<i32>} : memref<2x512xi32, #tpu.memory_space<vmem>>, vector<16xi32>,
    %add3A_302 = arith.constant 368 : i32
    %add3A_303 = vector.broadcast %add3A_302 : i32 to vector<16xi32>
    %add3A_304 = arith.addi %iota3A, %add3A_303 : vector<16xi32>
    %gather3A_305 = tpu.vector_load_idx %arg5[%add3A_304, %add3A_119] : memref<512x50xi32, #tpu.memory_space<vmem>>[vector<16xi32>, vector<16xi32>], vector<16xi32>,
    %swap3A_306 = arith.constant 0 : i32
    %swap3A_307 = arith.index_cast %swap3A_306 : i32 to index
    %swap3A_308 = arith.constant 368 : index
    %swap3A_309 = tpu.vector_load %arg6[%swap3A_307, %swap3A_308] {strides = array<i32>} : memref<2x512xi32, #tpu.memory_space<vmem>>, vector<16xi32>,
    tpu.vector_store %arg6[%swap3A_307, %swap3A_308], %gather3A_305 {strides = array<i32>} : memref<2x512xi32, #tpu.memory_space<vmem>>, vector<16xi32>,
    %add3A_310 = arith.constant 384 : i32
    %add3A_311 = vector.broadcast %add3A_310 : i32 to vector<16xi32>
    %add3A_312 = arith.addi %iota3A, %add3A_311 : vector<16xi32>
    %gather3A_313 = tpu.vector_load_idx %arg5[%add3A_312, %add3A_119] : memref<512x50xi32, #tpu.memory_space<vmem>>[vector<16xi32>, vector<16xi32>], vector<16xi32>,
    %swap3A_314 = arith.constant 0 : i32
    %swap3A_315 = arith.index_cast %swap3A_314 : i32 to index
    %swap3A_316 = arith.constant 384 : index
    %swap3A_317 = tpu.vector_load %arg6[%swap3A_315, %swap3A_316] {strides = array<i32>} : memref<2x512xi32, #tpu.memory_space<vmem>>, vector<16xi32>,
    tpu.vector_store %arg6[%swap3A_315, %swap3A_316], %gather3A_313 {strides = array<i32>} : memref<2x512xi32, #tpu.memory_space<vmem>>, vector<16xi32>,
    %add3A_318 = arith.constant 400 : i32
    %add3A_319 = vector.broadcast %add3A_318 : i32 to vector<16xi32>
    %add3A_320 = arith.addi %iota3A, %add3A_319 : vector<16xi32>
    %gather3A_321 = tpu.vector_load_idx %arg5[%add3A_320, %add3A_119] : memref<512x50xi32, #tpu.memory_space<vmem>>[vector<16xi32>, vector<16xi32>], vector<16xi32>,
    %swap3A_322 = arith.constant 0 : i32
    %swap3A_323 = arith.index_cast %swap3A_322 : i32 to index
    %swap3A_324 = arith.constant 400 : index
    %swap3A_325 = tpu.vector_load %arg6[%swap3A_323, %swap3A_324] {strides = array<i32>} : memref<2x512xi32, #tpu.memory_space<vmem>>, vector<16xi32>,
    tpu.vector_store %arg6[%swap3A_323, %swap3A_324], %gather3A_321 {strides = array<i32>} : memref<2x512xi32, #tpu.memory_space<vmem>>, vector<16xi32>,
    %add3A_326 = arith.constant 416 : i32
    %add3A_327 = vector.broadcast %add3A_326 : i32 to vector<16xi32>
    %add3A_328 = arith.addi %iota3A, %add3A_327 : vector<16xi32>
    %gather3A_329 = tpu.vector_load_idx %arg5[%add3A_328, %add3A_119] : memref<512x50xi32, #tpu.memory_space<vmem>>[vector<16xi32>, vector<16xi32>], vector<16xi32>,
    %swap3A_330 = arith.constant 0 : i32
    %swap3A_331 = arith.index_cast %swap3A_330 : i32 to index
    %swap3A_332 = arith.constant 416 : index
    %swap3A_333 = tpu.vector_load %arg6[%swap3A_331, %swap3A_332] {strides = array<i32>} : memref<2x512xi32, #tpu.memory_space<vmem>>, vector<16xi32>,
    tpu.vector_store %arg6[%swap3A_331, %swap3A_332], %gather3A_329 {strides = array<i32>} : memref<2x512xi32, #tpu.memory_space<vmem>>, vector<16xi32>,
    %add3A_334 = arith.constant 432 : i32
    %add3A_335 = vector.broadcast %add3A_334 : i32 to vector<16xi32>
    %add3A_336 = arith.addi %iota3A, %add3A_335 : vector<16xi32>
    %gather3A_337 = tpu.vector_load_idx %arg5[%add3A_336, %add3A_119] : memref<512x50xi32, #tpu.memory_space<vmem>>[vector<16xi32>, vector<16xi32>], vector<16xi32>,
    %swap3A_338 = arith.constant 0 : i32
    %swap3A_339 = arith.index_cast %swap3A_338 : i32 to index
    %swap3A_340 = arith.constant 432 : index
    %swap3A_341 = tpu.vector_load %arg6[%swap3A_339, %swap3A_340] {strides = array<i32>} : memref<2x512xi32, #tpu.memory_space<vmem>>, vector<16xi32>,
    tpu.vector_store %arg6[%swap3A_339, %swap3A_340], %gather3A_337 {strides = array<i32>} : memref<2x512xi32, #tpu.memory_space<vmem>>, vector<16xi32>,
    %add3A_342 = arith.constant 448 : i32
    %add3A_343 = vector.broadcast %add3A_342 : i32 to vector<16xi32>
    %add3A_344 = arith.addi %iota3A, %add3A_343 : vector<16xi32>
    %gather3A_345 = tpu.vector_load_idx %arg5[%add3A_344, %add3A_119] : memref<512x50xi32, #tpu.memory_space<vmem>>[vector<16xi32>, vector<16xi32>], vector<16xi32>,
    %swap3A_346 = arith.constant 0 : i32
    %swap3A_347 = arith.index_cast %swap3A_346 : i32 to index
    %swap3A_348 = arith.constant 448 : index
    %swap3A_349 = tpu.vector_load %arg6[%swap3A_347, %swap3A_348] {strides = array<i32>} : memref<2x512xi32, #tpu.memory_space<vmem>>, vector<16xi32>,
    tpu.vector_store %arg6[%swap3A_347, %swap3A_348], %gather3A_345 {strides = array<i32>} : memref<2x512xi32, #tpu.memory_space<vmem>>, vector<16xi32>,
    %add3A_350 = arith.constant 464 : i32
    %add3A_351 = vector.broadcast %add3A_350 : i32 to vector<16xi32>
    %add3A_352 = arith.addi %iota3A, %add3A_351 : vector<16xi32>
    %gather3A_353 = tpu.vector_load_idx %arg5[%add3A_352, %add3A_119] : memref<512x50xi32, #tpu.memory_space<vmem>>[vector<16xi32>, vector<16xi32>], vector<16xi32>,
    %swap3A_354 = arith.constant 0 : i32
    %swap3A_355 = arith.index_cast %swap3A_354 : i32 to index
    %swap3A_356 = arith.constant 464 : index
    %swap3A_357 = tpu.vector_load %arg6[%swap3A_355, %swap3A_356] {strides = array<i32>} : memref<2x512xi32, #tpu.memory_space<vmem>>, vector<16xi32>,
    tpu.vector_store %arg6[%swap3A_355, %swap3A_356], %gather3A_353 {strides = array<i32>} : memref<2x512xi32, #tpu.memory_space<vmem>>, vector<16xi32>,
    %add3A_358 = arith.constant 480 : i32
    %add3A_359 = vector.broadcast %add3A_358 : i32 to vector<16xi32>
    %add3A_360 = arith.addi %iota3A, %add3A_359 : vector<16xi32>
    %gather3A_361 = tpu.vector_load_idx %arg5[%add3A_360, %add3A_119] : memref<512x50xi32, #tpu.memory_space<vmem>>[vector<16xi32>, vector<16xi32>], vector<16xi32>,
    %swap3A_362 = arith.constant 0 : i32
    %swap3A_363 = arith.index_cast %swap3A_362 : i32 to index
    %swap3A_364 = arith.constant 480 : index
    %swap3A_365 = tpu.vector_load %arg6[%swap3A_363, %swap3A_364] {strides = array<i32>} : memref<2x512xi32, #tpu.memory_space<vmem>>, vector<16xi32>,
    tpu.vector_store %arg6[%swap3A_363, %swap3A_364], %gather3A_361 {strides = array<i32>} : memref<2x512xi32, #tpu.memory_space<vmem>>, vector<16xi32>,
    %add3A_366 = arith.constant 496 : i32
    %add3A_367 = vector.broadcast %add3A_366 : i32 to vector<16xi32>
    %add3A_368 = arith.addi %iota3A, %add3A_367 : vector<16xi32>
    %gather3A_369 = tpu.vector_load_idx %arg5[%add3A_368, %add3A_119] : memref<512x50xi32, #tpu.memory_space<vmem>>[vector<16xi32>, vector<16xi32>], vector<16xi32>,
    %swap3A_370 = arith.constant 0 : i32
    %swap3A_371 = arith.index_cast %swap3A_370 : i32 to index
    %swap3A_372 = arith.constant 496 : index
    %swap3A_373 = tpu.vector_load %arg6[%swap3A_371, %swap3A_372] {strides = array<i32>} : memref<2x512xi32, #tpu.memory_space<vmem>>, vector<16xi32>,
    tpu.vector_store %arg6[%swap3A_371, %swap3A_372], %gather3A_369 {strides = array<i32>} : memref<2x512xi32, #tpu.memory_space<vmem>>, vector<16xi32>,
    %dma_start3A_374 = arith.constant 0 : i32
    %dma_start3A_375 = arith.constant 0 : i32
    %dma_start3A_376 = arith.constant 0 : i32
    %dma_start3A_377 = arith.constant 0 : i32
    %dma_start3A_378 = arith.constant 0 : i32
    %dma_start3A_379 = tpu.memref_slice %arg7[%dma_start3A_375, %dma_start3A_377, %dma_start3A_378] : memref<2x512x32xf32, #tpu.memory_space<vmem>> -> memref<1x512x32xf32, #tpu.memory_space<vmem>>
    %dma_start3A_380 = tpu.memref_squeeze %dma_start3A_379 : memref<1x512x32xf32, #tpu.memory_space<vmem>> -> memref<512x32xf32, #tpu.memory_space<vmem>>
    %dma_start3A_381 = arith.constant 0 : i32
    %dma_start3A_382 = tpu.memref_slice %arg6[%dma_start3A_374, %dma_start3A_381] : memref<2x512xi32, #tpu.memory_space<vmem>> -> memref<1x512xi32, #tpu.memory_space<vmem>>
    %dma_start3A_383 = tpu.memref_squeeze %dma_start3A_382 : memref<1x512xi32, #tpu.memory_space<vmem>> -> memref<512xi32, #tpu.memory_space<vmem>>
    %dma_start3A_384 = arith.constant 0 : i32
    %dma_start3A_385 = arith.constant 0 : i32
    %dma_start3A_386 = tpu.memref_slice %arg3[%dma_start3A_384, %dma_start3A_385] : memref<1000000x32xf32, #tpu.memory_space<hbm>> -> memref<1000000x32xf32, #tpu.memory_space<hbm>>
    %dma_start3A_387 = tpu.memref_slice %arg10[%dma_start3A_376] : memref<2x!tpu.dma_semaphore, #tpu.memory_space<semaphore_mem>> -> memref<1x!tpu.dma_semaphore, #tpu.memory_space<semaphore_mem>>
    %dma_start3A_388 = tpu.memref_squeeze %dma_start3A_387 : memref<1x!tpu.dma_semaphore, #tpu.memory_space<semaphore_mem>> -> memref<!tpu.dma_semaphore, #tpu.memory_space<semaphore_mem>>
    tpu.enqueue_indirect_dma source(%dma_start3A_386 : memref<1000000x32xf32, #tpu.memory_space<hbm>>) target(%dma_start3A_380 : memref<512x32xf32, #tpu.memory_space<vmem>>) offsets(%dma_start3A_383 : memref<512xi32, #tpu.memory_space<vmem>>) semaphore(%dma_start3A_388 : memref<!tpu.dma_semaphore, #tpu.memory_space<semaphore_mem>>)
    %scan3A = arith.constant 0 : i32
    %scan3A_389 = arith.constant 0 : i32
    %scan3A_390 = arith.constant 25 : i32
    %scan3A_391 = arith.addi %scan3A_389, %scan3A_390 : i32
    %scan3A_392 = arith.constant 1 : i32
    scf.for %scan3A_562 = %scan3A_389 to %scan3A_391 step %scan3A_392  : i32 {
      %mul3A_563 = arith.constant 2 : i32
      %mul3A_564 = arith.muli %scan3A_562, %mul3A_563 : i32
      %add3A_565 = arith.constant 0 : i32
      %add3A_566 = arith.addi %mul3A_564, %add3A_565 : i32
      %add3A_567 = arith.constant 1 : i32
      %add3A_568 = arith.addi %add3A_566, %add3A_567 : i32
      %lt3A_569 = arith.constant 50 : i32
      %lt3A_570 = arith.cmpi slt, %add3A_568, %lt3A_569 : i32
      %convert_element_type3A = arith.extui %lt3A_570 : i1 to i32
      %cond3A = arith.constant 0 : i32
      %cond3A_571 = arith.cmpi ne, %convert_element_type3A, %cond3A : i32
      scf.if %cond3A_571 {
        %add3A_826 = arith.constant 1 : i32
        %add3A_827 = arith.addi %add3A_566, %add3A_826 : i32
        %broadcast_in_dim3A_828 = arith.constant 0 : i32
        %broadcast_in_dim3A_829 = vector.broadcast %broadcast_in_dim3A_828 : i32 to vector<16xi32>
        %add3A_830 = vector.broadcast %add3A_827 : i32 to vector<16xi32>
        %add3A_831 = arith.addi %broadcast_in_dim3A_829, %add3A_830 : vector<16xi32>
        %add3A_832 = arith.constant 0 : i32
        %add3A_833 = vector.broadcast %add3A_832 : i32 to vector<16xi32>
        %add3A_834 = arith.addi %iota3A, %add3A_833 : vector<16xi32>
        %gather3A_835 = tpu.vector_load_idx %arg5[%add3A_834, %add3A_831] : memref<512x50xi32, #tpu.memory_space<vmem>>[vector<16xi32>, vector<16xi32>], vector<16xi32>,
        %swap3A_836 = arith.constant 1 : i32
        %swap3A_837 = arith.index_cast %swap3A_836 : i32 to index
        %swap3A_838 = arith.constant 0 : index
        %swap3A_839 = tpu.vector_load %arg6[%swap3A_837, %swap3A_838] {strides = array<i32>} : memref<2x512xi32, #tpu.memory_space<vmem>>, vector<16xi32>,
        tpu.vector_store %arg6[%swap3A_837, %swap3A_838], %gather3A_835 {strides = array<i32>} : memref<2x512xi32, #tpu.memory_space<vmem>>, vector<16xi32>,
        %add3A_840 = arith.constant 16 : i32
        %add3A_841 = vector.broadcast %add3A_840 : i32 to vector<16xi32>
        %add3A_842 = arith.addi %iota3A, %add3A_841 : vector<16xi32>
        %gather3A_843 = tpu.vector_load_idx %arg5[%add3A_842, %add3A_831] : memref<512x50xi32, #tpu.memory_space<vmem>>[vector<16xi32>, vector<16xi32>], vector<16xi32>,
        %swap3A_844 = arith.constant 1 : i32
        %swap3A_845 = arith.index_cast %swap3A_844 : i32 to index
        %swap3A_846 = arith.constant 16 : index
        %swap3A_847 = tpu.vector_load %arg6[%swap3A_845, %swap3A_846] {strides = array<i32>} : memref<2x512xi32, #tpu.memory_space<vmem>>, vector<16xi32>,
        tpu.vector_store %arg6[%swap3A_845, %swap3A_846], %gather3A_843 {strides = array<i32>} : memref<2x512xi32, #tpu.memory_space<vmem>>, vector<16xi32>,
        %add3A_848 = arith.constant 32 : i32
        %add3A_849 = vector.broadcast %add3A_848 : i32 to vector<16xi32>
        %add3A_850 = arith.addi %iota3A, %add3A_849 : vector<16xi32>
        %gather3A_851 = tpu.vector_load_idx %arg5[%add3A_850, %add3A_831] : memref<512x50xi32, #tpu.memory_space<vmem>>[vector<16xi32>, vector<16xi32>], vector<16xi32>,
        %swap3A_852 = arith.constant 1 : i32
        %swap3A_853 = arith.index_cast %swap3A_852 : i32 to index
        %swap3A_854 = arith.constant 32 : index
        %swap3A_855 = tpu.vector_load %arg6[%swap3A_853, %swap3A_854] {strides = array<i32>} : memref<2x512xi32, #tpu.memory_space<vmem>>, vector<16xi32>,
        tpu.vector_store %arg6[%swap3A_853, %swap3A_854], %gather3A_851 {strides = array<i32>} : memref<2x512xi32, #tpu.memory_space<vmem>>, vector<16xi32>,
        %add3A_856 = arith.constant 48 : i32
        %add3A_857 = vector.broadcast %add3A_856 : i32 to vector<16xi32>
        %add3A_858 = arith.addi %iota3A, %add3A_857 : vector<16xi32>
        %gather3A_859 = tpu.vector_load_idx %arg5[%add3A_858, %add3A_831] : memref<512x50xi32, #tpu.memory_space<vmem>>[vector<16xi32>, vector<16xi32>], vector<16xi32>,
        %swap3A_860 = arith.constant 1 : i32
        %swap3A_861 = arith.index_cast %swap3A_860 : i32 to index
        %swap3A_862 = arith.constant 48 : index
        %swap3A_863 = tpu.vector_load %arg6[%swap3A_861, %swap3A_862] {strides = array<i32>} : memref<2x512xi32, #tpu.memory_space<vmem>>, vector<16xi32>,
        tpu.vector_store %arg6[%swap3A_861, %swap3A_862], %gather3A_859 {strides = array<i32>} : memref<2x512xi32, #tpu.memory_space<vmem>>, vector<16xi32>,
        %add3A_864 = arith.constant 64 : i32
        %add3A_865 = vector.broadcast %add3A_864 : i32 to vector<16xi32>
        %add3A_866 = arith.addi %iota3A, %add3A_865 : vector<16xi32>
        %gather3A_867 = tpu.vector_load_idx %arg5[%add3A_866, %add3A_831] : memref<512x50xi32, #tpu.memory_space<vmem>>[vector<16xi32>, vector<16xi32>], vector<16xi32>,
        %swap3A_868 = arith.constant 1 : i32
        %swap3A_869 = arith.index_cast %swap3A_868 : i32 to index
        %swap3A_870 = arith.constant 64 : index
        %swap3A_871 = tpu.vector_load %arg6[%swap3A_869, %swap3A_870] {strides = array<i32>} : memref<2x512xi32, #tpu.memory_space<vmem>>, vector<16xi32>,
        tpu.vector_store %arg6[%swap3A_869, %swap3A_870], %gather3A_867 {strides = array<i32>} : memref<2x512xi32, #tpu.memory_space<vmem>>, vector<16xi32>,
        %add3A_872 = arith.constant 80 : i32
        %add3A_873 = vector.broadcast %add3A_872 : i32 to vector<16xi32>
        %add3A_874 = arith.addi %iota3A, %add3A_873 : vector<16xi32>
        %gather3A_875 = tpu.vector_load_idx %arg5[%add3A_874, %add3A_831] : memref<512x50xi32, #tpu.memory_space<vmem>>[vector<16xi32>, vector<16xi32>], vector<16xi32>,
        %swap3A_876 = arith.constant 1 : i32
        %swap3A_877 = arith.index_cast %swap3A_876 : i32 to index
        %swap3A_878 = arith.constant 80 : index
        %swap3A_879 = tpu.vector_load %arg6[%swap3A_877, %swap3A_878] {strides = array<i32>} : memref<2x512xi32, #tpu.memory_space<vmem>>, vector<16xi32>,
        tpu.vector_store %arg6[%swap3A_877, %swap3A_878], %gather3A_875 {strides = array<i32>} : memref<2x512xi32, #tpu.memory_space<vmem>>, vector<16xi32>,
        %add3A_880 = arith.constant 96 : i32
        %add3A_881 = vector.broadcast %add3A_880 : i32 to vector<16xi32>
        %add3A_882 = arith.addi %iota3A, %add3A_881 : vector<16xi32>
        %gather3A_883 = tpu.vector_load_idx %arg5[%add3A_882, %add3A_831] : memref<512x50xi32, #tpu.memory_space<vmem>>[vector<16xi32>, vector<16xi32>], vector<16xi32>,
        %swap3A_884 = arith.constant 1 : i32
        %swap3A_885 = arith.index_cast %swap3A_884 : i32 to index
        %swap3A_886 = arith.constant 96 : index
        %swap3A_887 = tpu.vector_load %arg6[%swap3A_885, %swap3A_886] {strides = array<i32>} : memref<2x512xi32, #tpu.memory_space<vmem>>, vector<16xi32>,
        tpu.vector_store %arg6[%swap3A_885, %swap3A_886], %gather3A_883 {strides = array<i32>} : memref<2x512xi32, #tpu.memory_space<vmem>>, vector<16xi32>,
        %add3A_888 = arith.constant 112 : i32
        %add3A_889 = vector.broadcast %add3A_888 : i32 to vector<16xi32>
        %add3A_890 = arith.addi %iota3A, %add3A_889 : vector<16xi32>
        %gather3A_891 = tpu.vector_load_idx %arg5[%add3A_890, %add3A_831] : memref<512x50xi32, #tpu.memory_space<vmem>>[vector<16xi32>, vector<16xi32>], vector<16xi32>,
        %swap3A_892 = arith.constant 1 : i32
        %swap3A_893 = arith.index_cast %swap3A_892 : i32 to index
        %swap3A_894 = arith.constant 112 : index
        %swap3A_895 = tpu.vector_load %arg6[%swap3A_893, %swap3A_894] {strides = array<i32>} : memref<2x512xi32, #tpu.memory_space<vmem>>, vector<16xi32>,
        tpu.vector_store %arg6[%swap3A_893, %swap3A_894], %gather3A_891 {strides = array<i32>} : memref<2x512xi32, #tpu.memory_space<vmem>>, vector<16xi32>,
        %add3A_896 = arith.constant 128 : i32
        %add3A_897 = vector.broadcast %add3A_896 : i32 to vector<16xi32>
        %add3A_898 = arith.addi %iota3A, %add3A_897 : vector<16xi32>
        %gather3A_899 = tpu.vector_load_idx %arg5[%add3A_898, %add3A_831] : memref<512x50xi32, #tpu.memory_space<vmem>>[vector<16xi32>, vector<16xi32>], vector<16xi32>,
        %swap3A_900 = arith.constant 1 : i32
        %swap3A_901 = arith.index_cast %swap3A_900 : i32 to index
        %swap3A_902 = arith.constant 128 : index
        %swap3A_903 = tpu.vector_load %arg6[%swap3A_901, %swap3A_902] {strides = array<i32>} : memref<2x512xi32, #tpu.memory_space<vmem>>, vector<16xi32>,
        tpu.vector_store %arg6[%swap3A_901, %swap3A_902], %gather3A_899 {strides = array<i32>} : memref<2x512xi32, #tpu.memory_space<vmem>>, vector<16xi32>,
        %add3A_904 = arith.constant 144 : i32
        %add3A_905 = vector.broadcast %add3A_904 : i32 to vector<16xi32>
        %add3A_906 = arith.addi %iota3A, %add3A_905 : vector<16xi32>
        %gather3A_907 = tpu.vector_load_idx %arg5[%add3A_906, %add3A_831] : memref<512x50xi32, #tpu.memory_space<vmem>>[vector<16xi32>, vector<16xi32>], vector<16xi32>,
        %swap3A_908 = arith.constant 1 : i32
        %swap3A_909 = arith.index_cast %swap3A_908 : i32 to index
        %swap3A_910 = arith.constant 144 : index
        %swap3A_911 = tpu.vector_load %arg6[%swap3A_909, %swap3A_910] {strides = array<i32>} : memref<2x512xi32, #tpu.memory_space<vmem>>, vector<16xi32>,
        tpu.vector_store %arg6[%swap3A_909, %swap3A_910], %gather3A_907 {strides = array<i32>} : memref<2x512xi32, #tpu.memory_space<vmem>>, vector<16xi32>,
        %add3A_912 = arith.constant 160 : i32
        %add3A_913 = vector.broadcast %add3A_912 : i32 to vector<16xi32>
        %add3A_914 = arith.addi %iota3A, %add3A_913 : vector<16xi32>
        %gather3A_915 = tpu.vector_load_idx %arg5[%add3A_914, %add3A_831] : memref<512x50xi32, #tpu.memory_space<vmem>>[vector<16xi32>, vector<16xi32>], vector<16xi32>,
        %swap3A_916 = arith.constant 1 : i32
        %swap3A_917 = arith.index_cast %swap3A_916 : i32 to index
        %swap3A_918 = arith.constant 160 : index
        %swap3A_919 = tpu.vector_load %arg6[%swap3A_917, %swap3A_918] {strides = array<i32>} : memref<2x512xi32, #tpu.memory_space<vmem>>, vector<16xi32>,
        tpu.vector_store %arg6[%swap3A_917, %swap3A_918], %gather3A_915 {strides = array<i32>} : memref<2x512xi32, #tpu.memory_space<vmem>>, vector<16xi32>,
        %add3A_920 = arith.constant 176 : i32
        %add3A_921 = vector.broadcast %add3A_920 : i32 to vector<16xi32>
        %add3A_922 = arith.addi %iota3A, %add3A_921 : vector<16xi32>
        %gather3A_923 = tpu.vector_load_idx %arg5[%add3A_922, %add3A_831] : memref<512x50xi32, #tpu.memory_space<vmem>>[vector<16xi32>, vector<16xi32>], vector<16xi32>,
        %swap3A_924 = arith.constant 1 : i32
        %swap3A_925 = arith.index_cast %swap3A_924 : i32 to index
        %swap3A_926 = arith.constant 176 : index
        %swap3A_927 = tpu.vector_load %arg6[%swap3A_925, %swap3A_926] {strides = array<i32>} : memref<2x512xi32, #tpu.memory_space<vmem>>, vector<16xi32>,
        tpu.vector_store %arg6[%swap3A_925, %swap3A_926], %gather3A_923 {strides = array<i32>} : memref<2x512xi32, #tpu.memory_space<vmem>>, vector<16xi32>,
        %add3A_928 = arith.constant 192 : i32
        %add3A_929 = vector.broadcast %add3A_928 : i32 to vector<16xi32>
        %add3A_930 = arith.addi %iota3A, %add3A_929 : vector<16xi32>
        %gather3A_931 = tpu.vector_load_idx %arg5[%add3A_930, %add3A_831] : memref<512x50xi32, #tpu.memory_space<vmem>>[vector<16xi32>, vector<16xi32>], vector<16xi32>,
        %swap3A_932 = arith.constant 1 : i32
        %swap3A_933 = arith.index_cast %swap3A_932 : i32 to index
        %swap3A_934 = arith.constant 192 : index
        %swap3A_935 = tpu.vector_load %arg6[%swap3A_933, %swap3A_934] {strides = array<i32>} : memref<2x512xi32, #tpu.memory_space<vmem>>, vector<16xi32>,
        tpu.vector_store %arg6[%swap3A_933, %swap3A_934], %gather3A_931 {strides = array<i32>} : memref<2x512xi32, #tpu.memory_space<vmem>>, vector<16xi32>,
        %add3A_936 = arith.constant 208 : i32
        %add3A_937 = vector.broadcast %add3A_936 : i32 to vector<16xi32>
        %add3A_938 = arith.addi %iota3A, %add3A_937 : vector<16xi32>
        %gather3A_939 = tpu.vector_load_idx %arg5[%add3A_938, %add3A_831] : memref<512x50xi32, #tpu.memory_space<vmem>>[vector<16xi32>, vector<16xi32>], vector<16xi32>,
        %swap3A_940 = arith.constant 1 : i32
        %swap3A_941 = arith.index_cast %swap3A_940 : i32 to index
        %swap3A_942 = arith.constant 208 : index
        %swap3A_943 = tpu.vector_load %arg6[%swap3A_941, %swap3A_942] {strides = array<i32>} : memref<2x512xi32, #tpu.memory_space<vmem>>, vector<16xi32>,
        tpu.vector_store %arg6[%swap3A_941, %swap3A_942], %gather3A_939 {strides = array<i32>} : memref<2x512xi32, #tpu.memory_space<vmem>>, vector<16xi32>,
        %add3A_944 = arith.constant 224 : i32
        %add3A_945 = vector.broadcast %add3A_944 : i32 to vector<16xi32>
        %add3A_946 = arith.addi %iota3A, %add3A_945 : vector<16xi32>
        %gather3A_947 = tpu.vector_load_idx %arg5[%add3A_946, %add3A_831] : memref<512x50xi32, #tpu.memory_space<vmem>>[vector<16xi32>, vector<16xi32>], vector<16xi32>,
        %swap3A_948 = arith.constant 1 : i32
        %swap3A_949 = arith.index_cast %swap3A_948 : i32 to index
        %swap3A_950 = arith.constant 224 : index
        %swap3A_951 = tpu.vector_load %arg6[%swap3A_949, %swap3A_950] {strides = array<i32>} : memref<2x512xi32, #tpu.memory_space<vmem>>, vector<16xi32>,
        tpu.vector_store %arg6[%swap3A_949, %swap3A_950], %gather3A_947 {strides = array<i32>} : memref<2x512xi32, #tpu.memory_space<vmem>>, vector<16xi32>,
        %add3A_952 = arith.constant 240 : i32
        %add3A_953 = vector.broadcast %add3A_952 : i32 to vector<16xi32>
        %add3A_954 = arith.addi %iota3A, %add3A_953 : vector<16xi32>
        %gather3A_955 = tpu.vector_load_idx %arg5[%add3A_954, %add3A_831] : memref<512x50xi32, #tpu.memory_space<vmem>>[vector<16xi32>, vector<16xi32>], vector<16xi32>,
        %swap3A_956 = arith.constant 1 : i32
        %swap3A_957 = arith.index_cast %swap3A_956 : i32 to index
        %swap3A_958 = arith.constant 240 : index
        %swap3A_959 = tpu.vector_load %arg6[%swap3A_957, %swap3A_958] {strides = array<i32>} : memref<2x512xi32, #tpu.memory_space<vmem>>, vector<16xi32>,
        tpu.vector_store %arg6[%swap3A_957, %swap3A_958], %gather3A_955 {strides = array<i32>} : memref<2x512xi32, #tpu.memory_space<vmem>>, vector<16xi32>,
        %add3A_960 = arith.constant 256 : i32
        %add3A_961 = vector.broadcast %add3A_960 : i32 to vector<16xi32>
        %add3A_962 = arith.addi %iota3A, %add3A_961 : vector<16xi32>
        %gather3A_963 = tpu.vector_load_idx %arg5[%add3A_962, %add3A_831] : memref<512x50xi32, #tpu.memory_space<vmem>>[vector<16xi32>, vector<16xi32>], vector<16xi32>,
        %swap3A_964 = arith.constant 1 : i32
        %swap3A_965 = arith.index_cast %swap3A_964 : i32 to index
        %swap3A_966 = arith.constant 256 : index
        %swap3A_967 = tpu.vector_load %arg6[%swap3A_965, %swap3A_966] {strides = array<i32>} : memref<2x512xi32, #tpu.memory_space<vmem>>, vector<16xi32>,
        tpu.vector_store %arg6[%swap3A_965, %swap3A_966], %gather3A_963 {strides = array<i32>} : memref<2x512xi32, #tpu.memory_space<vmem>>, vector<16xi32>,
        %add3A_968 = arith.constant 272 : i32
        %add3A_969 = vector.broadcast %add3A_968 : i32 to vector<16xi32>
        %add3A_970 = arith.addi %iota3A, %add3A_969 : vector<16xi32>
        %gather3A_971 = tpu.vector_load_idx %arg5[%add3A_970, %add3A_831] : memref<512x50xi32, #tpu.memory_space<vmem>>[vector<16xi32>, vector<16xi32>], vector<16xi32>,
        %swap3A_972 = arith.constant 1 : i32
        %swap3A_973 = arith.index_cast %swap3A_972 : i32 to index
        %swap3A_974 = arith.constant 272 : index
        %swap3A_975 = tpu.vector_load %arg6[%swap3A_973, %swap3A_974] {strides = array<i32>} : memref<2x512xi32, #tpu.memory_space<vmem>>, vector<16xi32>,
        tpu.vector_store %arg6[%swap3A_973, %swap3A_974], %gather3A_971 {strides = array<i32>} : memref<2x512xi32, #tpu.memory_space<vmem>>, vector<16xi32>,
        %add3A_976 = arith.constant 288 : i32
        %add3A_977 = vector.broadcast %add3A_976 : i32 to vector<16xi32>
        %add3A_978 = arith.addi %iota3A, %add3A_977 : vector<16xi32>
        %gather3A_979 = tpu.vector_load_idx %arg5[%add3A_978, %add3A_831] : memref<512x50xi32, #tpu.memory_space<vmem>>[vector<16xi32>, vector<16xi32>], vector<16xi32>,
        %swap3A_980 = arith.constant 1 : i32
        %swap3A_981 = arith.index_cast %swap3A_980 : i32 to index
        %swap3A_982 = arith.constant 288 : index
        %swap3A_983 = tpu.vector_load %arg6[%swap3A_981, %swap3A_982] {strides = array<i32>} : memref<2x512xi32, #tpu.memory_space<vmem>>, vector<16xi32>,
        tpu.vector_store %arg6[%swap3A_981, %swap3A_982], %gather3A_979 {strides = array<i32>} : memref<2x512xi32, #tpu.memory_space<vmem>>, vector<16xi32>,
        %add3A_984 = arith.constant 304 : i32
        %add3A_985 = vector.broadcast %add3A_984 : i32 to vector<16xi32>
        %add3A_986 = arith.addi %iota3A, %add3A_985 : vector<16xi32>
        %gather3A_987 = tpu.vector_load_idx %arg5[%add3A_986, %add3A_831] : memref<512x50xi32, #tpu.memory_space<vmem>>[vector<16xi32>, vector<16xi32>], vector<16xi32>,
        %swap3A_988 = arith.constant 1 : i32
        %swap3A_989 = arith.index_cast %swap3A_988 : i32 to index
        %swap3A_990 = arith.constant 304 : index
        %swap3A_991 = tpu.vector_load %arg6[%swap3A_989, %swap3A_990] {strides = array<i32>} : memref<2x512xi32, #tpu.memory_space<vmem>>, vector<16xi32>,
        tpu.vector_store %arg6[%swap3A_989, %swap3A_990], %gather3A_987 {strides = array<i32>} : memref<2x512xi32, #tpu.memory_space<vmem>>, vector<16xi32>,
        %add3A_992 = arith.constant 320 : i32
        %add3A_993 = vector.broadcast %add3A_992 : i32 to vector<16xi32>
        %add3A_994 = arith.addi %iota3A, %add3A_993 : vector<16xi32>
        %gather3A_995 = tpu.vector_load_idx %arg5[%add3A_994, %add3A_831] : memref<512x50xi32, #tpu.memory_space<vmem>>[vector<16xi32>, vector<16xi32>], vector<16xi32>,
        %swap3A_996 = arith.constant 1 : i32
        %swap3A_997 = arith.index_cast %swap3A_996 : i32 to index
        %swap3A_998 = arith.constant 320 : index
        %swap3A_999 = tpu.vector_load %arg6[%swap3A_997, %swap3A_998] {strides = array<i32>} : memref<2x512xi32, #tpu.memory_space<vmem>>, vector<16xi32>,
        tpu.vector_store %arg6[%swap3A_997, %swap3A_998], %gather3A_995 {strides = array<i32>} : memref<2x512xi32, #tpu.memory_space<vmem>>, vector<16xi32>,
        %add3A_1000 = arith.constant 336 : i32
        %add3A_1001 = vector.broadcast %add3A_1000 : i32 to vector<16xi32>
        %add3A_1002 = arith.addi %iota3A, %add3A_1001 : vector<16xi32>
        %gather3A_1003 = tpu.vector_load_idx %arg5[%add3A_1002, %add3A_831] : memref<512x50xi32, #tpu.memory_space<vmem>>[vector<16xi32>, vector<16xi32>], vector<16xi32>,
        %swap3A_1004 = arith.constant 1 : i32
        %swap3A_1005 = arith.index_cast %swap3A_1004 : i32 to index
        %swap3A_1006 = arith.constant 336 : index
        %swap3A_1007 = tpu.vector_load %arg6[%swap3A_1005, %swap3A_1006] {strides = array<i32>} : memref<2x512xi32, #tpu.memory_space<vmem>>, vector<16xi32>,
        tpu.vector_store %arg6[%swap3A_1005, %swap3A_1006], %gather3A_1003 {strides = array<i32>} : memref<2x512xi32, #tpu.memory_space<vmem>>, vector<16xi32>,
        %add3A_1008 = arith.constant 352 : i32
        %add3A_1009 = vector.broadcast %add3A_1008 : i32 to vector<16xi32>
        %add3A_1010 = arith.addi %iota3A, %add3A_1009 : vector<16xi32>
        %gather3A_1011 = tpu.vector_load_idx %arg5[%add3A_1010, %add3A_831] : memref<512x50xi32, #tpu.memory_space<vmem>>[vector<16xi32>, vector<16xi32>], vector<16xi32>,
        %swap3A_1012 = arith.constant 1 : i32
        %swap3A_1013 = arith.index_cast %swap3A_1012 : i32 to index
        %swap3A_1014 = arith.constant 352 : index
        %swap3A_1015 = tpu.vector_load %arg6[%swap3A_1013, %swap3A_1014] {strides = array<i32>} : memref<2x512xi32, #tpu.memory_space<vmem>>, vector<16xi32>,
        tpu.vector_store %arg6[%swap3A_1013, %swap3A_1014], %gather3A_1011 {strides = array<i32>} : memref<2x512xi32, #tpu.memory_space<vmem>>, vector<16xi32>,
        %add3A_1016 = arith.constant 368 : i32
        %add3A_1017 = vector.broadcast %add3A_1016 : i32 to vector<16xi32>
        %add3A_1018 = arith.addi %iota3A, %add3A_1017 : vector<16xi32>
        %gather3A_1019 = tpu.vector_load_idx %arg5[%add3A_1018, %add3A_831] : memref<512x50xi32, #tpu.memory_space<vmem>>[vector<16xi32>, vector<16xi32>], vector<16xi32>,
        %swap3A_1020 = arith.constant 1 : i32
        %swap3A_1021 = arith.index_cast %swap3A_1020 : i32 to index
        %swap3A_1022 = arith.constant 368 : index
        %swap3A_1023 = tpu.vector_load %arg6[%swap3A_1021, %swap3A_1022] {strides = array<i32>} : memref<2x512xi32, #tpu.memory_space<vmem>>, vector<16xi32>,
        tpu.vector_store %arg6[%swap3A_1021, %swap3A_1022], %gather3A_1019 {strides = array<i32>} : memref<2x512xi32, #tpu.memory_space<vmem>>, vector<16xi32>,
        %add3A_1024 = arith.constant 384 : i32
        %add3A_1025 = vector.broadcast %add3A_1024 : i32 to vector<16xi32>
        %add3A_1026 = arith.addi %iota3A, %add3A_1025 : vector<16xi32>
        %gather3A_1027 = tpu.vector_load_idx %arg5[%add3A_1026, %add3A_831] : memref<512x50xi32, #tpu.memory_space<vmem>>[vector<16xi32>, vector<16xi32>], vector<16xi32>,
        %swap3A_1028 = arith.constant 1 : i32
        %swap3A_1029 = arith.index_cast %swap3A_1028 : i32 to index
        %swap3A_1030 = arith.constant 384 : index
        %swap3A_1031 = tpu.vector_load %arg6[%swap3A_1029, %swap3A_1030] {strides = array<i32>} : memref<2x512xi32, #tpu.memory_space<vmem>>, vector<16xi32>,
        tpu.vector_store %arg6[%swap3A_1029, %swap3A_1030], %gather3A_1027 {strides = array<i32>} : memref<2x512xi32, #tpu.memory_space<vmem>>, vector<16xi32>,
        %add3A_1032 = arith.constant 400 : i32
        %add3A_1033 = vector.broadcast %add3A_1032 : i32 to vector<16xi32>
        %add3A_1034 = arith.addi %iota3A, %add3A_1033 : vector<16xi32>
        %gather3A_1035 = tpu.vector_load_idx %arg5[%add3A_1034, %add3A_831] : memref<512x50xi32, #tpu.memory_space<vmem>>[vector<16xi32>, vector<16xi32>], vector<16xi32>,
        %swap3A_1036 = arith.constant 1 : i32
        %swap3A_1037 = arith.index_cast %swap3A_1036 : i32 to index
        %swap3A_1038 = arith.constant 400 : index
        %swap3A_1039 = tpu.vector_load %arg6[%swap3A_1037, %swap3A_1038] {strides = array<i32>} : memref<2x512xi32, #tpu.memory_space<vmem>>, vector<16xi32>,
        tpu.vector_store %arg6[%swap3A_1037, %swap3A_1038], %gather3A_1035 {strides = array<i32>} : memref<2x512xi32, #tpu.memory_space<vmem>>, vector<16xi32>,
        %add3A_1040 = arith.constant 416 : i32
        %add3A_1041 = vector.broadcast %add3A_1040 : i32 to vector<16xi32>
        %add3A_1042 = arith.addi %iota3A, %add3A_1041 : vector<16xi32>
        %gather3A_1043 = tpu.vector_load_idx %arg5[%add3A_1042, %add3A_831] : memref<512x50xi32, #tpu.memory_space<vmem>>[vector<16xi32>, vector<16xi32>], vector<16xi32>,
        %swap3A_1044 = arith.constant 1 : i32
        %swap3A_1045 = arith.index_cast %swap3A_1044 : i32 to index
        %swap3A_1046 = arith.constant 416 : index
        %swap3A_1047 = tpu.vector_load %arg6[%swap3A_1045, %swap3A_1046] {strides = array<i32>} : memref<2x512xi32, #tpu.memory_space<vmem>>, vector<16xi32>,
        tpu.vector_store %arg6[%swap3A_1045, %swap3A_1046], %gather3A_1043 {strides = array<i32>} : memref<2x512xi32, #tpu.memory_space<vmem>>, vector<16xi32>,
        %add3A_1048 = arith.constant 432 : i32
        %add3A_1049 = vector.broadcast %add3A_1048 : i32 to vector<16xi32>
        %add3A_1050 = arith.addi %iota3A, %add3A_1049 : vector<16xi32>
        %gather3A_1051 = tpu.vector_load_idx %arg5[%add3A_1050, %add3A_831] : memref<512x50xi32, #tpu.memory_space<vmem>>[vector<16xi32>, vector<16xi32>], vector<16xi32>,
        %swap3A_1052 = arith.constant 1 : i32
        %swap3A_1053 = arith.index_cast %swap3A_1052 : i32 to index
        %swap3A_1054 = arith.constant 432 : index
        %swap3A_1055 = tpu.vector_load %arg6[%swap3A_1053, %swap3A_1054] {strides = array<i32>} : memref<2x512xi32, #tpu.memory_space<vmem>>, vector<16xi32>,
        tpu.vector_store %arg6[%swap3A_1053, %swap3A_1054], %gather3A_1051 {strides = array<i32>} : memref<2x512xi32, #tpu.memory_space<vmem>>, vector<16xi32>,
        %add3A_1056 = arith.constant 448 : i32
        %add3A_1057 = vector.broadcast %add3A_1056 : i32 to vector<16xi32>
        %add3A_1058 = arith.addi %iota3A, %add3A_1057 : vector<16xi32>
        %gather3A_1059 = tpu.vector_load_idx %arg5[%add3A_1058, %add3A_831] : memref<512x50xi32, #tpu.memory_space<vmem>>[vector<16xi32>, vector<16xi32>], vector<16xi32>,
        %swap3A_1060 = arith.constant 1 : i32
        %swap3A_1061 = arith.index_cast %swap3A_1060 : i32 to index
        %swap3A_1062 = arith.constant 448 : index
        %swap3A_1063 = tpu.vector_load %arg6[%swap3A_1061, %swap3A_1062] {strides = array<i32>} : memref<2x512xi32, #tpu.memory_space<vmem>>, vector<16xi32>,
        tpu.vector_store %arg6[%swap3A_1061, %swap3A_1062], %gather3A_1059 {strides = array<i32>} : memref<2x512xi32, #tpu.memory_space<vmem>>, vector<16xi32>,
        %add3A_1064 = arith.constant 464 : i32
        %add3A_1065 = vector.broadcast %add3A_1064 : i32 to vector<16xi32>
        %add3A_1066 = arith.addi %iota3A, %add3A_1065 : vector<16xi32>
        %gather3A_1067 = tpu.vector_load_idx %arg5[%add3A_1066, %add3A_831] : memref<512x50xi32, #tpu.memory_space<vmem>>[vector<16xi32>, vector<16xi32>], vector<16xi32>,
        %swap3A_1068 = arith.constant 1 : i32
        %swap3A_1069 = arith.index_cast %swap3A_1068 : i32 to index
        %swap3A_1070 = arith.constant 464 : index
        %swap3A_1071 = tpu.vector_load %arg6[%swap3A_1069, %swap3A_1070] {strides = array<i32>} : memref<2x512xi32, #tpu.memory_space<vmem>>, vector<16xi32>,
        tpu.vector_store %arg6[%swap3A_1069, %swap3A_1070], %gather3A_1067 {strides = array<i32>} : memref<2x512xi32, #tpu.memory_space<vmem>>, vector<16xi32>,
        %add3A_1072 = arith.constant 480 : i32
        %add3A_1073 = vector.broadcast %add3A_1072 : i32 to vector<16xi32>
        %add3A_1074 = arith.addi %iota3A, %add3A_1073 : vector<16xi32>
        %gather3A_1075 = tpu.vector_load_idx %arg5[%add3A_1074, %add3A_831] : memref<512x50xi32, #tpu.memory_space<vmem>>[vector<16xi32>, vector<16xi32>], vector<16xi32>,
        %swap3A_1076 = arith.constant 1 : i32
        %swap3A_1077 = arith.index_cast %swap3A_1076 : i32 to index
        %swap3A_1078 = arith.constant 480 : index
        %swap3A_1079 = tpu.vector_load %arg6[%swap3A_1077, %swap3A_1078] {strides = array<i32>} : memref<2x512xi32, #tpu.memory_space<vmem>>, vector<16xi32>,
        tpu.vector_store %arg6[%swap3A_1077, %swap3A_1078], %gather3A_1075 {strides = array<i32>} : memref<2x512xi32, #tpu.memory_space<vmem>>, vector<16xi32>,
        %add3A_1080 = arith.constant 496 : i32
        %add3A_1081 = vector.broadcast %add3A_1080 : i32 to vector<16xi32>
        %add3A_1082 = arith.addi %iota3A, %add3A_1081 : vector<16xi32>
        %gather3A_1083 = tpu.vector_load_idx %arg5[%add3A_1082, %add3A_831] : memref<512x50xi32, #tpu.memory_space<vmem>>[vector<16xi32>, vector<16xi32>], vector<16xi32>,
        %swap3A_1084 = arith.constant 1 : i32
        %swap3A_1085 = arith.index_cast %swap3A_1084 : i32 to index
        %swap3A_1086 = arith.constant 496 : index
        %swap3A_1087 = tpu.vector_load %arg6[%swap3A_1085, %swap3A_1086] {strides = array<i32>} : memref<2x512xi32, #tpu.memory_space<vmem>>, vector<16xi32>,
        tpu.vector_store %arg6[%swap3A_1085, %swap3A_1086], %gather3A_1083 {strides = array<i32>} : memref<2x512xi32, #tpu.memory_space<vmem>>, vector<16xi32>,
      } else {
      }
      %dma_wait3A_572 = arith.constant 0 : i32
      %dma_wait3A_573 = arith.constant 0 : i32
      %dma_wait3A_574 = arith.constant 0 : i32
      %dma_wait3A_575 = arith.constant 0 : i32
      %dma_wait3A_576 = arith.constant 0 : i32
      %dma_wait3A_577 = tpu.memref_slice %arg7[%dma_wait3A_573, %dma_wait3A_575, %dma_wait3A_576] : memref<2x512x32xf32, #tpu.memory_space<vmem>> -> memref<1x512x32xf32, #tpu.memory_space<vmem>>
      %dma_wait3A_578 = tpu.memref_squeeze %dma_wait3A_577 : memref<1x512x32xf32, #tpu.memory_space<vmem>> -> memref<512x32xf32, #tpu.memory_space<vmem>>
      %dma_wait3A_579 = arith.constant 0 : i32
      %dma_wait3A_580 = tpu.memref_slice %arg6[%dma_wait3A_572, %dma_wait3A_579] : memref<2x512xi32, #tpu.memory_space<vmem>> -> memref<1x512xi32, #tpu.memory_space<vmem>>
      %dma_wait3A_581 = tpu.memref_squeeze %dma_wait3A_580 : memref<1x512xi32, #tpu.memory_space<vmem>> -> memref<512xi32, #tpu.memory_space<vmem>>
      %dma_wait3A_582 = arith.constant 0 : i32
      %dma_wait3A_583 = arith.constant 0 : i32
      %dma_wait3A_584 = tpu.memref_slice %arg3[%dma_wait3A_582, %dma_wait3A_583] : memref<1000000x32xf32, #tpu.memory_space<hbm>> -> memref<1000000x32xf32, #tpu.memory_space<hbm>>
      %dma_wait3A_585 = tpu.memref_slice %arg10[%dma_wait3A_574] : memref<2x!tpu.dma_semaphore, #tpu.memory_space<semaphore_mem>> -> memref<1x!tpu.dma_semaphore, #tpu.memory_space<semaphore_mem>>
      %dma_wait3A_586 = tpu.memref_squeeze %dma_wait3A_585 : memref<1x!tpu.dma_semaphore, #tpu.memory_space<semaphore_mem>> -> memref<!tpu.dma_semaphore, #tpu.memory_space<semaphore_mem>>
      tpu.wait_indirect_dma semaphore(%dma_wait3A_586 : memref<!tpu.dma_semaphore, #tpu.memory_space<semaphore_mem>>) src(%dma_wait3A_584 : memref<1000000x32xf32, #tpu.memory_space<hbm>>) dst(%dma_wait3A_578 : memref<512x32xf32, #tpu.memory_space<vmem>>)
      %add3A_587 = arith.constant 1 : i32
      %add3A_588 = arith.addi %add3A_566, %add3A_587 : i32
      %lt3A_589 = arith.constant 50 : i32
      %lt3A_590 = arith.cmpi slt, %add3A_588, %lt3A_589 : i32
      %convert_element_type3A_591 = arith.extui %lt3A_590 : i1 to i32
      %cond3A_592 = arith.constant 0 : i32
      %cond3A_593 = arith.cmpi ne, %convert_element_type3A_591, %cond3A_592 : i32
      scf.if %cond3A_593 {
        %dma_start3A_826 = arith.constant 1 : i32
        %dma_start3A_827 = arith.constant 1 : i32
        %dma_start3A_828 = arith.constant 1 : i32
        %dma_start3A_829 = arith.constant 0 : i32
        %dma_start3A_830 = arith.constant 0 : i32
        %dma_start3A_831 = tpu.memref_slice %arg7[%dma_start3A_827, %dma_start3A_829, %dma_start3A_830] : memref<2x512x32xf32, #tpu.memory_space<vmem>> -> memref<1x512x32xf32, #tpu.memory_space<vmem>>
        %dma_start3A_832 = tpu.memref_squeeze %dma_start3A_831 : memref<1x512x32xf32, #tpu.memory_space<vmem>> -> memref<512x32xf32, #tpu.memory_space<vmem>>
        %dma_start3A_833 = arith.constant 0 : i32
        %dma_start3A_834 = tpu.memref_slice %arg6[%dma_start3A_826, %dma_start3A_833] : memref<2x512xi32, #tpu.memory_space<vmem>> -> memref<1x512xi32, #tpu.memory_space<vmem>>
        %dma_start3A_835 = tpu.memref_squeeze %dma_start3A_834 : memref<1x512xi32, #tpu.memory_space<vmem>> -> memref<512xi32, #tpu.memory_space<vmem>>
        %dma_start3A_836 = arith.constant 0 : i32
        %dma_start3A_837 = arith.constant 0 : i32
        %dma_start3A_838 = tpu.memref_slice %arg3[%dma_start3A_836, %dma_start3A_837] : memref<1000000x32xf32, #tpu.memory_space<hbm>> -> memref<1000000x32xf32, #tpu.memory_space<hbm>>
        %dma_start3A_839 = tpu.memref_slice %arg10[%dma_start3A_828] : memref<2x!tpu.dma_semaphore, #tpu.memory_space<semaphore_mem>> -> memref<1x!tpu.dma_semaphore, #tpu.memory_space<semaphore_mem>>
        %dma_start3A_840 = tpu.memref_squeeze %dma_start3A_839 : memref<1x!tpu.dma_semaphore, #tpu.memory_space<semaphore_mem>> -> memref<!tpu.dma_semaphore, #tpu.memory_space<semaphore_mem>>
        tpu.enqueue_indirect_dma source(%dma_start3A_838 : memref<1000000x32xf32, #tpu.memory_space<hbm>>) target(%dma_start3A_832 : memref<512x32xf32, #tpu.memory_space<vmem>>) offsets(%dma_start3A_835 : memref<512xi32, #tpu.memory_space<vmem>>) semaphore(%dma_start3A_840 : memref<!tpu.dma_semaphore, #tpu.memory_space<semaphore_mem>>)
      } else {
      }
      %ge3A = arith.constant 2 : i32
      %ge3A_594 = arith.cmpi sge, %add3A_566, %ge3A : i32
      %convert_element_type3A_595 = arith.extui %ge3A_594 : i1 to i32
      %cond3A_596 = arith.constant 0 : i32
      %cond3A_597 = arith.cmpi ne, %convert_element_type3A_595, %cond3A_596 : i32
      scf.if %cond3A_597 {
        %dma_wait3A_826 = arith.constant 0 : i32
        %dma_wait3A_827 = arith.constant 0 : i32
        %dma_wait3A_828 = arith.constant 0 : i32
        %dma_wait3A_829 = arith.constant 0 : i32
        %dma_wait3A_830 = arith.constant 0 : i32
        %dma_wait3A_831 = tpu.memref_slice %arg8[%dma_wait3A_826, %dma_wait3A_829, %dma_wait3A_830] : memref<2x128x133xf32, #tpu.memory_space<vmem>> -> memref<1x32x128xf32, #tpu.memory_space<vmem>>
        %dma_wait3A_832 = tpu.memref_squeeze %dma_wait3A_831 : memref<1x32x128xf32, #tpu.memory_space<vmem>> -> memref<32x128xf32, #tpu.memory_space<vmem>>
        %dma_wait3A_833 = arith.constant 0 : i32
        %dma_wait3A_834 = arith.constant 0 : i32
        %dma_wait3A_835 = tpu.memref_slice %arg4[%dma_wait3A_827, %dma_wait3A_833, %dma_wait3A_834] : memref<50x4096x128xf32, #tpu.memory_space<hbm>> -> memref<1x32x128xf32, #tpu.memory_space<hbm>>
        %dma_wait3A_836 = tpu.memref_squeeze %dma_wait3A_835 : memref<1x32x128xf32, #tpu.memory_space<hbm>> -> memref<32x128xf32, #tpu.memory_space<hbm>>
        %dma_wait3A_837 = tpu.memref_slice %arg11[%dma_wait3A_828] : memref<2x!tpu.dma_semaphore, #tpu.memory_space<semaphore_mem>> -> memref<1x!tpu.dma_semaphore, #tpu.memory_space<semaphore_mem>>
        %dma_wait3A_838 = tpu.memref_squeeze %dma_wait3A_837 : memref<1x!tpu.dma_semaphore, #tpu.memory_space<semaphore_mem>> -> memref<!tpu.dma_semaphore, #tpu.memory_space<semaphore_mem>>
        %dma_wait3A_839 = arith.constant 0 : i32
        %dma_wait3A_840 = arith.constant 0 : i32
        %dma_wait3A_841 = tpu.memref_slice %arg4[%dma_wait3A_827, %dma_wait3A_839, %dma_wait3A_840] : memref<50x4096x128xf32, #tpu.memory_space<hbm>> -> memref<1x32x128xf32, #tpu.memory_space<hbm>>
        %dma_wait3A_842 = tpu.memref_squeeze %dma_wait3A_841 : memref<1x32x128xf32, #tpu.memory_space<hbm>> -> memref<32x128xf32, #tpu.memory_space<hbm>>
        %dma_wait3A_843 = arith.constant 0 : i32
        %dma_wait3A_844 = arith.constant 0 : i32
        %dma_wait3A_845 = tpu.memref_slice %arg8[%dma_wait3A_826, %dma_wait3A_843, %dma_wait3A_844] : memref<2x128x133xf32, #tpu.memory_space<vmem>> -> memref<1x32x128xf32, #tpu.memory_space<vmem>>
        %dma_wait3A_846 = tpu.memref_squeeze %dma_wait3A_845 : memref<1x32x128xf32, #tpu.memory_space<vmem>> -> memref<32x128xf32, #tpu.memory_space<vmem>>
        tpu.wait_dma2 semaphore(%dma_wait3A_838 : memref<!tpu.dma_semaphore, #tpu.memory_space<semaphore_mem>>) src(%dma_wait3A_846 : memref<32x128xf32, #tpu.memory_space<vmem>>) dst(%dma_wait3A_842 : memref<32x128xf32, #tpu.memory_space<hbm>>)
        %dma_wait3A_847 = arith.constant 0 : i32
        %dma_wait3A_848 = arith.constant 0 : i32
        %dma_wait3A_849 = arith.constant 0 : i32
        %dma_wait3A_850 = arith.constant 32 : i32
        %dma_wait3A_851 = arith.constant 0 : i32
        %dma_wait3A_852 = tpu.memref_slice %arg8[%dma_wait3A_847, %dma_wait3A_850, %dma_wait3A_851] : memref<2x128x133xf32, #tpu.memory_space<vmem>> -> memref<1x32x128xf32, #tpu.memory_space<vmem>>
        %dma_wait3A_853 = tpu.memref_squeeze %dma_wait3A_852 : memref<1x32x128xf32, #tpu.memory_space<vmem>> -> memref<32x128xf32, #tpu.memory_space<vmem>>
        %dma_wait3A_854 = arith.constant 1024 : i32
        %dma_wait3A_855 = arith.constant 0 : i32
        %dma_wait3A_856 = tpu.memref_slice %arg4[%dma_wait3A_848, %dma_wait3A_854, %dma_wait3A_855] : memref<50x4096x128xf32, #tpu.memory_space<hbm>> -> memref<1x32x128xf32, #tpu.memory_space<hbm>>
        %dma_wait3A_857 = tpu.memref_squeeze %dma_wait3A_856 : memref<1x32x128xf32, #tpu.memory_space<hbm>> -> memref<32x128xf32, #tpu.memory_space<hbm>>
        %dma_wait3A_858 = tpu.memref_slice %arg11[%dma_wait3A_849] : memref<2x!tpu.dma_semaphore, #tpu.memory_space<semaphore_mem>> -> memref<1x!tpu.dma_semaphore, #tpu.memory_space<semaphore_mem>>
        %dma_wait3A_859 = tpu.memref_squeeze %dma_wait3A_858 : memref<1x!tpu.dma_semaphore, #tpu.memory_space<semaphore_mem>> -> memref<!tpu.dma_semaphore, #tpu.memory_space<semaphore_mem>>
        %dma_wait3A_860 = arith.constant 1024 : i32
        %dma_wait3A_861 = arith.constant 0 : i32
        %dma_wait3A_862 = tpu.memref_slice %arg4[%dma_wait3A_848, %dma_wait3A_860, %dma_wait3A_861] : memref<50x4096x128xf32, #tpu.memory_space<hbm>> -> memref<1x32x128xf32, #tpu.memory_space<hbm>>
        %dma_wait3A_863 = tpu.memref_squeeze %dma_wait3A_862 : memref<1x32x128xf32, #tpu.memory_space<hbm>> -> memref<32x128xf32, #tpu.memory_space<hbm>>
        %dma_wait3A_864 = arith.constant 32 : i32
        %dma_wait3A_865 = arith.constant 0 : i32
        %dma_wait3A_866 = tpu.memref_slice %arg8[%dma_wait3A_847, %dma_wait3A_864, %dma_wait3A_865] : memref<2x128x133xf32, #tpu.memory_space<vmem>> -> memref<1x32x128xf32, #tpu.memory_space<vmem>>
        %dma_wait3A_867 = tpu.memref_squeeze %dma_wait3A_866 : memref<1x32x128xf32, #tpu.memory_space<vmem>> -> memref<32x128xf32, #tpu.memory_space<vmem>>
        tpu.wait_dma2 semaphore(%dma_wait3A_859 : memref<!tpu.dma_semaphore, #tpu.memory_space<semaphore_mem>>) src(%dma_wait3A_867 : memref<32x128xf32, #tpu.memory_space<vmem>>) dst(%dma_wait3A_863 : memref<32x128xf32, #tpu.memory_space<hbm>>)
        %dma_wait3A_868 = arith.constant 0 : i32
        %dma_wait3A_869 = arith.constant 0 : i32
        %dma_wait3A_870 = arith.constant 0 : i32
        %dma_wait3A_871 = arith.constant 64 : i32
        %dma_wait3A_872 = arith.constant 0 : i32
        %dma_wait3A_873 = tpu.memref_slice %arg8[%dma_wait3A_868, %dma_wait3A_871, %dma_wait3A_872] : memref<2x128x133xf32, #tpu.memory_space<vmem>> -> memref<1x32x128xf32, #tpu.memory_space<vmem>>
        %dma_wait3A_874 = tpu.memref_squeeze %dma_wait3A_873 : memref<1x32x128xf32, #tpu.memory_space<vmem>> -> memref<32x128xf32, #tpu.memory_space<vmem>>
        %dma_wait3A_875 = arith.constant 2048 : i32
        %dma_wait3A_876 = arith.constant 0 : i32
        %dma_wait3A_877 = tpu.memref_slice %arg4[%dma_wait3A_869, %dma_wait3A_875, %dma_wait3A_876] : memref<50x4096x128xf32, #tpu.memory_space<hbm>> -> memref<1x32x128xf32, #tpu.memory_space<hbm>>
        %dma_wait3A_878 = tpu.memref_squeeze %dma_wait3A_877 : memref<1x32x128xf32, #tpu.memory_space<hbm>> -> memref<32x128xf32, #tpu.memory_space<hbm>>
        %dma_wait3A_879 = tpu.memref_slice %arg11[%dma_wait3A_870] : memref<2x!tpu.dma_semaphore, #tpu.memory_space<semaphore_mem>> -> memref<1x!tpu.dma_semaphore, #tpu.memory_space<semaphore_mem>>
        %dma_wait3A_880 = tpu.memref_squeeze %dma_wait3A_879 : memref<1x!tpu.dma_semaphore, #tpu.memory_space<semaphore_mem>> -> memref<!tpu.dma_semaphore, #tpu.memory_space<semaphore_mem>>
        %dma_wait3A_881 = arith.constant 2048 : i32
        %dma_wait3A_882 = arith.constant 0 : i32
        %dma_wait3A_883 = tpu.memref_slice %arg4[%dma_wait3A_869, %dma_wait3A_881, %dma_wait3A_882] : memref<50x4096x128xf32, #tpu.memory_space<hbm>> -> memref<1x32x128xf32, #tpu.memory_space<hbm>>
        %dma_wait3A_884 = tpu.memref_squeeze %dma_wait3A_883 : memref<1x32x128xf32, #tpu.memory_space<hbm>> -> memref<32x128xf32, #tpu.memory_space<hbm>>
        %dma_wait3A_885 = arith.constant 64 : i32
        %dma_wait3A_886 = arith.constant 0 : i32
        %dma_wait3A_887 = tpu.memref_slice %arg8[%dma_wait3A_868, %dma_wait3A_885, %dma_wait3A_886] : memref<2x128x133xf32, #tpu.memory_space<vmem>> -> memref<1x32x128xf32, #tpu.memory_space<vmem>>
        %dma_wait3A_888 = tpu.memref_squeeze %dma_wait3A_887 : memref<1x32x128xf32, #tpu.memory_space<vmem>> -> memref<32x128xf32, #tpu.memory_space<vmem>>
        tpu.wait_dma2 semaphore(%dma_wait3A_880 : memref<!tpu.dma_semaphore, #tpu.memory_space<semaphore_mem>>) src(%dma_wait3A_888 : memref<32x128xf32, #tpu.memory_space<vmem>>) dst(%dma_wait3A_884 : memref<32x128xf32, #tpu.memory_space<hbm>>)
        %dma_wait3A_889 = arith.constant 0 : i32
        %dma_wait3A_890 = arith.constant 0 : i32
        %dma_wait3A_891 = arith.constant 0 : i32
        %dma_wait3A_892 = arith.constant 96 : i32
        %dma_wait3A_893 = arith.constant 0 : i32
        %dma_wait3A_894 = tpu.memref_slice %arg8[%dma_wait3A_889, %dma_wait3A_892, %dma_wait3A_893] : memref<2x128x133xf32, #tpu.memory_space<vmem>> -> memref<1x32x128xf32, #tpu.memory_space<vmem>>
        %dma_wait3A_895 = tpu.memref_squeeze %dma_wait3A_894 : memref<1x32x128xf32, #tpu.memory_space<vmem>> -> memref<32x128xf32, #tpu.memory_space<vmem>>
        %dma_wait3A_896 = arith.constant 3072 : i32
        %dma_wait3A_897 = arith.constant 0 : i32
        %dma_wait3A_898 = tpu.memref_slice %arg4[%dma_wait3A_890, %dma_wait3A_896, %dma_wait3A_897] : memref<50x4096x128xf32, #tpu.memory_space<hbm>> -> memref<1x32x128xf32, #tpu.memory_space<hbm>>
        %dma_wait3A_899 = tpu.memref_squeeze %dma_wait3A_898 : memref<1x32x128xf32, #tpu.memory_space<hbm>> -> memref<32x128xf32, #tpu.memory_space<hbm>>
        %dma_wait3A_900 = tpu.memref_slice %arg11[%dma_wait3A_891] : memref<2x!tpu.dma_semaphore, #tpu.memory_space<semaphore_mem>> -> memref<1x!tpu.dma_semaphore, #tpu.memory_space<semaphore_mem>>
        %dma_wait3A_901 = tpu.memref_squeeze %dma_wait3A_900 : memref<1x!tpu.dma_semaphore, #tpu.memory_space<semaphore_mem>> -> memref<!tpu.dma_semaphore, #tpu.memory_space<semaphore_mem>>
        %dma_wait3A_902 = arith.constant 3072 : i32
        %dma_wait3A_903 = arith.constant 0 : i32
        %dma_wait3A_904 = tpu.memref_slice %arg4[%dma_wait3A_890, %dma_wait3A_902, %dma_wait3A_903] : memref<50x4096x128xf32, #tpu.memory_space<hbm>> -> memref<1x32x128xf32, #tpu.memory_space<hbm>>
        %dma_wait3A_905 = tpu.memref_squeeze %dma_wait3A_904 : memref<1x32x128xf32, #tpu.memory_space<hbm>> -> memref<32x128xf32, #tpu.memory_space<hbm>>
        %dma_wait3A_906 = arith.constant 96 : i32
        %dma_wait3A_907 = arith.constant 0 : i32
        %dma_wait3A_908 = tpu.memref_slice %arg8[%dma_wait3A_889, %dma_wait3A_906, %dma_wait3A_907] : memref<2x128x133xf32, #tpu.memory_space<vmem>> -> memref<1x32x128xf32, #tpu.memory_space<vmem>>
        %dma_wait3A_909 = tpu.memref_squeeze %dma_wait3A_908 : memref<1x32x128xf32, #tpu.memory_space<vmem>> -> memref<32x128xf32, #tpu.memory_space<vmem>>
        tpu.wait_dma2 semaphore(%dma_wait3A_901 : memref<!tpu.dma_semaphore, #tpu.memory_space<semaphore_mem>>) src(%dma_wait3A_909 : memref<32x128xf32, #tpu.memory_space<vmem>>) dst(%dma_wait3A_905 : memref<32x128xf32, #tpu.memory_space<hbm>>)
      } else {
      }
      %scan3A_598 = arith.constant 0 : i32
      %scan3A_599 = arith.constant 0 : i32
      %scan3A_600 = arith.constant 0 : i32
      %scan3A_601 = arith.constant 4 : i32
      %scan3A_602 = arith.addi %scan3A_600, %scan3A_601 : i32
      %scan3A_603 = arith.constant 1 : i32
      scf.for %scan3A_826 = %scan3A_600 to %scan3A_602 step %scan3A_603  : i32 {
        %mul3A_827 = arith.constant 8 : i32
        %mul3A_828 = arith.muli %scan3A_826, %mul3A_827 : i32
        %add3A_829 = vector.broadcast %mul3A_828 : i32 to vector<16xi32>
        %add3A_830 = arith.addi %add3A_49, %add3A_829 : vector<16xi32>
        %mul3A_831 = arith.constant 8 : i32
        %mul3A_832 = arith.muli %scan3A_826, %mul3A_831 : i32
        %add3A_833 = vector.broadcast %mul3A_832 : i32 to vector<16xi32>
        %add3A_834 = arith.addi %add3A_109, %add3A_833 : vector<16xi32>
        %scan3A_835 = arith.constant 0 : i32
        %scan3A_836 = arith.constant 8 : i32
        %scan3A_837 = arith.addi %scan3A_835, %scan3A_836 : i32
        %scan3A_838 = arith.constant 1 : i32
        scf.for %scan3A_840 = %scan3A_835 to %scan3A_837 step %scan3A_838  : i32 {
          %mul3A_841 = arith.constant 128 : i32
          %mul3A_842 = arith.muli %scan3A_826, %mul3A_841 : i32
          %mul3A_843 = arith.constant 16 : i32
          %mul3A_844 = arith.muli %scan3A_840, %mul3A_843 : i32
          %add3A_845 = arith.addi %mul3A_842, %mul3A_844 : i32
          %add3A_846 = arith.constant 0 : i32
          %add3A_847 = arith.addi %add3A_845, %add3A_846 : i32
          %broadcast_in_dim3A_848 = arith.constant 0 : i32
          %broadcast_in_dim3A_849 = vector.broadcast %broadcast_in_dim3A_848 : i32 to vector<16xi32>
          %mul3A_850 = arith.constant 16 : i32
          %mul3A_851 = arith.muli %scan3A_840, %mul3A_850 : i32
          %add3A_852 = arith.constant 0 : i32
          %add3A_853 = arith.addi %mul3A_851, %add3A_852 : i32
          %add3A_854 = vector.broadcast %add3A_853 : i32 to vector<16xi32>
          %add3A_855 = arith.addi %broadcast_in_dim3A_849, %add3A_854 : vector<16xi32>
          %get3A = arith.constant 0 : i32
          %get3A_856 = arith.index_cast %get3A : i32 to index
          %get3A_857 = arith.index_cast %add3A_847 : i32 to index
          %get3A_858 = arith.constant 0 : index
          %get3A_859 = tpu.vector_load %arg7[%get3A_856, %get3A_857, %get3A_858] {strides = array<i32>} : memref<2x512x32xf32, #tpu.memory_space<vmem>>, vector<16xf32>,
          %get3A_860 = arith.constant 0 : i32
          %get3A_861 = arith.index_cast %get3A_860 : i32 to index
          %get3A_862 = arith.index_cast %add3A_847 : i32 to index
          %get3A_863 = arith.constant 16 : index
          %get3A_864 = tpu.vector_load %arg7[%get3A_861, %get3A_862, %get3A_863] {strides = array<i32>} : memref<2x512x32xf32, #tpu.memory_space<vmem>>, vector<16xf32>,
          %scatter3A = arith.constant 0 : i32
          %scatter3A_865 = arith.constant 0 : i32
          %scatter3A_866 = tpu.memref_slice %arg8[%scan3A_599, %scatter3A, %scatter3A_865] : memref<2x128x133xf32, #tpu.memory_space<vmem>> -> memref<1x128x133xf32, #tpu.memory_space<vmem>>
          %scatter3A_867 = tpu.memref_squeeze %scatter3A_866 : memref<1x128x133xf32, #tpu.memory_space<vmem>> -> memref<128x133xf32, #tpu.memory_space<vmem>>
          tpu.vector_store_idx %scatter3A_867[%add3A_830, %add3A_855], %get3A_859 : memref<128x133xf32, #tpu.memory_space<vmem>>[vector<16xi32>, vector<16xi32>], vector<16xf32>,
          %scatter3A_868 = arith.constant 0 : i32
          %scatter3A_869 = arith.constant 0 : i32
          %scatter3A_870 = tpu.memref_slice %arg8[%scan3A_599, %scatter3A_868, %scatter3A_869] : memref<2x128x133xf32, #tpu.memory_space<vmem>> -> memref<1x128x133xf32, #tpu.memory_space<vmem>>
          %scatter3A_871 = tpu.memref_squeeze %scatter3A_870 : memref<1x128x133xf32, #tpu.memory_space<vmem>> -> memref<128x133xf32, #tpu.memory_space<vmem>>
          tpu.vector_store_idx %scatter3A_871[%add3A_834, %add3A_855], %get3A_864 : memref<128x133xf32, #tpu.memory_space<vmem>>[vector<16xi32>, vector<16xi32>], vector<16xf32>,
          %mul3A_872 = arith.constant 128 : i32
          %mul3A_873 = arith.muli %scan3A_826, %mul3A_872 : i32
          %mul3A_874 = arith.constant 16 : i32
          %mul3A_875 = arith.muli %scan3A_840, %mul3A_874 : i32
          %add3A_876 = arith.addi %mul3A_873, %mul3A_875 : i32
          %add3A_877 = arith.constant 1 : i32
          %add3A_878 = arith.addi %add3A_876, %add3A_877 : i32
          %broadcast_in_dim3A_879 = arith.constant 0 : i32
          %broadcast_in_dim3A_880 = vector.broadcast %broadcast_in_dim3A_879 : i32 to vector<16xi32>
          %mul3A_881 = arith.constant 16 : i32
          %mul3A_882 = arith.muli %scan3A_840, %mul3A_881 : i32
          %add3A_883 = arith.constant 1 : i32
          %add3A_884 = arith.addi %mul3A_882, %add3A_883 : i32
          %add3A_885 = vector.broadcast %add3A_884 : i32 to vector<16xi32>
          %add3A_886 = arith.addi %broadcast_in_dim3A_880, %add3A_885 : vector<16xi32>
          %get3A_887 = arith.constant 0 : i32
          %get3A_888 = arith.index_cast %get3A_887 : i32 to index
          %get3A_889 = arith.index_cast %add3A_878 : i32 to index
          %get3A_890 = arith.constant 0 : index
          %get3A_891 = tpu.vector_load %arg7[%get3A_888, %get3A_889, %get3A_890] {strides = array<i32>} : memref<2x512x32xf32, #tpu.memory_space<vmem>>, vector<16xf32>,
          %get3A_892 = arith.constant 0 : i32
          %get3A_893 = arith.index_cast %get3A_892 : i32 to index
          %get3A_894 = arith.index_cast %add3A_878 : i32 to index
          %get3A_895 = arith.constant 16 : index
          %get3A_896 = tpu.vector_load %arg7[%get3A_893, %get3A_894, %get3A_895] {strides = array<i32>} : memref<2x512x32xf32, #tpu.memory_space<vmem>>, vector<16xf32>,
          %scatter3A_897 = arith.constant 0 : i32
          %scatter3A_898 = arith.constant 0 : i32
          %scatter3A_899 = tpu.memref_slice %arg8[%scan3A_599, %scatter3A_897, %scatter3A_898] : memref<2x128x133xf32, #tpu.memory_space<vmem>> -> memref<1x128x133xf32, #tpu.memory_space<vmem>>
          %scatter3A_900 = tpu.memref_squeeze %scatter3A_899 : memref<1x128x133xf32, #tpu.memory_space<vmem>> -> memref<128x133xf32, #tpu.memory_space<vmem>>
          tpu.vector_store_idx %scatter3A_900[%add3A_830, %add3A_886], %get3A_891 : memref<128x133xf32, #tpu.memory_space<vmem>>[vector<16xi32>, vector<16xi32>], vector<16xf32>,
          %scatter3A_901 = arith.constant 0 : i32
          %scatter3A_902 = arith.constant 0 : i32
          %scatter3A_903 = tpu.memref_slice %arg8[%scan3A_599, %scatter3A_901, %scatter3A_902] : memref<2x128x133xf32, #tpu.memory_space<vmem>> -> memref<1x128x133xf32, #tpu.memory_space<vmem>>
          %scatter3A_904 = tpu.memref_squeeze %scatter3A_903 : memref<1x128x133xf32, #tpu.memory_space<vmem>> -> memref<128x133xf32, #tpu.memory_space<vmem>>
          tpu.vector_store_idx %scatter3A_904[%add3A_834, %add3A_886], %get3A_896 : memref<128x133xf32, #tpu.memory_space<vmem>>[vector<16xi32>, vector<16xi32>], vector<16xf32>,
          %mul3A_905 = arith.constant 128 : i32
          %mul3A_906 = arith.muli %scan3A_826, %mul3A_905 : i32
          %mul3A_907 = arith.constant 16 : i32
          %mul3A_908 = arith.muli %scan3A_840, %mul3A_907 : i32
          %add3A_909 = arith.addi %mul3A_906, %mul3A_908 : i32
          %add3A_910 = arith.constant 2 : i32
          %add3A_911 = arith.addi %add3A_909, %add3A_910 : i32
          %broadcast_in_dim3A_912 = arith.constant 0 : i32
          %broadcast_in_dim3A_913 = vector.broadcast %broadcast_in_dim3A_912 : i32 to vector<16xi32>
          %mul3A_914 = arith.constant 16 : i32
          %mul3A_915 = arith.muli %scan3A_840, %mul3A_914 : i32
          %add3A_916 = arith.constant 2 : i32
          %add3A_917 = arith.addi %mul3A_915, %add3A_916 : i32
          %add3A_918 = vector.broadcast %add3A_917 : i32 to vector<16xi32>
          %add3A_919 = arith.addi %broadcast_in_dim3A_913, %add3A_918 : vector<16xi32>
          %get3A_920 = arith.constant 0 : i32
          %get3A_921 = arith.index_cast %get3A_920 : i32 to index
          %get3A_922 = arith.index_cast %add3A_911 : i32 to index
          %get3A_923 = arith.constant 0 : index
          %get3A_924 = tpu.vector_load %arg7[%get3A_921, %get3A_922, %get3A_923] {strides = array<i32>} : memref<2x512x32xf32, #tpu.memory_space<vmem>>, vector<16xf32>,
          %get3A_925 = arith.constant 0 : i32
          %get3A_926 = arith.index_cast %get3A_925 : i32 to index
          %get3A_927 = arith.index_cast %add3A_911 : i32 to index
          %get3A_928 = arith.constant 16 : index
          %get3A_929 = tpu.vector_load %arg7[%get3A_926, %get3A_927, %get3A_928] {strides = array<i32>} : memref<2x512x32xf32, #tpu.memory_space<vmem>>, vector<16xf32>,
          %scatter3A_930 = arith.constant 0 : i32
          %scatter3A_931 = arith.constant 0 : i32
          %scatter3A_932 = tpu.memref_slice %arg8[%scan3A_599, %scatter3A_930, %scatter3A_931] : memref<2x128x133xf32, #tpu.memory_space<vmem>> -> memref<1x128x133xf32, #tpu.memory_space<vmem>>
          %scatter3A_933 = tpu.memref_squeeze %scatter3A_932 : memref<1x128x133xf32, #tpu.memory_space<vmem>> -> memref<128x133xf32, #tpu.memory_space<vmem>>
          tpu.vector_store_idx %scatter3A_933[%add3A_830, %add3A_919], %get3A_924 : memref<128x133xf32, #tpu.memory_space<vmem>>[vector<16xi32>, vector<16xi32>], vector<16xf32>,
          %scatter3A_934 = arith.constant 0 : i32
          %scatter3A_935 = arith.constant 0 : i32
          %scatter3A_936 = tpu.memref_slice %arg8[%scan3A_599, %scatter3A_934, %scatter3A_935] : memref<2x128x133xf32, #tpu.memory_space<vmem>> -> memref<1x128x133xf32, #tpu.memory_space<vmem>>
          %scatter3A_937 = tpu.memref_squeeze %scatter3A_936 : memref<1x128x133xf32, #tpu.memory_space<vmem>> -> memref<128x133xf32, #tpu.memory_space<vmem>>
          tpu.vector_store_idx %scatter3A_937[%add3A_834, %add3A_919], %get3A_929 : memref<128x133xf32, #tpu.memory_space<vmem>>[vector<16xi32>, vector<16xi32>], vector<16xf32>,
          %mul3A_938 = arith.constant 128 : i32
          %mul3A_939 = arith.muli %scan3A_826, %mul3A_938 : i32
          %mul3A_940 = arith.constant 16 : i32
          %mul3A_941 = arith.muli %scan3A_840, %mul3A_940 : i32
          %add3A_942 = arith.addi %mul3A_939, %mul3A_941 : i32
          %add3A_943 = arith.constant 3 : i32
          %add3A_944 = arith.addi %add3A_942, %add3A_943 : i32
          %broadcast_in_dim3A_945 = arith.constant 0 : i32
          %broadcast_in_dim3A_946 = vector.broadcast %broadcast_in_dim3A_945 : i32 to vector<16xi32>
          %mul3A_947 = arith.constant 16 : i32
          %mul3A_948 = arith.muli %scan3A_840, %mul3A_947 : i32
          %add3A_949 = arith.constant 3 : i32
          %add3A_950 = arith.addi %mul3A_948, %add3A_949 : i32
          %add3A_951 = vector.broadcast %add3A_950 : i32 to vector<16xi32>
          %add3A_952 = arith.addi %broadcast_in_dim3A_946, %add3A_951 : vector<16xi32>
          %get3A_953 = arith.constant 0 : i32
          %get3A_954 = arith.index_cast %get3A_953 : i32 to index
          %get3A_955 = arith.index_cast %add3A_944 : i32 to index
          %get3A_956 = arith.constant 0 : index
          %get3A_957 = tpu.vector_load %arg7[%get3A_954, %get3A_955, %get3A_956] {strides = array<i32>} : memref<2x512x32xf32, #tpu.memory_space<vmem>>, vector<16xf32>,
          %get3A_958 = arith.constant 0 : i32
          %get3A_959 = arith.index_cast %get3A_958 : i32 to index
          %get3A_960 = arith.index_cast %add3A_944 : i32 to index
          %get3A_961 = arith.constant 16 : index
          %get3A_962 = tpu.vector_load %arg7[%get3A_959, %get3A_960, %get3A_961] {strides = array<i32>} : memref<2x512x32xf32, #tpu.memory_space<vmem>>, vector<16xf32>,
          %scatter3A_963 = arith.constant 0 : i32
          %scatter3A_964 = arith.constant 0 : i32
          %scatter3A_965 = tpu.memref_slice %arg8[%scan3A_599, %scatter3A_963, %scatter3A_964] : memref<2x128x133xf32, #tpu.memory_space<vmem>> -> memref<1x128x133xf32, #tpu.memory_space<vmem>>
          %scatter3A_966 = tpu.memref_squeeze %scatter3A_965 : memref<1x128x133xf32, #tpu.memory_space<vmem>> -> memref<128x133xf32, #tpu.memory_space<vmem>>
          tpu.vector_store_idx %scatter3A_966[%add3A_830, %add3A_952], %get3A_957 : memref<128x133xf32, #tpu.memory_space<vmem>>[vector<16xi32>, vector<16xi32>], vector<16xf32>,
          %scatter3A_967 = arith.constant 0 : i32
          %scatter3A_968 = arith.constant 0 : i32
          %scatter3A_969 = tpu.memref_slice %arg8[%scan3A_599, %scatter3A_967, %scatter3A_968] : memref<2x128x133xf32, #tpu.memory_space<vmem>> -> memref<1x128x133xf32, #tpu.memory_space<vmem>>
          %scatter3A_970 = tpu.memref_squeeze %scatter3A_969 : memref<1x128x133xf32, #tpu.memory_space<vmem>> -> memref<128x133xf32, #tpu.memory_space<vmem>>
          tpu.vector_store_idx %scatter3A_970[%add3A_834, %add3A_952], %get3A_962 : memref<128x133xf32, #tpu.memory_space<vmem>>[vector<16xi32>, vector<16xi32>], vector<16xf32>,
          %mul3A_971 = arith.constant 128 : i32
          %mul3A_972 = arith.muli %scan3A_826, %mul3A_971 : i32
          %mul3A_973 = arith.constant 16 : i32
          %mul3A_974 = arith.muli %scan3A_840, %mul3A_973 : i32
          %add3A_975 = arith.addi %mul3A_972, %mul3A_974 : i32
          %add3A_976 = arith.constant 4 : i32
          %add3A_977 = arith.addi %add3A_975, %add3A_976 : i32
          %broadcast_in_dim3A_978 = arith.constant 0 : i32
          %broadcast_in_dim3A_979 = vector.broadcast %broadcast_in_dim3A_978 : i32 to vector<16xi32>
          %mul3A_980 = arith.constant 16 : i32
          %mul3A_981 = arith.muli %scan3A_840, %mul3A_980 : i32
          %add3A_982 = arith.constant 4 : i32
          %add3A_983 = arith.addi %mul3A_981, %add3A_982 : i32
          %add3A_984 = vector.broadcast %add3A_983 : i32 to vector<16xi32>
          %add3A_985 = arith.addi %broadcast_in_dim3A_979, %add3A_984 : vector<16xi32>
          %get3A_986 = arith.constant 0 : i32
          %get3A_987 = arith.index_cast %get3A_986 : i32 to index
          %get3A_988 = arith.index_cast %add3A_977 : i32 to index
          %get3A_989 = arith.constant 0 : index
          %get3A_990 = tpu.vector_load %arg7[%get3A_987, %get3A_988, %get3A_989] {strides = array<i32>} : memref<2x512x32xf32, #tpu.memory_space<vmem>>, vector<16xf32>,
          %get3A_991 = arith.constant 0 : i32
          %get3A_992 = arith.index_cast %get3A_991 : i32 to index
          %get3A_993 = arith.index_cast %add3A_977 : i32 to index
          %get3A_994 = arith.constant 16 : index
          %get3A_995 = tpu.vector_load %arg7[%get3A_992, %get3A_993, %get3A_994] {strides = array<i32>} : memref<2x512x32xf32, #tpu.memory_space<vmem>>, vector<16xf32>,
          %scatter3A_996 = arith.constant 0 : i32
          %scatter3A_997 = arith.constant 0 : i32
          %scatter3A_998 = tpu.memref_slice %arg8[%scan3A_599, %scatter3A_996, %scatter3A_997] : memref<2x128x133xf32, #tpu.memory_space<vmem>> -> memref<1x128x133xf32, #tpu.memory_space<vmem>>
          %scatter3A_999 = tpu.memref_squeeze %scatter3A_998 : memref<1x128x133xf32, #tpu.memory_space<vmem>> -> memref<128x133xf32, #tpu.memory_space<vmem>>
          tpu.vector_store_idx %scatter3A_999[%add3A_830, %add3A_985], %get3A_990 : memref<128x133xf32, #tpu.memory_space<vmem>>[vector<16xi32>, vector<16xi32>], vector<16xf32>,
          %scatter3A_1000 = arith.constant 0 : i32
          %scatter3A_1001 = arith.constant 0 : i32
          %scatter3A_1002 = tpu.memref_slice %arg8[%scan3A_599, %scatter3A_1000, %scatter3A_1001] : memref<2x128x133xf32, #tpu.memory_space<vmem>> -> memref<1x128x133xf32, #tpu.memory_space<vmem>>
          %scatter3A_1003 = tpu.memref_squeeze %scatter3A_1002 : memref<1x128x133xf32, #tpu.memory_space<vmem>> -> memref<128x133xf32, #tpu.memory_space<vmem>>
          tpu.vector_store_idx %scatter3A_1003[%add3A_834, %add3A_985], %get3A_995 : memref<128x133xf32, #tpu.memory_space<vmem>>[vector<16xi32>, vector<16xi32>], vector<16xf32>,
          %mul3A_1004 = arith.constant 128 : i32
          %mul3A_1005 = arith.muli %scan3A_826, %mul3A_1004 : i32
          %mul3A_1006 = arith.constant 16 : i32
          %mul3A_1007 = arith.muli %scan3A_840, %mul3A_1006 : i32
          %add3A_1008 = arith.addi %mul3A_1005, %mul3A_1007 : i32
          %add3A_1009 = arith.constant 5 : i32
          %add3A_1010 = arith.addi %add3A_1008, %add3A_1009 : i32
          %broadcast_in_dim3A_1011 = arith.constant 0 : i32
          %broadcast_in_dim3A_1012 = vector.broadcast %broadcast_in_dim3A_1011 : i32 to vector<16xi32>
          %mul3A_1013 = arith.constant 16 : i32
          %mul3A_1014 = arith.muli %scan3A_840, %mul3A_1013 : i32
          %add3A_1015 = arith.constant 5 : i32
          %add3A_1016 = arith.addi %mul3A_1014, %add3A_1015 : i32
          %add3A_1017 = vector.broadcast %add3A_1016 : i32 to vector<16xi32>
          %add3A_1018 = arith.addi %broadcast_in_dim3A_1012, %add3A_1017 : vector<16xi32>
          %get3A_1019 = arith.constant 0 : i32
          %get3A_1020 = arith.index_cast %get3A_1019 : i32 to index
          %get3A_1021 = arith.index_cast %add3A_1010 : i32 to index
          %get3A_1022 = arith.constant 0 : index
          %get3A_1023 = tpu.vector_load %arg7[%get3A_1020, %get3A_1021, %get3A_1022] {strides = array<i32>} : memref<2x512x32xf32, #tpu.memory_space<vmem>>, vector<16xf32>,
          %get3A_1024 = arith.constant 0 : i32
          %get3A_1025 = arith.index_cast %get3A_1024 : i32 to index
          %get3A_1026 = arith.index_cast %add3A_1010 : i32 to index
          %get3A_1027 = arith.constant 16 : index
          %get3A_1028 = tpu.vector_load %arg7[%get3A_1025, %get3A_1026, %get3A_1027] {strides = array<i32>} : memref<2x512x32xf32, #tpu.memory_space<vmem>>, vector<16xf32>,
          %scatter3A_1029 = arith.constant 0 : i32
          %scatter3A_1030 = arith.constant 0 : i32
          %scatter3A_1031 = tpu.memref_slice %arg8[%scan3A_599, %scatter3A_1029, %scatter3A_1030] : memref<2x128x133xf32, #tpu.memory_space<vmem>> -> memref<1x128x133xf32, #tpu.memory_space<vmem>>
          %scatter3A_1032 = tpu.memref_squeeze %scatter3A_1031 : memref<1x128x133xf32, #tpu.memory_space<vmem>> -> memref<128x133xf32, #tpu.memory_space<vmem>>
          tpu.vector_store_idx %scatter3A_1032[%add3A_830, %add3A_1018], %get3A_1023 : memref<128x133xf32, #tpu.memory_space<vmem>>[vector<16xi32>, vector<16xi32>], vector<16xf32>,
          %scatter3A_1033 = arith.constant 0 : i32
          %scatter3A_1034 = arith.constant 0 : i32
          %scatter3A_1035 = tpu.memref_slice %arg8[%scan3A_599, %scatter3A_1033, %scatter3A_1034] : memref<2x128x133xf32, #tpu.memory_space<vmem>> -> memref<1x128x133xf32, #tpu.memory_space<vmem>>
          %scatter3A_1036 = tpu.memref_squeeze %scatter3A_1035 : memref<1x128x133xf32, #tpu.memory_space<vmem>> -> memref<128x133xf32, #tpu.memory_space<vmem>>
          tpu.vector_store_idx %scatter3A_1036[%add3A_834, %add3A_1018], %get3A_1028 : memref<128x133xf32, #tpu.memory_space<vmem>>[vector<16xi32>, vector<16xi32>], vector<16xf32>,
          %mul3A_1037 = arith.constant 128 : i32
          %mul3A_1038 = arith.muli %scan3A_826, %mul3A_1037 : i32
          %mul3A_1039 = arith.constant 16 : i32
          %mul3A_1040 = arith.muli %scan3A_840, %mul3A_1039 : i32
          %add3A_1041 = arith.addi %mul3A_1038, %mul3A_1040 : i32
          %add3A_1042 = arith.constant 6 : i32
          %add3A_1043 = arith.addi %add3A_1041, %add3A_1042 : i32
          %broadcast_in_dim3A_1044 = arith.constant 0 : i32
          %broadcast_in_dim3A_1045 = vector.broadcast %broadcast_in_dim3A_1044 : i32 to vector<16xi32>
          %mul3A_1046 = arith.constant 16 : i32
          %mul3A_1047 = arith.muli %scan3A_840, %mul3A_1046 : i32
          %add3A_1048 = arith.constant 6 : i32
          %add3A_1049 = arith.addi %mul3A_1047, %add3A_1048 : i32
          %add3A_1050 = vector.broadcast %add3A_1049 : i32 to vector<16xi32>
          %add3A_1051 = arith.addi %broadcast_in_dim3A_1045, %add3A_1050 : vector<16xi32>
          %get3A_1052 = arith.constant 0 : i32
          %get3A_1053 = arith.index_cast %get3A_1052 : i32 to index
          %get3A_1054 = arith.index_cast %add3A_1043 : i32 to index
          %get3A_1055 = arith.constant 0 : index
          %get3A_1056 = tpu.vector_load %arg7[%get3A_1053, %get3A_1054, %get3A_1055] {strides = array<i32>} : memref<2x512x32xf32, #tpu.memory_space<vmem>>, vector<16xf32>,
          %get3A_1057 = arith.constant 0 : i32
          %get3A_1058 = arith.index_cast %get3A_1057 : i32 to index
          %get3A_1059 = arith.index_cast %add3A_1043 : i32 to index
          %get3A_1060 = arith.constant 16 : index
          %get3A_1061 = tpu.vector_load %arg7[%get3A_1058, %get3A_1059, %get3A_1060] {strides = array<i32>} : memref<2x512x32xf32, #tpu.memory_space<vmem>>, vector<16xf32>,
          %scatter3A_1062 = arith.constant 0 : i32
          %scatter3A_1063 = arith.constant 0 : i32
          %scatter3A_1064 = tpu.memref_slice %arg8[%scan3A_599, %scatter3A_1062, %scatter3A_1063] : memref<2x128x133xf32, #tpu.memory_space<vmem>> -> memref<1x128x133xf32, #tpu.memory_space<vmem>>
          %scatter3A_1065 = tpu.memref_squeeze %scatter3A_1064 : memref<1x128x133xf32, #tpu.memory_space<vmem>> -> memref<128x133xf32, #tpu.memory_space<vmem>>
          tpu.vector_store_idx %scatter3A_1065[%add3A_830, %add3A_1051], %get3A_1056 : memref<128x133xf32, #tpu.memory_space<vmem>>[vector<16xi32>, vector<16xi32>], vector<16xf32>,
          %scatter3A_1066 = arith.constant 0 : i32
          %scatter3A_1067 = arith.constant 0 : i32
          %scatter3A_1068 = tpu.memref_slice %arg8[%scan3A_599, %scatter3A_1066, %scatter3A_1067] : memref<2x128x133xf32, #tpu.memory_space<vmem>> -> memref<1x128x133xf32, #tpu.memory_space<vmem>>
          %scatter3A_1069 = tpu.memref_squeeze %scatter3A_1068 : memref<1x128x133xf32, #tpu.memory_space<vmem>> -> memref<128x133xf32, #tpu.memory_space<vmem>>
          tpu.vector_store_idx %scatter3A_1069[%add3A_834, %add3A_1051], %get3A_1061 : memref<128x133xf32, #tpu.memory_space<vmem>>[vector<16xi32>, vector<16xi32>], vector<16xf32>,
          %mul3A_1070 = arith.constant 128 : i32
          %mul3A_1071 = arith.muli %scan3A_826, %mul3A_1070 : i32
          %mul3A_1072 = arith.constant 16 : i32
          %mul3A_1073 = arith.muli %scan3A_840, %mul3A_1072 : i32
          %add3A_1074 = arith.addi %mul3A_1071, %mul3A_1073 : i32
          %add3A_1075 = arith.constant 7 : i32
          %add3A_1076 = arith.addi %add3A_1074, %add3A_1075 : i32
          %broadcast_in_dim3A_1077 = arith.constant 0 : i32
          %broadcast_in_dim3A_1078 = vector.broadcast %broadcast_in_dim3A_1077 : i32 to vector<16xi32>
          %mul3A_1079 = arith.constant 16 : i32
          %mul3A_1080 = arith.muli %scan3A_840, %mul3A_1079 : i32
          %add3A_1081 = arith.constant 7 : i32
          %add3A_1082 = arith.addi %mul3A_1080, %add3A_1081 : i32
          %add3A_1083 = vector.broadcast %add3A_1082 : i32 to vector<16xi32>
          %add3A_1084 = arith.addi %broadcast_in_dim3A_1078, %add3A_1083 : vector<16xi32>
          %get3A_1085 = arith.constant 0 : i32
          %get3A_1086 = arith.index_cast %get3A_1085 : i32 to index
          %get3A_1087 = arith.index_cast %add3A_1076 : i32 to index
          %get3A_1088 = arith.constant 0 : index
          %get3A_1089 = tpu.vector_load %arg7[%get3A_1086, %get3A_1087, %get3A_1088] {strides = array<i32>} : memref<2x512x32xf32, #tpu.memory_space<vmem>>, vector<16xf32>,
          %get3A_1090 = arith.constant 0 : i32
          %get3A_1091 = arith.index_cast %get3A_1090 : i32 to index
          %get3A_1092 = arith.index_cast %add3A_1076 : i32 to index
          %get3A_1093 = arith.constant 16 : index
          %get3A_1094 = tpu.vector_load %arg7[%get3A_1091, %get3A_1092, %get3A_1093] {strides = array<i32>} : memref<2x512x32xf32, #tpu.memory_space<vmem>>, vector<16xf32>,
          %scatter3A_1095 = arith.constant 0 : i32
          %scatter3A_1096 = arith.constant 0 : i32
          %scatter3A_1097 = tpu.memref_slice %arg8[%scan3A_599, %scatter3A_1095, %scatter3A_1096] : memref<2x128x133xf32, #tpu.memory_space<vmem>> -> memref<1x128x133xf32, #tpu.memory_space<vmem>>
          %scatter3A_1098 = tpu.memref_squeeze %scatter3A_1097 : memref<1x128x133xf32, #tpu.memory_space<vmem>> -> memref<128x133xf32, #tpu.memory_space<vmem>>
          tpu.vector_store_idx %scatter3A_1098[%add3A_830, %add3A_1084], %get3A_1089 : memref<128x133xf32, #tpu.memory_space<vmem>>[vector<16xi32>, vector<16xi32>], vector<16xf32>,
          %scatter3A_1099 = arith.constant 0 : i32
          %scatter3A_1100 = arith.constant 0 : i32
          %scatter3A_1101 = tpu.memref_slice %arg8[%scan3A_599, %scatter3A_1099, %scatter3A_1100] : memref<2x128x133xf32, #tpu.memory_space<vmem>> -> memref<1x128x133xf32, #tpu.memory_space<vmem>>
          %scatter3A_1102 = tpu.memref_squeeze %scatter3A_1101 : memref<1x128x133xf32, #tpu.memory_space<vmem>> -> memref<128x133xf32, #tpu.memory_space<vmem>>
          tpu.vector_store_idx %scatter3A_1102[%add3A_834, %add3A_1084], %get3A_1094 : memref<128x133xf32, #tpu.memory_space<vmem>>[vector<16xi32>, vector<16xi32>], vector<16xf32>,
          %mul3A_1103 = arith.constant 128 : i32
          %mul3A_1104 = arith.muli %scan3A_826, %mul3A_1103 : i32
          %mul3A_1105 = arith.constant 16 : i32
          %mul3A_1106 = arith.muli %scan3A_840, %mul3A_1105 : i32
          %add3A_1107 = arith.addi %mul3A_1104, %mul3A_1106 : i32
          %add3A_1108 = arith.constant 8 : i32
          %add3A_1109 = arith.addi %add3A_1107, %add3A_1108 : i32
          %broadcast_in_dim3A_1110 = arith.constant 0 : i32
          %broadcast_in_dim3A_1111 = vector.broadcast %broadcast_in_dim3A_1110 : i32 to vector<16xi32>
          %mul3A_1112 = arith.constant 16 : i32
          %mul3A_1113 = arith.muli %scan3A_840, %mul3A_1112 : i32
          %add3A_1114 = arith.constant 8 : i32
          %add3A_1115 = arith.addi %mul3A_1113, %add3A_1114 : i32
          %add3A_1116 = vector.broadcast %add3A_1115 : i32 to vector<16xi32>
          %add3A_1117 = arith.addi %broadcast_in_dim3A_1111, %add3A_1116 : vector<16xi32>
          %get3A_1118 = arith.constant 0 : i32
          %get3A_1119 = arith.index_cast %get3A_1118 : i32 to index
          %get3A_1120 = arith.index_cast %add3A_1109 : i32 to index
          %get3A_1121 = arith.constant 0 : index
          %get3A_1122 = tpu.vector_load %arg7[%get3A_1119, %get3A_1120, %get3A_1121] {strides = array<i32>} : memref<2x512x32xf32, #tpu.memory_space<vmem>>, vector<16xf32>,
          %get3A_1123 = arith.constant 0 : i32
          %get3A_1124 = arith.index_cast %get3A_1123 : i32 to index
          %get3A_1125 = arith.index_cast %add3A_1109 : i32 to index
          %get3A_1126 = arith.constant 16 : index
          %get3A_1127 = tpu.vector_load %arg7[%get3A_1124, %get3A_1125, %get3A_1126] {strides = array<i32>} : memref<2x512x32xf32, #tpu.memory_space<vmem>>, vector<16xf32>,
          %scatter3A_1128 = arith.constant 0 : i32
          %scatter3A_1129 = arith.constant 0 : i32
          %scatter3A_1130 = tpu.memref_slice %arg8[%scan3A_599, %scatter3A_1128, %scatter3A_1129] : memref<2x128x133xf32, #tpu.memory_space<vmem>> -> memref<1x128x133xf32, #tpu.memory_space<vmem>>
          %scatter3A_1131 = tpu.memref_squeeze %scatter3A_1130 : memref<1x128x133xf32, #tpu.memory_space<vmem>> -> memref<128x133xf32, #tpu.memory_space<vmem>>
          tpu.vector_store_idx %scatter3A_1131[%add3A_830, %add3A_1117], %get3A_1122 : memref<128x133xf32, #tpu.memory_space<vmem>>[vector<16xi32>, vector<16xi32>], vector<16xf32>,
          %scatter3A_1132 = arith.constant 0 : i32
          %scatter3A_1133 = arith.constant 0 : i32
          %scatter3A_1134 = tpu.memref_slice %arg8[%scan3A_599, %scatter3A_1132, %scatter3A_1133] : memref<2x128x133xf32, #tpu.memory_space<vmem>> -> memref<1x128x133xf32, #tpu.memory_space<vmem>>
          %scatter3A_1135 = tpu.memref_squeeze %scatter3A_1134 : memref<1x128x133xf32, #tpu.memory_space<vmem>> -> memref<128x133xf32, #tpu.memory_space<vmem>>
          tpu.vector_store_idx %scatter3A_1135[%add3A_834, %add3A_1117], %get3A_1127 : memref<128x133xf32, #tpu.memory_space<vmem>>[vector<16xi32>, vector<16xi32>], vector<16xf32>,
          %mul3A_1136 = arith.constant 128 : i32
          %mul3A_1137 = arith.muli %scan3A_826, %mul3A_1136 : i32
          %mul3A_1138 = arith.constant 16 : i32
          %mul3A_1139 = arith.muli %scan3A_840, %mul3A_1138 : i32
          %add3A_1140 = arith.addi %mul3A_1137, %mul3A_1139 : i32
          %add3A_1141 = arith.constant 9 : i32
          %add3A_1142 = arith.addi %add3A_1140, %add3A_1141 : i32
          %broadcast_in_dim3A_1143 = arith.constant 0 : i32
          %broadcast_in_dim3A_1144 = vector.broadcast %broadcast_in_dim3A_1143 : i32 to vector<16xi32>
          %mul3A_1145 = arith.constant 16 : i32
          %mul3A_1146 = arith.muli %scan3A_840, %mul3A_1145 : i32
          %add3A_1147 = arith.constant 9 : i32
          %add3A_1148 = arith.addi %mul3A_1146, %add3A_1147 : i32
          %add3A_1149 = vector.broadcast %add3A_1148 : i32 to vector<16xi32>
          %add3A_1150 = arith.addi %broadcast_in_dim3A_1144, %add3A_1149 : vector<16xi32>
          %get3A_1151 = arith.constant 0 : i32
          %get3A_1152 = arith.index_cast %get3A_1151 : i32 to index
          %get3A_1153 = arith.index_cast %add3A_1142 : i32 to index
          %get3A_1154 = arith.constant 0 : index
          %get3A_1155 = tpu.vector_load %arg7[%get3A_1152, %get3A_1153, %get3A_1154] {strides = array<i32>} : memref<2x512x32xf32, #tpu.memory_space<vmem>>, vector<16xf32>,
          %get3A_1156 = arith.constant 0 : i32
          %get3A_1157 = arith.index_cast %get3A_1156 : i32 to index
          %get3A_1158 = arith.index_cast %add3A_1142 : i32 to index
          %get3A_1159 = arith.constant 16 : index
          %get3A_1160 = tpu.vector_load %arg7[%get3A_1157, %get3A_1158, %get3A_1159] {strides = array<i32>} : memref<2x512x32xf32, #tpu.memory_space<vmem>>, vector<16xf32>,
          %scatter3A_1161 = arith.constant 0 : i32
          %scatter3A_1162 = arith.constant 0 : i32
          %scatter3A_1163 = tpu.memref_slice %arg8[%scan3A_599, %scatter3A_1161, %scatter3A_1162] : memref<2x128x133xf32, #tpu.memory_space<vmem>> -> memref<1x128x133xf32, #tpu.memory_space<vmem>>
          %scatter3A_1164 = tpu.memref_squeeze %scatter3A_1163 : memref<1x128x133xf32, #tpu.memory_space<vmem>> -> memref<128x133xf32, #tpu.memory_space<vmem>>
          tpu.vector_store_idx %scatter3A_1164[%add3A_830, %add3A_1150], %get3A_1155 : memref<128x133xf32, #tpu.memory_space<vmem>>[vector<16xi32>, vector<16xi32>], vector<16xf32>,
          %scatter3A_1165 = arith.constant 0 : i32
          %scatter3A_1166 = arith.constant 0 : i32
          %scatter3A_1167 = tpu.memref_slice %arg8[%scan3A_599, %scatter3A_1165, %scatter3A_1166] : memref<2x128x133xf32, #tpu.memory_space<vmem>> -> memref<1x128x133xf32, #tpu.memory_space<vmem>>
          %scatter3A_1168 = tpu.memref_squeeze %scatter3A_1167 : memref<1x128x133xf32, #tpu.memory_space<vmem>> -> memref<128x133xf32, #tpu.memory_space<vmem>>
          tpu.vector_store_idx %scatter3A_1168[%add3A_834, %add3A_1150], %get3A_1160 : memref<128x133xf32, #tpu.memory_space<vmem>>[vector<16xi32>, vector<16xi32>], vector<16xf32>,
          %mul3A_1169 = arith.constant 128 : i32
          %mul3A_1170 = arith.muli %scan3A_826, %mul3A_1169 : i32
          %mul3A_1171 = arith.constant 16 : i32
          %mul3A_1172 = arith.muli %scan3A_840, %mul3A_1171 : i32
          %add3A_1173 = arith.addi %mul3A_1170, %mul3A_1172 : i32
          %add3A_1174 = arith.constant 10 : i32
          %add3A_1175 = arith.addi %add3A_1173, %add3A_1174 : i32
          %broadcast_in_dim3A_1176 = arith.constant 0 : i32
          %broadcast_in_dim3A_1177 = vector.broadcast %broadcast_in_dim3A_1176 : i32 to vector<16xi32>
          %mul3A_1178 = arith.constant 16 : i32
          %mul3A_1179 = arith.muli %scan3A_840, %mul3A_1178 : i32
          %add3A_1180 = arith.constant 10 : i32
          %add3A_1181 = arith.addi %mul3A_1179, %add3A_1180 : i32
          %add3A_1182 = vector.broadcast %add3A_1181 : i32 to vector<16xi32>
          %add3A_1183 = arith.addi %broadcast_in_dim3A_1177, %add3A_1182 : vector<16xi32>
          %get3A_1184 = arith.constant 0 : i32
          %get3A_1185 = arith.index_cast %get3A_1184 : i32 to index
          %get3A_1186 = arith.index_cast %add3A_1175 : i32 to index
          %get3A_1187 = arith.constant 0 : index
          %get3A_1188 = tpu.vector_load %arg7[%get3A_1185, %get3A_1186, %get3A_1187] {strides = array<i32>} : memref<2x512x32xf32, #tpu.memory_space<vmem>>, vector<16xf32>,
          %get3A_1189 = arith.constant 0 : i32
          %get3A_1190 = arith.index_cast %get3A_1189 : i32 to index
          %get3A_1191 = arith.index_cast %add3A_1175 : i32 to index
          %get3A_1192 = arith.constant 16 : index
          %get3A_1193 = tpu.vector_load %arg7[%get3A_1190, %get3A_1191, %get3A_1192] {strides = array<i32>} : memref<2x512x32xf32, #tpu.memory_space<vmem>>, vector<16xf32>,
          %scatter3A_1194 = arith.constant 0 : i32
          %scatter3A_1195 = arith.constant 0 : i32
          %scatter3A_1196 = tpu.memref_slice %arg8[%scan3A_599, %scatter3A_1194, %scatter3A_1195] : memref<2x128x133xf32, #tpu.memory_space<vmem>> -> memref<1x128x133xf32, #tpu.memory_space<vmem>>
          %scatter3A_1197 = tpu.memref_squeeze %scatter3A_1196 : memref<1x128x133xf32, #tpu.memory_space<vmem>> -> memref<128x133xf32, #tpu.memory_space<vmem>>
          tpu.vector_store_idx %scatter3A_1197[%add3A_830, %add3A_1183], %get3A_1188 : memref<128x133xf32, #tpu.memory_space<vmem>>[vector<16xi32>, vector<16xi32>], vector<16xf32>,
          %scatter3A_1198 = arith.constant 0 : i32
          %scatter3A_1199 = arith.constant 0 : i32
          %scatter3A_1200 = tpu.memref_slice %arg8[%scan3A_599, %scatter3A_1198, %scatter3A_1199] : memref<2x128x133xf32, #tpu.memory_space<vmem>> -> memref<1x128x133xf32, #tpu.memory_space<vmem>>
          %scatter3A_1201 = tpu.memref_squeeze %scatter3A_1200 : memref<1x128x133xf32, #tpu.memory_space<vmem>> -> memref<128x133xf32, #tpu.memory_space<vmem>>
          tpu.vector_store_idx %scatter3A_1201[%add3A_834, %add3A_1183], %get3A_1193 : memref<128x133xf32, #tpu.memory_space<vmem>>[vector<16xi32>, vector<16xi32>], vector<16xf32>,
          %mul3A_1202 = arith.constant 128 : i32
          %mul3A_1203 = arith.muli %scan3A_826, %mul3A_1202 : i32
          %mul3A_1204 = arith.constant 16 : i32
          %mul3A_1205 = arith.muli %scan3A_840, %mul3A_1204 : i32
          %add3A_1206 = arith.addi %mul3A_1203, %mul3A_1205 : i32
          %add3A_1207 = arith.constant 11 : i32
          %add3A_1208 = arith.addi %add3A_1206, %add3A_1207 : i32
          %broadcast_in_dim3A_1209 = arith.constant 0 : i32
          %broadcast_in_dim3A_1210 = vector.broadcast %broadcast_in_dim3A_1209 : i32 to vector<16xi32>
          %mul3A_1211 = arith.constant 16 : i32
          %mul3A_1212 = arith.muli %scan3A_840, %mul3A_1211 : i32
          %add3A_1213 = arith.constant 11 : i32
          %add3A_1214 = arith.addi %mul3A_1212, %add3A_1213 : i32
          %add3A_1215 = vector.broadcast %add3A_1214 : i32 to vector<16xi32>
          %add3A_1216 = arith.addi %broadcast_in_dim3A_1210, %add3A_1215 : vector<16xi32>
          %get3A_1217 = arith.constant 0 : i32
          %get3A_1218 = arith.index_cast %get3A_1217 : i32 to index
          %get3A_1219 = arith.index_cast %add3A_1208 : i32 to index
          %get3A_1220 = arith.constant 0 : index
          %get3A_1221 = tpu.vector_load %arg7[%get3A_1218, %get3A_1219, %get3A_1220] {strides = array<i32>} : memref<2x512x32xf32, #tpu.memory_space<vmem>>, vector<16xf32>,
          %get3A_1222 = arith.constant 0 : i32
          %get3A_1223 = arith.index_cast %get3A_1222 : i32 to index
          %get3A_1224 = arith.index_cast %add3A_1208 : i32 to index
          %get3A_1225 = arith.constant 16 : index
          %get3A_1226 = tpu.vector_load %arg7[%get3A_1223, %get3A_1224, %get3A_1225] {strides = array<i32>} : memref<2x512x32xf32, #tpu.memory_space<vmem>>, vector<16xf32>,
          %scatter3A_1227 = arith.constant 0 : i32
          %scatter3A_1228 = arith.constant 0 : i32
          %scatter3A_1229 = tpu.memref_slice %arg8[%scan3A_599, %scatter3A_1227, %scatter3A_1228] : memref<2x128x133xf32, #tpu.memory_space<vmem>> -> memref<1x128x133xf32, #tpu.memory_space<vmem>>
          %scatter3A_1230 = tpu.memref_squeeze %scatter3A_1229 : memref<1x128x133xf32, #tpu.memory_space<vmem>> -> memref<128x133xf32, #tpu.memory_space<vmem>>
          tpu.vector_store_idx %scatter3A_1230[%add3A_830, %add3A_1216], %get3A_1221 : memref<128x133xf32, #tpu.memory_space<vmem>>[vector<16xi32>, vector<16xi32>], vector<16xf32>,
          %scatter3A_1231 = arith.constant 0 : i32
          %scatter3A_1232 = arith.constant 0 : i32
          %scatter3A_1233 = tpu.memref_slice %arg8[%scan3A_599, %scatter3A_1231, %scatter3A_1232] : memref<2x128x133xf32, #tpu.memory_space<vmem>> -> memref<1x128x133xf32, #tpu.memory_space<vmem>>
          %scatter3A_1234 = tpu.memref_squeeze %scatter3A_1233 : memref<1x128x133xf32, #tpu.memory_space<vmem>> -> memref<128x133xf32, #tpu.memory_space<vmem>>
          tpu.vector_store_idx %scatter3A_1234[%add3A_834, %add3A_1216], %get3A_1226 : memref<128x133xf32, #tpu.memory_space<vmem>>[vector<16xi32>, vector<16xi32>], vector<16xf32>,
          %mul3A_1235 = arith.constant 128 : i32
          %mul3A_1236 = arith.muli %scan3A_826, %mul3A_1235 : i32
          %mul3A_1237 = arith.constant 16 : i32
          %mul3A_1238 = arith.muli %scan3A_840, %mul3A_1237 : i32
          %add3A_1239 = arith.addi %mul3A_1236, %mul3A_1238 : i32
          %add3A_1240 = arith.constant 12 : i32
          %add3A_1241 = arith.addi %add3A_1239, %add3A_1240 : i32
          %broadcast_in_dim3A_1242 = arith.constant 0 : i32
          %broadcast_in_dim3A_1243 = vector.broadcast %broadcast_in_dim3A_1242 : i32 to vector<16xi32>
          %mul3A_1244 = arith.constant 16 : i32
          %mul3A_1245 = arith.muli %scan3A_840, %mul3A_1244 : i32
          %add3A_1246 = arith.constant 12 : i32
          %add3A_1247 = arith.addi %mul3A_1245, %add3A_1246 : i32
          %add3A_1248 = vector.broadcast %add3A_1247 : i32 to vector<16xi32>
          %add3A_1249 = arith.addi %broadcast_in_dim3A_1243, %add3A_1248 : vector<16xi32>
          %get3A_1250 = arith.constant 0 : i32
          %get3A_1251 = arith.index_cast %get3A_1250 : i32 to index
          %get3A_1252 = arith.index_cast %add3A_1241 : i32 to index
          %get3A_1253 = arith.constant 0 : index
          %get3A_1254 = tpu.vector_load %arg7[%get3A_1251, %get3A_1252, %get3A_1253] {strides = array<i32>} : memref<2x512x32xf32, #tpu.memory_space<vmem>>, vector<16xf32>,
          %get3A_1255 = arith.constant 0 : i32
          %get3A_1256 = arith.index_cast %get3A_1255 : i32 to index
          %get3A_1257 = arith.index_cast %add3A_1241 : i32 to index
          %get3A_1258 = arith.constant 16 : index
          %get3A_1259 = tpu.vector_load %arg7[%get3A_1256, %get3A_1257, %get3A_1258] {strides = array<i32>} : memref<2x512x32xf32, #tpu.memory_space<vmem>>, vector<16xf32>,
          %scatter3A_1260 = arith.constant 0 : i32
          %scatter3A_1261 = arith.constant 0 : i32
          %scatter3A_1262 = tpu.memref_slice %arg8[%scan3A_599, %scatter3A_1260, %scatter3A_1261] : memref<2x128x133xf32, #tpu.memory_space<vmem>> -> memref<1x128x133xf32, #tpu.memory_space<vmem>>
          %scatter3A_1263 = tpu.memref_squeeze %scatter3A_1262 : memref<1x128x133xf32, #tpu.memory_space<vmem>> -> memref<128x133xf32, #tpu.memory_space<vmem>>
          tpu.vector_store_idx %scatter3A_1263[%add3A_830, %add3A_1249], %get3A_1254 : memref<128x133xf32, #tpu.memory_space<vmem>>[vector<16xi32>, vector<16xi32>], vector<16xf32>,
          %scatter3A_1264 = arith.constant 0 : i32
          %scatter3A_1265 = arith.constant 0 : i32
          %scatter3A_1266 = tpu.memref_slice %arg8[%scan3A_599, %scatter3A_1264, %scatter3A_1265] : memref<2x128x133xf32, #tpu.memory_space<vmem>> -> memref<1x128x133xf32, #tpu.memory_space<vmem>>
          %scatter3A_1267 = tpu.memref_squeeze %scatter3A_1266 : memref<1x128x133xf32, #tpu.memory_space<vmem>> -> memref<128x133xf32, #tpu.memory_space<vmem>>
          tpu.vector_store_idx %scatter3A_1267[%add3A_834, %add3A_1249], %get3A_1259 : memref<128x133xf32, #tpu.memory_space<vmem>>[vector<16xi32>, vector<16xi32>], vector<16xf32>,
          %mul3A_1268 = arith.constant 128 : i32
          %mul3A_1269 = arith.muli %scan3A_826, %mul3A_1268 : i32
          %mul3A_1270 = arith.constant 16 : i32
          %mul3A_1271 = arith.muli %scan3A_840, %mul3A_1270 : i32
          %add3A_1272 = arith.addi %mul3A_1269, %mul3A_1271 : i32
          %add3A_1273 = arith.constant 13 : i32
          %add3A_1274 = arith.addi %add3A_1272, %add3A_1273 : i32
          %broadcast_in_dim3A_1275 = arith.constant 0 : i32
          %broadcast_in_dim3A_1276 = vector.broadcast %broadcast_in_dim3A_1275 : i32 to vector<16xi32>
          %mul3A_1277 = arith.constant 16 : i32
          %mul3A_1278 = arith.muli %scan3A_840, %mul3A_1277 : i32
          %add3A_1279 = arith.constant 13 : i32
          %add3A_1280 = arith.addi %mul3A_1278, %add3A_1279 : i32
          %add3A_1281 = vector.broadcast %add3A_1280 : i32 to vector<16xi32>
          %add3A_1282 = arith.addi %broadcast_in_dim3A_1276, %add3A_1281 : vector<16xi32>
          %get3A_1283 = arith.constant 0 : i32
          %get3A_1284 = arith.index_cast %get3A_1283 : i32 to index
          %get3A_1285 = arith.index_cast %add3A_1274 : i32 to index
          %get3A_1286 = arith.constant 0 : index
          %get3A_1287 = tpu.vector_load %arg7[%get3A_1284, %get3A_1285, %get3A_1286] {strides = array<i32>} : memref<2x512x32xf32, #tpu.memory_space<vmem>>, vector<16xf32>,
          %get3A_1288 = arith.constant 0 : i32
          %get3A_1289 = arith.index_cast %get3A_1288 : i32 to index
          %get3A_1290 = arith.index_cast %add3A_1274 : i32 to index
          %get3A_1291 = arith.constant 16 : index
          %get3A_1292 = tpu.vector_load %arg7[%get3A_1289, %get3A_1290, %get3A_1291] {strides = array<i32>} : memref<2x512x32xf32, #tpu.memory_space<vmem>>, vector<16xf32>,
          %scatter3A_1293 = arith.constant 0 : i32
          %scatter3A_1294 = arith.constant 0 : i32
          %scatter3A_1295 = tpu.memref_slice %arg8[%scan3A_599, %scatter3A_1293, %scatter3A_1294] : memref<2x128x133xf32, #tpu.memory_space<vmem>> -> memref<1x128x133xf32, #tpu.memory_space<vmem>>
          %scatter3A_1296 = tpu.memref_squeeze %scatter3A_1295 : memref<1x128x133xf32, #tpu.memory_space<vmem>> -> memref<128x133xf32, #tpu.memory_space<vmem>>
          tpu.vector_store_idx %scatter3A_1296[%add3A_830, %add3A_1282], %get3A_1287 : memref<128x133xf32, #tpu.memory_space<vmem>>[vector<16xi32>, vector<16xi32>], vector<16xf32>,
          %scatter3A_1297 = arith.constant 0 : i32
          %scatter3A_1298 = arith.constant 0 : i32
          %scatter3A_1299 = tpu.memref_slice %arg8[%scan3A_599, %scatter3A_1297, %scatter3A_1298] : memref<2x128x133xf32, #tpu.memory_space<vmem>> -> memref<1x128x133xf32, #tpu.memory_space<vmem>>
          %scatter3A_1300 = tpu.memref_squeeze %scatter3A_1299 : memref<1x128x133xf32, #tpu.memory_space<vmem>> -> memref<128x133xf32, #tpu.memory_space<vmem>>
          tpu.vector_store_idx %scatter3A_1300[%add3A_834, %add3A_1282], %get3A_1292 : memref<128x133xf32, #tpu.memory_space<vmem>>[vector<16xi32>, vector<16xi32>], vector<16xf32>,
          %mul3A_1301 = arith.constant 128 : i32
          %mul3A_1302 = arith.muli %scan3A_826, %mul3A_1301 : i32
          %mul3A_1303 = arith.constant 16 : i32
          %mul3A_1304 = arith.muli %scan3A_840, %mul3A_1303 : i32
          %add3A_1305 = arith.addi %mul3A_1302, %mul3A_1304 : i32
          %add3A_1306 = arith.constant 14 : i32
          %add3A_1307 = arith.addi %add3A_1305, %add3A_1306 : i32
          %broadcast_in_dim3A_1308 = arith.constant 0 : i32
          %broadcast_in_dim3A_1309 = vector.broadcast %broadcast_in_dim3A_1308 : i32 to vector<16xi32>
          %mul3A_1310 = arith.constant 16 : i32
          %mul3A_1311 = arith.muli %scan3A_840, %mul3A_1310 : i32
          %add3A_1312 = arith.constant 14 : i32
          %add3A_1313 = arith.addi %mul3A_1311, %add3A_1312 : i32
          %add3A_1314 = vector.broadcast %add3A_1313 : i32 to vector<16xi32>
          %add3A_1315 = arith.addi %broadcast_in_dim3A_1309, %add3A_1314 : vector<16xi32>
          %get3A_1316 = arith.constant 0 : i32
          %get3A_1317 = arith.index_cast %get3A_1316 : i32 to index
          %get3A_1318 = arith.index_cast %add3A_1307 : i32 to index
          %get3A_1319 = arith.constant 0 : index
          %get3A_1320 = tpu.vector_load %arg7[%get3A_1317, %get3A_1318, %get3A_1319] {strides = array<i32>} : memref<2x512x32xf32, #tpu.memory_space<vmem>>, vector<16xf32>,
          %get3A_1321 = arith.constant 0 : i32
          %get3A_1322 = arith.index_cast %get3A_1321 : i32 to index
          %get3A_1323 = arith.index_cast %add3A_1307 : i32 to index
          %get3A_1324 = arith.constant 16 : index
          %get3A_1325 = tpu.vector_load %arg7[%get3A_1322, %get3A_1323, %get3A_1324] {strides = array<i32>} : memref<2x512x32xf32, #tpu.memory_space<vmem>>, vector<16xf32>,
          %scatter3A_1326 = arith.constant 0 : i32
          %scatter3A_1327 = arith.constant 0 : i32
          %scatter3A_1328 = tpu.memref_slice %arg8[%scan3A_599, %scatter3A_1326, %scatter3A_1327] : memref<2x128x133xf32, #tpu.memory_space<vmem>> -> memref<1x128x133xf32, #tpu.memory_space<vmem>>
          %scatter3A_1329 = tpu.memref_squeeze %scatter3A_1328 : memref<1x128x133xf32, #tpu.memory_space<vmem>> -> memref<128x133xf32, #tpu.memory_space<vmem>>
          tpu.vector_store_idx %scatter3A_1329[%add3A_830, %add3A_1315], %get3A_1320 : memref<128x133xf32, #tpu.memory_space<vmem>>[vector<16xi32>, vector<16xi32>], vector<16xf32>,
          %scatter3A_1330 = arith.constant 0 : i32
          %scatter3A_1331 = arith.constant 0 : i32
          %scatter3A_1332 = tpu.memref_slice %arg8[%scan3A_599, %scatter3A_1330, %scatter3A_1331] : memref<2x128x133xf32, #tpu.memory_space<vmem>> -> memref<1x128x133xf32, #tpu.memory_space<vmem>>
          %scatter3A_1333 = tpu.memref_squeeze %scatter3A_1332 : memref<1x128x133xf32, #tpu.memory_space<vmem>> -> memref<128x133xf32, #tpu.memory_space<vmem>>
          tpu.vector_store_idx %scatter3A_1333[%add3A_834, %add3A_1315], %get3A_1325 : memref<128x133xf32, #tpu.memory_space<vmem>>[vector<16xi32>, vector<16xi32>], vector<16xf32>,
          %mul3A_1334 = arith.constant 128 : i32
          %mul3A_1335 = arith.muli %scan3A_826, %mul3A_1334 : i32
          %mul3A_1336 = arith.constant 16 : i32
          %mul3A_1337 = arith.muli %scan3A_840, %mul3A_1336 : i32
          %add3A_1338 = arith.addi %mul3A_1335, %mul3A_1337 : i32
          %add3A_1339 = arith.constant 15 : i32
          %add3A_1340 = arith.addi %add3A_1338, %add3A_1339 : i32
          %broadcast_in_dim3A_1341 = arith.constant 0 : i32
          %broadcast_in_dim3A_1342 = vector.broadcast %broadcast_in_dim3A_1341 : i32 to vector<16xi32>
          %mul3A_1343 = arith.constant 16 : i32
          %mul3A_1344 = arith.muli %scan3A_840, %mul3A_1343 : i32
          %add3A_1345 = arith.constant 15 : i32
          %add3A_1346 = arith.addi %mul3A_1344, %add3A_1345 : i32
          %add3A_1347 = vector.broadcast %add3A_1346 : i32 to vector<16xi32>
          %add3A_1348 = arith.addi %broadcast_in_dim3A_1342, %add3A_1347 : vector<16xi32>
          %get3A_1349 = arith.constant 0 : i32
          %get3A_1350 = arith.index_cast %get3A_1349 : i32 to index
          %get3A_1351 = arith.index_cast %add3A_1340 : i32 to index
          %get3A_1352 = arith.constant 0 : index
          %get3A_1353 = tpu.vector_load %arg7[%get3A_1350, %get3A_1351, %get3A_1352] {strides = array<i32>} : memref<2x512x32xf32, #tpu.memory_space<vmem>>, vector<16xf32>,
          %get3A_1354 = arith.constant 0 : i32
          %get3A_1355 = arith.index_cast %get3A_1354 : i32 to index
          %get3A_1356 = arith.index_cast %add3A_1340 : i32 to index
          %get3A_1357 = arith.constant 16 : index
          %get3A_1358 = tpu.vector_load %arg7[%get3A_1355, %get3A_1356, %get3A_1357] {strides = array<i32>} : memref<2x512x32xf32, #tpu.memory_space<vmem>>, vector<16xf32>,
          %scatter3A_1359 = arith.constant 0 : i32
          %scatter3A_1360 = arith.constant 0 : i32
          %scatter3A_1361 = tpu.memref_slice %arg8[%scan3A_599, %scatter3A_1359, %scatter3A_1360] : memref<2x128x133xf32, #tpu.memory_space<vmem>> -> memref<1x128x133xf32, #tpu.memory_space<vmem>>
          %scatter3A_1362 = tpu.memref_squeeze %scatter3A_1361 : memref<1x128x133xf32, #tpu.memory_space<vmem>> -> memref<128x133xf32, #tpu.memory_space<vmem>>
          tpu.vector_store_idx %scatter3A_1362[%add3A_830, %add3A_1348], %get3A_1353 : memref<128x133xf32, #tpu.memory_space<vmem>>[vector<16xi32>, vector<16xi32>], vector<16xf32>,
          %scatter3A_1363 = arith.constant 0 : i32
          %scatter3A_1364 = arith.constant 0 : i32
          %scatter3A_1365 = tpu.memref_slice %arg8[%scan3A_599, %scatter3A_1363, %scatter3A_1364] : memref<2x128x133xf32, #tpu.memory_space<vmem>> -> memref<1x128x133xf32, #tpu.memory_space<vmem>>
          %scatter3A_1366 = tpu.memref_squeeze %scatter3A_1365 : memref<1x128x133xf32, #tpu.memory_space<vmem>> -> memref<128x133xf32, #tpu.memory_space<vmem>>
          tpu.vector_store_idx %scatter3A_1366[%add3A_834, %add3A_1348], %get3A_1358 : memref<128x133xf32, #tpu.memory_space<vmem>>[vector<16xi32>, vector<16xi32>], vector<16xf32>,
        }
        %scan3A_839 = arith.constant 8 : i32
      }
      %scan3A_604 = arith.constant 4 : i32
      %mul3A_605 = arith.constant 32 : i32
      %mul3A_606 = arith.muli %add3A, %mul3A_605 : i32
      %add3A_607 = arith.constant 0 : i32
      %add3A_608 = arith.addi %add3A_607, %mul3A_606 : i32
      %dma_start3A_609 = arith.constant 0 : i32
      %dma_start3A_610 = arith.constant 0 : i32
      %dma_start3A_611 = arith.constant 0 : i32
      %dma_start3A_612 = arith.constant 0 : i32
      %dma_start3A_613 = tpu.memref_slice %arg8[%dma_start3A_609, %dma_start3A_611, %dma_start3A_612] : memref<2x128x133xf32, #tpu.memory_space<vmem>> -> memref<1x32x128xf32, #tpu.memory_space<vmem>>
      %dma_start3A_614 = tpu.memref_squeeze %dma_start3A_613 : memref<1x32x128xf32, #tpu.memory_space<vmem>> -> memref<32x128xf32, #tpu.memory_space<vmem>>
      %dma_start3A_615 = arith.constant 0 : i32
      %dma_start3A_616 = tpu.memref_slice %arg4[%add3A_566, %add3A_608, %dma_start3A_615] : memref<50x4096x128xf32, #tpu.memory_space<hbm>> -> memref<1x32x128xf32, #tpu.memory_space<hbm>>
      %dma_start3A_617 = tpu.memref_squeeze %dma_start3A_616 : memref<1x32x128xf32, #tpu.memory_space<hbm>> -> memref<32x128xf32, #tpu.memory_space<hbm>>
      %dma_start3A_618 = tpu.memref_slice %arg11[%dma_start3A_610] : memref<2x!tpu.dma_semaphore, #tpu.memory_space<semaphore_mem>> -> memref<1x!tpu.dma_semaphore, #tpu.memory_space<semaphore_mem>>
      %dma_start3A_619 = tpu.memref_squeeze %dma_start3A_618 : memref<1x!tpu.dma_semaphore, #tpu.memory_space<semaphore_mem>> -> memref<!tpu.dma_semaphore, #tpu.memory_space<semaphore_mem>>
      %dma_start3A_620 = arith.constant 0 : i32
      %dma_start3A_621 = tpu.memref_slice %arg4[%add3A_566, %add3A_608, %dma_start3A_620] : memref<50x4096x128xf32, #tpu.memory_space<hbm>> -> memref<1x32x128xf32, #tpu.memory_space<hbm>>
      %dma_start3A_622 = tpu.memref_squeeze %dma_start3A_621 : memref<1x32x128xf32, #tpu.memory_space<hbm>> -> memref<32x128xf32, #tpu.memory_space<hbm>>
      %dma_start3A_623 = arith.constant 0 : i32
      %dma_start3A_624 = arith.constant 0 : i32
      %dma_start3A_625 = tpu.memref_slice %arg8[%dma_start3A_609, %dma_start3A_623, %dma_start3A_624] : memref<2x128x133xf32, #tpu.memory_space<vmem>> -> memref<1x32x128xf32, #tpu.memory_space<vmem>>
      %dma_start3A_626 = tpu.memref_squeeze %dma_start3A_625 : memref<1x32x128xf32, #tpu.memory_space<vmem>> -> memref<32x128xf32, #tpu.memory_space<vmem>>
      tpu.enqueue_dma source(%dma_start3A_626 : memref<32x128xf32, #tpu.memory_space<vmem>>) target(%dma_start3A_622 : memref<32x128xf32, #tpu.memory_space<hbm>>) target_semaphore(%dma_start3A_619 : memref<!tpu.dma_semaphore, #tpu.memory_space<semaphore_mem>>)
      %mul3A_627 = arith.constant 32 : i32
      %mul3A_628 = arith.muli %add3A, %mul3A_627 : i32
      %add3A_629 = arith.constant 1024 : i32
      %add3A_630 = arith.addi %add3A_629, %mul3A_628 : i32
      %dma_start3A_631 = arith.constant 0 : i32
      %dma_start3A_632 = arith.constant 0 : i32
      %dma_start3A_633 = arith.constant 32 : i32
      %dma_start3A_634 = arith.constant 0 : i32
      %dma_start3A_635 = tpu.memref_slice %arg8[%dma_start3A_631, %dma_start3A_633, %dma_start3A_634] : memref<2x128x133xf32, #tpu.memory_space<vmem>> -> memref<1x32x128xf32, #tpu.memory_space<vmem>>
      %dma_start3A_636 = tpu.memref_squeeze %dma_start3A_635 : memref<1x32x128xf32, #tpu.memory_space<vmem>> -> memref<32x128xf32, #tpu.memory_space<vmem>>
      %dma_start3A_637 = arith.constant 0 : i32
      %dma_start3A_638 = tpu.memref_slice %arg4[%add3A_566, %add3A_630, %dma_start3A_637] : memref<50x4096x128xf32, #tpu.memory_space<hbm>> -> memref<1x32x128xf32, #tpu.memory_space<hbm>>
      %dma_start3A_639 = tpu.memref_squeeze %dma_start3A_638 : memref<1x32x128xf32, #tpu.memory_space<hbm>> -> memref<32x128xf32, #tpu.memory_space<hbm>>
      %dma_start3A_640 = tpu.memref_slice %arg11[%dma_start3A_632] : memref<2x!tpu.dma_semaphore, #tpu.memory_space<semaphore_mem>> -> memref<1x!tpu.dma_semaphore, #tpu.memory_space<semaphore_mem>>
      %dma_start3A_641 = tpu.memref_squeeze %dma_start3A_640 : memref<1x!tpu.dma_semaphore, #tpu.memory_space<semaphore_mem>> -> memref<!tpu.dma_semaphore, #tpu.memory_space<semaphore_mem>>
      %dma_start3A_642 = arith.constant 0 : i32
      %dma_start3A_643 = tpu.memref_slice %arg4[%add3A_566, %add3A_630, %dma_start3A_642] : memref<50x4096x128xf32, #tpu.memory_space<hbm>> -> memref<1x32x128xf32, #tpu.memory_space<hbm>>
      %dma_start3A_644 = tpu.memref_squeeze %dma_start3A_643 : memref<1x32x128xf32, #tpu.memory_space<hbm>> -> memref<32x128xf32, #tpu.memory_space<hbm>>
      %dma_start3A_645 = arith.constant 32 : i32
      %dma_start3A_646 = arith.constant 0 : i32
      %dma_start3A_647 = tpu.memref_slice %arg8[%dma_start3A_631, %dma_start3A_645, %dma_start3A_646] : memref<2x128x133xf32, #tpu.memory_space<vmem>> -> memref<1x32x128xf32, #tpu.memory_space<vmem>>
      %dma_start3A_648 = tpu.memref_squeeze %dma_start3A_647 : memref<1x32x128xf32, #tpu.memory_space<vmem>> -> memref<32x128xf32, #tpu.memory_space<vmem>>
      tpu.enqueue_dma source(%dma_start3A_648 : memref<32x128xf32, #tpu.memory_space<vmem>>) target(%dma_start3A_644 : memref<32x128xf32, #tpu.memory_space<hbm>>) target_semaphore(%dma_start3A_641 : memref<!tpu.dma_semaphore, #tpu.memory_space<semaphore_mem>>)
      %mul3A_649 = arith.constant 32 : i32
      %mul3A_650 = arith.muli %add3A, %mul3A_649 : i32
      %add3A_651 = arith.constant 2048 : i32
      %add3A_652 = arith.addi %add3A_651, %mul3A_650 : i32
      %dma_start3A_653 = arith.constant 0 : i32
      %dma_start3A_654 = arith.constant 0 : i32
      %dma_start3A_655 = arith.constant 64 : i32
      %dma_start3A_656 = arith.constant 0 : i32
      %dma_start3A_657 = tpu.memref_slice %arg8[%dma_start3A_653, %dma_start3A_655, %dma_start3A_656] : memref<2x128x133xf32, #tpu.memory_space<vmem>> -> memref<1x32x128xf32, #tpu.memory_space<vmem>>
      %dma_start3A_658 = tpu.memref_squeeze %dma_start3A_657 : memref<1x32x128xf32, #tpu.memory_space<vmem>> -> memref<32x128xf32, #tpu.memory_space<vmem>>
      %dma_start3A_659 = arith.constant 0 : i32
      %dma_start3A_660 = tpu.memref_slice %arg4[%add3A_566, %add3A_652, %dma_start3A_659] : memref<50x4096x128xf32, #tpu.memory_space<hbm>> -> memref<1x32x128xf32, #tpu.memory_space<hbm>>
      %dma_start3A_661 = tpu.memref_squeeze %dma_start3A_660 : memref<1x32x128xf32, #tpu.memory_space<hbm>> -> memref<32x128xf32, #tpu.memory_space<hbm>>
      %dma_start3A_662 = tpu.memref_slice %arg11[%dma_start3A_654] : memref<2x!tpu.dma_semaphore, #tpu.memory_space<semaphore_mem>> -> memref<1x!tpu.dma_semaphore, #tpu.memory_space<semaphore_mem>>
      %dma_start3A_663 = tpu.memref_squeeze %dma_start3A_662 : memref<1x!tpu.dma_semaphore, #tpu.memory_space<semaphore_mem>> -> memref<!tpu.dma_semaphore, #tpu.memory_space<semaphore_mem>>
      %dma_start3A_664 = arith.constant 0 : i32
      %dma_start3A_665 = tpu.memref_slice %arg4[%add3A_566, %add3A_652, %dma_start3A_664] : memref<50x4096x128xf32, #tpu.memory_space<hbm>> -> memref<1x32x128xf32, #tpu.memory_space<hbm>>
      %dma_start3A_666 = tpu.memref_squeeze %dma_start3A_665 : memref<1x32x128xf32, #tpu.memory_space<hbm>> -> memref<32x128xf32, #tpu.memory_space<hbm>>
      %dma_start3A_667 = arith.constant 64 : i32
      %dma_start3A_668 = arith.constant 0 : i32
      %dma_start3A_669 = tpu.memref_slice %arg8[%dma_start3A_653, %dma_start3A_667, %dma_start3A_668] : memref<2x128x133xf32, #tpu.memory_space<vmem>> -> memref<1x32x128xf32, #tpu.memory_space<vmem>>
      %dma_start3A_670 = tpu.memref_squeeze %dma_start3A_669 : memref<1x32x128xf32, #tpu.memory_space<vmem>> -> memref<32x128xf32, #tpu.memory_space<vmem>>
      tpu.enqueue_dma source(%dma_start3A_670 : memref<32x128xf32, #tpu.memory_space<vmem>>) target(%dma_start3A_666 : memref<32x128xf32, #tpu.memory_space<hbm>>) target_semaphore(%dma_start3A_663 : memref<!tpu.dma_semaphore, #tpu.memory_space<semaphore_mem>>)
      %mul3A_671 = arith.constant 32 : i32
      %mul3A_672 = arith.muli %add3A, %mul3A_671 : i32
      %add3A_673 = arith.constant 3072 : i32
      %add3A_674 = arith.addi %add3A_673, %mul3A_672 : i32
      %dma_start3A_675 = arith.constant 0 : i32
      %dma_start3A_676 = arith.constant 0 : i32
      %dma_start3A_677 = arith.constant 96 : i32
      %dma_start3A_678 = arith.constant 0 : i32
      %dma_start3A_679 = tpu.memref_slice %arg8[%dma_start3A_675, %dma_start3A_677, %dma_start3A_678] : memref<2x128x133xf32, #tpu.memory_space<vmem>> -> memref<1x32x128xf32, #tpu.memory_space<vmem>>
      %dma_start3A_680 = tpu.memref_squeeze %dma_start3A_679 : memref<1x32x128xf32, #tpu.memory_space<vmem>> -> memref<32x128xf32, #tpu.memory_space<vmem>>
      %dma_start3A_681 = arith.constant 0 : i32
      %dma_start3A_682 = tpu.memref_slice %arg4[%add3A_566, %add3A_674, %dma_start3A_681] : memref<50x4096x128xf32, #tpu.memory_space<hbm>> -> memref<1x32x128xf32, #tpu.memory_space<hbm>>
      %dma_start3A_683 = tpu.memref_squeeze %dma_start3A_682 : memref<1x32x128xf32, #tpu.memory_space<hbm>> -> memref<32x128xf32, #tpu.memory_space<hbm>>
      %dma_start3A_684 = tpu.memref_slice %arg11[%dma_start3A_676] : memref<2x!tpu.dma_semaphore, #tpu.memory_space<semaphore_mem>> -> memref<1x!tpu.dma_semaphore, #tpu.memory_space<semaphore_mem>>
      %dma_start3A_685 = tpu.memref_squeeze %dma_start3A_684 : memref<1x!tpu.dma_semaphore, #tpu.memory_space<semaphore_mem>> -> memref<!tpu.dma_semaphore, #tpu.memory_space<semaphore_mem>>
      %dma_start3A_686 = arith.constant 0 : i32
      %dma_start3A_687 = tpu.memref_slice %arg4[%add3A_566, %add3A_674, %dma_start3A_686] : memref<50x4096x128xf32, #tpu.memory_space<hbm>> -> memref<1x32x128xf32, #tpu.memory_space<hbm>>
      %dma_start3A_688 = tpu.memref_squeeze %dma_start3A_687 : memref<1x32x128xf32, #tpu.memory_space<hbm>> -> memref<32x128xf32, #tpu.memory_space<hbm>>
      %dma_start3A_689 = arith.constant 96 : i32
      %dma_start3A_690 = arith.constant 0 : i32
      %dma_start3A_691 = tpu.memref_slice %arg8[%dma_start3A_675, %dma_start3A_689, %dma_start3A_690] : memref<2x128x133xf32, #tpu.memory_space<vmem>> -> memref<1x32x128xf32, #tpu.memory_space<vmem>>
      %dma_start3A_692 = tpu.memref_squeeze %dma_start3A_691 : memref<1x32x128xf32, #tpu.memory_space<vmem>> -> memref<32x128xf32, #tpu.memory_space<vmem>>
      tpu.enqueue_dma source(%dma_start3A_692 : memref<32x128xf32, #tpu.memory_space<vmem>>) target(%dma_start3A_688 : memref<32x128xf32, #tpu.memory_space<hbm>>) target_semaphore(%dma_start3A_685 : memref<!tpu.dma_semaphore, #tpu.memory_space<semaphore_mem>>)
      %mul3A_693 = arith.constant 2 : i32
      %mul3A_694 = arith.muli %scan3A_562, %mul3A_693 : i32
      %add3A_695 = arith.constant 1 : i32
      %add3A_696 = arith.addi %mul3A_694, %add3A_695 : i32
      %add3A_697 = arith.constant 1 : i32
      %add3A_698 = arith.addi %add3A_696, %add3A_697 : i32
      %lt3A_699 = arith.constant 50 : i32
      %lt3A_700 = arith.cmpi slt, %add3A_698, %lt3A_699 : i32
      %convert_element_type3A_701 = arith.extui %lt3A_700 : i1 to i32
      %cond3A_702 = arith.constant 0 : i32
      %cond3A_703 = arith.cmpi ne, %convert_element_type3A_701, %cond3A_702 : i32
      scf.if %cond3A_703 {
        %add3A_826 = arith.constant 1 : i32
        %add3A_827 = arith.addi %add3A_696, %add3A_826 : i32
        %broadcast_in_dim3A_828 = arith.constant 0 : i32
        %broadcast_in_dim3A_829 = vector.broadcast %broadcast_in_dim3A_828 : i32 to vector<16xi32>
        %add3A_830 = vector.broadcast %add3A_827 : i32 to vector<16xi32>
        %add3A_831 = arith.addi %broadcast_in_dim3A_829, %add3A_830 : vector<16xi32>
        %add3A_832 = arith.constant 0 : i32
        %add3A_833 = vector.broadcast %add3A_832 : i32 to vector<16xi32>
        %add3A_834 = arith.addi %iota3A, %add3A_833 : vector<16xi32>
        %gather3A_835 = tpu.vector_load_idx %arg5[%add3A_834, %add3A_831] : memref<512x50xi32, #tpu.memory_space<vmem>>[vector<16xi32>, vector<16xi32>], vector<16xi32>,
        %swap3A_836 = arith.constant 0 : i32
        %swap3A_837 = arith.index_cast %swap3A_836 : i32 to index
        %swap3A_838 = arith.constant 0 : index
        %swap3A_839 = tpu.vector_load %arg6[%swap3A_837, %swap3A_838] {strides = array<i32>} : memref<2x512xi32, #tpu.memory_space<vmem>>, vector<16xi32>,
        tpu.vector_store %arg6[%swap3A_837, %swap3A_838], %gather3A_835 {strides = array<i32>} : memref<2x512xi32, #tpu.memory_space<vmem>>, vector<16xi32>,
        %add3A_840 = arith.constant 16 : i32
        %add3A_841 = vector.broadcast %add3A_840 : i32 to vector<16xi32>
        %add3A_842 = arith.addi %iota3A, %add3A_841 : vector<16xi32>
        %gather3A_843 = tpu.vector_load_idx %arg5[%add3A_842, %add3A_831] : memref<512x50xi32, #tpu.memory_space<vmem>>[vector<16xi32>, vector<16xi32>], vector<16xi32>,
        %swap3A_844 = arith.constant 0 : i32
        %swap3A_845 = arith.index_cast %swap3A_844 : i32 to index
        %swap3A_846 = arith.constant 16 : index
        %swap3A_847 = tpu.vector_load %arg6[%swap3A_845, %swap3A_846] {strides = array<i32>} : memref<2x512xi32, #tpu.memory_space<vmem>>, vector<16xi32>,
        tpu.vector_store %arg6[%swap3A_845, %swap3A_846], %gather3A_843 {strides = array<i32>} : memref<2x512xi32, #tpu.memory_space<vmem>>, vector<16xi32>,
        %add3A_848 = arith.constant 32 : i32
        %add3A_849 = vector.broadcast %add3A_848 : i32 to vector<16xi32>
        %add3A_850 = arith.addi %iota3A, %add3A_849 : vector<16xi32>
        %gather3A_851 = tpu.vector_load_idx %arg5[%add3A_850, %add3A_831] : memref<512x50xi32, #tpu.memory_space<vmem>>[vector<16xi32>, vector<16xi32>], vector<16xi32>,
        %swap3A_852 = arith.constant 0 : i32
        %swap3A_853 = arith.index_cast %swap3A_852 : i32 to index
        %swap3A_854 = arith.constant 32 : index
        %swap3A_855 = tpu.vector_load %arg6[%swap3A_853, %swap3A_854] {strides = array<i32>} : memref<2x512xi32, #tpu.memory_space<vmem>>, vector<16xi32>,
        tpu.vector_store %arg6[%swap3A_853, %swap3A_854], %gather3A_851 {strides = array<i32>} : memref<2x512xi32, #tpu.memory_space<vmem>>, vector<16xi32>,
        %add3A_856 = arith.constant 48 : i32
        %add3A_857 = vector.broadcast %add3A_856 : i32 to vector<16xi32>
        %add3A_858 = arith.addi %iota3A, %add3A_857 : vector<16xi32>
        %gather3A_859 = tpu.vector_load_idx %arg5[%add3A_858, %add3A_831] : memref<512x50xi32, #tpu.memory_space<vmem>>[vector<16xi32>, vector<16xi32>], vector<16xi32>,
        %swap3A_860 = arith.constant 0 : i32
        %swap3A_861 = arith.index_cast %swap3A_860 : i32 to index
        %swap3A_862 = arith.constant 48 : index
        %swap3A_863 = tpu.vector_load %arg6[%swap3A_861, %swap3A_862] {strides = array<i32>} : memref<2x512xi32, #tpu.memory_space<vmem>>, vector<16xi32>,
        tpu.vector_store %arg6[%swap3A_861, %swap3A_862], %gather3A_859 {strides = array<i32>} : memref<2x512xi32, #tpu.memory_space<vmem>>, vector<16xi32>,
        %add3A_864 = arith.constant 64 : i32
        %add3A_865 = vector.broadcast %add3A_864 : i32 to vector<16xi32>
        %add3A_866 = arith.addi %iota3A, %add3A_865 : vector<16xi32>
        %gather3A_867 = tpu.vector_load_idx %arg5[%add3A_866, %add3A_831] : memref<512x50xi32, #tpu.memory_space<vmem>>[vector<16xi32>, vector<16xi32>], vector<16xi32>,
        %swap3A_868 = arith.constant 0 : i32
        %swap3A_869 = arith.index_cast %swap3A_868 : i32 to index
        %swap3A_870 = arith.constant 64 : index
        %swap3A_871 = tpu.vector_load %arg6[%swap3A_869, %swap3A_870] {strides = array<i32>} : memref<2x512xi32, #tpu.memory_space<vmem>>, vector<16xi32>,
        tpu.vector_store %arg6[%swap3A_869, %swap3A_870], %gather3A_867 {strides = array<i32>} : memref<2x512xi32, #tpu.memory_space<vmem>>, vector<16xi32>,
        %add3A_872 = arith.constant 80 : i32
        %add3A_873 = vector.broadcast %add3A_872 : i32 to vector<16xi32>
        %add3A_874 = arith.addi %iota3A, %add3A_873 : vector<16xi32>
        %gather3A_875 = tpu.vector_load_idx %arg5[%add3A_874, %add3A_831] : memref<512x50xi32, #tpu.memory_space<vmem>>[vector<16xi32>, vector<16xi32>], vector<16xi32>,
        %swap3A_876 = arith.constant 0 : i32
        %swap3A_877 = arith.index_cast %swap3A_876 : i32 to index
        %swap3A_878 = arith.constant 80 : index
        %swap3A_879 = tpu.vector_load %arg6[%swap3A_877, %swap3A_878] {strides = array<i32>} : memref<2x512xi32, #tpu.memory_space<vmem>>, vector<16xi32>,
        tpu.vector_store %arg6[%swap3A_877, %swap3A_878], %gather3A_875 {strides = array<i32>} : memref<2x512xi32, #tpu.memory_space<vmem>>, vector<16xi32>,
        %add3A_880 = arith.constant 96 : i32
        %add3A_881 = vector.broadcast %add3A_880 : i32 to vector<16xi32>
        %add3A_882 = arith.addi %iota3A, %add3A_881 : vector<16xi32>
        %gather3A_883 = tpu.vector_load_idx %arg5[%add3A_882, %add3A_831] : memref<512x50xi32, #tpu.memory_space<vmem>>[vector<16xi32>, vector<16xi32>], vector<16xi32>,
        %swap3A_884 = arith.constant 0 : i32
        %swap3A_885 = arith.index_cast %swap3A_884 : i32 to index
        %swap3A_886 = arith.constant 96 : index
        %swap3A_887 = tpu.vector_load %arg6[%swap3A_885, %swap3A_886] {strides = array<i32>} : memref<2x512xi32, #tpu.memory_space<vmem>>, vector<16xi32>,
        tpu.vector_store %arg6[%swap3A_885, %swap3A_886], %gather3A_883 {strides = array<i32>} : memref<2x512xi32, #tpu.memory_space<vmem>>, vector<16xi32>,
        %add3A_888 = arith.constant 112 : i32
        %add3A_889 = vector.broadcast %add3A_888 : i32 to vector<16xi32>
        %add3A_890 = arith.addi %iota3A, %add3A_889 : vector<16xi32>
        %gather3A_891 = tpu.vector_load_idx %arg5[%add3A_890, %add3A_831] : memref<512x50xi32, #tpu.memory_space<vmem>>[vector<16xi32>, vector<16xi32>], vector<16xi32>,
        %swap3A_892 = arith.constant 0 : i32
        %swap3A_893 = arith.index_cast %swap3A_892 : i32 to index
        %swap3A_894 = arith.constant 112 : index
        %swap3A_895 = tpu.vector_load %arg6[%swap3A_893, %swap3A_894] {strides = array<i32>} : memref<2x512xi32, #tpu.memory_space<vmem>>, vector<16xi32>,
        tpu.vector_store %arg6[%swap3A_893, %swap3A_894], %gather3A_891 {strides = array<i32>} : memref<2x512xi32, #tpu.memory_space<vmem>>, vector<16xi32>,
        %add3A_896 = arith.constant 128 : i32
        %add3A_897 = vector.broadcast %add3A_896 : i32 to vector<16xi32>
        %add3A_898 = arith.addi %iota3A, %add3A_897 : vector<16xi32>
        %gather3A_899 = tpu.vector_load_idx %arg5[%add3A_898, %add3A_831] : memref<512x50xi32, #tpu.memory_space<vmem>>[vector<16xi32>, vector<16xi32>], vector<16xi32>,
        %swap3A_900 = arith.constant 0 : i32
        %swap3A_901 = arith.index_cast %swap3A_900 : i32 to index
        %swap3A_902 = arith.constant 128 : index
        %swap3A_903 = tpu.vector_load %arg6[%swap3A_901, %swap3A_902] {strides = array<i32>} : memref<2x512xi32, #tpu.memory_space<vmem>>, vector<16xi32>,
        tpu.vector_store %arg6[%swap3A_901, %swap3A_902], %gather3A_899 {strides = array<i32>} : memref<2x512xi32, #tpu.memory_space<vmem>>, vector<16xi32>,
        %add3A_904 = arith.constant 144 : i32
        %add3A_905 = vector.broadcast %add3A_904 : i32 to vector<16xi32>
        %add3A_906 = arith.addi %iota3A, %add3A_905 : vector<16xi32>
        %gather3A_907 = tpu.vector_load_idx %arg5[%add3A_906, %add3A_831] : memref<512x50xi32, #tpu.memory_space<vmem>>[vector<16xi32>, vector<16xi32>], vector<16xi32>,
        %swap3A_908 = arith.constant 0 : i32
        %swap3A_909 = arith.index_cast %swap3A_908 : i32 to index
        %swap3A_910 = arith.constant 144 : index
        %swap3A_911 = tpu.vector_load %arg6[%swap3A_909, %swap3A_910] {strides = array<i32>} : memref<2x512xi32, #tpu.memory_space<vmem>>, vector<16xi32>,
        tpu.vector_store %arg6[%swap3A_909, %swap3A_910], %gather3A_907 {strides = array<i32>} : memref<2x512xi32, #tpu.memory_space<vmem>>, vector<16xi32>,
        %add3A_912 = arith.constant 160 : i32
        %add3A_913 = vector.broadcast %add3A_912 : i32 to vector<16xi32>
        %add3A_914 = arith.addi %iota3A, %add3A_913 : vector<16xi32>
        %gather3A_915 = tpu.vector_load_idx %arg5[%add3A_914, %add3A_831] : memref<512x50xi32, #tpu.memory_space<vmem>>[vector<16xi32>, vector<16xi32>], vector<16xi32>,
        %swap3A_916 = arith.constant 0 : i32
        %swap3A_917 = arith.index_cast %swap3A_916 : i32 to index
        %swap3A_918 = arith.constant 160 : index
        %swap3A_919 = tpu.vector_load %arg6[%swap3A_917, %swap3A_918] {strides = array<i32>} : memref<2x512xi32, #tpu.memory_space<vmem>>, vector<16xi32>,
        tpu.vector_store %arg6[%swap3A_917, %swap3A_918], %gather3A_915 {strides = array<i32>} : memref<2x512xi32, #tpu.memory_space<vmem>>, vector<16xi32>,
        %add3A_920 = arith.constant 176 : i32
        %add3A_921 = vector.broadcast %add3A_920 : i32 to vector<16xi32>
        %add3A_922 = arith.addi %iota3A, %add3A_921 : vector<16xi32>
        %gather3A_923 = tpu.vector_load_idx %arg5[%add3A_922, %add3A_831] : memref<512x50xi32, #tpu.memory_space<vmem>>[vector<16xi32>, vector<16xi32>], vector<16xi32>,
        %swap3A_924 = arith.constant 0 : i32
        %swap3A_925 = arith.index_cast %swap3A_924 : i32 to index
        %swap3A_926 = arith.constant 176 : index
        %swap3A_927 = tpu.vector_load %arg6[%swap3A_925, %swap3A_926] {strides = array<i32>} : memref<2x512xi32, #tpu.memory_space<vmem>>, vector<16xi32>,
        tpu.vector_store %arg6[%swap3A_925, %swap3A_926], %gather3A_923 {strides = array<i32>} : memref<2x512xi32, #tpu.memory_space<vmem>>, vector<16xi32>,
        %add3A_928 = arith.constant 192 : i32
        %add3A_929 = vector.broadcast %add3A_928 : i32 to vector<16xi32>
        %add3A_930 = arith.addi %iota3A, %add3A_929 : vector<16xi32>
        %gather3A_931 = tpu.vector_load_idx %arg5[%add3A_930, %add3A_831] : memref<512x50xi32, #tpu.memory_space<vmem>>[vector<16xi32>, vector<16xi32>], vector<16xi32>,
        %swap3A_932 = arith.constant 0 : i32
        %swap3A_933 = arith.index_cast %swap3A_932 : i32 to index
        %swap3A_934 = arith.constant 192 : index
        %swap3A_935 = tpu.vector_load %arg6[%swap3A_933, %swap3A_934] {strides = array<i32>} : memref<2x512xi32, #tpu.memory_space<vmem>>, vector<16xi32>,
        tpu.vector_store %arg6[%swap3A_933, %swap3A_934], %gather3A_931 {strides = array<i32>} : memref<2x512xi32, #tpu.memory_space<vmem>>, vector<16xi32>,
        %add3A_936 = arith.constant 208 : i32
        %add3A_937 = vector.broadcast %add3A_936 : i32 to vector<16xi32>
        %add3A_938 = arith.addi %iota3A, %add3A_937 : vector<16xi32>
        %gather3A_939 = tpu.vector_load_idx %arg5[%add3A_938, %add3A_831] : memref<512x50xi32, #tpu.memory_space<vmem>>[vector<16xi32>, vector<16xi32>], vector<16xi32>,
        %swap3A_940 = arith.constant 0 : i32
        %swap3A_941 = arith.index_cast %swap3A_940 : i32 to index
        %swap3A_942 = arith.constant 208 : index
        %swap3A_943 = tpu.vector_load %arg6[%swap3A_941, %swap3A_942] {strides = array<i32>} : memref<2x512xi32, #tpu.memory_space<vmem>>, vector<16xi32>,
        tpu.vector_store %arg6[%swap3A_941, %swap3A_942], %gather3A_939 {strides = array<i32>} : memref<2x512xi32, #tpu.memory_space<vmem>>, vector<16xi32>,
        %add3A_944 = arith.constant 224 : i32
        %add3A_945 = vector.broadcast %add3A_944 : i32 to vector<16xi32>
        %add3A_946 = arith.addi %iota3A, %add3A_945 : vector<16xi32>
        %gather3A_947 = tpu.vector_load_idx %arg5[%add3A_946, %add3A_831] : memref<512x50xi32, #tpu.memory_space<vmem>>[vector<16xi32>, vector<16xi32>], vector<16xi32>,
        %swap3A_948 = arith.constant 0 : i32
        %swap3A_949 = arith.index_cast %swap3A_948 : i32 to index
        %swap3A_950 = arith.constant 224 : index
        %swap3A_951 = tpu.vector_load %arg6[%swap3A_949, %swap3A_950] {strides = array<i32>} : memref<2x512xi32, #tpu.memory_space<vmem>>, vector<16xi32>,
        tpu.vector_store %arg6[%swap3A_949, %swap3A_950], %gather3A_947 {strides = array<i32>} : memref<2x512xi32, #tpu.memory_space<vmem>>, vector<16xi32>,
        %add3A_952 = arith.constant 240 : i32
        %add3A_953 = vector.broadcast %add3A_952 : i32 to vector<16xi32>
        %add3A_954 = arith.addi %iota3A, %add3A_953 : vector<16xi32>
        %gather3A_955 = tpu.vector_load_idx %arg5[%add3A_954, %add3A_831] : memref<512x50xi32, #tpu.memory_space<vmem>>[vector<16xi32>, vector<16xi32>], vector<16xi32>,
        %swap3A_956 = arith.constant 0 : i32
        %swap3A_957 = arith.index_cast %swap3A_956 : i32 to index
        %swap3A_958 = arith.constant 240 : index
        %swap3A_959 = tpu.vector_load %arg6[%swap3A_957, %swap3A_958] {strides = array<i32>} : memref<2x512xi32, #tpu.memory_space<vmem>>, vector<16xi32>,
        tpu.vector_store %arg6[%swap3A_957, %swap3A_958], %gather3A_955 {strides = array<i32>} : memref<2x512xi32, #tpu.memory_space<vmem>>, vector<16xi32>,
        %add3A_960 = arith.constant 256 : i32
        %add3A_961 = vector.broadcast %add3A_960 : i32 to vector<16xi32>
        %add3A_962 = arith.addi %iota3A, %add3A_961 : vector<16xi32>
        %gather3A_963 = tpu.vector_load_idx %arg5[%add3A_962, %add3A_831] : memref<512x50xi32, #tpu.memory_space<vmem>>[vector<16xi32>, vector<16xi32>], vector<16xi32>,
        %swap3A_964 = arith.constant 0 : i32
        %swap3A_965 = arith.index_cast %swap3A_964 : i32 to index
        %swap3A_966 = arith.constant 256 : index
        %swap3A_967 = tpu.vector_load %arg6[%swap3A_965, %swap3A_966] {strides = array<i32>} : memref<2x512xi32, #tpu.memory_space<vmem>>, vector<16xi32>,
        tpu.vector_store %arg6[%swap3A_965, %swap3A_966], %gather3A_963 {strides = array<i32>} : memref<2x512xi32, #tpu.memory_space<vmem>>, vector<16xi32>,
        %add3A_968 = arith.constant 272 : i32
        %add3A_969 = vector.broadcast %add3A_968 : i32 to vector<16xi32>
        %add3A_970 = arith.addi %iota3A, %add3A_969 : vector<16xi32>
        %gather3A_971 = tpu.vector_load_idx %arg5[%add3A_970, %add3A_831] : memref<512x50xi32, #tpu.memory_space<vmem>>[vector<16xi32>, vector<16xi32>], vector<16xi32>,
        %swap3A_972 = arith.constant 0 : i32
        %swap3A_973 = arith.index_cast %swap3A_972 : i32 to index
        %swap3A_974 = arith.constant 272 : index
        %swap3A_975 = tpu.vector_load %arg6[%swap3A_973, %swap3A_974] {strides = array<i32>} : memref<2x512xi32, #tpu.memory_space<vmem>>, vector<16xi32>,
        tpu.vector_store %arg6[%swap3A_973, %swap3A_974], %gather3A_971 {strides = array<i32>} : memref<2x512xi32, #tpu.memory_space<vmem>>, vector<16xi32>,
        %add3A_976 = arith.constant 288 : i32
        %add3A_977 = vector.broadcast %add3A_976 : i32 to vector<16xi32>
        %add3A_978 = arith.addi %iota3A, %add3A_977 : vector<16xi32>
        %gather3A_979 = tpu.vector_load_idx %arg5[%add3A_978, %add3A_831] : memref<512x50xi32, #tpu.memory_space<vmem>>[vector<16xi32>, vector<16xi32>], vector<16xi32>,
        %swap3A_980 = arith.constant 0 : i32
        %swap3A_981 = arith.index_cast %swap3A_980 : i32 to index
        %swap3A_982 = arith.constant 288 : index
        %swap3A_983 = tpu.vector_load %arg6[%swap3A_981, %swap3A_982] {strides = array<i32>} : memref<2x512xi32, #tpu.memory_space<vmem>>, vector<16xi32>,
        tpu.vector_store %arg6[%swap3A_981, %swap3A_982], %gather3A_979 {strides = array<i32>} : memref<2x512xi32, #tpu.memory_space<vmem>>, vector<16xi32>,
        %add3A_984 = arith.constant 304 : i32
        %add3A_985 = vector.broadcast %add3A_984 : i32 to vector<16xi32>
        %add3A_986 = arith.addi %iota3A, %add3A_985 : vector<16xi32>
        %gather3A_987 = tpu.vector_load_idx %arg5[%add3A_986, %add3A_831] : memref<512x50xi32, #tpu.memory_space<vmem>>[vector<16xi32>, vector<16xi32>], vector<16xi32>,
        %swap3A_988 = arith.constant 0 : i32
        %swap3A_989 = arith.index_cast %swap3A_988 : i32 to index
        %swap3A_990 = arith.constant 304 : index
        %swap3A_991 = tpu.vector_load %arg6[%swap3A_989, %swap3A_990] {strides = array<i32>} : memref<2x512xi32, #tpu.memory_space<vmem>>, vector<16xi32>,
        tpu.vector_store %arg6[%swap3A_989, %swap3A_990], %gather3A_987 {strides = array<i32>} : memref<2x512xi32, #tpu.memory_space<vmem>>, vector<16xi32>,
        %add3A_992 = arith.constant 320 : i32
        %add3A_993 = vector.broadcast %add3A_992 : i32 to vector<16xi32>
        %add3A_994 = arith.addi %iota3A, %add3A_993 : vector<16xi32>
        %gather3A_995 = tpu.vector_load_idx %arg5[%add3A_994, %add3A_831] : memref<512x50xi32, #tpu.memory_space<vmem>>[vector<16xi32>, vector<16xi32>], vector<16xi32>,
        %swap3A_996 = arith.constant 0 : i32
        %swap3A_997 = arith.index_cast %swap3A_996 : i32 to index
        %swap3A_998 = arith.constant 320 : index
        %swap3A_999 = tpu.vector_load %arg6[%swap3A_997, %swap3A_998] {strides = array<i32>} : memref<2x512xi32, #tpu.memory_space<vmem>>, vector<16xi32>,
        tpu.vector_store %arg6[%swap3A_997, %swap3A_998], %gather3A_995 {strides = array<i32>} : memref<2x512xi32, #tpu.memory_space<vmem>>, vector<16xi32>,
        %add3A_1000 = arith.constant 336 : i32
        %add3A_1001 = vector.broadcast %add3A_1000 : i32 to vector<16xi32>
        %add3A_1002 = arith.addi %iota3A, %add3A_1001 : vector<16xi32>
        %gather3A_1003 = tpu.vector_load_idx %arg5[%add3A_1002, %add3A_831] : memref<512x50xi32, #tpu.memory_space<vmem>>[vector<16xi32>, vector<16xi32>], vector<16xi32>,
        %swap3A_1004 = arith.constant 0 : i32
        %swap3A_1005 = arith.index_cast %swap3A_1004 : i32 to index
        %swap3A_1006 = arith.constant 336 : index
        %swap3A_1007 = tpu.vector_load %arg6[%swap3A_1005, %swap3A_1006] {strides = array<i32>} : memref<2x512xi32, #tpu.memory_space<vmem>>, vector<16xi32>,
        tpu.vector_store %arg6[%swap3A_1005, %swap3A_1006], %gather3A_1003 {strides = array<i32>} : memref<2x512xi32, #tpu.memory_space<vmem>>, vector<16xi32>,
        %add3A_1008 = arith.constant 352 : i32
        %add3A_1009 = vector.broadcast %add3A_1008 : i32 to vector<16xi32>
        %add3A_1010 = arith.addi %iota3A, %add3A_1009 : vector<16xi32>
        %gather3A_1011 = tpu.vector_load_idx %arg5[%add3A_1010, %add3A_831] : memref<512x50xi32, #tpu.memory_space<vmem>>[vector<16xi32>, vector<16xi32>], vector<16xi32>,
        %swap3A_1012 = arith.constant 0 : i32
        %swap3A_1013 = arith.index_cast %swap3A_1012 : i32 to index
        %swap3A_1014 = arith.constant 352 : index
        %swap3A_1015 = tpu.vector_load %arg6[%swap3A_1013, %swap3A_1014] {strides = array<i32>} : memref<2x512xi32, #tpu.memory_space<vmem>>, vector<16xi32>,
        tpu.vector_store %arg6[%swap3A_1013, %swap3A_1014], %gather3A_1011 {strides = array<i32>} : memref<2x512xi32, #tpu.memory_space<vmem>>, vector<16xi32>,
        %add3A_1016 = arith.constant 368 : i32
        %add3A_1017 = vector.broadcast %add3A_1016 : i32 to vector<16xi32>
        %add3A_1018 = arith.addi %iota3A, %add3A_1017 : vector<16xi32>
        %gather3A_1019 = tpu.vector_load_idx %arg5[%add3A_1018, %add3A_831] : memref<512x50xi32, #tpu.memory_space<vmem>>[vector<16xi32>, vector<16xi32>], vector<16xi32>,
        %swap3A_1020 = arith.constant 0 : i32
        %swap3A_1021 = arith.index_cast %swap3A_1020 : i32 to index
        %swap3A_1022 = arith.constant 368 : index
        %swap3A_1023 = tpu.vector_load %arg6[%swap3A_1021, %swap3A_1022] {strides = array<i32>} : memref<2x512xi32, #tpu.memory_space<vmem>>, vector<16xi32>,
        tpu.vector_store %arg6[%swap3A_1021, %swap3A_1022], %gather3A_1019 {strides = array<i32>} : memref<2x512xi32, #tpu.memory_space<vmem>>, vector<16xi32>,
        %add3A_1024 = arith.constant 384 : i32
        %add3A_1025 = vector.broadcast %add3A_1024 : i32 to vector<16xi32>
        %add3A_1026 = arith.addi %iota3A, %add3A_1025 : vector<16xi32>
        %gather3A_1027 = tpu.vector_load_idx %arg5[%add3A_1026, %add3A_831] : memref<512x50xi32, #tpu.memory_space<vmem>>[vector<16xi32>, vector<16xi32>], vector<16xi32>,
        %swap3A_1028 = arith.constant 0 : i32
        %swap3A_1029 = arith.index_cast %swap3A_1028 : i32 to index
        %swap3A_1030 = arith.constant 384 : index
        %swap3A_1031 = tpu.vector_load %arg6[%swap3A_1029, %swap3A_1030] {strides = array<i32>} : memref<2x512xi32, #tpu.memory_space<vmem>>, vector<16xi32>,
        tpu.vector_store %arg6[%swap3A_1029, %swap3A_1030], %gather3A_1027 {strides = array<i32>} : memref<2x512xi32, #tpu.memory_space<vmem>>, vector<16xi32>,
        %add3A_1032 = arith.constant 400 : i32
        %add3A_1033 = vector.broadcast %add3A_1032 : i32 to vector<16xi32>
        %add3A_1034 = arith.addi %iota3A, %add3A_1033 : vector<16xi32>
        %gather3A_1035 = tpu.vector_load_idx %arg5[%add3A_1034, %add3A_831] : memref<512x50xi32, #tpu.memory_space<vmem>>[vector<16xi32>, vector<16xi32>], vector<16xi32>,
        %swap3A_1036 = arith.constant 0 : i32
        %swap3A_1037 = arith.index_cast %swap3A_1036 : i32 to index
        %swap3A_1038 = arith.constant 400 : index
        %swap3A_1039 = tpu.vector_load %arg6[%swap3A_1037, %swap3A_1038] {strides = array<i32>} : memref<2x512xi32, #tpu.memory_space<vmem>>, vector<16xi32>,
        tpu.vector_store %arg6[%swap3A_1037, %swap3A_1038], %gather3A_1035 {strides = array<i32>} : memref<2x512xi32, #tpu.memory_space<vmem>>, vector<16xi32>,
        %add3A_1040 = arith.constant 416 : i32
        %add3A_1041 = vector.broadcast %add3A_1040 : i32 to vector<16xi32>
        %add3A_1042 = arith.addi %iota3A, %add3A_1041 : vector<16xi32>
        %gather3A_1043 = tpu.vector_load_idx %arg5[%add3A_1042, %add3A_831] : memref<512x50xi32, #tpu.memory_space<vmem>>[vector<16xi32>, vector<16xi32>], vector<16xi32>,
        %swap3A_1044 = arith.constant 0 : i32
        %swap3A_1045 = arith.index_cast %swap3A_1044 : i32 to index
        %swap3A_1046 = arith.constant 416 : index
        %swap3A_1047 = tpu.vector_load %arg6[%swap3A_1045, %swap3A_1046] {strides = array<i32>} : memref<2x512xi32, #tpu.memory_space<vmem>>, vector<16xi32>,
        tpu.vector_store %arg6[%swap3A_1045, %swap3A_1046], %gather3A_1043 {strides = array<i32>} : memref<2x512xi32, #tpu.memory_space<vmem>>, vector<16xi32>,
        %add3A_1048 = arith.constant 432 : i32
        %add3A_1049 = vector.broadcast %add3A_1048 : i32 to vector<16xi32>
        %add3A_1050 = arith.addi %iota3A, %add3A_1049 : vector<16xi32>
        %gather3A_1051 = tpu.vector_load_idx %arg5[%add3A_1050, %add3A_831] : memref<512x50xi32, #tpu.memory_space<vmem>>[vector<16xi32>, vector<16xi32>], vector<16xi32>,
        %swap3A_1052 = arith.constant 0 : i32
        %swap3A_1053 = arith.index_cast %swap3A_1052 : i32 to index
        %swap3A_1054 = arith.constant 432 : index
        %swap3A_1055 = tpu.vector_load %arg6[%swap3A_1053, %swap3A_1054] {strides = array<i32>} : memref<2x512xi32, #tpu.memory_space<vmem>>, vector<16xi32>,
        tpu.vector_store %arg6[%swap3A_1053, %swap3A_1054], %gather3A_1051 {strides = array<i32>} : memref<2x512xi32, #tpu.memory_space<vmem>>, vector<16xi32>,
        %add3A_1056 = arith.constant 448 : i32
        %add3A_1057 = vector.broadcast %add3A_1056 : i32 to vector<16xi32>
        %add3A_1058 = arith.addi %iota3A, %add3A_1057 : vector<16xi32>
        %gather3A_1059 = tpu.vector_load_idx %arg5[%add3A_1058, %add3A_831] : memref<512x50xi32, #tpu.memory_space<vmem>>[vector<16xi32>, vector<16xi32>], vector<16xi32>,
        %swap3A_1060 = arith.constant 0 : i32
        %swap3A_1061 = arith.index_cast %swap3A_1060 : i32 to index
        %swap3A_1062 = arith.constant 448 : index
        %swap3A_1063 = tpu.vector_load %arg6[%swap3A_1061, %swap3A_1062] {strides = array<i32>} : memref<2x512xi32, #tpu.memory_space<vmem>>, vector<16xi32>,
        tpu.vector_store %arg6[%swap3A_1061, %swap3A_1062], %gather3A_1059 {strides = array<i32>} : memref<2x512xi32, #tpu.memory_space<vmem>>, vector<16xi32>,
        %add3A_1064 = arith.constant 464 : i32
        %add3A_1065 = vector.broadcast %add3A_1064 : i32 to vector<16xi32>
        %add3A_1066 = arith.addi %iota3A, %add3A_1065 : vector<16xi32>
        %gather3A_1067 = tpu.vector_load_idx %arg5[%add3A_1066, %add3A_831] : memref<512x50xi32, #tpu.memory_space<vmem>>[vector<16xi32>, vector<16xi32>], vector<16xi32>,
        %swap3A_1068 = arith.constant 0 : i32
        %swap3A_1069 = arith.index_cast %swap3A_1068 : i32 to index
        %swap3A_1070 = arith.constant 464 : index
        %swap3A_1071 = tpu.vector_load %arg6[%swap3A_1069, %swap3A_1070] {strides = array<i32>} : memref<2x512xi32, #tpu.memory_space<vmem>>, vector<16xi32>,
        tpu.vector_store %arg6[%swap3A_1069, %swap3A_1070], %gather3A_1067 {strides = array<i32>} : memref<2x512xi32, #tpu.memory_space<vmem>>, vector<16xi32>,
        %add3A_1072 = arith.constant 480 : i32
        %add3A_1073 = vector.broadcast %add3A_1072 : i32 to vector<16xi32>
        %add3A_1074 = arith.addi %iota3A, %add3A_1073 : vector<16xi32>
        %gather3A_1075 = tpu.vector_load_idx %arg5[%add3A_1074, %add3A_831] : memref<512x50xi32, #tpu.memory_space<vmem>>[vector<16xi32>, vector<16xi32>], vector<16xi32>,
        %swap3A_1076 = arith.constant 0 : i32
        %swap3A_1077 = arith.index_cast %swap3A_1076 : i32 to index
        %swap3A_1078 = arith.constant 480 : index
        %swap3A_1079 = tpu.vector_load %arg6[%swap3A_1077, %swap3A_1078] {strides = array<i32>} : memref<2x512xi32, #tpu.memory_space<vmem>>, vector<16xi32>,
        tpu.vector_store %arg6[%swap3A_1077, %swap3A_1078], %gather3A_1075 {strides = array<i32>} : memref<2x512xi32, #tpu.memory_space<vmem>>, vector<16xi32>,
        %add3A_1080 = arith.constant 496 : i32
        %add3A_1081 = vector.broadcast %add3A_1080 : i32 to vector<16xi32>
        %add3A_1082 = arith.addi %iota3A, %add3A_1081 : vector<16xi32>
        %gather3A_1083 = tpu.vector_load_idx %arg5[%add3A_1082, %add3A_831] : memref<512x50xi32, #tpu.memory_space<vmem>>[vector<16xi32>, vector<16xi32>], vector<16xi32>,
        %swap3A_1084 = arith.constant 0 : i32
        %swap3A_1085 = arith.index_cast %swap3A_1084 : i32 to index
        %swap3A_1086 = arith.constant 496 : index
        %swap3A_1087 = tpu.vector_load %arg6[%swap3A_1085, %swap3A_1086] {strides = array<i32>} : memref<2x512xi32, #tpu.memory_space<vmem>>, vector<16xi32>,
        tpu.vector_store %arg6[%swap3A_1085, %swap3A_1086], %gather3A_1083 {strides = array<i32>} : memref<2x512xi32, #tpu.memory_space<vmem>>, vector<16xi32>,
      } else {
      }
      %dma_wait3A_704 = arith.constant 1 : i32
      %dma_wait3A_705 = arith.constant 1 : i32
      %dma_wait3A_706 = arith.constant 1 : i32
      %dma_wait3A_707 = arith.constant 0 : i32
      %dma_wait3A_708 = arith.constant 0 : i32
      %dma_wait3A_709 = tpu.memref_slice %arg7[%dma_wait3A_705, %dma_wait3A_707, %dma_wait3A_708] : memref<2x512x32xf32, #tpu.memory_space<vmem>> -> memref<1x512x32xf32, #tpu.memory_space<vmem>>
      %dma_wait3A_710 = tpu.memref_squeeze %dma_wait3A_709 : memref<1x512x32xf32, #tpu.memory_space<vmem>> -> memref<512x32xf32, #tpu.memory_space<vmem>>
      %dma_wait3A_711 = arith.constant 0 : i32
      %dma_wait3A_712 = tpu.memref_slice %arg6[%dma_wait3A_704, %dma_wait3A_711] : memref<2x512xi32, #tpu.memory_space<vmem>> -> memref<1x512xi32, #tpu.memory_space<vmem>>
      %dma_wait3A_713 = tpu.memref_squeeze %dma_wait3A_712 : memref<1x512xi32, #tpu.memory_space<vmem>> -> memref<512xi32, #tpu.memory_space<vmem>>
      %dma_wait3A_714 = arith.constant 0 : i32
      %dma_wait3A_715 = arith.constant 0 : i32
      %dma_wait3A_716 = tpu.memref_slice %arg3[%dma_wait3A_714, %dma_wait3A_715] : memref<1000000x32xf32, #tpu.memory_space<hbm>> -> memref<1000000x32xf32, #tpu.memory_space<hbm>>
      %dma_wait3A_717 = tpu.memref_slice %arg10[%dma_wait3A_706] : memref<2x!tpu.dma_semaphore, #tpu.memory_space<semaphore_mem>> -> memref<1x!tpu.dma_semaphore, #tpu.memory_space<semaphore_mem>>
      %dma_wait3A_718 = tpu.memref_squeeze %dma_wait3A_717 : memref<1x!tpu.dma_semaphore, #tpu.memory_space<semaphore_mem>> -> memref<!tpu.dma_semaphore, #tpu.memory_space<semaphore_mem>>
      tpu.wait_indirect_dma semaphore(%dma_wait3A_718 : memref<!tpu.dma_semaphore, #tpu.memory_space<semaphore_mem>>) src(%dma_wait3A_716 : memref<1000000x32xf32, #tpu.memory_space<hbm>>) dst(%dma_wait3A_710 : memref<512x32xf32, #tpu.memory_space<vmem>>)
      %add3A_719 = arith.constant 1 : i32
      %add3A_720 = arith.addi %add3A_696, %add3A_719 : i32
      %lt3A_721 = arith.constant 50 : i32
      %lt3A_722 = arith.cmpi slt, %add3A_720, %lt3A_721 : i32
      %convert_element_type3A_723 = arith.extui %lt3A_722 : i1 to i32
      %cond3A_724 = arith.constant 0 : i32
      %cond3A_725 = arith.cmpi ne, %convert_element_type3A_723, %cond3A_724 : i32
      scf.if %cond3A_725 {
        %dma_start3A_826 = arith.constant 0 : i32
        %dma_start3A_827 = arith.constant 0 : i32
        %dma_start3A_828 = arith.constant 0 : i32
        %dma_start3A_829 = arith.constant 0 : i32
        %dma_start3A_830 = arith.constant 0 : i32
        %dma_start3A_831 = tpu.memref_slice %arg7[%dma_start3A_827, %dma_start3A_829, %dma_start3A_830] : memref<2x512x32xf32, #tpu.memory_space<vmem>> -> memref<1x512x32xf32, #tpu.memory_space<vmem>>
        %dma_start3A_832 = tpu.memref_squeeze %dma_start3A_831 : memref<1x512x32xf32, #tpu.memory_space<vmem>> -> memref<512x32xf32, #tpu.memory_space<vmem>>
        %dma_start3A_833 = arith.constant 0 : i32
        %dma_start3A_834 = tpu.memref_slice %arg6[%dma_start3A_826, %dma_start3A_833] : memref<2x512xi32, #tpu.memory_space<vmem>> -> memref<1x512xi32, #tpu.memory_space<vmem>>
        %dma_start3A_835 = tpu.memref_squeeze %dma_start3A_834 : memref<1x512xi32, #tpu.memory_space<vmem>> -> memref<512xi32, #tpu.memory_space<vmem>>
        %dma_start3A_836 = arith.constant 0 : i32
        %dma_start3A_837 = arith.constant 0 : i32
        %dma_start3A_838 = tpu.memref_slice %arg3[%dma_start3A_836, %dma_start3A_837] : memref<1000000x32xf32, #tpu.memory_space<hbm>> -> memref<1000000x32xf32, #tpu.memory_space<hbm>>
        %dma_start3A_839 = tpu.memref_slice %arg10[%dma_start3A_828] : memref<2x!tpu.dma_semaphore, #tpu.memory_space<semaphore_mem>> -> memref<1x!tpu.dma_semaphore, #tpu.memory_space<semaphore_mem>>
        %dma_start3A_840 = tpu.memref_squeeze %dma_start3A_839 : memref<1x!tpu.dma_semaphore, #tpu.memory_space<semaphore_mem>> -> memref<!tpu.dma_semaphore, #tpu.memory_space<semaphore_mem>>
        tpu.enqueue_indirect_dma source(%dma_start3A_838 : memref<1000000x32xf32, #tpu.memory_space<hbm>>) target(%dma_start3A_832 : memref<512x32xf32, #tpu.memory_space<vmem>>) offsets(%dma_start3A_835 : memref<512xi32, #tpu.memory_space<vmem>>) semaphore(%dma_start3A_840 : memref<!tpu.dma_semaphore, #tpu.memory_space<semaphore_mem>>)
      } else {
      }
      %ge3A_726 = arith.constant 2 : i32
      %ge3A_727 = arith.cmpi sge, %add3A_696, %ge3A_726 : i32
      %convert_element_type3A_728 = arith.extui %ge3A_727 : i1 to i32
      %cond3A_729 = arith.constant 0 : i32
      %cond3A_730 = arith.cmpi ne, %convert_element_type3A_728, %cond3A_729 : i32
      scf.if %cond3A_730 {
        %dma_wait3A_826 = arith.constant 1 : i32
        %dma_wait3A_827 = arith.constant 0 : i32
        %dma_wait3A_828 = arith.constant 1 : i32
        %dma_wait3A_829 = arith.constant 0 : i32
        %dma_wait3A_830 = arith.constant 0 : i32
        %dma_wait3A_831 = tpu.memref_slice %arg8[%dma_wait3A_826, %dma_wait3A_829, %dma_wait3A_830] : memref<2x128x133xf32, #tpu.memory_space<vmem>> -> memref<1x32x128xf32, #tpu.memory_space<vmem>>
        %dma_wait3A_832 = tpu.memref_squeeze %dma_wait3A_831 : memref<1x32x128xf32, #tpu.memory_space<vmem>> -> memref<32x128xf32, #tpu.memory_space<vmem>>
        %dma_wait3A_833 = arith.constant 0 : i32
        %dma_wait3A_834 = arith.constant 0 : i32
        %dma_wait3A_835 = tpu.memref_slice %arg4[%dma_wait3A_827, %dma_wait3A_833, %dma_wait3A_834] : memref<50x4096x128xf32, #tpu.memory_space<hbm>> -> memref<1x32x128xf32, #tpu.memory_space<hbm>>
        %dma_wait3A_836 = tpu.memref_squeeze %dma_wait3A_835 : memref<1x32x128xf32, #tpu.memory_space<hbm>> -> memref<32x128xf32, #tpu.memory_space<hbm>>
        %dma_wait3A_837 = tpu.memref_slice %arg11[%dma_wait3A_828] : memref<2x!tpu.dma_semaphore, #tpu.memory_space<semaphore_mem>> -> memref<1x!tpu.dma_semaphore, #tpu.memory_space<semaphore_mem>>
        %dma_wait3A_838 = tpu.memref_squeeze %dma_wait3A_837 : memref<1x!tpu.dma_semaphore, #tpu.memory_space<semaphore_mem>> -> memref<!tpu.dma_semaphore, #tpu.memory_space<semaphore_mem>>
        %dma_wait3A_839 = arith.constant 0 : i32
        %dma_wait3A_840 = arith.constant 0 : i32
        %dma_wait3A_841 = tpu.memref_slice %arg4[%dma_wait3A_827, %dma_wait3A_839, %dma_wait3A_840] : memref<50x4096x128xf32, #tpu.memory_space<hbm>> -> memref<1x32x128xf32, #tpu.memory_space<hbm>>
        %dma_wait3A_842 = tpu.memref_squeeze %dma_wait3A_841 : memref<1x32x128xf32, #tpu.memory_space<hbm>> -> memref<32x128xf32, #tpu.memory_space<hbm>>
        %dma_wait3A_843 = arith.constant 0 : i32
        %dma_wait3A_844 = arith.constant 0 : i32
        %dma_wait3A_845 = tpu.memref_slice %arg8[%dma_wait3A_826, %dma_wait3A_843, %dma_wait3A_844] : memref<2x128x133xf32, #tpu.memory_space<vmem>> -> memref<1x32x128xf32, #tpu.memory_space<vmem>>
        %dma_wait3A_846 = tpu.memref_squeeze %dma_wait3A_845 : memref<1x32x128xf32, #tpu.memory_space<vmem>> -> memref<32x128xf32, #tpu.memory_space<vmem>>
        tpu.wait_dma2 semaphore(%dma_wait3A_838 : memref<!tpu.dma_semaphore, #tpu.memory_space<semaphore_mem>>) src(%dma_wait3A_846 : memref<32x128xf32, #tpu.memory_space<vmem>>) dst(%dma_wait3A_842 : memref<32x128xf32, #tpu.memory_space<hbm>>)
        %dma_wait3A_847 = arith.constant 1 : i32
        %dma_wait3A_848 = arith.constant 0 : i32
        %dma_wait3A_849 = arith.constant 1 : i32
        %dma_wait3A_850 = arith.constant 32 : i32
        %dma_wait3A_851 = arith.constant 0 : i32
        %dma_wait3A_852 = tpu.memref_slice %arg8[%dma_wait3A_847, %dma_wait3A_850, %dma_wait3A_851] : memref<2x128x133xf32, #tpu.memory_space<vmem>> -> memref<1x32x128xf32, #tpu.memory_space<vmem>>
        %dma_wait3A_853 = tpu.memref_squeeze %dma_wait3A_852 : memref<1x32x128xf32, #tpu.memory_space<vmem>> -> memref<32x128xf32, #tpu.memory_space<vmem>>
        %dma_wait3A_854 = arith.constant 1024 : i32
        %dma_wait3A_855 = arith.constant 0 : i32
        %dma_wait3A_856 = tpu.memref_slice %arg4[%dma_wait3A_848, %dma_wait3A_854, %dma_wait3A_855] : memref<50x4096x128xf32, #tpu.memory_space<hbm>> -> memref<1x32x128xf32, #tpu.memory_space<hbm>>
        %dma_wait3A_857 = tpu.memref_squeeze %dma_wait3A_856 : memref<1x32x128xf32, #tpu.memory_space<hbm>> -> memref<32x128xf32, #tpu.memory_space<hbm>>
        %dma_wait3A_858 = tpu.memref_slice %arg11[%dma_wait3A_849] : memref<2x!tpu.dma_semaphore, #tpu.memory_space<semaphore_mem>> -> memref<1x!tpu.dma_semaphore, #tpu.memory_space<semaphore_mem>>
        %dma_wait3A_859 = tpu.memref_squeeze %dma_wait3A_858 : memref<1x!tpu.dma_semaphore, #tpu.memory_space<semaphore_mem>> -> memref<!tpu.dma_semaphore, #tpu.memory_space<semaphore_mem>>
        %dma_wait3A_860 = arith.constant 1024 : i32
        %dma_wait3A_861 = arith.constant 0 : i32
        %dma_wait3A_862 = tpu.memref_slice %arg4[%dma_wait3A_848, %dma_wait3A_860, %dma_wait3A_861] : memref<50x4096x128xf32, #tpu.memory_space<hbm>> -> memref<1x32x128xf32, #tpu.memory_space<hbm>>
        %dma_wait3A_863 = tpu.memref_squeeze %dma_wait3A_862 : memref<1x32x128xf32, #tpu.memory_space<hbm>> -> memref<32x128xf32, #tpu.memory_space<hbm>>
        %dma_wait3A_864 = arith.constant 32 : i32
        %dma_wait3A_865 = arith.constant 0 : i32
        %dma_wait3A_866 = tpu.memref_slice %arg8[%dma_wait3A_847, %dma_wait3A_864, %dma_wait3A_865] : memref<2x128x133xf32, #tpu.memory_space<vmem>> -> memref<1x32x128xf32, #tpu.memory_space<vmem>>
        %dma_wait3A_867 = tpu.memref_squeeze %dma_wait3A_866 : memref<1x32x128xf32, #tpu.memory_space<vmem>> -> memref<32x128xf32, #tpu.memory_space<vmem>>
        tpu.wait_dma2 semaphore(%dma_wait3A_859 : memref<!tpu.dma_semaphore, #tpu.memory_space<semaphore_mem>>) src(%dma_wait3A_867 : memref<32x128xf32, #tpu.memory_space<vmem>>) dst(%dma_wait3A_863 : memref<32x128xf32, #tpu.memory_space<hbm>>)
        %dma_wait3A_868 = arith.constant 1 : i32
        %dma_wait3A_869 = arith.constant 0 : i32
        %dma_wait3A_870 = arith.constant 1 : i32
        %dma_wait3A_871 = arith.constant 64 : i32
        %dma_wait3A_872 = arith.constant 0 : i32
        %dma_wait3A_873 = tpu.memref_slice %arg8[%dma_wait3A_868, %dma_wait3A_871, %dma_wait3A_872] : memref<2x128x133xf32, #tpu.memory_space<vmem>> -> memref<1x32x128xf32, #tpu.memory_space<vmem>>
        %dma_wait3A_874 = tpu.memref_squeeze %dma_wait3A_873 : memref<1x32x128xf32, #tpu.memory_space<vmem>> -> memref<32x128xf32, #tpu.memory_space<vmem>>
        %dma_wait3A_875 = arith.constant 2048 : i32
        %dma_wait3A_876 = arith.constant 0 : i32
        %dma_wait3A_877 = tpu.memref_slice %arg4[%dma_wait3A_869, %dma_wait3A_875, %dma_wait3A_876] : memref<50x4096x128xf32, #tpu.memory_space<hbm>> -> memref<1x32x128xf32, #tpu.memory_space<hbm>>
        %dma_wait3A_878 = tpu.memref_squeeze %dma_wait3A_877 : memref<1x32x128xf32, #tpu.memory_space<hbm>> -> memref<32x128xf32, #tpu.memory_space<hbm>>
        %dma_wait3A_879 = tpu.memref_slice %arg11[%dma_wait3A_870] : memref<2x!tpu.dma_semaphore, #tpu.memory_space<semaphore_mem>> -> memref<1x!tpu.dma_semaphore, #tpu.memory_space<semaphore_mem>>
        %dma_wait3A_880 = tpu.memref_squeeze %dma_wait3A_879 : memref<1x!tpu.dma_semaphore, #tpu.memory_space<semaphore_mem>> -> memref<!tpu.dma_semaphore, #tpu.memory_space<semaphore_mem>>
        %dma_wait3A_881 = arith.constant 2048 : i32
        %dma_wait3A_882 = arith.constant 0 : i32
        %dma_wait3A_883 = tpu.memref_slice %arg4[%dma_wait3A_869, %dma_wait3A_881, %dma_wait3A_882] : memref<50x4096x128xf32, #tpu.memory_space<hbm>> -> memref<1x32x128xf32, #tpu.memory_space<hbm>>
        %dma_wait3A_884 = tpu.memref_squeeze %dma_wait3A_883 : memref<1x32x128xf32, #tpu.memory_space<hbm>> -> memref<32x128xf32, #tpu.memory_space<hbm>>
        %dma_wait3A_885 = arith.constant 64 : i32
        %dma_wait3A_886 = arith.constant 0 : i32
        %dma_wait3A_887 = tpu.memref_slice %arg8[%dma_wait3A_868, %dma_wait3A_885, %dma_wait3A_886] : memref<2x128x133xf32, #tpu.memory_space<vmem>> -> memref<1x32x128xf32, #tpu.memory_space<vmem>>
        %dma_wait3A_888 = tpu.memref_squeeze %dma_wait3A_887 : memref<1x32x128xf32, #tpu.memory_space<vmem>> -> memref<32x128xf32, #tpu.memory_space<vmem>>
        tpu.wait_dma2 semaphore(%dma_wait3A_880 : memref<!tpu.dma_semaphore, #tpu.memory_space<semaphore_mem>>) src(%dma_wait3A_888 : memref<32x128xf32, #tpu.memory_space<vmem>>) dst(%dma_wait3A_884 : memref<32x128xf32, #tpu.memory_space<hbm>>)
        %dma_wait3A_889 = arith.constant 1 : i32
        %dma_wait3A_890 = arith.constant 0 : i32
        %dma_wait3A_891 = arith.constant 1 : i32
        %dma_wait3A_892 = arith.constant 96 : i32
        %dma_wait3A_893 = arith.constant 0 : i32
        %dma_wait3A_894 = tpu.memref_slice %arg8[%dma_wait3A_889, %dma_wait3A_892, %dma_wait3A_893] : memref<2x128x133xf32, #tpu.memory_space<vmem>> -> memref<1x32x128xf32, #tpu.memory_space<vmem>>
        %dma_wait3A_895 = tpu.memref_squeeze %dma_wait3A_894 : memref<1x32x128xf32, #tpu.memory_space<vmem>> -> memref<32x128xf32, #tpu.memory_space<vmem>>
        %dma_wait3A_896 = arith.constant 3072 : i32
        %dma_wait3A_897 = arith.constant 0 : i32
        %dma_wait3A_898 = tpu.memref_slice %arg4[%dma_wait3A_890, %dma_wait3A_896, %dma_wait3A_897] : memref<50x4096x128xf32, #tpu.memory_space<hbm>> -> memref<1x32x128xf32, #tpu.memory_space<hbm>>
        %dma_wait3A_899 = tpu.memref_squeeze %dma_wait3A_898 : memref<1x32x128xf32, #tpu.memory_space<hbm>> -> memref<32x128xf32, #tpu.memory_space<hbm>>
        %dma_wait3A_900 = tpu.memref_slice %arg11[%dma_wait3A_891] : memref<2x!tpu.dma_semaphore, #tpu.memory_space<semaphore_mem>> -> memref<1x!tpu.dma_semaphore, #tpu.memory_space<semaphore_mem>>
        %dma_wait3A_901 = tpu.memref_squeeze %dma_wait3A_900 : memref<1x!tpu.dma_semaphore, #tpu.memory_space<semaphore_mem>> -> memref<!tpu.dma_semaphore, #tpu.memory_space<semaphore_mem>>
        %dma_wait3A_902 = arith.constant 3072 : i32
        %dma_wait3A_903 = arith.constant 0 : i32
        %dma_wait3A_904 = tpu.memref_slice %arg4[%dma_wait3A_890, %dma_wait3A_902, %dma_wait3A_903] : memref<50x4096x128xf32, #tpu.memory_space<hbm>> -> memref<1x32x128xf32, #tpu.memory_space<hbm>>
        %dma_wait3A_905 = tpu.memref_squeeze %dma_wait3A_904 : memref<1x32x128xf32, #tpu.memory_space<hbm>> -> memref<32x128xf32, #tpu.memory_space<hbm>>
        %dma_wait3A_906 = arith.constant 96 : i32
        %dma_wait3A_907 = arith.constant 0 : i32
        %dma_wait3A_908 = tpu.memref_slice %arg8[%dma_wait3A_889, %dma_wait3A_906, %dma_wait3A_907] : memref<2x128x133xf32, #tpu.memory_space<vmem>> -> memref<1x32x128xf32, #tpu.memory_space<vmem>>
        %dma_wait3A_909 = tpu.memref_squeeze %dma_wait3A_908 : memref<1x32x128xf32, #tpu.memory_space<vmem>> -> memref<32x128xf32, #tpu.memory_space<vmem>>
        tpu.wait_dma2 semaphore(%dma_wait3A_901 : memref<!tpu.dma_semaphore, #tpu.memory_space<semaphore_mem>>) src(%dma_wait3A_909 : memref<32x128xf32, #tpu.memory_space<vmem>>) dst(%dma_wait3A_905 : memref<32x128xf32, #tpu.memory_space<hbm>>)
      } else {
      }
      %scan3A_731 = arith.constant 0 : i32
      %scan3A_732 = arith.constant 1 : i32
      %scan3A_733 = arith.constant 0 : i32
      %scan3A_734 = arith.constant 4 : i32
      %scan3A_735 = arith.addi %scan3A_733, %scan3A_734 : i32
      %scan3A_736 = arith.constant 1 : i32
      scf.for %scan3A_826 = %scan3A_733 to %scan3A_735 step %scan3A_736  : i32 {
        %mul3A_827 = arith.constant 8 : i32
        %mul3A_828 = arith.muli %scan3A_826, %mul3A_827 : i32
        %add3A_829 = vector.broadcast %mul3A_828 : i32 to vector<16xi32>
        %add3A_830 = arith.addi %add3A_49, %add3A_829 : vector<16xi32>
        %mul3A_831 = arith.constant 8 : i32
        %mul3A_832 = arith.muli %scan3A_826, %mul3A_831 : i32
        %add3A_833 = vector.broadcast %mul3A_832 : i32 to vector<16xi32>
        %add3A_834 = arith.addi %add3A_109, %add3A_833 : vector<16xi32>
        %scan3A_835 = arith.constant 0 : i32
        %scan3A_836 = arith.constant 8 : i32
        %scan3A_837 = arith.addi %scan3A_835, %scan3A_836 : i32
        %scan3A_838 = arith.constant 1 : i32
        scf.for %scan3A_840 = %scan3A_835 to %scan3A_837 step %scan3A_838  : i32 {
          %mul3A_841 = arith.constant 128 : i32
          %mul3A_842 = arith.muli %scan3A_826, %mul3A_841 : i32
          %mul3A_843 = arith.constant 16 : i32
          %mul3A_844 = arith.muli %scan3A_840, %mul3A_843 : i32
          %add3A_845 = arith.addi %mul3A_842, %mul3A_844 : i32
          %add3A_846 = arith.constant 0 : i32
          %add3A_847 = arith.addi %add3A_845, %add3A_846 : i32
          %broadcast_in_dim3A_848 = arith.constant 0 : i32
          %broadcast_in_dim3A_849 = vector.broadcast %broadcast_in_dim3A_848 : i32 to vector<16xi32>
          %mul3A_850 = arith.constant 16 : i32
          %mul3A_851 = arith.muli %scan3A_840, %mul3A_850 : i32
          %add3A_852 = arith.constant 0 : i32
          %add3A_853 = arith.addi %mul3A_851, %add3A_852 : i32
          %add3A_854 = vector.broadcast %add3A_853 : i32 to vector<16xi32>
          %add3A_855 = arith.addi %broadcast_in_dim3A_849, %add3A_854 : vector<16xi32>
          %get3A = arith.constant 1 : i32
          %get3A_856 = arith.index_cast %get3A : i32 to index
          %get3A_857 = arith.index_cast %add3A_847 : i32 to index
          %get3A_858 = arith.constant 0 : index
          %get3A_859 = tpu.vector_load %arg7[%get3A_856, %get3A_857, %get3A_858] {strides = array<i32>} : memref<2x512x32xf32, #tpu.memory_space<vmem>>, vector<16xf32>,
          %get3A_860 = arith.constant 1 : i32
          %get3A_861 = arith.index_cast %get3A_860 : i32 to index
          %get3A_862 = arith.index_cast %add3A_847 : i32 to index
          %get3A_863 = arith.constant 16 : index
          %get3A_864 = tpu.vector_load %arg7[%get3A_861, %get3A_862, %get3A_863] {strides = array<i32>} : memref<2x512x32xf32, #tpu.memory_space<vmem>>, vector<16xf32>,
          %scatter3A = arith.constant 0 : i32
          %scatter3A_865 = arith.constant 0 : i32
          %scatter3A_866 = tpu.memref_slice %arg8[%scan3A_732, %scatter3A, %scatter3A_865] : memref<2x128x133xf32, #tpu.memory_space<vmem>> -> memref<1x128x133xf32, #tpu.memory_space<vmem>>
          %scatter3A_867 = tpu.memref_squeeze %scatter3A_866 : memref<1x128x133xf32, #tpu.memory_space<vmem>> -> memref<128x133xf32, #tpu.memory_space<vmem>>
          tpu.vector_store_idx %scatter3A_867[%add3A_830, %add3A_855], %get3A_859 : memref<128x133xf32, #tpu.memory_space<vmem>>[vector<16xi32>, vector<16xi32>], vector<16xf32>,
          %scatter3A_868 = arith.constant 0 : i32
          %scatter3A_869 = arith.constant 0 : i32
          %scatter3A_870 = tpu.memref_slice %arg8[%scan3A_732, %scatter3A_868, %scatter3A_869] : memref<2x128x133xf32, #tpu.memory_space<vmem>> -> memref<1x128x133xf32, #tpu.memory_space<vmem>>
          %scatter3A_871 = tpu.memref_squeeze %scatter3A_870 : memref<1x128x133xf32, #tpu.memory_space<vmem>> -> memref<128x133xf32, #tpu.memory_space<vmem>>
          tpu.vector_store_idx %scatter3A_871[%add3A_834, %add3A_855], %get3A_864 : memref<128x133xf32, #tpu.memory_space<vmem>>[vector<16xi32>, vector<16xi32>], vector<16xf32>,
          %mul3A_872 = arith.constant 128 : i32
          %mul3A_873 = arith.muli %scan3A_826, %mul3A_872 : i32
          %mul3A_874 = arith.constant 16 : i32
          %mul3A_875 = arith.muli %scan3A_840, %mul3A_874 : i32
          %add3A_876 = arith.addi %mul3A_873, %mul3A_875 : i32
          %add3A_877 = arith.constant 1 : i32
          %add3A_878 = arith.addi %add3A_876, %add3A_877 : i32
          %broadcast_in_dim3A_879 = arith.constant 0 : i32
          %broadcast_in_dim3A_880 = vector.broadcast %broadcast_in_dim3A_879 : i32 to vector<16xi32>
          %mul3A_881 = arith.constant 16 : i32
          %mul3A_882 = arith.muli %scan3A_840, %mul3A_881 : i32
          %add3A_883 = arith.constant 1 : i32
          %add3A_884 = arith.addi %mul3A_882, %add3A_883 : i32
          %add3A_885 = vector.broadcast %add3A_884 : i32 to vector<16xi32>
          %add3A_886 = arith.addi %broadcast_in_dim3A_880, %add3A_885 : vector<16xi32>
          %get3A_887 = arith.constant 1 : i32
          %get3A_888 = arith.index_cast %get3A_887 : i32 to index
          %get3A_889 = arith.index_cast %add3A_878 : i32 to index
          %get3A_890 = arith.constant 0 : index
          %get3A_891 = tpu.vector_load %arg7[%get3A_888, %get3A_889, %get3A_890] {strides = array<i32>} : memref<2x512x32xf32, #tpu.memory_space<vmem>>, vector<16xf32>,
          %get3A_892 = arith.constant 1 : i32
          %get3A_893 = arith.index_cast %get3A_892 : i32 to index
          %get3A_894 = arith.index_cast %add3A_878 : i32 to index
          %get3A_895 = arith.constant 16 : index
          %get3A_896 = tpu.vector_load %arg7[%get3A_893, %get3A_894, %get3A_895] {strides = array<i32>} : memref<2x512x32xf32, #tpu.memory_space<vmem>>, vector<16xf32>,
          %scatter3A_897 = arith.constant 0 : i32
          %scatter3A_898 = arith.constant 0 : i32
          %scatter3A_899 = tpu.memref_slice %arg8[%scan3A_732, %scatter3A_897, %scatter3A_898] : memref<2x128x133xf32, #tpu.memory_space<vmem>> -> memref<1x128x133xf32, #tpu.memory_space<vmem>>
          %scatter3A_900 = tpu.memref_squeeze %scatter3A_899 : memref<1x128x133xf32, #tpu.memory_space<vmem>> -> memref<128x133xf32, #tpu.memory_space<vmem>>
          tpu.vector_store_idx %scatter3A_900[%add3A_830, %add3A_886], %get3A_891 : memref<128x133xf32, #tpu.memory_space<vmem>>[vector<16xi32>, vector<16xi32>], vector<16xf32>,
          %scatter3A_901 = arith.constant 0 : i32
          %scatter3A_902 = arith.constant 0 : i32
          %scatter3A_903 = tpu.memref_slice %arg8[%scan3A_732, %scatter3A_901, %scatter3A_902] : memref<2x128x133xf32, #tpu.memory_space<vmem>> -> memref<1x128x133xf32, #tpu.memory_space<vmem>>
          %scatter3A_904 = tpu.memref_squeeze %scatter3A_903 : memref<1x128x133xf32, #tpu.memory_space<vmem>> -> memref<128x133xf32, #tpu.memory_space<vmem>>
          tpu.vector_store_idx %scatter3A_904[%add3A_834, %add3A_886], %get3A_896 : memref<128x133xf32, #tpu.memory_space<vmem>>[vector<16xi32>, vector<16xi32>], vector<16xf32>,
          %mul3A_905 = arith.constant 128 : i32
          %mul3A_906 = arith.muli %scan3A_826, %mul3A_905 : i32
          %mul3A_907 = arith.constant 16 : i32
          %mul3A_908 = arith.muli %scan3A_840, %mul3A_907 : i32
          %add3A_909 = arith.addi %mul3A_906, %mul3A_908 : i32
          %add3A_910 = arith.constant 2 : i32
          %add3A_911 = arith.addi %add3A_909, %add3A_910 : i32
          %broadcast_in_dim3A_912 = arith.constant 0 : i32
          %broadcast_in_dim3A_913 = vector.broadcast %broadcast_in_dim3A_912 : i32 to vector<16xi32>
          %mul3A_914 = arith.constant 16 : i32
          %mul3A_915 = arith.muli %scan3A_840, %mul3A_914 : i32
          %add3A_916 = arith.constant 2 : i32
          %add3A_917 = arith.addi %mul3A_915, %add3A_916 : i32
          %add3A_918 = vector.broadcast %add3A_917 : i32 to vector<16xi32>
          %add3A_919 = arith.addi %broadcast_in_dim3A_913, %add3A_918 : vector<16xi32>
          %get3A_920 = arith.constant 1 : i32
          %get3A_921 = arith.index_cast %get3A_920 : i32 to index
          %get3A_922 = arith.index_cast %add3A_911 : i32 to index
          %get3A_923 = arith.constant 0 : index
          %get3A_924 = tpu.vector_load %arg7[%get3A_921, %get3A_922, %get3A_923] {strides = array<i32>} : memref<2x512x32xf32, #tpu.memory_space<vmem>>, vector<16xf32>,
          %get3A_925 = arith.constant 1 : i32
          %get3A_926 = arith.index_cast %get3A_925 : i32 to index
          %get3A_927 = arith.index_cast %add3A_911 : i32 to index
          %get3A_928 = arith.constant 16 : index
          %get3A_929 = tpu.vector_load %arg7[%get3A_926, %get3A_927, %get3A_928] {strides = array<i32>} : memref<2x512x32xf32, #tpu.memory_space<vmem>>, vector<16xf32>,
          %scatter3A_930 = arith.constant 0 : i32
          %scatter3A_931 = arith.constant 0 : i32
          %scatter3A_932 = tpu.memref_slice %arg8[%scan3A_732, %scatter3A_930, %scatter3A_931] : memref<2x128x133xf32, #tpu.memory_space<vmem>> -> memref<1x128x133xf32, #tpu.memory_space<vmem>>
          %scatter3A_933 = tpu.memref_squeeze %scatter3A_932 : memref<1x128x133xf32, #tpu.memory_space<vmem>> -> memref<128x133xf32, #tpu.memory_space<vmem>>
          tpu.vector_store_idx %scatter3A_933[%add3A_830, %add3A_919], %get3A_924 : memref<128x133xf32, #tpu.memory_space<vmem>>[vector<16xi32>, vector<16xi32>], vector<16xf32>,
          %scatter3A_934 = arith.constant 0 : i32
          %scatter3A_935 = arith.constant 0 : i32
          %scatter3A_936 = tpu.memref_slice %arg8[%scan3A_732, %scatter3A_934, %scatter3A_935] : memref<2x128x133xf32, #tpu.memory_space<vmem>> -> memref<1x128x133xf32, #tpu.memory_space<vmem>>
          %scatter3A_937 = tpu.memref_squeeze %scatter3A_936 : memref<1x128x133xf32, #tpu.memory_space<vmem>> -> memref<128x133xf32, #tpu.memory_space<vmem>>
          tpu.vector_store_idx %scatter3A_937[%add3A_834, %add3A_919], %get3A_929 : memref<128x133xf32, #tpu.memory_space<vmem>>[vector<16xi32>, vector<16xi32>], vector<16xf32>,
          %mul3A_938 = arith.constant 128 : i32
          %mul3A_939 = arith.muli %scan3A_826, %mul3A_938 : i32
          %mul3A_940 = arith.constant 16 : i32
          %mul3A_941 = arith.muli %scan3A_840, %mul3A_940 : i32
          %add3A_942 = arith.addi %mul3A_939, %mul3A_941 : i32
          %add3A_943 = arith.constant 3 : i32
          %add3A_944 = arith.addi %add3A_942, %add3A_943 : i32
          %broadcast_in_dim3A_945 = arith.constant 0 : i32
          %broadcast_in_dim3A_946 = vector.broadcast %broadcast_in_dim3A_945 : i32 to vector<16xi32>
          %mul3A_947 = arith.constant 16 : i32
          %mul3A_948 = arith.muli %scan3A_840, %mul3A_947 : i32
          %add3A_949 = arith.constant 3 : i32
          %add3A_950 = arith.addi %mul3A_948, %add3A_949 : i32
          %add3A_951 = vector.broadcast %add3A_950 : i32 to vector<16xi32>
          %add3A_952 = arith.addi %broadcast_in_dim3A_946, %add3A_951 : vector<16xi32>
          %get3A_953 = arith.constant 1 : i32
          %get3A_954 = arith.index_cast %get3A_953 : i32 to index
          %get3A_955 = arith.index_cast %add3A_944 : i32 to index
          %get3A_956 = arith.constant 0 : index
          %get3A_957 = tpu.vector_load %arg7[%get3A_954, %get3A_955, %get3A_956] {strides = array<i32>} : memref<2x512x32xf32, #tpu.memory_space<vmem>>, vector<16xf32>,
          %get3A_958 = arith.constant 1 : i32
          %get3A_959 = arith.index_cast %get3A_958 : i32 to index
          %get3A_960 = arith.index_cast %add3A_944 : i32 to index
          %get3A_961 = arith.constant 16 : index
          %get3A_962 = tpu.vector_load %arg7[%get3A_959, %get3A_960, %get3A_961] {strides = array<i32>} : memref<2x512x32xf32, #tpu.memory_space<vmem>>, vector<16xf32>,
          %scatter3A_963 = arith.constant 0 : i32
          %scatter3A_964 = arith.constant 0 : i32
          %scatter3A_965 = tpu.memref_slice %arg8[%scan3A_732, %scatter3A_963, %scatter3A_964] : memref<2x128x133xf32, #tpu.memory_space<vmem>> -> memref<1x128x133xf32, #tpu.memory_space<vmem>>
          %scatter3A_966 = tpu.memref_squeeze %scatter3A_965 : memref<1x128x133xf32, #tpu.memory_space<vmem>> -> memref<128x133xf32, #tpu.memory_space<vmem>>
          tpu.vector_store_idx %scatter3A_966[%add3A_830, %add3A_952], %get3A_957 : memref<128x133xf32, #tpu.memory_space<vmem>>[vector<16xi32>, vector<16xi32>], vector<16xf32>,
          %scatter3A_967 = arith.constant 0 : i32
          %scatter3A_968 = arith.constant 0 : i32
          %scatter3A_969 = tpu.memref_slice %arg8[%scan3A_732, %scatter3A_967, %scatter3A_968] : memref<2x128x133xf32, #tpu.memory_space<vmem>> -> memref<1x128x133xf32, #tpu.memory_space<vmem>>
          %scatter3A_970 = tpu.memref_squeeze %scatter3A_969 : memref<1x128x133xf32, #tpu.memory_space<vmem>> -> memref<128x133xf32, #tpu.memory_space<vmem>>
          tpu.vector_store_idx %scatter3A_970[%add3A_834, %add3A_952], %get3A_962 : memref<128x133xf32, #tpu.memory_space<vmem>>[vector<16xi32>, vector<16xi32>], vector<16xf32>,
          %mul3A_971 = arith.constant 128 : i32
          %mul3A_972 = arith.muli %scan3A_826, %mul3A_971 : i32
          %mul3A_973 = arith.constant 16 : i32
          %mul3A_974 = arith.muli %scan3A_840, %mul3A_973 : i32
          %add3A_975 = arith.addi %mul3A_972, %mul3A_974 : i32
          %add3A_976 = arith.constant 4 : i32
          %add3A_977 = arith.addi %add3A_975, %add3A_976 : i32
          %broadcast_in_dim3A_978 = arith.constant 0 : i32
          %broadcast_in_dim3A_979 = vector.broadcast %broadcast_in_dim3A_978 : i32 to vector<16xi32>
          %mul3A_980 = arith.constant 16 : i32
          %mul3A_981 = arith.muli %scan3A_840, %mul3A_980 : i32
          %add3A_982 = arith.constant 4 : i32
          %add3A_983 = arith.addi %mul3A_981, %add3A_982 : i32
          %add3A_984 = vector.broadcast %add3A_983 : i32 to vector<16xi32>
          %add3A_985 = arith.addi %broadcast_in_dim3A_979, %add3A_984 : vector<16xi32>
          %get3A_986 = arith.constant 1 : i32
          %get3A_987 = arith.index_cast %get3A_986 : i32 to index
          %get3A_988 = arith.index_cast %add3A_977 : i32 to index
          %get3A_989 = arith.constant 0 : index
          %get3A_990 = tpu.vector_load %arg7[%get3A_987, %get3A_988, %get3A_989] {strides = array<i32>} : memref<2x512x32xf32, #tpu.memory_space<vmem>>, vector<16xf32>,
          %get3A_991 = arith.constant 1 : i32
          %get3A_992 = arith.index_cast %get3A_991 : i32 to index
          %get3A_993 = arith.index_cast %add3A_977 : i32 to index
          %get3A_994 = arith.constant 16 : index
          %get3A_995 = tpu.vector_load %arg7[%get3A_992, %get3A_993, %get3A_994] {strides = array<i32>} : memref<2x512x32xf32, #tpu.memory_space<vmem>>, vector<16xf32>,
          %scatter3A_996 = arith.constant 0 : i32
          %scatter3A_997 = arith.constant 0 : i32
          %scatter3A_998 = tpu.memref_slice %arg8[%scan3A_732, %scatter3A_996, %scatter3A_997] : memref<2x128x133xf32, #tpu.memory_space<vmem>> -> memref<1x128x133xf32, #tpu.memory_space<vmem>>
          %scatter3A_999 = tpu.memref_squeeze %scatter3A_998 : memref<1x128x133xf32, #tpu.memory_space<vmem>> -> memref<128x133xf32, #tpu.memory_space<vmem>>
          tpu.vector_store_idx %scatter3A_999[%add3A_830, %add3A_985], %get3A_990 : memref<128x133xf32, #tpu.memory_space<vmem>>[vector<16xi32>, vector<16xi32>], vector<16xf32>,
          %scatter3A_1000 = arith.constant 0 : i32
          %scatter3A_1001 = arith.constant 0 : i32
          %scatter3A_1002 = tpu.memref_slice %arg8[%scan3A_732, %scatter3A_1000, %scatter3A_1001] : memref<2x128x133xf32, #tpu.memory_space<vmem>> -> memref<1x128x133xf32, #tpu.memory_space<vmem>>
          %scatter3A_1003 = tpu.memref_squeeze %scatter3A_1002 : memref<1x128x133xf32, #tpu.memory_space<vmem>> -> memref<128x133xf32, #tpu.memory_space<vmem>>
          tpu.vector_store_idx %scatter3A_1003[%add3A_834, %add3A_985], %get3A_995 : memref<128x133xf32, #tpu.memory_space<vmem>>[vector<16xi32>, vector<16xi32>], vector<16xf32>,
          %mul3A_1004 = arith.constant 128 : i32
          %mul3A_1005 = arith.muli %scan3A_826, %mul3A_1004 : i32
          %mul3A_1006 = arith.constant 16 : i32
          %mul3A_1007 = arith.muli %scan3A_840, %mul3A_1006 : i32
          %add3A_1008 = arith.addi %mul3A_1005, %mul3A_1007 : i32
          %add3A_1009 = arith.constant 5 : i32
          %add3A_1010 = arith.addi %add3A_1008, %add3A_1009 : i32
          %broadcast_in_dim3A_1011 = arith.constant 0 : i32
          %broadcast_in_dim3A_1012 = vector.broadcast %broadcast_in_dim3A_1011 : i32 to vector<16xi32>
          %mul3A_1013 = arith.constant 16 : i32
          %mul3A_1014 = arith.muli %scan3A_840, %mul3A_1013 : i32
          %add3A_1015 = arith.constant 5 : i32
          %add3A_1016 = arith.addi %mul3A_1014, %add3A_1015 : i32
          %add3A_1017 = vector.broadcast %add3A_1016 : i32 to vector<16xi32>
          %add3A_1018 = arith.addi %broadcast_in_dim3A_1012, %add3A_1017 : vector<16xi32>
          %get3A_1019 = arith.constant 1 : i32
          %get3A_1020 = arith.index_cast %get3A_1019 : i32 to index
          %get3A_1021 = arith.index_cast %add3A_1010 : i32 to index
          %get3A_1022 = arith.constant 0 : index
          %get3A_1023 = tpu.vector_load %arg7[%get3A_1020, %get3A_1021, %get3A_1022] {strides = array<i32>} : memref<2x512x32xf32, #tpu.memory_space<vmem>>, vector<16xf32>,
          %get3A_1024 = arith.constant 1 : i32
          %get3A_1025 = arith.index_cast %get3A_1024 : i32 to index
          %get3A_1026 = arith.index_cast %add3A_1010 : i32 to index
          %get3A_1027 = arith.constant 16 : index
          %get3A_1028 = tpu.vector_load %arg7[%get3A_1025, %get3A_1026, %get3A_1027] {strides = array<i32>} : memref<2x512x32xf32, #tpu.memory_space<vmem>>, vector<16xf32>,
          %scatter3A_1029 = arith.constant 0 : i32
          %scatter3A_1030 = arith.constant 0 : i32
          %scatter3A_1031 = tpu.memref_slice %arg8[%scan3A_732, %scatter3A_1029, %scatter3A_1030] : memref<2x128x133xf32, #tpu.memory_space<vmem>> -> memref<1x128x133xf32, #tpu.memory_space<vmem>>
          %scatter3A_1032 = tpu.memref_squeeze %scatter3A_1031 : memref<1x128x133xf32, #tpu.memory_space<vmem>> -> memref<128x133xf32, #tpu.memory_space<vmem>>
          tpu.vector_store_idx %scatter3A_1032[%add3A_830, %add3A_1018], %get3A_1023 : memref<128x133xf32, #tpu.memory_space<vmem>>[vector<16xi32>, vector<16xi32>], vector<16xf32>,
          %scatter3A_1033 = arith.constant 0 : i32
          %scatter3A_1034 = arith.constant 0 : i32
          %scatter3A_1035 = tpu.memref_slice %arg8[%scan3A_732, %scatter3A_1033, %scatter3A_1034] : memref<2x128x133xf32, #tpu.memory_space<vmem>> -> memref<1x128x133xf32, #tpu.memory_space<vmem>>
          %scatter3A_1036 = tpu.memref_squeeze %scatter3A_1035 : memref<1x128x133xf32, #tpu.memory_space<vmem>> -> memref<128x133xf32, #tpu.memory_space<vmem>>
          tpu.vector_store_idx %scatter3A_1036[%add3A_834, %add3A_1018], %get3A_1028 : memref<128x133xf32, #tpu.memory_space<vmem>>[vector<16xi32>, vector<16xi32>], vector<16xf32>,
          %mul3A_1037 = arith.constant 128 : i32
          %mul3A_1038 = arith.muli %scan3A_826, %mul3A_1037 : i32
          %mul3A_1039 = arith.constant 16 : i32
          %mul3A_1040 = arith.muli %scan3A_840, %mul3A_1039 : i32
          %add3A_1041 = arith.addi %mul3A_1038, %mul3A_1040 : i32
          %add3A_1042 = arith.constant 6 : i32
          %add3A_1043 = arith.addi %add3A_1041, %add3A_1042 : i32
          %broadcast_in_dim3A_1044 = arith.constant 0 : i32
          %broadcast_in_dim3A_1045 = vector.broadcast %broadcast_in_dim3A_1044 : i32 to vector<16xi32>
          %mul3A_1046 = arith.constant 16 : i32
          %mul3A_1047 = arith.muli %scan3A_840, %mul3A_1046 : i32
          %add3A_1048 = arith.constant 6 : i32
          %add3A_1049 = arith.addi %mul3A_1047, %add3A_1048 : i32
          %add3A_1050 = vector.broadcast %add3A_1049 : i32 to vector<16xi32>
          %add3A_1051 = arith.addi %broadcast_in_dim3A_1045, %add3A_1050 : vector<16xi32>
          %get3A_1052 = arith.constant 1 : i32
          %get3A_1053 = arith.index_cast %get3A_1052 : i32 to index
          %get3A_1054 = arith.index_cast %add3A_1043 : i32 to index
          %get3A_1055 = arith.constant 0 : index
          %get3A_1056 = tpu.vector_load %arg7[%get3A_1053, %get3A_1054, %get3A_1055] {strides = array<i32>} : memref<2x512x32xf32, #tpu.memory_space<vmem>>, vector<16xf32>,
          %get3A_1057 = arith.constant 1 : i32
          %get3A_1058 = arith.index_cast %get3A_1057 : i32 to index
          %get3A_1059 = arith.index_cast %add3A_1043 : i32 to index
          %get3A_1060 = arith.constant 16 : index
          %get3A_1061 = tpu.vector_load %arg7[%get3A_1058, %get3A_1059, %get3A_1060] {strides = array<i32>} : memref<2x512x32xf32, #tpu.memory_space<vmem>>, vector<16xf32>,
          %scatter3A_1062 = arith.constant 0 : i32
          %scatter3A_1063 = arith.constant 0 : i32
          %scatter3A_1064 = tpu.memref_slice %arg8[%scan3A_732, %scatter3A_1062, %scatter3A_1063] : memref<2x128x133xf32, #tpu.memory_space<vmem>> -> memref<1x128x133xf32, #tpu.memory_space<vmem>>
          %scatter3A_1065 = tpu.memref_squeeze %scatter3A_1064 : memref<1x128x133xf32, #tpu.memory_space<vmem>> -> memref<128x133xf32, #tpu.memory_space<vmem>>
          tpu.vector_store_idx %scatter3A_1065[%add3A_830, %add3A_1051], %get3A_1056 : memref<128x133xf32, #tpu.memory_space<vmem>>[vector<16xi32>, vector<16xi32>], vector<16xf32>,
          %scatter3A_1066 = arith.constant 0 : i32
          %scatter3A_1067 = arith.constant 0 : i32
          %scatter3A_1068 = tpu.memref_slice %arg8[%scan3A_732, %scatter3A_1066, %scatter3A_1067] : memref<2x128x133xf32, #tpu.memory_space<vmem>> -> memref<1x128x133xf32, #tpu.memory_space<vmem>>
          %scatter3A_1069 = tpu.memref_squeeze %scatter3A_1068 : memref<1x128x133xf32, #tpu.memory_space<vmem>> -> memref<128x133xf32, #tpu.memory_space<vmem>>
          tpu.vector_store_idx %scatter3A_1069[%add3A_834, %add3A_1051], %get3A_1061 : memref<128x133xf32, #tpu.memory_space<vmem>>[vector<16xi32>, vector<16xi32>], vector<16xf32>,
          %mul3A_1070 = arith.constant 128 : i32
          %mul3A_1071 = arith.muli %scan3A_826, %mul3A_1070 : i32
          %mul3A_1072 = arith.constant 16 : i32
          %mul3A_1073 = arith.muli %scan3A_840, %mul3A_1072 : i32
          %add3A_1074 = arith.addi %mul3A_1071, %mul3A_1073 : i32
          %add3A_1075 = arith.constant 7 : i32
          %add3A_1076 = arith.addi %add3A_1074, %add3A_1075 : i32
          %broadcast_in_dim3A_1077 = arith.constant 0 : i32
          %broadcast_in_dim3A_1078 = vector.broadcast %broadcast_in_dim3A_1077 : i32 to vector<16xi32>
          %mul3A_1079 = arith.constant 16 : i32
          %mul3A_1080 = arith.muli %scan3A_840, %mul3A_1079 : i32
          %add3A_1081 = arith.constant 7 : i32
          %add3A_1082 = arith.addi %mul3A_1080, %add3A_1081 : i32
          %add3A_1083 = vector.broadcast %add3A_1082 : i32 to vector<16xi32>
          %add3A_1084 = arith.addi %broadcast_in_dim3A_1078, %add3A_1083 : vector<16xi32>
          %get3A_1085 = arith.constant 1 : i32
          %get3A_1086 = arith.index_cast %get3A_1085 : i32 to index
          %get3A_1087 = arith.index_cast %add3A_1076 : i32 to index
          %get3A_1088 = arith.constant 0 : index
          %get3A_1089 = tpu.vector_load %arg7[%get3A_1086, %get3A_1087, %get3A_1088] {strides = array<i32>} : memref<2x512x32xf32, #tpu.memory_space<vmem>>, vector<16xf32>,
          %get3A_1090 = arith.constant 1 : i32
          %get3A_1091 = arith.index_cast %get3A_1090 : i32 to index
          %get3A_1092 = arith.index_cast %add3A_1076 : i32 to index
          %get3A_1093 = arith.constant 16 : index
          %get3A_1094 = tpu.vector_load %arg7[%get3A_1091, %get3A_1092, %get3A_1093] {strides = array<i32>} : memref<2x512x32xf32, #tpu.memory_space<vmem>>, vector<16xf32>,
          %scatter3A_1095 = arith.constant 0 : i32
          %scatter3A_1096 = arith.constant 0 : i32
          %scatter3A_1097 = tpu.memref_slice %arg8[%scan3A_732, %scatter3A_1095, %scatter3A_1096] : memref<2x128x133xf32, #tpu.memory_space<vmem>> -> memref<1x128x133xf32, #tpu.memory_space<vmem>>
          %scatter3A_1098 = tpu.memref_squeeze %scatter3A_1097 : memref<1x128x133xf32, #tpu.memory_space<vmem>> -> memref<128x133xf32, #tpu.memory_space<vmem>>
          tpu.vector_store_idx %scatter3A_1098[%add3A_830, %add3A_1084], %get3A_1089 : memref<128x133xf32, #tpu.memory_space<vmem>>[vector<16xi32>, vector<16xi32>], vector<16xf32>,
          %scatter3A_1099 = arith.constant 0 : i32
          %scatter3A_1100 = arith.constant 0 : i32
          %scatter3A_1101 = tpu.memref_slice %arg8[%scan3A_732, %scatter3A_1099, %scatter3A_1100] : memref<2x128x133xf32, #tpu.memory_space<vmem>> -> memref<1x128x133xf32, #tpu.memory_space<vmem>>
          %scatter3A_1102 = tpu.memref_squeeze %scatter3A_1101 : memref<1x128x133xf32, #tpu.memory_space<vmem>> -> memref<128x133xf32, #tpu.memory_space<vmem>>
          tpu.vector_store_idx %scatter3A_1102[%add3A_834, %add3A_1084], %get3A_1094 : memref<128x133xf32, #tpu.memory_space<vmem>>[vector<16xi32>, vector<16xi32>], vector<16xf32>,
          %mul3A_1103 = arith.constant 128 : i32
          %mul3A_1104 = arith.muli %scan3A_826, %mul3A_1103 : i32
          %mul3A_1105 = arith.constant 16 : i32
          %mul3A_1106 = arith.muli %scan3A_840, %mul3A_1105 : i32
          %add3A_1107 = arith.addi %mul3A_1104, %mul3A_1106 : i32
          %add3A_1108 = arith.constant 8 : i32
          %add3A_1109 = arith.addi %add3A_1107, %add3A_1108 : i32
          %broadcast_in_dim3A_1110 = arith.constant 0 : i32
          %broadcast_in_dim3A_1111 = vector.broadcast %broadcast_in_dim3A_1110 : i32 to vector<16xi32>
          %mul3A_1112 = arith.constant 16 : i32
          %mul3A_1113 = arith.muli %scan3A_840, %mul3A_1112 : i32
          %add3A_1114 = arith.constant 8 : i32
          %add3A_1115 = arith.addi %mul3A_1113, %add3A_1114 : i32
          %add3A_1116 = vector.broadcast %add3A_1115 : i32 to vector<16xi32>
          %add3A_1117 = arith.addi %broadcast_in_dim3A_1111, %add3A_1116 : vector<16xi32>
          %get3A_1118 = arith.constant 1 : i32
          %get3A_1119 = arith.index_cast %get3A_1118 : i32 to index
          %get3A_1120 = arith.index_cast %add3A_1109 : i32 to index
          %get3A_1121 = arith.constant 0 : index
          %get3A_1122 = tpu.vector_load %arg7[%get3A_1119, %get3A_1120, %get3A_1121] {strides = array<i32>} : memref<2x512x32xf32, #tpu.memory_space<vmem>>, vector<16xf32>,
          %get3A_1123 = arith.constant 1 : i32
          %get3A_1124 = arith.index_cast %get3A_1123 : i32 to index
          %get3A_1125 = arith.index_cast %add3A_1109 : i32 to index
          %get3A_1126 = arith.constant 16 : index
          %get3A_1127 = tpu.vector_load %arg7[%get3A_1124, %get3A_1125, %get3A_1126] {strides = array<i32>} : memref<2x512x32xf32, #tpu.memory_space<vmem>>, vector<16xf32>,
          %scatter3A_1128 = arith.constant 0 : i32
          %scatter3A_1129 = arith.constant 0 : i32
          %scatter3A_1130 = tpu.memref_slice %arg8[%scan3A_732, %scatter3A_1128, %scatter3A_1129] : memref<2x128x133xf32, #tpu.memory_space<vmem>> -> memref<1x128x133xf32, #tpu.memory_space<vmem>>
          %scatter3A_1131 = tpu.memref_squeeze %scatter3A_1130 : memref<1x128x133xf32, #tpu.memory_space<vmem>> -> memref<128x133xf32, #tpu.memory_space<vmem>>
          tpu.vector_store_idx %scatter3A_1131[%add3A_830, %add3A_1117], %get3A_1122 : memref<128x133xf32, #tpu.memory_space<vmem>>[vector<16xi32>, vector<16xi32>], vector<16xf32>,
          %scatter3A_1132 = arith.constant 0 : i32
          %scatter3A_1133 = arith.constant 0 : i32
          %scatter3A_1134 = tpu.memref_slice %arg8[%scan3A_732, %scatter3A_1132, %scatter3A_1133] : memref<2x128x133xf32, #tpu.memory_space<vmem>> -> memref<1x128x133xf32, #tpu.memory_space<vmem>>
          %scatter3A_1135 = tpu.memref_squeeze %scatter3A_1134 : memref<1x128x133xf32, #tpu.memory_space<vmem>> -> memref<128x133xf32, #tpu.memory_space<vmem>>
          tpu.vector_store_idx %scatter3A_1135[%add3A_834, %add3A_1117], %get3A_1127 : memref<128x133xf32, #tpu.memory_space<vmem>>[vector<16xi32>, vector<16xi32>], vector<16xf32>,
          %mul3A_1136 = arith.constant 128 : i32
          %mul3A_1137 = arith.muli %scan3A_826, %mul3A_1136 : i32
          %mul3A_1138 = arith.constant 16 : i32
          %mul3A_1139 = arith.muli %scan3A_840, %mul3A_1138 : i32
          %add3A_1140 = arith.addi %mul3A_1137, %mul3A_1139 : i32
          %add3A_1141 = arith.constant 9 : i32
          %add3A_1142 = arith.addi %add3A_1140, %add3A_1141 : i32
          %broadcast_in_dim3A_1143 = arith.constant 0 : i32
          %broadcast_in_dim3A_1144 = vector.broadcast %broadcast_in_dim3A_1143 : i32 to vector<16xi32>
          %mul3A_1145 = arith.constant 16 : i32
          %mul3A_1146 = arith.muli %scan3A_840, %mul3A_1145 : i32
          %add3A_1147 = arith.constant 9 : i32
          %add3A_1148 = arith.addi %mul3A_1146, %add3A_1147 : i32
          %add3A_1149 = vector.broadcast %add3A_1148 : i32 to vector<16xi32>
          %add3A_1150 = arith.addi %broadcast_in_dim3A_1144, %add3A_1149 : vector<16xi32>
          %get3A_1151 = arith.constant 1 : i32
          %get3A_1152 = arith.index_cast %get3A_1151 : i32 to index
          %get3A_1153 = arith.index_cast %add3A_1142 : i32 to index
          %get3A_1154 = arith.constant 0 : index
          %get3A_1155 = tpu.vector_load %arg7[%get3A_1152, %get3A_1153, %get3A_1154] {strides = array<i32>} : memref<2x512x32xf32, #tpu.memory_space<vmem>>, vector<16xf32>,
          %get3A_1156 = arith.constant 1 : i32
          %get3A_1157 = arith.index_cast %get3A_1156 : i32 to index
          %get3A_1158 = arith.index_cast %add3A_1142 : i32 to index
          %get3A_1159 = arith.constant 16 : index
          %get3A_1160 = tpu.vector_load %arg7[%get3A_1157, %get3A_1158, %get3A_1159] {strides = array<i32>} : memref<2x512x32xf32, #tpu.memory_space<vmem>>, vector<16xf32>,
          %scatter3A_1161 = arith.constant 0 : i32
          %scatter3A_1162 = arith.constant 0 : i32
          %scatter3A_1163 = tpu.memref_slice %arg8[%scan3A_732, %scatter3A_1161, %scatter3A_1162] : memref<2x128x133xf32, #tpu.memory_space<vmem>> -> memref<1x128x133xf32, #tpu.memory_space<vmem>>
          %scatter3A_1164 = tpu.memref_squeeze %scatter3A_1163 : memref<1x128x133xf32, #tpu.memory_space<vmem>> -> memref<128x133xf32, #tpu.memory_space<vmem>>
          tpu.vector_store_idx %scatter3A_1164[%add3A_830, %add3A_1150], %get3A_1155 : memref<128x133xf32, #tpu.memory_space<vmem>>[vector<16xi32>, vector<16xi32>], vector<16xf32>,
          %scatter3A_1165 = arith.constant 0 : i32
          %scatter3A_1166 = arith.constant 0 : i32
          %scatter3A_1167 = tpu.memref_slice %arg8[%scan3A_732, %scatter3A_1165, %scatter3A_1166] : memref<2x128x133xf32, #tpu.memory_space<vmem>> -> memref<1x128x133xf32, #tpu.memory_space<vmem>>
          %scatter3A_1168 = tpu.memref_squeeze %scatter3A_1167 : memref<1x128x133xf32, #tpu.memory_space<vmem>> -> memref<128x133xf32, #tpu.memory_space<vmem>>
          tpu.vector_store_idx %scatter3A_1168[%add3A_834, %add3A_1150], %get3A_1160 : memref<128x133xf32, #tpu.memory_space<vmem>>[vector<16xi32>, vector<16xi32>], vector<16xf32>,
          %mul3A_1169 = arith.constant 128 : i32
          %mul3A_1170 = arith.muli %scan3A_826, %mul3A_1169 : i32
          %mul3A_1171 = arith.constant 16 : i32
          %mul3A_1172 = arith.muli %scan3A_840, %mul3A_1171 : i32
          %add3A_1173 = arith.addi %mul3A_1170, %mul3A_1172 : i32
          %add3A_1174 = arith.constant 10 : i32
          %add3A_1175 = arith.addi %add3A_1173, %add3A_1174 : i32
          %broadcast_in_dim3A_1176 = arith.constant 0 : i32
          %broadcast_in_dim3A_1177 = vector.broadcast %broadcast_in_dim3A_1176 : i32 to vector<16xi32>
          %mul3A_1178 = arith.constant 16 : i32
          %mul3A_1179 = arith.muli %scan3A_840, %mul3A_1178 : i32
          %add3A_1180 = arith.constant 10 : i32
          %add3A_1181 = arith.addi %mul3A_1179, %add3A_1180 : i32
          %add3A_1182 = vector.broadcast %add3A_1181 : i32 to vector<16xi32>
          %add3A_1183 = arith.addi %broadcast_in_dim3A_1177, %add3A_1182 : vector<16xi32>
          %get3A_1184 = arith.constant 1 : i32
          %get3A_1185 = arith.index_cast %get3A_1184 : i32 to index
          %get3A_1186 = arith.index_cast %add3A_1175 : i32 to index
          %get3A_1187 = arith.constant 0 : index
          %get3A_1188 = tpu.vector_load %arg7[%get3A_1185, %get3A_1186, %get3A_1187] {strides = array<i32>} : memref<2x512x32xf32, #tpu.memory_space<vmem>>, vector<16xf32>,
          %get3A_1189 = arith.constant 1 : i32
          %get3A_1190 = arith.index_cast %get3A_1189 : i32 to index
          %get3A_1191 = arith.index_cast %add3A_1175 : i32 to index
          %get3A_1192 = arith.constant 16 : index
          %get3A_1193 = tpu.vector_load %arg7[%get3A_1190, %get3A_1191, %get3A_1192] {strides = array<i32>} : memref<2x512x32xf32, #tpu.memory_space<vmem>>, vector<16xf32>,
          %scatter3A_1194 = arith.constant 0 : i32
          %scatter3A_1195 = arith.constant 0 : i32
          %scatter3A_1196 = tpu.memref_slice %arg8[%scan3A_732, %scatter3A_1194, %scatter3A_1195] : memref<2x128x133xf32, #tpu.memory_space<vmem>> -> memref<1x128x133xf32, #tpu.memory_space<vmem>>
          %scatter3A_1197 = tpu.memref_squeeze %scatter3A_1196 : memref<1x128x133xf32, #tpu.memory_space<vmem>> -> memref<128x133xf32, #tpu.memory_space<vmem>>
          tpu.vector_store_idx %scatter3A_1197[%add3A_830, %add3A_1183], %get3A_1188 : memref<128x133xf32, #tpu.memory_space<vmem>>[vector<16xi32>, vector<16xi32>], vector<16xf32>,
          %scatter3A_1198 = arith.constant 0 : i32
          %scatter3A_1199 = arith.constant 0 : i32
          %scatter3A_1200 = tpu.memref_slice %arg8[%scan3A_732, %scatter3A_1198, %scatter3A_1199] : memref<2x128x133xf32, #tpu.memory_space<vmem>> -> memref<1x128x133xf32, #tpu.memory_space<vmem>>
          %scatter3A_1201 = tpu.memref_squeeze %scatter3A_1200 : memref<1x128x133xf32, #tpu.memory_space<vmem>> -> memref<128x133xf32, #tpu.memory_space<vmem>>
          tpu.vector_store_idx %scatter3A_1201[%add3A_834, %add3A_1183], %get3A_1193 : memref<128x133xf32, #tpu.memory_space<vmem>>[vector<16xi32>, vector<16xi32>], vector<16xf32>,
          %mul3A_1202 = arith.constant 128 : i32
          %mul3A_1203 = arith.muli %scan3A_826, %mul3A_1202 : i32
          %mul3A_1204 = arith.constant 16 : i32
          %mul3A_1205 = arith.muli %scan3A_840, %mul3A_1204 : i32
          %add3A_1206 = arith.addi %mul3A_1203, %mul3A_1205 : i32
          %add3A_1207 = arith.constant 11 : i32
          %add3A_1208 = arith.addi %add3A_1206, %add3A_1207 : i32
          %broadcast_in_dim3A_1209 = arith.constant 0 : i32
          %broadcast_in_dim3A_1210 = vector.broadcast %broadcast_in_dim3A_1209 : i32 to vector<16xi32>
          %mul3A_1211 = arith.constant 16 : i32
          %mul3A_1212 = arith.muli %scan3A_840, %mul3A_1211 : i32
          %add3A_1213 = arith.constant 11 : i32
          %add3A_1214 = arith.addi %mul3A_1212, %add3A_1213 : i32
          %add3A_1215 = vector.broadcast %add3A_1214 : i32 to vector<16xi32>
          %add3A_1216 = arith.addi %broadcast_in_dim3A_1210, %add3A_1215 : vector<16xi32>
          %get3A_1217 = arith.constant 1 : i32
          %get3A_1218 = arith.index_cast %get3A_1217 : i32 to index
          %get3A_1219 = arith.index_cast %add3A_1208 : i32 to index
          %get3A_1220 = arith.constant 0 : index
          %get3A_1221 = tpu.vector_load %arg7[%get3A_1218, %get3A_1219, %get3A_1220] {strides = array<i32>} : memref<2x512x32xf32, #tpu.memory_space<vmem>>, vector<16xf32>,
          %get3A_1222 = arith.constant 1 : i32
          %get3A_1223 = arith.index_cast %get3A_1222 : i32 to index
          %get3A_1224 = arith.index_cast %add3A_1208 : i32 to index
          %get3A_1225 = arith.constant 16 : index
          %get3A_1226 = tpu.vector_load %arg7[%get3A_1223, %get3A_1224, %get3A_1225] {strides = array<i32>} : memref<2x512x32xf32, #tpu.memory_space<vmem>>, vector<16xf32>,
          %scatter3A_1227 = arith.constant 0 : i32
          %scatter3A_1228 = arith.constant 0 : i32
          %scatter3A_1229 = tpu.memref_slice %arg8[%scan3A_732, %scatter3A_1227, %scatter3A_1228] : memref<2x128x133xf32, #tpu.memory_space<vmem>> -> memref<1x128x133xf32, #tpu.memory_space<vmem>>
          %scatter3A_1230 = tpu.memref_squeeze %scatter3A_1229 : memref<1x128x133xf32, #tpu.memory_space<vmem>> -> memref<128x133xf32, #tpu.memory_space<vmem>>
          tpu.vector_store_idx %scatter3A_1230[%add3A_830, %add3A_1216], %get3A_1221 : memref<128x133xf32, #tpu.memory_space<vmem>>[vector<16xi32>, vector<16xi32>], vector<16xf32>,
          %scatter3A_1231 = arith.constant 0 : i32
          %scatter3A_1232 = arith.constant 0 : i32
          %scatter3A_1233 = tpu.memref_slice %arg8[%scan3A_732, %scatter3A_1231, %scatter3A_1232] : memref<2x128x133xf32, #tpu.memory_space<vmem>> -> memref<1x128x133xf32, #tpu.memory_space<vmem>>
          %scatter3A_1234 = tpu.memref_squeeze %scatter3A_1233 : memref<1x128x133xf32, #tpu.memory_space<vmem>> -> memref<128x133xf32, #tpu.memory_space<vmem>>
          tpu.vector_store_idx %scatter3A_1234[%add3A_834, %add3A_1216], %get3A_1226 : memref<128x133xf32, #tpu.memory_space<vmem>>[vector<16xi32>, vector<16xi32>], vector<16xf32>,
          %mul3A_1235 = arith.constant 128 : i32
          %mul3A_1236 = arith.muli %scan3A_826, %mul3A_1235 : i32
          %mul3A_1237 = arith.constant 16 : i32
          %mul3A_1238 = arith.muli %scan3A_840, %mul3A_1237 : i32
          %add3A_1239 = arith.addi %mul3A_1236, %mul3A_1238 : i32
          %add3A_1240 = arith.constant 12 : i32
          %add3A_1241 = arith.addi %add3A_1239, %add3A_1240 : i32
          %broadcast_in_dim3A_1242 = arith.constant 0 : i32
          %broadcast_in_dim3A_1243 = vector.broadcast %broadcast_in_dim3A_1242 : i32 to vector<16xi32>
          %mul3A_1244 = arith.constant 16 : i32
          %mul3A_1245 = arith.muli %scan3A_840, %mul3A_1244 : i32
          %add3A_1246 = arith.constant 12 : i32
          %add3A_1247 = arith.addi %mul3A_1245, %add3A_1246 : i32
          %add3A_1248 = vector.broadcast %add3A_1247 : i32 to vector<16xi32>
          %add3A_1249 = arith.addi %broadcast_in_dim3A_1243, %add3A_1248 : vector<16xi32>
          %get3A_1250 = arith.constant 1 : i32
          %get3A_1251 = arith.index_cast %get3A_1250 : i32 to index
          %get3A_1252 = arith.index_cast %add3A_1241 : i32 to index
          %get3A_1253 = arith.constant 0 : index
          %get3A_1254 = tpu.vector_load %arg7[%get3A_1251, %get3A_1252, %get3A_1253] {strides = array<i32>} : memref<2x512x32xf32, #tpu.memory_space<vmem>>, vector<16xf32>,
          %get3A_1255 = arith.constant 1 : i32
          %get3A_1256 = arith.index_cast %get3A_1255 : i32 to index
          %get3A_1257 = arith.index_cast %add3A_1241 : i32 to index
          %get3A_1258 = arith.constant 16 : index
          %get3A_1259 = tpu.vector_load %arg7[%get3A_1256, %get3A_1257, %get3A_1258] {strides = array<i32>} : memref<2x512x32xf32, #tpu.memory_space<vmem>>, vector<16xf32>,
          %scatter3A_1260 = arith.constant 0 : i32
          %scatter3A_1261 = arith.constant 0 : i32
          %scatter3A_1262 = tpu.memref_slice %arg8[%scan3A_732, %scatter3A_1260, %scatter3A_1261] : memref<2x128x133xf32, #tpu.memory_space<vmem>> -> memref<1x128x133xf32, #tpu.memory_space<vmem>>
          %scatter3A_1263 = tpu.memref_squeeze %scatter3A_1262 : memref<1x128x133xf32, #tpu.memory_space<vmem>> -> memref<128x133xf32, #tpu.memory_space<vmem>>
          tpu.vector_store_idx %scatter3A_1263[%add3A_830, %add3A_1249], %get3A_1254 : memref<128x133xf32, #tpu.memory_space<vmem>>[vector<16xi32>, vector<16xi32>], vector<16xf32>,
          %scatter3A_1264 = arith.constant 0 : i32
          %scatter3A_1265 = arith.constant 0 : i32
          %scatter3A_1266 = tpu.memref_slice %arg8[%scan3A_732, %scatter3A_1264, %scatter3A_1265] : memref<2x128x133xf32, #tpu.memory_space<vmem>> -> memref<1x128x133xf32, #tpu.memory_space<vmem>>
          %scatter3A_1267 = tpu.memref_squeeze %scatter3A_1266 : memref<1x128x133xf32, #tpu.memory_space<vmem>> -> memref<128x133xf32, #tpu.memory_space<vmem>>
          tpu.vector_store_idx %scatter3A_1267[%add3A_834, %add3A_1249], %get3A_1259 : memref<128x133xf32, #tpu.memory_space<vmem>>[vector<16xi32>, vector<16xi32>], vector<16xf32>,
          %mul3A_1268 = arith.constant 128 : i32
          %mul3A_1269 = arith.muli %scan3A_826, %mul3A_1268 : i32
          %mul3A_1270 = arith.constant 16 : i32
          %mul3A_1271 = arith.muli %scan3A_840, %mul3A_1270 : i32
          %add3A_1272 = arith.addi %mul3A_1269, %mul3A_1271 : i32
          %add3A_1273 = arith.constant 13 : i32
          %add3A_1274 = arith.addi %add3A_1272, %add3A_1273 : i32
          %broadcast_in_dim3A_1275 = arith.constant 0 : i32
          %broadcast_in_dim3A_1276 = vector.broadcast %broadcast_in_dim3A_1275 : i32 to vector<16xi32>
          %mul3A_1277 = arith.constant 16 : i32
          %mul3A_1278 = arith.muli %scan3A_840, %mul3A_1277 : i32
          %add3A_1279 = arith.constant 13 : i32
          %add3A_1280 = arith.addi %mul3A_1278, %add3A_1279 : i32
          %add3A_1281 = vector.broadcast %add3A_1280 : i32 to vector<16xi32>
          %add3A_1282 = arith.addi %broadcast_in_dim3A_1276, %add3A_1281 : vector<16xi32>
          %get3A_1283 = arith.constant 1 : i32
          %get3A_1284 = arith.index_cast %get3A_1283 : i32 to index
          %get3A_1285 = arith.index_cast %add3A_1274 : i32 to index
          %get3A_1286 = arith.constant 0 : index
          %get3A_1287 = tpu.vector_load %arg7[%get3A_1284, %get3A_1285, %get3A_1286] {strides = array<i32>} : memref<2x512x32xf32, #tpu.memory_space<vmem>>, vector<16xf32>,
          %get3A_1288 = arith.constant 1 : i32
          %get3A_1289 = arith.index_cast %get3A_1288 : i32 to index
          %get3A_1290 = arith.index_cast %add3A_1274 : i32 to index
          %get3A_1291 = arith.constant 16 : index
          %get3A_1292 = tpu.vector_load %arg7[%get3A_1289, %get3A_1290, %get3A_1291] {strides = array<i32>} : memref<2x512x32xf32, #tpu.memory_space<vmem>>, vector<16xf32>,
          %scatter3A_1293 = arith.constant 0 : i32
          %scatter3A_1294 = arith.constant 0 : i32
          %scatter3A_1295 = tpu.memref_slice %arg8[%scan3A_732, %scatter3A_1293, %scatter3A_1294] : memref<2x128x133xf32, #tpu.memory_space<vmem>> -> memref<1x128x133xf32, #tpu.memory_space<vmem>>
          %scatter3A_1296 = tpu.memref_squeeze %scatter3A_1295 : memref<1x128x133xf32, #tpu.memory_space<vmem>> -> memref<128x133xf32, #tpu.memory_space<vmem>>
          tpu.vector_store_idx %scatter3A_1296[%add3A_830, %add3A_1282], %get3A_1287 : memref<128x133xf32, #tpu.memory_space<vmem>>[vector<16xi32>, vector<16xi32>], vector<16xf32>,
          %scatter3A_1297 = arith.constant 0 : i32
          %scatter3A_1298 = arith.constant 0 : i32
          %scatter3A_1299 = tpu.memref_slice %arg8[%scan3A_732, %scatter3A_1297, %scatter3A_1298] : memref<2x128x133xf32, #tpu.memory_space<vmem>> -> memref<1x128x133xf32, #tpu.memory_space<vmem>>
          %scatter3A_1300 = tpu.memref_squeeze %scatter3A_1299 : memref<1x128x133xf32, #tpu.memory_space<vmem>> -> memref<128x133xf32, #tpu.memory_space<vmem>>
          tpu.vector_store_idx %scatter3A_1300[%add3A_834, %add3A_1282], %get3A_1292 : memref<128x133xf32, #tpu.memory_space<vmem>>[vector<16xi32>, vector<16xi32>], vector<16xf32>,
          %mul3A_1301 = arith.constant 128 : i32
          %mul3A_1302 = arith.muli %scan3A_826, %mul3A_1301 : i32
          %mul3A_1303 = arith.constant 16 : i32
          %mul3A_1304 = arith.muli %scan3A_840, %mul3A_1303 : i32
          %add3A_1305 = arith.addi %mul3A_1302, %mul3A_1304 : i32
          %add3A_1306 = arith.constant 14 : i32
          %add3A_1307 = arith.addi %add3A_1305, %add3A_1306 : i32
          %broadcast_in_dim3A_1308 = arith.constant 0 : i32
          %broadcast_in_dim3A_1309 = vector.broadcast %broadcast_in_dim3A_1308 : i32 to vector<16xi32>
          %mul3A_1310 = arith.constant 16 : i32
          %mul3A_1311 = arith.muli %scan3A_840, %mul3A_1310 : i32
          %add3A_1312 = arith.constant 14 : i32
          %add3A_1313 = arith.addi %mul3A_1311, %add3A_1312 : i32
          %add3A_1314 = vector.broadcast %add3A_1313 : i32 to vector<16xi32>
          %add3A_1315 = arith.addi %broadcast_in_dim3A_1309, %add3A_1314 : vector<16xi32>
          %get3A_1316 = arith.constant 1 : i32
          %get3A_1317 = arith.index_cast %get3A_1316 : i32 to index
          %get3A_1318 = arith.index_cast %add3A_1307 : i32 to index
          %get3A_1319 = arith.constant 0 : index
          %get3A_1320 = tpu.vector_load %arg7[%get3A_1317, %get3A_1318, %get3A_1319] {strides = array<i32>} : memref<2x512x32xf32, #tpu.memory_space<vmem>>, vector<16xf32>,
          %get3A_1321 = arith.constant 1 : i32
          %get3A_1322 = arith.index_cast %get3A_1321 : i32 to index
          %get3A_1323 = arith.index_cast %add3A_1307 : i32 to index
          %get3A_1324 = arith.constant 16 : index
          %get3A_1325 = tpu.vector_load %arg7[%get3A_1322, %get3A_1323, %get3A_1324] {strides = array<i32>} : memref<2x512x32xf32, #tpu.memory_space<vmem>>, vector<16xf32>,
          %scatter3A_1326 = arith.constant 0 : i32
          %scatter3A_1327 = arith.constant 0 : i32
          %scatter3A_1328 = tpu.memref_slice %arg8[%scan3A_732, %scatter3A_1326, %scatter3A_1327] : memref<2x128x133xf32, #tpu.memory_space<vmem>> -> memref<1x128x133xf32, #tpu.memory_space<vmem>>
          %scatter3A_1329 = tpu.memref_squeeze %scatter3A_1328 : memref<1x128x133xf32, #tpu.memory_space<vmem>> -> memref<128x133xf32, #tpu.memory_space<vmem>>
          tpu.vector_store_idx %scatter3A_1329[%add3A_830, %add3A_1315], %get3A_1320 : memref<128x133xf32, #tpu.memory_space<vmem>>[vector<16xi32>, vector<16xi32>], vector<16xf32>,
          %scatter3A_1330 = arith.constant 0 : i32
          %scatter3A_1331 = arith.constant 0 : i32
          %scatter3A_1332 = tpu.memref_slice %arg8[%scan3A_732, %scatter3A_1330, %scatter3A_1331] : memref<2x128x133xf32, #tpu.memory_space<vmem>> -> memref<1x128x133xf32, #tpu.memory_space<vmem>>
          %scatter3A_1333 = tpu.memref_squeeze %scatter3A_1332 : memref<1x128x133xf32, #tpu.memory_space<vmem>> -> memref<128x133xf32, #tpu.memory_space<vmem>>
          tpu.vector_store_idx %scatter3A_1333[%add3A_834, %add3A_1315], %get3A_1325 : memref<128x133xf32, #tpu.memory_space<vmem>>[vector<16xi32>, vector<16xi32>], vector<16xf32>,
          %mul3A_1334 = arith.constant 128 : i32
          %mul3A_1335 = arith.muli %scan3A_826, %mul3A_1334 : i32
          %mul3A_1336 = arith.constant 16 : i32
          %mul3A_1337 = arith.muli %scan3A_840, %mul3A_1336 : i32
          %add3A_1338 = arith.addi %mul3A_1335, %mul3A_1337 : i32
          %add3A_1339 = arith.constant 15 : i32
          %add3A_1340 = arith.addi %add3A_1338, %add3A_1339 : i32
          %broadcast_in_dim3A_1341 = arith.constant 0 : i32
          %broadcast_in_dim3A_1342 = vector.broadcast %broadcast_in_dim3A_1341 : i32 to vector<16xi32>
          %mul3A_1343 = arith.constant 16 : i32
          %mul3A_1344 = arith.muli %scan3A_840, %mul3A_1343 : i32
          %add3A_1345 = arith.constant 15 : i32
          %add3A_1346 = arith.addi %mul3A_1344, %add3A_1345 : i32
          %add3A_1347 = vector.broadcast %add3A_1346 : i32 to vector<16xi32>
          %add3A_1348 = arith.addi %broadcast_in_dim3A_1342, %add3A_1347 : vector<16xi32>
          %get3A_1349 = arith.constant 1 : i32
          %get3A_1350 = arith.index_cast %get3A_1349 : i32 to index
          %get3A_1351 = arith.index_cast %add3A_1340 : i32 to index
          %get3A_1352 = arith.constant 0 : index
          %get3A_1353 = tpu.vector_load %arg7[%get3A_1350, %get3A_1351, %get3A_1352] {strides = array<i32>} : memref<2x512x32xf32, #tpu.memory_space<vmem>>, vector<16xf32>,
          %get3A_1354 = arith.constant 1 : i32
          %get3A_1355 = arith.index_cast %get3A_1354 : i32 to index
          %get3A_1356 = arith.index_cast %add3A_1340 : i32 to index
          %get3A_1357 = arith.constant 16 : index
          %get3A_1358 = tpu.vector_load %arg7[%get3A_1355, %get3A_1356, %get3A_1357] {strides = array<i32>} : memref<2x512x32xf32, #tpu.memory_space<vmem>>, vector<16xf32>,
          %scatter3A_1359 = arith.constant 0 : i32
          %scatter3A_1360 = arith.constant 0 : i32
          %scatter3A_1361 = tpu.memref_slice %arg8[%scan3A_732, %scatter3A_1359, %scatter3A_1360] : memref<2x128x133xf32, #tpu.memory_space<vmem>> -> memref<1x128x133xf32, #tpu.memory_space<vmem>>
          %scatter3A_1362 = tpu.memref_squeeze %scatter3A_1361 : memref<1x128x133xf32, #tpu.memory_space<vmem>> -> memref<128x133xf32, #tpu.memory_space<vmem>>
          tpu.vector_store_idx %scatter3A_1362[%add3A_830, %add3A_1348], %get3A_1353 : memref<128x133xf32, #tpu.memory_space<vmem>>[vector<16xi32>, vector<16xi32>], vector<16xf32>,
          %scatter3A_1363 = arith.constant 0 : i32
          %scatter3A_1364 = arith.constant 0 : i32
          %scatter3A_1365 = tpu.memref_slice %arg8[%scan3A_732, %scatter3A_1363, %scatter3A_1364] : memref<2x128x133xf32, #tpu.memory_space<vmem>> -> memref<1x128x133xf32, #tpu.memory_space<vmem>>
          %scatter3A_1366 = tpu.memref_squeeze %scatter3A_1365 : memref<1x128x133xf32, #tpu.memory_space<vmem>> -> memref<128x133xf32, #tpu.memory_space<vmem>>
          tpu.vector_store_idx %scatter3A_1366[%add3A_834, %add3A_1348], %get3A_1358 : memref<128x133xf32, #tpu.memory_space<vmem>>[vector<16xi32>, vector<16xi32>], vector<16xf32>,
        }
        %scan3A_839 = arith.constant 8 : i32
      }
      %scan3A_737 = arith.constant 4 : i32
      %mul3A_738 = arith.constant 32 : i32
      %mul3A_739 = arith.muli %add3A, %mul3A_738 : i32
      %add3A_740 = arith.constant 0 : i32
      %add3A_741 = arith.addi %add3A_740, %mul3A_739 : i32
      %dma_start3A_742 = arith.constant 1 : i32
      %dma_start3A_743 = arith.constant 1 : i32
      %dma_start3A_744 = arith.constant 0 : i32
      %dma_start3A_745 = arith.constant 0 : i32
      %dma_start3A_746 = tpu.memref_slice %arg8[%dma_start3A_742, %dma_start3A_744, %dma_start3A_745] : memref<2x128x133xf32, #tpu.memory_space<vmem>> -> memref<1x32x128xf32, #tpu.memory_space<vmem>>
      %dma_start3A_747 = tpu.memref_squeeze %dma_start3A_746 : memref<1x32x128xf32, #tpu.memory_space<vmem>> -> memref<32x128xf32, #tpu.memory_space<vmem>>
      %dma_start3A_748 = arith.constant 0 : i32
      %dma_start3A_749 = tpu.memref_slice %arg4[%add3A_696, %add3A_741, %dma_start3A_748] : memref<50x4096x128xf32, #tpu.memory_space<hbm>> -> memref<1x32x128xf32, #tpu.memory_space<hbm>>
      %dma_start3A_750 = tpu.memref_squeeze %dma_start3A_749 : memref<1x32x128xf32, #tpu.memory_space<hbm>> -> memref<32x128xf32, #tpu.memory_space<hbm>>
      %dma_start3A_751 = tpu.memref_slice %arg11[%dma_start3A_743] : memref<2x!tpu.dma_semaphore, #tpu.memory_space<semaphore_mem>> -> memref<1x!tpu.dma_semaphore, #tpu.memory_space<semaphore_mem>>
      %dma_start3A_752 = tpu.memref_squeeze %dma_start3A_751 : memref<1x!tpu.dma_semaphore, #tpu.memory_space<semaphore_mem>> -> memref<!tpu.dma_semaphore, #tpu.memory_space<semaphore_mem>>
      %dma_start3A_753 = arith.constant 0 : i32
      %dma_start3A_754 = tpu.memref_slice %arg4[%add3A_696, %add3A_741, %dma_start3A_753] : memref<50x4096x128xf32, #tpu.memory_space<hbm>> -> memref<1x32x128xf32, #tpu.memory_space<hbm>>
      %dma_start3A_755 = tpu.memref_squeeze %dma_start3A_754 : memref<1x32x128xf32, #tpu.memory_space<hbm>> -> memref<32x128xf32, #tpu.memory_space<hbm>>
      %dma_start3A_756 = arith.constant 0 : i32
      %dma_start3A_757 = arith.constant 0 : i32
      %dma_start3A_758 = tpu.memref_slice %arg8[%dma_start3A_742, %dma_start3A_756, %dma_start3A_757] : memref<2x128x133xf32, #tpu.memory_space<vmem>> -> memref<1x32x128xf32, #tpu.memory_space<vmem>>
      %dma_start3A_759 = tpu.memref_squeeze %dma_start3A_758 : memref<1x32x128xf32, #tpu.memory_space<vmem>> -> memref<32x128xf32, #tpu.memory_space<vmem>>
      tpu.enqueue_dma source(%dma_start3A_759 : memref<32x128xf32, #tpu.memory_space<vmem>>) target(%dma_start3A_755 : memref<32x128xf32, #tpu.memory_space<hbm>>) target_semaphore(%dma_start3A_752 : memref<!tpu.dma_semaphore, #tpu.memory_space<semaphore_mem>>)
      %mul3A_760 = arith.constant 32 : i32
      %mul3A_761 = arith.muli %add3A, %mul3A_760 : i32
      %add3A_762 = arith.constant 1024 : i32
      %add3A_763 = arith.addi %add3A_762, %mul3A_761 : i32
      %dma_start3A_764 = arith.constant 1 : i32
      %dma_start3A_765 = arith.constant 1 : i32
      %dma_start3A_766 = arith.constant 32 : i32
      %dma_start3A_767 = arith.constant 0 : i32
      %dma_start3A_768 = tpu.memref_slice %arg8[%dma_start3A_764, %dma_start3A_766, %dma_start3A_767] : memref<2x128x133xf32, #tpu.memory_space<vmem>> -> memref<1x32x128xf32, #tpu.memory_space<vmem>>
      %dma_start3A_769 = tpu.memref_squeeze %dma_start3A_768 : memref<1x32x128xf32, #tpu.memory_space<vmem>> -> memref<32x128xf32, #tpu.memory_space<vmem>>
      %dma_start3A_770 = arith.constant 0 : i32
      %dma_start3A_771 = tpu.memref_slice %arg4[%add3A_696, %add3A_763, %dma_start3A_770] : memref<50x4096x128xf32, #tpu.memory_space<hbm>> -> memref<1x32x128xf32, #tpu.memory_space<hbm>>
      %dma_start3A_772 = tpu.memref_squeeze %dma_start3A_771 : memref<1x32x128xf32, #tpu.memory_space<hbm>> -> memref<32x128xf32, #tpu.memory_space<hbm>>
      %dma_start3A_773 = tpu.memref_slice %arg11[%dma_start3A_765] : memref<2x!tpu.dma_semaphore, #tpu.memory_space<semaphore_mem>> -> memref<1x!tpu.dma_semaphore, #tpu.memory_space<semaphore_mem>>
      %dma_start3A_774 = tpu.memref_squeeze %dma_start3A_773 : memref<1x!tpu.dma_semaphore, #tpu.memory_space<semaphore_mem>> -> memref<!tpu.dma_semaphore, #tpu.memory_space<semaphore_mem>>
      %dma_start3A_775 = arith.constant 0 : i32
      %dma_start3A_776 = tpu.memref_slice %arg4[%add3A_696, %add3A_763, %dma_start3A_775] : memref<50x4096x128xf32, #tpu.memory_space<hbm>> -> memref<1x32x128xf32, #tpu.memory_space<hbm>>
      %dma_start3A_777 = tpu.memref_squeeze %dma_start3A_776 : memref<1x32x128xf32, #tpu.memory_space<hbm>> -> memref<32x128xf32, #tpu.memory_space<hbm>>
      %dma_start3A_778 = arith.constant 32 : i32
      %dma_start3A_779 = arith.constant 0 : i32
      %dma_start3A_780 = tpu.memref_slice %arg8[%dma_start3A_764, %dma_start3A_778, %dma_start3A_779] : memref<2x128x133xf32, #tpu.memory_space<vmem>> -> memref<1x32x128xf32, #tpu.memory_space<vmem>>
      %dma_start3A_781 = tpu.memref_squeeze %dma_start3A_780 : memref<1x32x128xf32, #tpu.memory_space<vmem>> -> memref<32x128xf32, #tpu.memory_space<vmem>>
      tpu.enqueue_dma source(%dma_start3A_781 : memref<32x128xf32, #tpu.memory_space<vmem>>) target(%dma_start3A_777 : memref<32x128xf32, #tpu.memory_space<hbm>>) target_semaphore(%dma_start3A_774 : memref<!tpu.dma_semaphore, #tpu.memory_space<semaphore_mem>>)
      %mul3A_782 = arith.constant 32 : i32
      %mul3A_783 = arith.muli %add3A, %mul3A_782 : i32
      %add3A_784 = arith.constant 2048 : i32
      %add3A_785 = arith.addi %add3A_784, %mul3A_783 : i32
      %dma_start3A_786 = arith.constant 1 : i32
      %dma_start3A_787 = arith.constant 1 : i32
      %dma_start3A_788 = arith.constant 64 : i32
      %dma_start3A_789 = arith.constant 0 : i32
      %dma_start3A_790 = tpu.memref_slice %arg8[%dma_start3A_786, %dma_start3A_788, %dma_start3A_789] : memref<2x128x133xf32, #tpu.memory_space<vmem>> -> memref<1x32x128xf32, #tpu.memory_space<vmem>>
      %dma_start3A_791 = tpu.memref_squeeze %dma_start3A_790 : memref<1x32x128xf32, #tpu.memory_space<vmem>> -> memref<32x128xf32, #tpu.memory_space<vmem>>
      %dma_start3A_792 = arith.constant 0 : i32
      %dma_start3A_793 = tpu.memref_slice %arg4[%add3A_696, %add3A_785, %dma_start3A_792] : memref<50x4096x128xf32, #tpu.memory_space<hbm>> -> memref<1x32x128xf32, #tpu.memory_space<hbm>>
      %dma_start3A_794 = tpu.memref_squeeze %dma_start3A_793 : memref<1x32x128xf32, #tpu.memory_space<hbm>> -> memref<32x128xf32, #tpu.memory_space<hbm>>
      %dma_start3A_795 = tpu.memref_slice %arg11[%dma_start3A_787] : memref<2x!tpu.dma_semaphore, #tpu.memory_space<semaphore_mem>> -> memref<1x!tpu.dma_semaphore, #tpu.memory_space<semaphore_mem>>
      %dma_start3A_796 = tpu.memref_squeeze %dma_start3A_795 : memref<1x!tpu.dma_semaphore, #tpu.memory_space<semaphore_mem>> -> memref<!tpu.dma_semaphore, #tpu.memory_space<semaphore_mem>>
      %dma_start3A_797 = arith.constant 0 : i32
      %dma_start3A_798 = tpu.memref_slice %arg4[%add3A_696, %add3A_785, %dma_start3A_797] : memref<50x4096x128xf32, #tpu.memory_space<hbm>> -> memref<1x32x128xf32, #tpu.memory_space<hbm>>
      %dma_start3A_799 = tpu.memref_squeeze %dma_start3A_798 : memref<1x32x128xf32, #tpu.memory_space<hbm>> -> memref<32x128xf32, #tpu.memory_space<hbm>>
      %dma_start3A_800 = arith.constant 64 : i32
      %dma_start3A_801 = arith.constant 0 : i32
      %dma_start3A_802 = tpu.memref_slice %arg8[%dma_start3A_786, %dma_start3A_800, %dma_start3A_801] : memref<2x128x133xf32, #tpu.memory_space<vmem>> -> memref<1x32x128xf32, #tpu.memory_space<vmem>>
      %dma_start3A_803 = tpu.memref_squeeze %dma_start3A_802 : memref<1x32x128xf32, #tpu.memory_space<vmem>> -> memref<32x128xf32, #tpu.memory_space<vmem>>
      tpu.enqueue_dma source(%dma_start3A_803 : memref<32x128xf32, #tpu.memory_space<vmem>>) target(%dma_start3A_799 : memref<32x128xf32, #tpu.memory_space<hbm>>) target_semaphore(%dma_start3A_796 : memref<!tpu.dma_semaphore, #tpu.memory_space<semaphore_mem>>)
      %mul3A_804 = arith.constant 32 : i32
      %mul3A_805 = arith.muli %add3A, %mul3A_804 : i32
      %add3A_806 = arith.constant 3072 : i32
      %add3A_807 = arith.addi %add3A_806, %mul3A_805 : i32
      %dma_start3A_808 = arith.constant 1 : i32
      %dma_start3A_809 = arith.constant 1 : i32
      %dma_start3A_810 = arith.constant 96 : i32
      %dma_start3A_811 = arith.constant 0 : i32
      %dma_start3A_812 = tpu.memref_slice %arg8[%dma_start3A_808, %dma_start3A_810, %dma_start3A_811] : memref<2x128x133xf32, #tpu.memory_space<vmem>> -> memref<1x32x128xf32, #tpu.memory_space<vmem>>
      %dma_start3A_813 = tpu.memref_squeeze %dma_start3A_812 : memref<1x32x128xf32, #tpu.memory_space<vmem>> -> memref<32x128xf32, #tpu.memory_space<vmem>>
      %dma_start3A_814 = arith.constant 0 : i32
      %dma_start3A_815 = tpu.memref_slice %arg4[%add3A_696, %add3A_807, %dma_start3A_814] : memref<50x4096x128xf32, #tpu.memory_space<hbm>> -> memref<1x32x128xf32, #tpu.memory_space<hbm>>
      %dma_start3A_816 = tpu.memref_squeeze %dma_start3A_815 : memref<1x32x128xf32, #tpu.memory_space<hbm>> -> memref<32x128xf32, #tpu.memory_space<hbm>>
      %dma_start3A_817 = tpu.memref_slice %arg11[%dma_start3A_809] : memref<2x!tpu.dma_semaphore, #tpu.memory_space<semaphore_mem>> -> memref<1x!tpu.dma_semaphore, #tpu.memory_space<semaphore_mem>>
      %dma_start3A_818 = tpu.memref_squeeze %dma_start3A_817 : memref<1x!tpu.dma_semaphore, #tpu.memory_space<semaphore_mem>> -> memref<!tpu.dma_semaphore, #tpu.memory_space<semaphore_mem>>
      %dma_start3A_819 = arith.constant 0 : i32
      %dma_start3A_820 = tpu.memref_slice %arg4[%add3A_696, %add3A_807, %dma_start3A_819] : memref<50x4096x128xf32, #tpu.memory_space<hbm>> -> memref<1x32x128xf32, #tpu.memory_space<hbm>>
      %dma_start3A_821 = tpu.memref_squeeze %dma_start3A_820 : memref<1x32x128xf32, #tpu.memory_space<hbm>> -> memref<32x128xf32, #tpu.memory_space<hbm>>
      %dma_start3A_822 = arith.constant 96 : i32
      %dma_start3A_823 = arith.constant 0 : i32
      %dma_start3A_824 = tpu.memref_slice %arg8[%dma_start3A_808, %dma_start3A_822, %dma_start3A_823] : memref<2x128x133xf32, #tpu.memory_space<vmem>> -> memref<1x32x128xf32, #tpu.memory_space<vmem>>
      %dma_start3A_825 = tpu.memref_squeeze %dma_start3A_824 : memref<1x32x128xf32, #tpu.memory_space<vmem>> -> memref<32x128xf32, #tpu.memory_space<vmem>>
      tpu.enqueue_dma source(%dma_start3A_825 : memref<32x128xf32, #tpu.memory_space<vmem>>) target(%dma_start3A_821 : memref<32x128xf32, #tpu.memory_space<hbm>>) target_semaphore(%dma_start3A_818 : memref<!tpu.dma_semaphore, #tpu.memory_space<semaphore_mem>>)
    }
    %scan3A_393 = arith.constant 25 : i32
    %dma_wait3A_394 = arith.constant 0 : i32
    %dma_wait3A_395 = arith.constant 0 : i32
    %dma_wait3A_396 = arith.constant 0 : i32
    %dma_wait3A_397 = arith.constant 0 : i32
    %dma_wait3A_398 = arith.constant 0 : i32
    %dma_wait3A_399 = tpu.memref_slice %arg8[%dma_wait3A_394, %dma_wait3A_397, %dma_wait3A_398] : memref<2x128x133xf32, #tpu.memory_space<vmem>> -> memref<1x32x128xf32, #tpu.memory_space<vmem>>
    %dma_wait3A_400 = tpu.memref_squeeze %dma_wait3A_399 : memref<1x32x128xf32, #tpu.memory_space<vmem>> -> memref<32x128xf32, #tpu.memory_space<vmem>>
    %dma_wait3A_401 = arith.constant 0 : i32
    %dma_wait3A_402 = arith.constant 0 : i32
    %dma_wait3A_403 = tpu.memref_slice %arg4[%dma_wait3A_395, %dma_wait3A_401, %dma_wait3A_402] : memref<50x4096x128xf32, #tpu.memory_space<hbm>> -> memref<1x32x128xf32, #tpu.memory_space<hbm>>
    %dma_wait3A_404 = tpu.memref_squeeze %dma_wait3A_403 : memref<1x32x128xf32, #tpu.memory_space<hbm>> -> memref<32x128xf32, #tpu.memory_space<hbm>>
    %dma_wait3A_405 = tpu.memref_slice %arg11[%dma_wait3A_396] : memref<2x!tpu.dma_semaphore, #tpu.memory_space<semaphore_mem>> -> memref<1x!tpu.dma_semaphore, #tpu.memory_space<semaphore_mem>>
    %dma_wait3A_406 = tpu.memref_squeeze %dma_wait3A_405 : memref<1x!tpu.dma_semaphore, #tpu.memory_space<semaphore_mem>> -> memref<!tpu.dma_semaphore, #tpu.memory_space<semaphore_mem>>
    %dma_wait3A_407 = arith.constant 0 : i32
    %dma_wait3A_408 = arith.constant 0 : i32
    %dma_wait3A_409 = tpu.memref_slice %arg4[%dma_wait3A_395, %dma_wait3A_407, %dma_wait3A_408] : memref<50x4096x128xf32, #tpu.memory_space<hbm>> -> memref<1x32x128xf32, #tpu.memory_space<hbm>>
    %dma_wait3A_410 = tpu.memref_squeeze %dma_wait3A_409 : memref<1x32x128xf32, #tpu.memory_space<hbm>> -> memref<32x128xf32, #tpu.memory_space<hbm>>
    %dma_wait3A_411 = arith.constant 0 : i32
    %dma_wait3A_412 = arith.constant 0 : i32
    %dma_wait3A_413 = tpu.memref_slice %arg8[%dma_wait3A_394, %dma_wait3A_411, %dma_wait3A_412] : memref<2x128x133xf32, #tpu.memory_space<vmem>> -> memref<1x32x128xf32, #tpu.memory_space<vmem>>
    %dma_wait3A_414 = tpu.memref_squeeze %dma_wait3A_413 : memref<1x32x128xf32, #tpu.memory_space<vmem>> -> memref<32x128xf32, #tpu.memory_space<vmem>>
    tpu.wait_dma2 semaphore(%dma_wait3A_406 : memref<!tpu.dma_semaphore, #tpu.memory_space<semaphore_mem>>) src(%dma_wait3A_414 : memref<32x128xf32, #tpu.memory_space<vmem>>) dst(%dma_wait3A_410 : memref<32x128xf32, #tpu.memory_space<hbm>>)
    %dma_wait3A_415 = arith.constant 0 : i32
    %dma_wait3A_416 = arith.constant 0 : i32
    %dma_wait3A_417 = arith.constant 0 : i32
    %dma_wait3A_418 = arith.constant 32 : i32
    %dma_wait3A_419 = arith.constant 0 : i32
    %dma_wait3A_420 = tpu.memref_slice %arg8[%dma_wait3A_415, %dma_wait3A_418, %dma_wait3A_419] : memref<2x128x133xf32, #tpu.memory_space<vmem>> -> memref<1x32x128xf32, #tpu.memory_space<vmem>>
    %dma_wait3A_421 = tpu.memref_squeeze %dma_wait3A_420 : memref<1x32x128xf32, #tpu.memory_space<vmem>> -> memref<32x128xf32, #tpu.memory_space<vmem>>
    %dma_wait3A_422 = arith.constant 1024 : i32
    %dma_wait3A_423 = arith.constant 0 : i32
    %dma_wait3A_424 = tpu.memref_slice %arg4[%dma_wait3A_416, %dma_wait3A_422, %dma_wait3A_423] : memref<50x4096x128xf32, #tpu.memory_space<hbm>> -> memref<1x32x128xf32, #tpu.memory_space<hbm>>
    %dma_wait3A_425 = tpu.memref_squeeze %dma_wait3A_424 : memref<1x32x128xf32, #tpu.memory_space<hbm>> -> memref<32x128xf32, #tpu.memory_space<hbm>>
    %dma_wait3A_426 = tpu.memref_slice %arg11[%dma_wait3A_417] : memref<2x!tpu.dma_semaphore, #tpu.memory_space<semaphore_mem>> -> memref<1x!tpu.dma_semaphore, #tpu.memory_space<semaphore_mem>>
    %dma_wait3A_427 = tpu.memref_squeeze %dma_wait3A_426 : memref<1x!tpu.dma_semaphore, #tpu.memory_space<semaphore_mem>> -> memref<!tpu.dma_semaphore, #tpu.memory_space<semaphore_mem>>
    %dma_wait3A_428 = arith.constant 1024 : i32
    %dma_wait3A_429 = arith.constant 0 : i32
    %dma_wait3A_430 = tpu.memref_slice %arg4[%dma_wait3A_416, %dma_wait3A_428, %dma_wait3A_429] : memref<50x4096x128xf32, #tpu.memory_space<hbm>> -> memref<1x32x128xf32, #tpu.memory_space<hbm>>
    %dma_wait3A_431 = tpu.memref_squeeze %dma_wait3A_430 : memref<1x32x128xf32, #tpu.memory_space<hbm>> -> memref<32x128xf32, #tpu.memory_space<hbm>>
    %dma_wait3A_432 = arith.constant 32 : i32
    %dma_wait3A_433 = arith.constant 0 : i32
    %dma_wait3A_434 = tpu.memref_slice %arg8[%dma_wait3A_415, %dma_wait3A_432, %dma_wait3A_433] : memref<2x128x133xf32, #tpu.memory_space<vmem>> -> memref<1x32x128xf32, #tpu.memory_space<vmem>>
    %dma_wait3A_435 = tpu.memref_squeeze %dma_wait3A_434 : memref<1x32x128xf32, #tpu.memory_space<vmem>> -> memref<32x128xf32, #tpu.memory_space<vmem>>
    tpu.wait_dma2 semaphore(%dma_wait3A_427 : memref<!tpu.dma_semaphore, #tpu.memory_space<semaphore_mem>>) src(%dma_wait3A_435 : memref<32x128xf32, #tpu.memory_space<vmem>>) dst(%dma_wait3A_431 : memref<32x128xf32, #tpu.memory_space<hbm>>)
    %dma_wait3A_436 = arith.constant 0 : i32
    %dma_wait3A_437 = arith.constant 0 : i32
    %dma_wait3A_438 = arith.constant 0 : i32
    %dma_wait3A_439 = arith.constant 64 : i32
    %dma_wait3A_440 = arith.constant 0 : i32
    %dma_wait3A_441 = tpu.memref_slice %arg8[%dma_wait3A_436, %dma_wait3A_439, %dma_wait3A_440] : memref<2x128x133xf32, #tpu.memory_space<vmem>> -> memref<1x32x128xf32, #tpu.memory_space<vmem>>
    %dma_wait3A_442 = tpu.memref_squeeze %dma_wait3A_441 : memref<1x32x128xf32, #tpu.memory_space<vmem>> -> memref<32x128xf32, #tpu.memory_space<vmem>>
    %dma_wait3A_443 = arith.constant 2048 : i32
    %dma_wait3A_444 = arith.constant 0 : i32
    %dma_wait3A_445 = tpu.memref_slice %arg4[%dma_wait3A_437, %dma_wait3A_443, %dma_wait3A_444] : memref<50x4096x128xf32, #tpu.memory_space<hbm>> -> memref<1x32x128xf32, #tpu.memory_space<hbm>>
    %dma_wait3A_446 = tpu.memref_squeeze %dma_wait3A_445 : memref<1x32x128xf32, #tpu.memory_space<hbm>> -> memref<32x128xf32, #tpu.memory_space<hbm>>
    %dma_wait3A_447 = tpu.memref_slice %arg11[%dma_wait3A_438] : memref<2x!tpu.dma_semaphore, #tpu.memory_space<semaphore_mem>> -> memref<1x!tpu.dma_semaphore, #tpu.memory_space<semaphore_mem>>
    %dma_wait3A_448 = tpu.memref_squeeze %dma_wait3A_447 : memref<1x!tpu.dma_semaphore, #tpu.memory_space<semaphore_mem>> -> memref<!tpu.dma_semaphore, #tpu.memory_space<semaphore_mem>>
    %dma_wait3A_449 = arith.constant 2048 : i32
    %dma_wait3A_450 = arith.constant 0 : i32
    %dma_wait3A_451 = tpu.memref_slice %arg4[%dma_wait3A_437, %dma_wait3A_449, %dma_wait3A_450] : memref<50x4096x128xf32, #tpu.memory_space<hbm>> -> memref<1x32x128xf32, #tpu.memory_space<hbm>>
    %dma_wait3A_452 = tpu.memref_squeeze %dma_wait3A_451 : memref<1x32x128xf32, #tpu.memory_space<hbm>> -> memref<32x128xf32, #tpu.memory_space<hbm>>
    %dma_wait3A_453 = arith.constant 64 : i32
    %dma_wait3A_454 = arith.constant 0 : i32
    %dma_wait3A_455 = tpu.memref_slice %arg8[%dma_wait3A_436, %dma_wait3A_453, %dma_wait3A_454] : memref<2x128x133xf32, #tpu.memory_space<vmem>> -> memref<1x32x128xf32, #tpu.memory_space<vmem>>
    %dma_wait3A_456 = tpu.memref_squeeze %dma_wait3A_455 : memref<1x32x128xf32, #tpu.memory_space<vmem>> -> memref<32x128xf32, #tpu.memory_space<vmem>>
    tpu.wait_dma2 semaphore(%dma_wait3A_448 : memref<!tpu.dma_semaphore, #tpu.memory_space<semaphore_mem>>) src(%dma_wait3A_456 : memref<32x128xf32, #tpu.memory_space<vmem>>) dst(%dma_wait3A_452 : memref<32x128xf32, #tpu.memory_space<hbm>>)
    %dma_wait3A_457 = arith.constant 0 : i32
    %dma_wait3A_458 = arith.constant 0 : i32
    %dma_wait3A_459 = arith.constant 0 : i32
    %dma_wait3A_460 = arith.constant 96 : i32
    %dma_wait3A_461 = arith.constant 0 : i32
    %dma_wait3A_462 = tpu.memref_slice %arg8[%dma_wait3A_457, %dma_wait3A_460, %dma_wait3A_461] : memref<2x128x133xf32, #tpu.memory_space<vmem>> -> memref<1x32x128xf32, #tpu.memory_space<vmem>>
    %dma_wait3A_463 = tpu.memref_squeeze %dma_wait3A_462 : memref<1x32x128xf32, #tpu.memory_space<vmem>> -> memref<32x128xf32, #tpu.memory_space<vmem>>
    %dma_wait3A_464 = arith.constant 3072 : i32
    %dma_wait3A_465 = arith.constant 0 : i32
    %dma_wait3A_466 = tpu.memref_slice %arg4[%dma_wait3A_458, %dma_wait3A_464, %dma_wait3A_465] : memref<50x4096x128xf32, #tpu.memory_space<hbm>> -> memref<1x32x128xf32, #tpu.memory_space<hbm>>
    %dma_wait3A_467 = tpu.memref_squeeze %dma_wait3A_466 : memref<1x32x128xf32, #tpu.memory_space<hbm>> -> memref<32x128xf32, #tpu.memory_space<hbm>>
    %dma_wait3A_468 = tpu.memref_slice %arg11[%dma_wait3A_459] : memref<2x!tpu.dma_semaphore, #tpu.memory_space<semaphore_mem>> -> memref<1x!tpu.dma_semaphore, #tpu.memory_space<semaphore_mem>>
    %dma_wait3A_469 = tpu.memref_squeeze %dma_wait3A_468 : memref<1x!tpu.dma_semaphore, #tpu.memory_space<semaphore_mem>> -> memref<!tpu.dma_semaphore, #tpu.memory_space<semaphore_mem>>
    %dma_wait3A_470 = arith.constant 3072 : i32
    %dma_wait3A_471 = arith.constant 0 : i32
    %dma_wait3A_472 = tpu.memref_slice %arg4[%dma_wait3A_458, %dma_wait3A_470, %dma_wait3A_471] : memref<50x4096x128xf32, #tpu.memory_space<hbm>> -> memref<1x32x128xf32, #tpu.memory_space<hbm>>
    %dma_wait3A_473 = tpu.memref_squeeze %dma_wait3A_472 : memref<1x32x128xf32, #tpu.memory_space<hbm>> -> memref<32x128xf32, #tpu.memory_space<hbm>>
    %dma_wait3A_474 = arith.constant 96 : i32
    %dma_wait3A_475 = arith.constant 0 : i32
    %dma_wait3A_476 = tpu.memref_slice %arg8[%dma_wait3A_457, %dma_wait3A_474, %dma_wait3A_475] : memref<2x128x133xf32, #tpu.memory_space<vmem>> -> memref<1x32x128xf32, #tpu.memory_space<vmem>>
    %dma_wait3A_477 = tpu.memref_squeeze %dma_wait3A_476 : memref<1x32x128xf32, #tpu.memory_space<vmem>> -> memref<32x128xf32, #tpu.memory_space<vmem>>
    tpu.wait_dma2 semaphore(%dma_wait3A_469 : memref<!tpu.dma_semaphore, #tpu.memory_space<semaphore_mem>>) src(%dma_wait3A_477 : memref<32x128xf32, #tpu.memory_space<vmem>>) dst(%dma_wait3A_473 : memref<32x128xf32, #tpu.memory_space<hbm>>)
    %dma_wait3A_478 = arith.constant 1 : i32
    %dma_wait3A_479 = arith.constant 0 : i32
    %dma_wait3A_480 = arith.constant 1 : i32
    %dma_wait3A_481 = arith.constant 0 : i32
    %dma_wait3A_482 = arith.constant 0 : i32
    %dma_wait3A_483 = tpu.memref_slice %arg8[%dma_wait3A_478, %dma_wait3A_481, %dma_wait3A_482] : memref<2x128x133xf32, #tpu.memory_space<vmem>> -> memref<1x32x128xf32, #tpu.memory_space<vmem>>
    %dma_wait3A_484 = tpu.memref_squeeze %dma_wait3A_483 : memref<1x32x128xf32, #tpu.memory_space<vmem>> -> memref<32x128xf32, #tpu.memory_space<vmem>>
    %dma_wait3A_485 = arith.constant 0 : i32
    %dma_wait3A_486 = arith.constant 0 : i32
    %dma_wait3A_487 = tpu.memref_slice %arg4[%dma_wait3A_479, %dma_wait3A_485, %dma_wait3A_486] : memref<50x4096x128xf32, #tpu.memory_space<hbm>> -> memref<1x32x128xf32, #tpu.memory_space<hbm>>
    %dma_wait3A_488 = tpu.memref_squeeze %dma_wait3A_487 : memref<1x32x128xf32, #tpu.memory_space<hbm>> -> memref<32x128xf32, #tpu.memory_space<hbm>>
    %dma_wait3A_489 = tpu.memref_slice %arg11[%dma_wait3A_480] : memref<2x!tpu.dma_semaphore, #tpu.memory_space<semaphore_mem>> -> memref<1x!tpu.dma_semaphore, #tpu.memory_space<semaphore_mem>>
    %dma_wait3A_490 = tpu.memref_squeeze %dma_wait3A_489 : memref<1x!tpu.dma_semaphore, #tpu.memory_space<semaphore_mem>> -> memref<!tpu.dma_semaphore, #tpu.memory_space<semaphore_mem>>
    %dma_wait3A_491 = arith.constant 0 : i32
    %dma_wait3A_492 = arith.constant 0 : i32
    %dma_wait3A_493 = tpu.memref_slice %arg4[%dma_wait3A_479, %dma_wait3A_491, %dma_wait3A_492] : memref<50x4096x128xf32, #tpu.memory_space<hbm>> -> memref<1x32x128xf32, #tpu.memory_space<hbm>>
    %dma_wait3A_494 = tpu.memref_squeeze %dma_wait3A_493 : memref<1x32x128xf32, #tpu.memory_space<hbm>> -> memref<32x128xf32, #tpu.memory_space<hbm>>
    %dma_wait3A_495 = arith.constant 0 : i32
    %dma_wait3A_496 = arith.constant 0 : i32
    %dma_wait3A_497 = tpu.memref_slice %arg8[%dma_wait3A_478, %dma_wait3A_495, %dma_wait3A_496] : memref<2x128x133xf32, #tpu.memory_space<vmem>> -> memref<1x32x128xf32, #tpu.memory_space<vmem>>
    %dma_wait3A_498 = tpu.memref_squeeze %dma_wait3A_497 : memref<1x32x128xf32, #tpu.memory_space<vmem>> -> memref<32x128xf32, #tpu.memory_space<vmem>>
    tpu.wait_dma2 semaphore(%dma_wait3A_490 : memref<!tpu.dma_semaphore, #tpu.memory_space<semaphore_mem>>) src(%dma_wait3A_498 : memref<32x128xf32, #tpu.memory_space<vmem>>) dst(%dma_wait3A_494 : memref<32x128xf32, #tpu.memory_space<hbm>>)
    %dma_wait3A_499 = arith.constant 1 : i32
    %dma_wait3A_500 = arith.constant 0 : i32
    %dma_wait3A_501 = arith.constant 1 : i32
    %dma_wait3A_502 = arith.constant 32 : i32
    %dma_wait3A_503 = arith.constant 0 : i32
    %dma_wait3A_504 = tpu.memref_slice %arg8[%dma_wait3A_499, %dma_wait3A_502, %dma_wait3A_503] : memref<2x128x133xf32, #tpu.memory_space<vmem>> -> memref<1x32x128xf32, #tpu.memory_space<vmem>>
    %dma_wait3A_505 = tpu.memref_squeeze %dma_wait3A_504 : memref<1x32x128xf32, #tpu.memory_space<vmem>> -> memref<32x128xf32, #tpu.memory_space<vmem>>
    %dma_wait3A_506 = arith.constant 1024 : i32
    %dma_wait3A_507 = arith.constant 0 : i32
    %dma_wait3A_508 = tpu.memref_slice %arg4[%dma_wait3A_500, %dma_wait3A_506, %dma_wait3A_507] : memref<50x4096x128xf32, #tpu.memory_space<hbm>> -> memref<1x32x128xf32, #tpu.memory_space<hbm>>
    %dma_wait3A_509 = tpu.memref_squeeze %dma_wait3A_508 : memref<1x32x128xf32, #tpu.memory_space<hbm>> -> memref<32x128xf32, #tpu.memory_space<hbm>>
    %dma_wait3A_510 = tpu.memref_slice %arg11[%dma_wait3A_501] : memref<2x!tpu.dma_semaphore, #tpu.memory_space<semaphore_mem>> -> memref<1x!tpu.dma_semaphore, #tpu.memory_space<semaphore_mem>>
    %dma_wait3A_511 = tpu.memref_squeeze %dma_wait3A_510 : memref<1x!tpu.dma_semaphore, #tpu.memory_space<semaphore_mem>> -> memref<!tpu.dma_semaphore, #tpu.memory_space<semaphore_mem>>
    %dma_wait3A_512 = arith.constant 1024 : i32
    %dma_wait3A_513 = arith.constant 0 : i32
    %dma_wait3A_514 = tpu.memref_slice %arg4[%dma_wait3A_500, %dma_wait3A_512, %dma_wait3A_513] : memref<50x4096x128xf32, #tpu.memory_space<hbm>> -> memref<1x32x128xf32, #tpu.memory_space<hbm>>
    %dma_wait3A_515 = tpu.memref_squeeze %dma_wait3A_514 : memref<1x32x128xf32, #tpu.memory_space<hbm>> -> memref<32x128xf32, #tpu.memory_space<hbm>>
    %dma_wait3A_516 = arith.constant 32 : i32
    %dma_wait3A_517 = arith.constant 0 : i32
    %dma_wait3A_518 = tpu.memref_slice %arg8[%dma_wait3A_499, %dma_wait3A_516, %dma_wait3A_517] : memref<2x128x133xf32, #tpu.memory_space<vmem>> -> memref<1x32x128xf32, #tpu.memory_space<vmem>>
    %dma_wait3A_519 = tpu.memref_squeeze %dma_wait3A_518 : memref<1x32x128xf32, #tpu.memory_space<vmem>> -> memref<32x128xf32, #tpu.memory_space<vmem>>
    tpu.wait_dma2 semaphore(%dma_wait3A_511 : memref<!tpu.dma_semaphore, #tpu.memory_space<semaphore_mem>>) src(%dma_wait3A_519 : memref<32x128xf32, #tpu.memory_space<vmem>>) dst(%dma_wait3A_515 : memref<32x128xf32, #tpu.memory_space<hbm>>)
    %dma_wait3A_520 = arith.constant 1 : i32
    %dma_wait3A_521 = arith.constant 0 : i32
    %dma_wait3A_522 = arith.constant 1 : i32
    %dma_wait3A_523 = arith.constant 64 : i32
    %dma_wait3A_524 = arith.constant 0 : i32
    %dma_wait3A_525 = tpu.memref_slice %arg8[%dma_wait3A_520, %dma_wait3A_523, %dma_wait3A_524] : memref<2x128x133xf32, #tpu.memory_space<vmem>> -> memref<1x32x128xf32, #tpu.memory_space<vmem>>
    %dma_wait3A_526 = tpu.memref_squeeze %dma_wait3A_525 : memref<1x32x128xf32, #tpu.memory_space<vmem>> -> memref<32x128xf32, #tpu.memory_space<vmem>>
    %dma_wait3A_527 = arith.constant 2048 : i32
    %dma_wait3A_528 = arith.constant 0 : i32
    %dma_wait3A_529 = tpu.memref_slice %arg4[%dma_wait3A_521, %dma_wait3A_527, %dma_wait3A_528] : memref<50x4096x128xf32, #tpu.memory_space<hbm>> -> memref<1x32x128xf32, #tpu.memory_space<hbm>>
    %dma_wait3A_530 = tpu.memref_squeeze %dma_wait3A_529 : memref<1x32x128xf32, #tpu.memory_space<hbm>> -> memref<32x128xf32, #tpu.memory_space<hbm>>
    %dma_wait3A_531 = tpu.memref_slice %arg11[%dma_wait3A_522] : memref<2x!tpu.dma_semaphore, #tpu.memory_space<semaphore_mem>> -> memref<1x!tpu.dma_semaphore, #tpu.memory_space<semaphore_mem>>
    %dma_wait3A_532 = tpu.memref_squeeze %dma_wait3A_531 : memref<1x!tpu.dma_semaphore, #tpu.memory_space<semaphore_mem>> -> memref<!tpu.dma_semaphore, #tpu.memory_space<semaphore_mem>>
    %dma_wait3A_533 = arith.constant 2048 : i32
    %dma_wait3A_534 = arith.constant 0 : i32
    %dma_wait3A_535 = tpu.memref_slice %arg4[%dma_wait3A_521, %dma_wait3A_533, %dma_wait3A_534] : memref<50x4096x128xf32, #tpu.memory_space<hbm>> -> memref<1x32x128xf32, #tpu.memory_space<hbm>>
    %dma_wait3A_536 = tpu.memref_squeeze %dma_wait3A_535 : memref<1x32x128xf32, #tpu.memory_space<hbm>> -> memref<32x128xf32, #tpu.memory_space<hbm>>
    %dma_wait3A_537 = arith.constant 64 : i32
    %dma_wait3A_538 = arith.constant 0 : i32
    %dma_wait3A_539 = tpu.memref_slice %arg8[%dma_wait3A_520, %dma_wait3A_537, %dma_wait3A_538] : memref<2x128x133xf32, #tpu.memory_space<vmem>> -> memref<1x32x128xf32, #tpu.memory_space<vmem>>
    %dma_wait3A_540 = tpu.memref_squeeze %dma_wait3A_539 : memref<1x32x128xf32, #tpu.memory_space<vmem>> -> memref<32x128xf32, #tpu.memory_space<vmem>>
    tpu.wait_dma2 semaphore(%dma_wait3A_532 : memref<!tpu.dma_semaphore, #tpu.memory_space<semaphore_mem>>) src(%dma_wait3A_540 : memref<32x128xf32, #tpu.memory_space<vmem>>) dst(%dma_wait3A_536 : memref<32x128xf32, #tpu.memory_space<hbm>>)
    %dma_wait3A_541 = arith.constant 1 : i32
    %dma_wait3A_542 = arith.constant 0 : i32
    %dma_wait3A_543 = arith.constant 1 : i32
    %dma_wait3A_544 = arith.constant 96 : i32
    %dma_wait3A_545 = arith.constant 0 : i32
    %dma_wait3A_546 = tpu.memref_slice %arg8[%dma_wait3A_541, %dma_wait3A_544, %dma_wait3A_545] : memref<2x128x133xf32, #tpu.memory_space<vmem>> -> memref<1x32x128xf32, #tpu.memory_space<vmem>>
    %dma_wait3A_547 = tpu.memref_squeeze %dma_wait3A_546 : memref<1x32x128xf32, #tpu.memory_space<vmem>> -> memref<32x128xf32, #tpu.memory_space<vmem>>
    %dma_wait3A_548 = arith.constant 3072 : i32
    %dma_wait3A_549 = arith.constant 0 : i32
    %dma_wait3A_550 = tpu.memref_slice %arg4[%dma_wait3A_542, %dma_wait3A_548, %dma_wait3A_549] : memref<50x4096x128xf32, #tpu.memory_space<hbm>> -> memref<1x32x128xf32, #tpu.memory_space<hbm>>
    %dma_wait3A_551 = tpu.memref_squeeze %dma_wait3A_550 : memref<1x32x128xf32, #tpu.memory_space<hbm>> -> memref<32x128xf32, #tpu.memory_space<hbm>>
    %dma_wait3A_552 = tpu.memref_slice %arg11[%dma_wait3A_543] : memref<2x!tpu.dma_semaphore, #tpu.memory_space<semaphore_mem>> -> memref<1x!tpu.dma_semaphore, #tpu.memory_space<semaphore_mem>>
    %dma_wait3A_553 = tpu.memref_squeeze %dma_wait3A_552 : memref<1x!tpu.dma_semaphore, #tpu.memory_space<semaphore_mem>> -> memref<!tpu.dma_semaphore, #tpu.memory_space<semaphore_mem>>
    %dma_wait3A_554 = arith.constant 3072 : i32
    %dma_wait3A_555 = arith.constant 0 : i32
    %dma_wait3A_556 = tpu.memref_slice %arg4[%dma_wait3A_542, %dma_wait3A_554, %dma_wait3A_555] : memref<50x4096x128xf32, #tpu.memory_space<hbm>> -> memref<1x32x128xf32, #tpu.memory_space<hbm>>
    %dma_wait3A_557 = tpu.memref_squeeze %dma_wait3A_556 : memref<1x32x128xf32, #tpu.memory_space<hbm>> -> memref<32x128xf32, #tpu.memory_space<hbm>>
    %dma_wait3A_558 = arith.constant 96 : i32
    %dma_wait3A_559 = arith.constant 0 : i32
    %dma_wait3A_560 = tpu.memref_slice %arg8[%dma_wait3A_541, %dma_wait3A_558, %dma_wait3A_559] : memref<2x128x133xf32, #tpu.memory_space<vmem>> -> memref<1x32x128xf32, #tpu.memory_space<vmem>>
    %dma_wait3A_561 = tpu.memref_squeeze %dma_wait3A_560 : memref<1x32x128xf32, #tpu.memory_space<vmem>> -> memref<32x128xf32, #tpu.memory_space<vmem>>
    tpu.wait_dma2 semaphore(%dma_wait3A_553 : memref<!tpu.dma_semaphore, #tpu.memory_space<semaphore_mem>>) src(%dma_wait3A_561 : memref<32x128xf32, #tpu.memory_space<vmem>>) dst(%dma_wait3A_557 : memref<32x128xf32, #tpu.memory_space<hbm>>)
    return
  }
}

</mosaic_0001>

<sc_bundles>
// kernel: kernel.3.cloned.1.call-start
scs
__scs_entry_jumppad:
0x0: {  	(pc) =	sbr.rel $0x88, $3  }
0x1: {  	(tag) =	ssettag $0x0;
	lr =	simm.s32 $0x1  }
0x2: {  	[smem:$0x3F9F] =	sst lr;
	_ =	strace $0xD0000000  }
0x3: {  	_ = 	snop  }
0x4: {  	_ = 	snop  }
0x5: {  	_ = 	snop  }
0x6: {  	_ = 	snop  }
0x7: {  	_ = 	snop  }
__scs_overlays_trampoline_lowered:
0x8: {  	[smem:$0x3FAE] =	sst s0  }
0x9: {  	[smem:$0x3FAF] =	sst s1  }
0xa: {  	[smem:$0x3FB0] =	sst s2  }
0xb: {  	[smem:$0x3FB1] =	sst s3  }
0xc: {  	[smem:$0x3FB2] =	sst s4  }
0xd: {  	[smem:$0x3FB3] =	sst s5  }
0xe: {  	[smem:$0x3FB4] =	sst s6  }
0xf: {  	[smem:$0x3FB5] =	sst s7  }
0x10: {  	[smem:$0x3FB6] =	sst s8  }
0x11: {  	[smem:$0x3FB7] =	sst s9;
	s0 =	simm.s32 @!p0 $0x0  }
0x12: {  	s1 =	sld [smem:$0x3F9D];
	s0 =	simm.s32 @p0 $0x1  }
0x13: {  	[smem:$0x3FB8] =	sst s0;
	s0 =	simm.s32 @!p1 $0x0  }
0x14: {  	s2 =	sld [smem:$0x3F9C];
	s0 =	simm.s32 @p1 $0x1  }
0x15: {  	[smem:$0x3FB9] =	sst s0;
	s0 =	simm.s32 @!p2 $0x0  }
0x16: {  	s3 =	sld [smem:$0x3FDB];
	s0 =	simm.s32 @p2 $0x1  }
0x17: {  	s4 =	simm.s32 $0x1BF5;
	[smem:$0x3FBB] =	sst s0  }
0x18: {  	s0 =	sld [smem:$0x3F9E];
	_ =	swait.ge [sflag:s4], $0x0  }
0x19: {  	s7 =	sld [smem:$0x3F9F]  }
0x1a: {  	s8 =	sadd.s32 $0xFFFFE003, lr  }
0x1b: {  	s9 =	sadd.s32 $0xFFFFFEF7, lr;
	s5 =	simm.s32 $0xFFFFFFFF;
	p2 =	slt.u32 s8, $0xFFFFF086  }
0x1c: {  	p1 =	slt.u32 s9, $0xF7A;
	s5 =	simm.s32 @!p2 $0x0  }
0x1d: {  	s5 =	simm.s32 @p1 $0x1;
	p0 =	seq.s32 s7, s2  }
0x1e: {  	s7 =	smul.u32 @!p0 $0xF7A, s2;
	p2 =	seq.s32 @!p0 s5, $0x0  }
0x1f: {  	s9 =	smul.u32 $0xF7A, s1;
	s8 =	simm.s32 @!p0 $0x1BF5;
	p2 =	por !p2, p0  }
0x20: {  	[sflag:s8] =	ssyncset.s32 @!p0 $0xFFFFF086;
	s6 =	sadd.s32 @!p0 s3, s7;
	s7 =	simm.s32 @!p0 $0x108  }
0x21: {  	s3 =	sadd.s32 s3, s9;
	s6 =	sadd.s32 @!p0 $0x88, s6;
	s7 =	simm.s32 @p2 $0x1082  }
0x22: {  	[simem:s7], [sflag:s8] =	dma.local @!p0 [hbm:s6], $0xF7A  }
0x23: {  	s9 =	sor.u32 $0xD0000000, s2;
	s6 =	simm.s32 $0x108;
	_ =	swait.ge @!p0 [sflag:s8], $0x0  }
0x24: {  	s3 =	sadd.s32 $0x88, s3;
	s6 =	simm.s32 @!p1 $0x1082;
	[sflag:s4] =	ssyncset.s32 $0xFFFFF086  }
0x25: {  	[simem:s6], [sflag:s4] =	dma.local [hbm:s3], $0xF7A  }
0x26: {  	[smem:$0x3F9F] =	sst s1;
	(tag) =	ssettag s2;
	_ =	strace s9  }
0x27: {  	s1 =	sld [smem:$0x3FAF]  }
0x28: {  	s2 =	sld [smem:$0x3FB0]  }
0x29: {  	s4 =	sld [smem:$0x3FB2]  }
0x2a: {  	p0 =	seq.s32 s5, $0x0;
	s5 =	sld [smem:$0x3FB3]  }
0x2b: {  	s6 =	sld [smem:$0x3FB4]  }
0x2c: {  	s7 =	sld [smem:$0x3FB5]  }
0x2d: {  	s3 =	simm.s32 $0x108;
	s8 =	sld [smem:$0x3FB6]  }
0x2e: {  	s3 =	simm.s32 @!p0 $0x1082;
	s9 =	sld [smem:$0x3FB7]  }
0x2f: {  	lr =	sadd.s32 s0, s3;
	s0 =	sld [smem:$0x3FAE]  }
0x30: {  	s3 =	sld [smem:$0x3FB1]  }
0x31: {  	[smem:$0x3FBA] =	sst s10  }
0x32: {  	s10 =	sld [smem:$0x3FB8];
	_ =	sdelay $0x3  }
0x33: {  	p0 =	seq.s32 s10, $0x1;
	s10 =	sld [smem:$0x3FBA];
	_ =	sdelay $0x3  }
0x34: {  	[smem:$0x3FBA] =	sst s10  }
0x35: {  	s10 =	sld [smem:$0x3FB9];
	_ =	sdelay $0x3  }
0x36: {  	p1 =	seq.s32 s10, $0x1;
	s10 =	sld [smem:$0x3FBA];
	_ =	sdelay $0x3  }
0x37: {  	[smem:$0x3FBA] =	sst s10  }
0x38: {  	s10 =	sld [smem:$0x3FBB]  }
0x39: {  	_ = 	snop;
	(pc) =	sbr.ind lr, $3  }
0x3a: {  	_ = 	snop  }
0x3b: {  	_ = 	snop  }
0x3c: {  	p2 =	seq.s32 s10, $0x1;
	s10 =	sld [smem:$0x3FBA]  }
0x3d: {  	_ =	shalt  }
0x3e: {  	_ =	shalt  }
0x3f: {  	_ =	shalt  }
0x40: {  	_ =	shalt  }
0x41: {  	_ =	shalt  }
0x42: {  	_ =	shalt  }
0x43: {  	_ =	shalt  }
0x44: {  	_ =	shalt  }
0x45: {  	_ =	shalt  }
0x46: {  	_ =	shalt  }
0x47: {  	_ =	shalt  }
0x48: {  	_ =	shalt  }
0x49: {  	_ =	shalt  }
0x4a: {  	_ =	shalt  }
0x4b: {  	_ =	shalt  }
0x4c: {  	_ =	shalt  }
0x4d: {  	_ =	shalt  }
0x4e: {  	_ =	shalt  }
0x4f: {  	_ =	shalt  }
0x50: {  	_ =	shalt  }
0x51: {  	_ =	shalt  }
0x52: {  	_ =	shalt  }
0x53: {  	_ =	shalt  }
0x54: {  	_ =	shalt  }
0x55: {  	_ =	shalt  }
0x56: {  	_ =	shalt  }
0x57: {  	_ =	shalt  }
0x58: {  	_ =	shalt  }
0x59: {  	_ =	shalt  }
0x5a: {  	_ =	shalt  }
0x5b: {  	_ =	shalt  }
0x5c: {  	_ =	shalt  }
0x5d: {  	_ =	shalt  }
0x5e: {  	_ =	shalt  }
0x5f: {  	_ =	shalt  }
0x60: {  	_ =	shalt  }
0x61: {  	_ =	shalt  }
0x62: {  	_ =	shalt  }
0x63: {  	_ =	shalt  }
0x64: {  	_ =	shalt  }
0x65: {  	_ =	shalt  }
0x66: {  	_ =	shalt  }
0x67: {  	_ =	shalt  }
0x68: {  	_ =	shalt  }
0x69: {  	_ =	shalt  }
0x6a: {  	_ =	shalt  }
0x6b: {  	_ =	shalt  }
0x6c: {  	_ =	shalt  }
0x6d: {  	_ =	shalt  }
0x6e: {  	_ =	shalt  }
0x6f: {  	_ =	shalt  }
0x70: {  	_ =	shalt  }
0x71: {  	_ =	shalt  }
0x72: {  	_ =	shalt  }
0x73: {  	_ =	shalt  }
0x74: {  	_ =	shalt  }
0x75: {  	_ =	shalt  }
0x76: {  	_ =	shalt  }
0x77: {  	_ =	shalt  }
0x78: {  	_ =	shalt  }
0x79: {  	_ =	shalt  }
0x7a: {  	_ =	shalt  }
0x7b: {  	_ =	shalt  }
0x7c: {  	_ =	shalt  }
0x7d: {  	_ =	shalt  }
0x7e: {  	_ =	shalt  }
0x7f: {  	_ =	shalt  }
0x80: {  	_ =	shalt  }
0x81: {  	_ =	shalt  }
0x82: {  	_ =	shalt  }
0x83: {  	_ =	shalt  }
0x84: {  	_ =	shalt  }
0x85: {  	_ =	shalt  }
0x86: {  	_ =	shalt  }
0x87: {  	_ =	shalt  }
.Lfunc_end0:
.L_simem_size_0:
called_computation_lowered:
.L_overlay_start_0:
0x88: {  	s2 =	sld [smem:$0x3FD9]  }
0x89: {  	s3 =	sld [smem:$0x3FFE];
	_ =	sdelay $0x1  }
0x8a: {  	s1 =	srdreg.scid  }
0x8b: {  	s0 =	sand.u32 $0x1, s1  }
0x8c: {  	s17 =	sshll.u32 s0, $0xA;
	s2 =	sadd.s32 s3, s2  }
0x8d: {  	s2 =	sadd.s32 s2, s17  }
0x8e: {  	[smem:$0x3FC6] =	sst s2  }
0x8f: {  	_ = 	snop  }
0x90: {  	s2 =	sld [smem:$0x3FD0];
	(tm) =	ssettm $0x1  }
0x91: {  	s18 =	sld [smem:$0x3FFB];
	_ =	sdelay $0x3  }
0x92: {  	_ =	strace s18  }
0x93: {  	s3 =	sld [smem:$0x3FFC];
	_ =	sdelay $0x3  }
0x94: {  	_ =	strace s3  }
0x95: {  	s3 =	sld [smem:$0x3FFD];
	_ =	sdelay $0x3  }
0x96: {  	_ =	strace s3  }
0x97: {  	_ =	strace $0x8FFFFFFF  }
0x98: {  	s19 =	sld [smem:$0x3FDB];
	_ =	sdelay $0x1  }
0x99: {  	s4 =	simm.s32 $_scs_section_size  }
0x9a: {  	s5 =	simm.s32 $_size__tile_overlayer_lowered;
	s6 =	simm.s32 $_tile_overlayer_lowered  }
0x9b: {  	s22 =	simm.s32 $0x1BFF;
	s21 =	sshll.u32 s6, $0x1;
	s3 =	sadd.s32 s4, s19  }
0x9c: {  	s7 =	simm.s32 $0x0;
	s20 =	sshll.u32 s5, $0x1;
	s5 =	sadd.s32 s21, s3  }
0x9d: {  	[timem:s7], [sflag:s22] =	dma.local [hbm:s5], s20  }
0x9e: {  	_ =	swait.ge [sflag:s22], s20  }
0x9f: {  	s4 =	ssub.s32 $0x0, s20;
	[sflag:s22] =	ssyncset.done $0x0  }
0xa0: {  	[sflag:s22] =	ssyncadd.s32 s4;
	_ =	sdelay $0x1  }
0xa1: {  	s23 =	simm.s32 $0x1B8B  }
0xa2: {  	_ =	swait.ge [sflag:s23], $0x1  }
0xa3: {  	[sflag:s23] =	ssyncset.done $0x0  }
0xa4: {  	s25 =	simm.s32 $0x1B8E;
	s24 =	sld [smem:$0x3FFE];
	[sflag:s23] =	ssyncadd.s32 $0xFFFFFFFF  }
0xa5: {  	s26 =	simm.s32 $execute0_lowered;
	[smem:$0x3FD2] =	sst s25  }
0xa6: {  	s5 =	sshll.u32 s26, $0x1;
	_ =	strace $0x80000046;
	[dreg:$0x1] =	wrdreg $0xFFFFFFFF  }
0xa7: {  	s28 =	simm.s32 $_size_execute0_lowered;
	s3 =	sadd.s32 s3, s5;
	[dreg:$0x0] =	wrdreg $0x0  }
0xa8: {  	s5 =	sshll.u32 s28, $0x1;
	[dreg:$0x2] =	wrdreg s3  }
0xa9: {  	[dreg:$0x3] =	wrdreg s5  }
0xaa: {  	[dreg:$0x4] =	wrdreg $0xC0  }
0xab: {  	_ =	task [dreg:s7], $0x5FFFF  }
0xac: {  	[dreg:$0x1] =	wrdreg $0xFFFFFFFF  }
0xad: {  	[dreg:$0x0] =	wrdreg $0x60  }
0xae: {  	[dreg:$0x2] =	wrdreg s24  }
0xaf: {  	[dreg:$0x3] =	wrdreg s2  }
0xb0: {  	[dreg:$0x4] =	wrdreg $0x9  }
0xb1: {  	_ =	task.clear_ibuf [dreg:s7], $0x5FFFF;
	_ =	strace $0x90000046  }
0xb2: {  	s29 =	simm.s32 $0x9;
	_ =	strace $0x80000048  }
0xb3: {  	_ =	swait.ge [sflag:s29], $0x1  }
0xb4: {  	[sflag:s29] =	ssyncadd.s32 $0xFFFFFFFF  }
0xb5: {  	_ =	strace $0x90000048  }
0xb6: {  	_ =	sfence  }
0xb7: {  	s30 =	sld [smem:$0x0];
	_ =	sdelay $0x2  }
0xb8: {  	s31 =	sshll.u32 s1, $0xD;
	s1 =	sshrl.u32 s1, $0x2  }
0xb9: {  	s3 =	sand.u32 $0x4000, s31;
	s1 =	sadd.s32 s1, s30  }
0xba: {  	s0 =	sor.u32 s3, s0;
	s1 =	sshll.u32 s1, $0x11  }
0xbb: {  	s0 =	sor.u32 s1, s0  }
0xbc: {  	s0 =	sadd.s32 $0x8F2B, s0  }
0xbd: {  	[sflag:s0] =	ssyncadd.remote.s32 $0x1  }
0xbe: {  	_ =	sfence.sel $0xFFFF  }
0xbf: {  	[dreg:$0x0] =	wrdreg $0xFFFFFFFF;
	(pc) =	sbr.abs _section_cstart, $3  }
0xc0: {  	[dreg:$0x1] =	wrdreg $0xFFFFFFFF  }
0xc1: {  	_ =	task.clear_ibuf [dreg:s7], $0x2FFFF;
	_ =	strace $0x9FFFFFFF  }
0xc2: {  	(tm) =	ssettm $0x7FFFFFFF  }
0xc3: {  	_ =	shalt  }
tec
execute0_lowered:
.L_overlay_start_1:
0x0: {  	(tag) =	ssettag $0x1  }
0x1: {  	v0 =	vlaneseq.u32  }
0x2: {  	v0 =	vmul.u32 $0x38, v0;
	_ =	sdelay $0x1  }
0x3: {  	v1 =	vadd.s32 $0x380, v0  }
0x4: {  	[tilespmem:$0x1FF90] =	vst v1;
	v1 =	vadd.s32 $0x700, v0  }
0x5: {  	vm0 =	vcmask $0x300;
	[tilespmem:$0x1FFA0] =	vst v1;
	v1 =	vadd.s32 $0xA80, v0  }
0x6: {  	vm14 =	vcmask $0x704;
	vm13 =	vcmask $0xB08;
	[tilespmem:$0x1FFB0] =	vst v1;
	v1 =	vadd.s32 $0xE00, v0  }
0x7: {  	vm12 =	vcmask $0xF0C;
	vm11 =	vcmask $0x1310;
	[tilespmem:$0x1FFC0] =	vst v1;
	v1 =	vadd.s32 $0x1180, v0  }
0x8: {  	vm10 =	vcmask $0x1714;
	vm9 =	vcmask $0x1B18;
	[tilespmem:$0x1FFD0] =	vst v1;
	v1 =	vadd.s32 $0x1500, v0  }
0x9: {  	vm8 =	vcmask $0x1F1C;
	vm7 =	vcmask $0x2320;
	[tilespmem:$0x1FFE0] =	vst v1;
	v1 =	vadd.s32 $0x1880, v0  }
0xa: {  	vm6 =	vcmask $0x2724;
	vm5 =	vcmask $0x2B28;
	[tilespmem:$0x1FFF0] =	vst v1;
	v1 =	vimm.s32 $0x14B8  }
0xb: {  	vm4 =	vcmask $0x2F2C;
	vm2 =	vcmask $0x3330;
	v1 =	vsel vm0, $0x0, v1  }
0xc: {  	vm3 =	vcmask $0x3734;
	v3 =	vimm.s32 $0x14BB;
	v1 =	vsel vm14, $0x88, v1  }
0xd: {  	vm1 =	vcmask $0x3B38;
	v3 =	vsel vm0, $0x3, v3;
	v1 =	vsel vm13, $0x110, v1  }
0xe: {  	v2 =	vimm.s32 $0x14B9;
	v3 =	vsel vm14, $0x8B, v3;
	v1 =	vsel vm12, $0x198, v1  }
0xf: {  	v8 =	vor.u32 $0x1C00, v0;
	v9 =	vadd.s32 $0x1F80, v0;
	v1 =	vsel vm11, $0x220, v1  }
0x10: {  	v10 =	vadd.s32 $0x2300, v0;
	v11 =	vadd.s32 $0x2680, v0;
	v1 =	vsel vm10, $0x2A8, v1  }
0x11: {  	v12 =	vadd.s32 $0x2A00, v0;
	v13 =	vadd.s32 $0x2D80, v0;
	v1 =	vsel vm9, $0x330, v1  }
0x12: {  	v14 =	vadd.s32 $0x3100, v0;
	v15 =	vadd.s32 $0x3480, v0;
	v1 =	vsel vm8, $0x3B8, v1  }
0x13: {  	v16 =	vor.u32 $0x3800, v0;
	v17 =	vadd.s32 $0x3B80, v0;
	v1 =	vsel vm7, $0x1100, v1  }
0x14: {  	v18 =	vadd.s32 $0x3F00, v0;
	v19 =	vadd.s32 $0x4280, v0;
	v1 =	vsel vm6, $0x1188, v1  }
0x15: {  	v20 =	vadd.s32 $0x4600, v0;
	v21 =	vadd.s32 $0x4980, v0;
	v1 =	vsel vm5, $0x1210, v1  }
0x16: {  	v22 =	vadd.s32 $0x4D00, v0;
	v23 =	vadd.s32 $0x5080, v0;
	v1 =	vsel vm4, $0x1298, v1  }
0x17: {  	v24 =	vor.u32 $0x5400, v0;
	v25 =	vadd.s32 $0x5780, v0;
	v1 =	vsel vm2, $0x1320, v1  }
0x18: {  	v26 =	vadd.s32 $0x5B00, v0;
	v27 =	vadd.s32 $0x5E80, v0;
	v1 =	vsel vm3, $0x13A8, v1  }
0x19: {  	v28 =	vadd.s32 $0x6200, v0;
	v32 =	vsel vm1, $0x1430, v1;
	v1 =	vsel vm0, $0x1, v2  }
0x1a: {  	v29 =	vadd.s32 $0x6580, v0;
	v2 =	vimm.s32 $0x14BA;
	v1 =	vsel vm14, $0x89, v1  }
0x1b: {  	v30 =	vadd.s32 $0x6900, v0;
	v2 =	vsel vm0, $0x2, v2;
	v1 =	vsel vm13, $0x111, v1  }
0x1c: {  	v31 =	vadd.s32 $0x6C80, v0;
	v2 =	vsel vm14, $0x8A, v2;
	v1 =	vsel vm12, $0x199, v1  }
0x1d: {  	v3 =	vsel vm13, $0x113, v3;
	v2 =	vsel vm13, $0x112, v2;
	v1 =	vsel vm11, $0x221, v1  }
0x1e: {  	v3 =	vsel vm12, $0x19B, v3;
	v2 =	vsel vm12, $0x19A, v2;
	v1 =	vsel vm10, $0x2A9, v1  }
0x1f: {  	v3 =	vsel vm11, $0x223, v3;
	v2 =	vsel vm11, $0x222, v2;
	v1 =	vsel vm9, $0x331, v1  }
0x20: {  	v3 =	vsel vm10, $0x2AB, v3;
	v2 =	vsel vm10, $0x2AA, v2;
	v1 =	vsel vm8, $0x3B9, v1  }
0x21: {  	v3 =	vsel vm9, $0x333, v3;
	v2 =	vsel vm9, $0x332, v2;
	v1 =	vsel vm7, $0x1101, v1  }
0x22: {  	v3 =	vsel vm8, $0x3BB, v3;
	v2 =	vsel vm8, $0x3BA, v2;
	v1 =	vsel vm6, $0x1189, v1  }
0x23: {  	v3 =	vsel vm7, $0x1103, v3;
	v2 =	vsel vm7, $0x1102, v2;
	v1 =	vsel vm5, $0x1211, v1  }
0x24: {  	v3 =	vsel vm6, $0x118B, v3;
	v2 =	vsel vm6, $0x118A, v2;
	v1 =	vsel vm4, $0x1299, v1  }
0x25: {  	v3 =	vsel vm5, $0x1213, v3;
	v2 =	vsel vm5, $0x1212, v2;
	v1 =	vsel vm2, $0x1321, v1  }
0x26: {  	v3 =	vsel vm4, $0x129B, v3;
	v2 =	vsel vm4, $0x129A, v2;
	v1 =	vsel vm3, $0x13A9, v1  }
0x27: {  	v33 =	vsel vm1, $0x1431, v1;
	v1 =	vsel vm2, $0x1322, v2;
	v2 =	vsel vm2, $0x1323, v3  }
0x28: {  	v3 =	vimm.s32 $0x14BC;
	v1 =	vsel vm3, $0x13AA, v1;
	v2 =	vsel vm3, $0x13AB, v2  }
0x29: {  	v34 =	vsel vm1, $0x1432, v1;
	v35 =	vsel vm1, $0x1433, v2;
	v1 =	vsel vm0, $0x4, v3  }
0x2a: {  	v2 =	vimm.s32 $0x14BD;
	v3 =	vimm.s32 $0x14BE;
	v1 =	vsel vm14, $0x8C, v1  }
0x2b: {  	v2 =	vsel vm0, $0x5, v2;
	v3 =	vsel vm0, $0x6, v3;
	v1 =	vsel vm13, $0x114, v1  }
0x2c: {  	v2 =	vsel vm14, $0x8D, v2;
	v3 =	vsel vm14, $0x8E, v3;
	v1 =	vsel vm12, $0x19C, v1  }
0x2d: {  	v2 =	vsel vm13, $0x115, v2;
	v3 =	vsel vm13, $0x116, v3;
	v1 =	vsel vm11, $0x224, v1  }
0x2e: {  	v2 =	vsel vm12, $0x19D, v2;
	v3 =	vsel vm12, $0x19E, v3;
	v1 =	vsel vm10, $0x2AC, v1  }
0x2f: {  	v2 =	vsel vm11, $0x225, v2;
	v3 =	vsel vm11, $0x226, v3;
	v1 =	vsel vm9, $0x334, v1  }
0x30: {  	v2 =	vsel vm10, $0x2AD, v2;
	v3 =	vsel vm10, $0x2AE, v3;
	v1 =	vsel vm8, $0x3BC, v1  }
0x31: {  	v2 =	vsel vm9, $0x335, v2;
	v3 =	vsel vm9, $0x336, v3;
	v1 =	vsel vm7, $0x1104, v1  }
0x32: {  	v2 =	vsel vm8, $0x3BD, v2;
	v3 =	vsel vm8, $0x3BE, v3;
	v1 =	vsel vm6, $0x118C, v1  }
0x33: {  	v2 =	vsel vm7, $0x1105, v2;
	v3 =	vsel vm7, $0x1106, v3;
	v1 =	vsel vm5, $0x1214, v1  }
0x34: {  	v2 =	vsel vm6, $0x118D, v2;
	v3 =	vsel vm6, $0x118E, v3;
	v1 =	vsel vm4, $0x129C, v1  }
0x35: {  	v2 =	vsel vm5, $0x1215, v2;
	v3 =	vsel vm5, $0x1216, v3;
	v1 =	vsel vm2, $0x1324, v1  }
0x36: {  	v2 =	vsel vm4, $0x129D, v2;
	v3 =	vsel vm4, $0x129E, v3;
	v1 =	vsel vm3, $0x13AC, v1  }
0x37: {  	v36 =	vsel vm1, $0x1434, v1;
	v1 =	vsel vm2, $0x1325, v2;
	v2 =	vsel vm2, $0x1326, v3  }
0x38: {  	v3 =	vimm.s32 $0x14BF;
	v1 =	vsel vm3, $0x13AD, v1;
	v2 =	vsel vm3, $0x13AE, v2  }
0x39: {  	v37 =	vsel vm1, $0x1435, v1;
	v38 =	vsel vm1, $0x1436, v2;
	v1 =	vsel vm0, $0x7, v3  }
0x3a: {  	v2 =	vimm.s32 $0x36B8;
	v3 =	vimm.s32 $0x36B9;
	v1 =	vsel vm14, $0x8F, v1  }
0x3b: {  	v2 =	vsel vm0, $0x2200, v2;
	v3 =	vsel vm0, $0x2201, v3;
	v1 =	vsel vm13, $0x117, v1  }
0x3c: {  	v2 =	vsel vm14, $0x2288, v2;
	v3 =	vsel vm14, $0x2289, v3;
	v1 =	vsel vm12, $0x19F, v1  }
0x3d: {  	v2 =	vsel vm13, $0x2310, v2;
	v3 =	vsel vm13, $0x2311, v3;
	v1 =	vsel vm11, $0x227, v1  }
0x3e: {  	v2 =	vsel vm12, $0x2398, v2;
	v3 =	vsel vm12, $0x2399, v3;
	v1 =	vsel vm10, $0x2AF, v1  }
0x3f: {  	v2 =	vsel vm11, $0x2420, v2;
	v3 =	vsel vm11, $0x2421, v3;
	v1 =	vsel vm9, $0x337, v1  }
0x40: {  	v2 =	vsel vm10, $0x24A8, v2;
	v3 =	vsel vm10, $0x24A9, v3;
	v1 =	vsel vm8, $0x3BF, v1  }
0x41: {  	v2 =	vsel vm9, $0x2530, v2;
	v3 =	vsel vm9, $0x2531, v3;
	v1 =	vsel vm7, $0x1107, v1  }
0x42: {  	v2 =	vsel vm8, $0x25B8, v2;
	v3 =	vsel vm8, $0x25B9, v3;
	v1 =	vsel vm6, $0x118F, v1  }
0x43: {  	v2 =	vsel vm7, $0x3300, v2;
	v3 =	vsel vm7, $0x3301, v3;
	v1 =	vsel vm5, $0x1217, v1  }
0x44: {  	v2 =	vsel vm6, $0x3388, v2;
	v3 =	vsel vm6, $0x3389, v3;
	v1 =	vsel vm4, $0x129F, v1  }
0x45: {  	v2 =	vsel vm5, $0x3410, v2;
	v3 =	vsel vm5, $0x3411, v3;
	v1 =	vsel vm2, $0x1327, v1  }
0x46: {  	v2 =	vsel vm4, $0x3498, v2;
	v3 =	vsel vm4, $0x3499, v3;
	v1 =	vsel vm3, $0x13AF, v1  }
0x47: {  	v39 =	vsel vm1, $0x1437, v1;
	v1 =	vsel vm2, $0x3520, v2;
	v2 =	vsel vm2, $0x3521, v3  }
0x48: {  	v3 =	vimm.s32 $0x36BA;
	v1 =	vsel vm3, $0x35A8, v1;
	v2 =	vsel vm3, $0x35A9, v2  }
0x49: {  	v40 =	vsel vm1, $0x3630, v1;
	v41 =	vsel vm1, $0x3631, v2;
	v1 =	vsel vm0, $0x2202, v3  }
0x4a: {  	v2 =	vimm.s32 $0x36BB;
	v3 =	vimm.s32 $0x36BC;
	v1 =	vsel vm14, $0x228A, v1  }
0x4b: {  	v2 =	vsel vm0, $0x2203, v2;
	v3 =	vsel vm0, $0x2204, v3;
	v1 =	vsel vm13, $0x2312, v1  }
0x4c: {  	v2 =	vsel vm14, $0x228B, v2;
	v3 =	vsel vm14, $0x228C, v3;
	v1 =	vsel vm12, $0x239A, v1  }
0x4d: {  	v2 =	vsel vm13, $0x2313, v2;
	v3 =	vsel vm13, $0x2314, v3;
	v1 =	vsel vm11, $0x2422, v1  }
0x4e: {  	v2 =	vsel vm12, $0x239B, v2;
	v3 =	vsel vm12, $0x239C, v3;
	v1 =	vsel vm10, $0x24AA, v1  }
0x4f: {  	v2 =	vsel vm11, $0x2423, v2;
	v3 =	vsel vm11, $0x2424, v3;
	v1 =	vsel vm9, $0x2532, v1  }
0x50: {  	v2 =	vsel vm10, $0x24AB, v2;
	v3 =	vsel vm10, $0x24AC, v3;
	v1 =	vsel vm8, $0x25BA, v1  }
0x51: {  	v2 =	vsel vm9, $0x2533, v2;
	v3 =	vsel vm9, $0x2534, v3;
	v1 =	vsel vm7, $0x3302, v1  }
0x52: {  	v2 =	vsel vm8, $0x25BB, v2;
	v3 =	vsel vm8, $0x25BC, v3;
	v1 =	vsel vm6, $0x338A, v1  }
0x53: {  	v2 =	vsel vm7, $0x3303, v2;
	v3 =	vsel vm7, $0x3304, v3;
	v1 =	vsel vm5, $0x3412, v1  }
0x54: {  	v2 =	vsel vm6, $0x338B, v2;
	v3 =	vsel vm6, $0x338C, v3;
	v1 =	vsel vm4, $0x349A, v1  }
0x55: {  	v2 =	vsel vm5, $0x3413, v2;
	v3 =	vsel vm5, $0x3414, v3;
	v1 =	vsel vm2, $0x3522, v1  }
0x56: {  	v2 =	vsel vm4, $0x349B, v2;
	v3 =	vsel vm4, $0x349C, v3;
	v1 =	vsel vm3, $0x35AA, v1  }
0x57: {  	v42 =	vsel vm1, $0x3632, v1;
	v1 =	vsel vm2, $0x3523, v2;
	v2 =	vsel vm2, $0x3524, v3  }
0x58: {  	v3 =	vimm.s32 $0x36BD;
	v1 =	vsel vm3, $0x35AB, v1;
	v2 =	vsel vm3, $0x35AC, v2  }
0x59: {  	v43 =	vsel vm1, $0x3633, v1;
	v44 =	vsel vm1, $0x3634, v2;
	v1 =	vsel vm0, $0x2205, v3  }
0x5a: {  	v2 =	vimm.s32 $0x36BE;
	v3 =	vimm.s32 $0x36BF;
	v1 =	vsel vm14, $0x228D, v1  }
0x5b: {  	v2 =	vsel vm0, $0x2206, v2;
	v3 =	vsel vm0, $0x2207, v3;
	v1 =	vsel vm13, $0x2315, v1  }
0x5c: {  	v2 =	vsel vm14, $0x228E, v2;
	v3 =	vsel vm14, $0x228F, v3;
	v1 =	vsel vm12, $0x239D, v1  }
0x5d: {  	s0 =	srdreg.scid;
	v2 =	vsel vm13, $0x2316, v2;
	v3 =	vsel vm13, $0x2317, v3;
	v1 =	vsel vm11, $0x2425, v1  }
0x5e: {  	s2 =	stileid.u32;
	s1 =	rddreg [dreg:$0x0];
	v2 =	vsel vm12, $0x239E, v2;
	v3 =	vsel vm12, $0x239F, v3;
	v1 =	vsel vm10, $0x24AD, v1  }
0x5f: {  	s11 =	simm.s32 $0x1;
	s12 =	simm.s32 $0x200;
	s13 =	simm.s32 $0x7000;
	v2 =	vsel vm11, $0x2426, v2;
	v3 =	vsel vm11, $0x2427, v3;
	v1 =	vsel vm9, $0x2535, v1  }
0x60: {  	s14 =	simm.s32 $0x7400;
	s15 =	simm.s32 $0x2;
	s16 =	simm.s32 $0x7200;
	v2 =	vsel vm10, $0x24AE, v2;
	v3 =	vsel vm10, $0x24AF, v3;
	v1 =	vsel vm8, $0x25BD, v1  }
0x61: {  	s17 =	simm.s32 $0xB400;
	s18 =	simm.s32 $0xF400;
	s19 =	simm.s32 $0x3;
	v2 =	vsel vm9, $0x2536, v2;
	v3 =	vsel vm9, $0x2537, v3;
	v1 =	vsel vm7, $0x3305, v1  }
0x62: {  	s20 =	simm.s32 $0x5;
	s21 =	simm.s32 $0x13800;
	s22 =	simm.s32 $0x4;
	v2 =	vsel vm8, $0x25BE, v2;
	v3 =	vsel vm8, $0x25BF, v3;
	v1 =	vsel vm6, $0x338D, v1  }
0x63: {  	s23 =	simm.s32 $0x0;
	s0 =	sand.u32 $0x1, s0;
	s3 =	sshll.u32 s2, $0x1;
	v2 =	vsel vm7, $0x3306, v2;
	v3 =	vsel vm7, $0x3307, v3;
	v1 =	vsel vm5, $0x3415, v1  }
0x64: {  	s2 =	rddreg [dreg:$0x1];
	s5 =	sor.u32 s0, s3;
	s0 =	ssub.s32 $0x2, s0;
	v2 =	vsel vm6, $0x338E, v2;
	v3 =	vsel vm6, $0x338F, v3;
	v1 =	vsel vm4, $0x349D, v1  }
0x65: {  	s3 =	simm.s32 $0x0;
	s4 =	smul.u32 $0xE00, s5;
	s7 =	sshrl.u32 s0, $0x1;
	v2 =	vsel vm5, $0x3416, v2;
	v3 =	vsel vm5, $0x3417, v3;
	v1 =	vsel vm2, $0x3525, v1  }
0x66: {  	[smem:$0x7FF] =	sst s3;
	s5 =	sshll.u32 s5, $0xC;
	s0 =	ssub.s32 s0, s7;
	v2 =	vsel vm4, $0x349E, v2;
	v3 =	vsel vm4, $0x349F, v3;
	v1 =	vsel vm3, $0x35AD, v1  }
0x67: {  	s7 =	sor.u32 $0x20000, s5;
	s8 =	sor.u32 $0x40000, s5;
	s6 =	sadd.s32 s4, s1;
	v45 =	vsel vm1, $0x3635, v1;
	v1 =	vsel vm2, $0x3526, v2;
	v2 =	vsel vm2, $0x3527, v3  }
0x68: {  	s9 =	sor.u32 $0x60000, s5;
	s4 =	sadd.s32 $0xF42A00, s1;
	s31 =	sadd.s32 $0x600, s6;
	v3 =	vimm.s32 $0x0;
	v1 =	vsel vm3, $0x35AE, v1;
	v2 =	vsel vm3, $0x35AF, v2  }
0x69: {  	s10 =	smax.u32 s0, $0x1;
	_ =	strace $0x80000047;
	[dreg:$0x3] =	wrdreg s31;
	v48 =	vsel vm0, $0x3, v3;
	v46 =	vsel vm1, $0x3636, v1;
	v47 =	vsel vm1, $0x3637, v2  }
.LBB2_1:
0x6a: {  	s0 =	rddreg [dreg:$0x3]  }
0x6b: {  	[tilespmem:s3], [sflag:$0x1] =	stream.linear.gather [hbm4b:s0+s3], $0x7000, $0x38;
	[tilespmem:$0x17C00] =	vst v63  }
0x6c: {  	_ =	swait.ge [sflag:s11], $0x7000  }
0x6d: {  	[sflag:s11] =	ssyncset.done $0x0  }
0x6e: {  	[sflag:s11] =	ssyncadd.s32 $0xFFFF9000  }
0x6f: {  	v1 =	vld.idx.msk [tilespmem:v0+s3+$0x0], $0xffff;
	_ =	sdelay $0x4  }
0x70: {  	[tilespmem:$0x7000] =	vst v1;
	v1 =	vld [tilespmem:$0x1FF90];
	_ =	sdelay $0x7  }
0x71: {  	v1 =	vld.idx.msk [tilespmem:v1+s3+$0x0], $0xffff;
	_ =	sdelay $0x4  }
0x72: {  	[tilespmem:$0x7010] =	vst v1;
	v1 =	vld [tilespmem:$0x1FFA0];
	_ =	sdelay $0x7  }
0x73: {  	v1 =	vld.idx.msk [tilespmem:v1+s3+$0x0], $0xffff;
	_ =	sdelay $0x4  }
0x74: {  	[tilespmem:$0x7020] =	vst v1;
	v1 =	vld [tilespmem:$0x1FFB0];
	_ =	sdelay $0x7  }
0x75: {  	v1 =	vld.idx.msk [tilespmem:v1+s3+$0x0], $0xffff;
	_ =	sdelay $0x4  }
0x76: {  	[tilespmem:$0x7030] =	vst v1;
	v1 =	vld [tilespmem:$0x1FFC0];
	_ =	sdelay $0x7  }
0x77: {  	v1 =	vld.idx.msk [tilespmem:v1+s3+$0x0], $0xffff;
	_ =	sdelay $0x4  }
0x78: {  	[tilespmem:$0x7040] =	vst v1;
	v1 =	vld [tilespmem:$0x1FFD0];
	_ =	sdelay $0x7  }
0x79: {  	v1 =	vld.idx.msk [tilespmem:v1+s3+$0x0], $0xffff;
	_ =	sdelay $0x4  }
0x7a: {  	[tilespmem:$0x7050] =	vst v1;
	v1 =	vld [tilespmem:$0x1FFE0];
	_ =	sdelay $0x7  }
0x7b: {  	v1 =	vld.idx.msk [tilespmem:v1+s3+$0x0], $0xffff;
	_ =	sdelay $0x4  }
0x7c: {  	[tilespmem:$0x7060] =	vst v1;
	v1 =	vld [tilespmem:$0x1FFF0];
	_ =	sdelay $0x7  }
0x7d: {  	v1 =	vld.idx.msk [tilespmem:v1+s3+$0x0], $0xffff;
	_ =	sdelay $0x4  }
0x7e: {  	[tilespmem:$0x7070] =	vst v1  }
0x7f: {  	v1 =	vld.idx.msk [tilespmem:v8+s3+$0x0], $0xffff;
	_ =	sdelay $0x4  }
0x80: {  	[tilespmem:$0x7080] =	vst v1  }
0x81: {  	v1 =	vld.idx.msk [tilespmem:v9+s3+$0x0], $0xffff;
	_ =	sdelay $0x4  }
0x82: {  	[tilespmem:$0x7090] =	vst v1  }
0x83: {  	v1 =	vld.idx.msk [tilespmem:v10+s3+$0x0], $0xffff;
	_ =	sdelay $0x4  }
0x84: {  	[tilespmem:$0x70A0] =	vst v1  }
0x85: {  	v1 =	vld.idx.msk [tilespmem:v11+s3+$0x0], $0xffff;
	_ =	sdelay $0x4  }
0x86: {  	[tilespmem:$0x70B0] =	vst v1  }
0x87: {  	v1 =	vld.idx.msk [tilespmem:v12+s3+$0x0], $0xffff;
	_ =	sdelay $0x4  }
0x88: {  	[tilespmem:$0x70C0] =	vst v1  }
0x89: {  	v1 =	vld.idx.msk [tilespmem:v13+s3+$0x0], $0xffff;
	_ =	sdelay $0x4  }
0x8a: {  	[tilespmem:$0x70D0] =	vst v1  }
0x8b: {  	v1 =	vld.idx.msk [tilespmem:v14+s3+$0x0], $0xffff;
	_ =	sdelay $0x4  }
0x8c: {  	[tilespmem:$0x70E0] =	vst v1  }
0x8d: {  	v1 =	vld.idx.msk [tilespmem:v15+s3+$0x0], $0xffff;
	_ =	sdelay $0x4  }
0x8e: {  	[tilespmem:$0x70F0] =	vst v1  }
0x8f: {  	v1 =	vld.idx.msk [tilespmem:v16+s3+$0x0], $0xffff;
	_ =	sdelay $0x4  }
0x90: {  	[tilespmem:$0x7100] =	vst v1  }
0x91: {  	v1 =	vld.idx.msk [tilespmem:v17+s3+$0x0], $0xffff;
	_ =	sdelay $0x4  }
0x92: {  	[tilespmem:$0x7110] =	vst v1  }
0x93: {  	v1 =	vld.idx.msk [tilespmem:v18+s3+$0x0], $0xffff;
	_ =	sdelay $0x4  }
0x94: {  	[tilespmem:$0x7120] =	vst v1  }
0x95: {  	v1 =	vld.idx.msk [tilespmem:v19+s3+$0x0], $0xffff;
	_ =	sdelay $0x4  }
0x96: {  	[tilespmem:$0x7130] =	vst v1  }
0x97: {  	v1 =	vld.idx.msk [tilespmem:v20+s3+$0x0], $0xffff;
	_ =	sdelay $0x4  }
0x98: {  	[tilespmem:$0x7140] =	vst v1  }
0x99: {  	v1 =	vld.idx.msk [tilespmem:v21+s3+$0x0], $0xffff;
	_ =	sdelay $0x4  }
0x9a: {  	[tilespmem:$0x7150] =	vst v1  }
0x9b: {  	v1 =	vld.idx.msk [tilespmem:v22+s3+$0x0], $0xffff;
	_ =	sdelay $0x4  }
0x9c: {  	[tilespmem:$0x7160] =	vst v1  }
0x9d: {  	v1 =	vld.idx.msk [tilespmem:v23+s3+$0x0], $0xffff;
	_ =	sdelay $0x4  }
0x9e: {  	[tilespmem:$0x7170] =	vst v1  }
0x9f: {  	v1 =	vld.idx.msk [tilespmem:v24+s3+$0x0], $0xffff;
	_ =	sdelay $0x4  }
0xa0: {  	[tilespmem:$0x7180] =	vst v1  }
0xa1: {  	v1 =	vld.idx.msk [tilespmem:v25+s3+$0x0], $0xffff;
	_ =	sdelay $0x4  }
0xa2: {  	[tilespmem:$0x7190] =	vst v1  }
0xa3: {  	v1 =	vld.idx.msk [tilespmem:v26+s3+$0x0], $0xffff;
	_ =	sdelay $0x4  }
0xa4: {  	[tilespmem:$0x71A0] =	vst v1  }
0xa5: {  	v1 =	vld.idx.msk [tilespmem:v27+s3+$0x0], $0xffff;
	_ =	sdelay $0x4  }
0xa6: {  	[tilespmem:$0x71B0] =	vst v1  }
0xa7: {  	v1 =	vld.idx.msk [tilespmem:v28+s3+$0x0], $0xffff;
	_ =	sdelay $0x4  }
0xa8: {  	[tilespmem:$0x71C0] =	vst v1  }
0xa9: {  	v1 =	vld.idx.msk [tilespmem:v29+s3+$0x0], $0xffff;
	_ =	sdelay $0x4  }
0xaa: {  	[tilespmem:$0x71D0] =	vst v1  }
0xab: {  	v1 =	vld.idx.msk [tilespmem:v30+s3+$0x0], $0xffff;
	_ =	sdelay $0x4  }
0xac: {  	[tilespmem:$0x71E0] =	vst v1  }
0xad: {  	v1 =	vld.idx.msk [tilespmem:v31+s3+$0x0], $0xffff;
	_ =	sdelay $0x4  }
0xae: {  	s24 =	simm.s32 $0x0;
	[tilespmem:$0x71F0] =	vst v1  }
0xaf: {  	[tilespmem:s14], [sflag:$0x2] =	stream.indirect.gather [hbm4b:s4+s12], $0x20, s13, s12, $0xb8;
	[tilespmem:$0x17C00] =	vst v63  }
.LBB2_2:
0xb0: {  	s25 =	sshllo.u32 s24, $0x1  }
0xb1: {  	v1 =	vmov s25  }
0xb2: {  	v1 =	vand.u32 $0x3F, v1  }
0xb3: {  	v2 =	vadd.s32 v0, v1  }
0xb4: {  	v3 =	vld [tilespmem:$0x1FF90];
	_ =	sdelay $0x3  }
0xb5: {  	v2 =	vld.idx.msk [tilespmem:v2+s3+$0x0], $0xffff  }
0xb6: {  	v3 =	vadd.s32 v3, v1;
	_ =	sdelay $0x3  }
0xb7: {  	[tilespmem:$0x7200] =	vst v2  }
0xb8: {  	v2 =	vld.idx.msk [tilespmem:v3+s3+$0x0], $0xffff  }
0xb9: {  	v3 =	vld [tilespmem:$0x1FFA0];
	_ =	sdelay $0x4  }
0xba: {  	v3 =	vadd.s32 v3, v1;
	_ =	sdelay $0x3  }
0xbb: {  	[tilespmem:$0x7210] =	vst v2  }
0xbc: {  	v2 =	vld.idx.msk [tilespmem:v3+s3+$0x0], $0xffff  }
0xbd: {  	v3 =	vld [tilespmem:$0x1FFB0];
	_ =	sdelay $0x4  }
0xbe: {  	v3 =	vadd.s32 v3, v1;
	_ =	sdelay $0x3  }
0xbf: {  	[tilespmem:$0x7220] =	vst v2  }
0xc0: {  	v2 =	vld.idx.msk [tilespmem:v3+s3+$0x0], $0xffff  }
0xc1: {  	v3 =	vld [tilespmem:$0x1FFC0];
	_ =	sdelay $0x4  }
0xc2: {  	v3 =	vadd.s32 v3, v1;
	_ =	sdelay $0x3  }
0xc3: {  	[tilespmem:$0x7230] =	vst v2  }
0xc4: {  	v2 =	vld.idx.msk [tilespmem:v3+s3+$0x0], $0xffff  }
0xc5: {  	v3 =	vld [tilespmem:$0x1FFD0];
	_ =	sdelay $0x4  }
0xc6: {  	v3 =	vadd.s32 v3, v1;
	_ =	sdelay $0x3  }
0xc7: {  	[tilespmem:$0x7240] =	vst v2  }
0xc8: {  	v2 =	vld.idx.msk [tilespmem:v3+s3+$0x0], $0xffff  }
0xc9: {  	v3 =	vld [tilespmem:$0x1FFE0];
	_ =	sdelay $0x4  }
0xca: {  	v3 =	vadd.s32 v3, v1;
	_ =	sdelay $0x3  }
0xcb: {  	[tilespmem:$0x7250] =	vst v2  }
0xcc: {  	v2 =	vld.idx.msk [tilespmem:v3+s3+$0x0], $0xffff  }
0xcd: {  	v3 =	vld [tilespmem:$0x1FFF0];
	_ =	sdelay $0x4  }
0xce: {  	v3 =	vadd.s32 v3, v1;
	_ =	sdelay $0x3  }
0xcf: {  	[tilespmem:$0x7260] =	vst v2  }
0xd0: {  	v2 =	vld.idx.msk [tilespmem:v3+s3+$0x0], $0xffff  }
0xd1: {  	v3 =	vadd.s32 v8, v1;
	_ =	sdelay $0x3  }
0xd2: {  	[tilespmem:$0x7270] =	vst v2  }
0xd3: {  	v2 =	vld.idx.msk [tilespmem:v3+s3+$0x0], $0xffff  }
0xd4: {  	v3 =	vadd.s32 v9, v1;
	_ =	sdelay $0x3  }
0xd5: {  	[tilespmem:$0x7280] =	vst v2  }
0xd6: {  	v2 =	vld.idx.msk [tilespmem:v3+s3+$0x0], $0xffff  }
0xd7: {  	v3 =	vadd.s32 v10, v1;
	_ =	sdelay $0x3  }
0xd8: {  	[tilespmem:$0x7290] =	vst v2  }
0xd9: {  	v2 =	vld.idx.msk [tilespmem:v3+s3+$0x0], $0xffff  }
0xda: {  	v3 =	vadd.s32 v11, v1;
	_ =	sdelay $0x3  }
0xdb: {  	[tilespmem:$0x72A0] =	vst v2  }
0xdc: {  	v2 =	vld.idx.msk [tilespmem:v3+s3+$0x0], $0xffff  }
0xdd: {  	v3 =	vadd.s32 v12, v1;
	_ =	sdelay $0x3  }
0xde: {  	[tilespmem:$0x72B0] =	vst v2  }
0xdf: {  	v2 =	vld.idx.msk [tilespmem:v3+s3+$0x0], $0xffff  }
0xe0: {  	v3 =	vadd.s32 v13, v1;
	_ =	sdelay $0x3  }
0xe1: {  	[tilespmem:$0x72C0] =	vst v2  }
0xe2: {  	v2 =	vld.idx.msk [tilespmem:v3+s3+$0x0], $0xffff  }
0xe3: {  	v3 =	vadd.s32 v14, v1;
	_ =	sdelay $0x3  }
0xe4: {  	[tilespmem:$0x72D0] =	vst v2  }
0xe5: {  	v2 =	vld.idx.msk [tilespmem:v3+s3+$0x0], $0xffff  }
0xe6: {  	v3 =	vadd.s32 v15, v1;
	_ =	sdelay $0x3  }
0xe7: {  	[tilespmem:$0x72E0] =	vst v2  }
0xe8: {  	v2 =	vld.idx.msk [tilespmem:v3+s3+$0x0], $0xffff  }
0xe9: {  	v3 =	vadd.s32 v16, v1;
	_ =	sdelay $0x3  }
0xea: {  	[tilespmem:$0x72F0] =	vst v2  }
0xeb: {  	v2 =	vld.idx.msk [tilespmem:v3+s3+$0x0], $0xffff  }
0xec: {  	v3 =	vadd.s32 v17, v1;
	_ =	sdelay $0x3  }
0xed: {  	[tilespmem:$0x7300] =	vst v2  }
0xee: {  	v2 =	vld.idx.msk [tilespmem:v3+s3+$0x0], $0xffff  }
0xef: {  	v3 =	vadd.s32 v18, v1;
	_ =	sdelay $0x3  }
0xf0: {  	[tilespmem:$0x7310] =	vst v2  }
0xf1: {  	v2 =	vld.idx.msk [tilespmem:v3+s3+$0x0], $0xffff  }
0xf2: {  	v3 =	vadd.s32 v19, v1;
	_ =	sdelay $0x3  }
0xf3: {  	[tilespmem:$0x7320] =	vst v2  }
0xf4: {  	v2 =	vld.idx.msk [tilespmem:v3+s3+$0x0], $0xffff  }
0xf5: {  	v3 =	vadd.s32 v20, v1;
	_ =	sdelay $0x3  }
0xf6: {  	[tilespmem:$0x7330] =	vst v2  }
0xf7: {  	v2 =	vld.idx.msk [tilespmem:v3+s3+$0x0], $0xffff  }
0xf8: {  	v3 =	vadd.s32 v21, v1;
	_ =	sdelay $0x3  }
0xf9: {  	[tilespmem:$0x7340] =	vst v2  }
0xfa: {  	v2 =	vld.idx.msk [tilespmem:v3+s3+$0x0], $0xffff  }
0xfb: {  	v3 =	vadd.s32 v22, v1;
	_ =	sdelay $0x3  }
0xfc: {  	[tilespmem:$0x7350] =	vst v2  }
0xfd: {  	v2 =	vld.idx.msk [tilespmem:v3+s3+$0x0], $0xffff  }
0xfe: {  	v3 =	vadd.s32 v23, v1;
	_ =	sdelay $0x3  }
0xff: {  	[tilespmem:$0x7360] =	vst v2  }
0x100: {  	v2 =	vld.idx.msk [tilespmem:v3+s3+$0x0], $0xffff  }
0x101: {  	v3 =	vadd.s32 v24, v1;
	_ =	sdelay $0x3  }
0x102: {  	[tilespmem:$0x7370] =	vst v2  }
0x103: {  	v2 =	vld.idx.msk [tilespmem:v3+s3+$0x0], $0xffff  }
0x104: {  	v3 =	vadd.s32 v25, v1;
	_ =	sdelay $0x3  }
0x105: {  	[tilespmem:$0x7380] =	vst v2  }
0x106: {  	v2 =	vld.idx.msk [tilespmem:v3+s3+$0x0], $0xffff  }
0x107: {  	v3 =	vadd.s32 v26, v1;
	_ =	sdelay $0x3  }
0x108: {  	[tilespmem:$0x7390] =	vst v2  }
0x109: {  	v2 =	vld.idx.msk [tilespmem:v3+s3+$0x0], $0xffff  }
0x10a: {  	v3 =	vadd.s32 v27, v1;
	_ =	sdelay $0x3  }
0x10b: {  	[tilespmem:$0x73A0] =	vst v2  }
0x10c: {  	v2 =	vld.idx.msk [tilespmem:v3+s3+$0x0], $0xffff  }
0x10d: {  	v3 =	vadd.s32 v28, v1;
	_ =	sdelay $0x3  }
0x10e: {  	[tilespmem:$0x73B0] =	vst v2  }
0x10f: {  	v2 =	vld.idx.msk [tilespmem:v3+s3+$0x0], $0xffff  }
0x110: {  	v3 =	vadd.s32 v29, v1;
	_ =	sdelay $0x3  }
0x111: {  	[tilespmem:$0x73C0] =	vst v2  }
0x112: {  	v2 =	vld.idx.msk [tilespmem:v3+s3+$0x0], $0xffff  }
0x113: {  	v3 =	vadd.s32 v30, v1;
	_ =	sdelay $0x3  }
0x114: {  	[tilespmem:$0x73D0] =	vst v2  }
0x115: {  	v2 =	vld.idx.msk [tilespmem:v3+s3+$0x0], $0xffff  }
0x116: {  	v1 =	vadd.s32 v31, v1;
	_ =	sdelay $0x3  }
0x117: {  	[tilespmem:$0x73E0] =	vst v2  }
0x118: {  	v1 =	vld.idx.msk [tilespmem:v1+s3+$0x0], $0xffff;
	_ =	sdelay $0x4  }
0x119: {  	[tilespmem:$0x73F0] =	vst v1  }
0x11a: {  	_ =	swait.ge [sflag:s15], $0x4000  }
0x11b: {  	p0 =	seq.s32 s24, $0x0;
	[sflag:s15] =	ssyncset.done $0x0  }
0x11c: {  	s0 =	simm.s32 @!p0 $0x4;
	[sflag:s15] =	ssyncadd.s32 $0xFFFFC000  }
0x11d: {  	[tilespmem:s17], [sflag:$0x3] =	stream.indirect.gather [hbm4b:s4+s12], $0x20, s16, s12, $0xb8;
	[tilespmem:$0x17C00] =	vst v63  }
0x11e: {  	_ =	swait.ge @!p0 [sflag:s0], $0x1000  }
0x11f: {  	[sflag:s0] =	ssyncset.done @!p0 $0x0  }
0x120: {  	[sflag:s0] =	ssyncadd.s32 @!p0 $0xFFFFF000  }
0x121: {  	_ =	swait.ge @!p0 [sflag:s0], $0x1000  }
0x122: {  	[sflag:s0] =	ssyncset.done @!p0 $0x0  }
0x123: {  	[sflag:s0] =	ssyncadd.s32 @!p0 $0xFFFFF000  }
0x124: {  	_ =	swait.ge @!p0 [sflag:s0], $0x1000  }
0x125: {  	[sflag:s0] =	ssyncset.done @!p0 $0x0  }
0x126: {  	[sflag:s0] =	ssyncadd.s32 @!p0 $0xFFFFF000  }
0x127: {  	_ =	swait.ge @!p0 [sflag:s0], $0x1000  }
0x128: {  	s26 =	sshll.u32 s24, $0x1;
	[sflag:s0] =	ssyncset.done @!p0 $0x0  }
0x129: {  	s28 =	simm.s32 $0x0;
	s1 =	simm.s32 $0x7500;
	[sflag:s0] =	ssyncadd.s32 @!p0 $0xFFFFF000  }
.LBB2_3:
0x12a: {  	s0 =	sshll.u32 s28, $0x3  }
0x12b: {  	s6 =	simm.s32 $0x0;
	v1 =	vmov s0  }
0x12c: {  	v2 =	vmov s6;
	v1 =	vmul.u32 $0x88, v1  }
0x12d: {  	v2 =	vshrl.u32 v2, $0x3  }
0x12e: {  	v3 =	vbroadcast v1, $0x0;
	v1 =	vshll.u32 v2, v48  }
0x12f: {  	v4 =	vbroadcast v1, $0x0  }
0x130: {  	v62 =	vadd.s32 v32, v3  }
0x131: {  	v1 =	vld [tilespmem:s1+$0xFFFFFF00];
	v61 =	vadd.s32 v40, v3;
	v2 =	vadd.s32 v62, v4  }
0x132: {  	v5 =	vld [tilespmem:s1+$0xFFFFFF10];
	v49 =	vadd.s32 v61, v4;
	_ =	sdelay $0x3  }
0x133: {  	[tilespmem:v2+s18+$0x0] =	vst.idx.msk $0xffff, v1  }
0x134: {  	v59 =	vadd.s32 v33, v3;
	[tilespmem:v49+s18+$0x0] =	vst.idx.msk $0xffff, v5  }
0x135: {  	v60 =	vadd.s32 v41, v3;
	v2 =	vadd.s32 v59, v4;
	v1 =	vld [tilespmem:s1+$0xFFFFFF20]  }
0x136: {  	v55 =	vadd.s32 v60, v4;
	v5 =	vld [tilespmem:s1+$0xFFFFFF30];
	_ =	sdelay $0x3  }
0x137: {  	[tilespmem:v2+s18+$0x0] =	vst.idx.msk $0xffff, v1  }
0x138: {  	v57 =	vadd.s32 v34, v3;
	[tilespmem:v55+s18+$0x0] =	vst.idx.msk $0xffff, v5  }
0x139: {  	v58 =	vadd.s32 v42, v3;
	v2 =	vadd.s32 v57, v4;
	v1 =	vld [tilespmem:s1+$0xFFFFFF40]  }
0x13a: {  	v63 =	vadd.s32 v58, v4;
	v5 =	vld [tilespmem:s1+$0xFFFFFF50];
	_ =	sdelay $0x3  }
0x13b: {  	[tilespmem:v2+s18+$0x0] =	vst.idx.msk $0xffff, v1  }
0x13c: {  	v55 =	vadd.s32 v35, v3;
	[tilespmem:v63+s18+$0x0] =	vst.idx.msk $0xffff, v5  }
0x13d: {  	v56 =	vadd.s32 v43, v3;
	v2 =	vadd.s32 v55, v4;
	v1 =	vld [tilespmem:s1+$0xFFFFFF60]  }
0x13e: {  	v53 =	vadd.s32 v56, v4;
	v5 =	vld [tilespmem:s1+$0xFFFFFF70];
	_ =	sdelay $0x3  }
0x13f: {  	[tilespmem:v2+s18+$0x0] =	vst.idx.msk $0xffff, v1  }
0x140: {  	v1 =	vadd.s32 v36, v3;
	[tilespmem:v53+s18+$0x0] =	vst.idx.msk $0xffff, v5  }
0x141: {  	v2 =	vadd.s32 v44, v3;
	v54 =	vadd.s32 v1, v4;
	v5 =	vld [tilespmem:s1+$0xFFFFFF80]  }
0x142: {  	v51 =	vadd.s32 v2, v4;
	v50 =	vld [tilespmem:s1+$0xFFFFFF90];
	_ =	sdelay $0x3  }
0x143: {  	[tilespmem:v54+s18+$0x0] =	vst.idx.msk $0xffff, v5  }
0x144: {  	v53 =	vadd.s32 v37, v3;
	[tilespmem:v51+s18+$0x0] =	vst.idx.msk $0xffff, v50  }
0x145: {  	v63 =	vadd.s32 v53, v4;
	v54 =	vadd.s32 v45, v3;
	v5 =	vld [tilespmem:s1+$0xFFFFFFA0]  }
0x146: {  	v52 =	vadd.s32 v54, v4;
	v50 =	vld [tilespmem:s1+$0xFFFFFFB0];
	_ =	sdelay $0x3  }
0x147: {  	[tilespmem:v63+s18+$0x0] =	vst.idx.msk $0xffff, v5  }
0x148: {  	v51 =	vadd.s32 v38, v3;
	[tilespmem:v52+s18+$0x0] =	vst.idx.msk $0xffff, v50  }
0x149: {  	v49 =	vadd.s32 v51, v4;
	v52 =	vadd.s32 v46, v3;
	v5 =	vld [tilespmem:s1+$0xFFFFFFC0]  }
0x14a: {  	v50 =	vld [tilespmem:s1+$0xFFFFFFD0];
	v63 =	vadd.s32 v52, v4;
	_ =	sdelay $0x3  }
0x14b: {  	[tilespmem:v49+s18+$0x0] =	vst.idx.msk $0xffff, v5  }
0x14c: {  	v49 =	vadd.s32 v39, v3;
	[tilespmem:v63+s18+$0x0] =	vst.idx.msk $0xffff, v50  }
0x14d: {  	v50 =	vadd.s32 v47, v3;
	v5 =	vadd.s32 v49, v4;
	v3 =	vld [tilespmem:s1+$0xFFFFFFE0]  }
0x14e: {  	s6 =	simm.s32 $0x8;
	v63 =	vld [tilespmem:s1+$0xFFFFFFF0];
	v4 =	vadd.s32 v50, v4  }
0x14f: {  	v6 =	vmov s6  }
0x150: {  	v6 =	vshrl.u32 v6, $0x3  }
0x151: {  	v6 =	vshll.u32 v6, v48  }
0x152: {  	[tilespmem:v5+s18+$0x0] =	vst.idx.msk $0xffff, v3;
	v3 =	vbroadcast v6, $0x0  }
0x153: {  	[tilespmem:v4+s18+$0x0] =	vst.idx.msk $0xffff, v63  }
0x154: {  	v4 =	vld [tilespmem:s1+$0x0];
	v5 =	vadd.s32 v62, v3  }
0x155: {  	s6 =	simm.s32 $0x9;
	v6 =	vld [tilespmem:s1+$0x10];
	v3 =	vadd.s32 v61, v3  }
0x156: {  	v63 =	vmov s6  }
0x157: {  	v63 =	vshrl.u32 v63, $0x3  }
0x158: {  	v63 =	vshll.u32 v63, v48  }
0x159: {  	[tilespmem:v5+s18+$0x0] =	vst.idx.msk $0xffff, v4;
	v4 =	vbroadcast v63, $0x0  }
0x15a: {  	[tilespmem:v3+s18+$0x0] =	vst.idx.msk $0xffff, v6  }
0x15b: {  	v3 =	vld [tilespmem:s1+$0x20];
	v5 =	vadd.s32 v59, v4  }
0x15c: {  	s6 =	simm.s32 $0xA;
	v6 =	vld [tilespmem:s1+$0x30];
	v4 =	vadd.s32 v60, v4  }
0x15d: {  	v63 =	vmov s6  }
0x15e: {  	v63 =	vshrl.u32 v63, $0x3  }
0x15f: {  	v63 =	vshll.u32 v63, v48  }
0x160: {  	[tilespmem:v5+s18+$0x0] =	vst.idx.msk $0xffff, v3;
	v3 =	vbroadcast v63, $0x0  }
0x161: {  	[tilespmem:v4+s18+$0x0] =	vst.idx.msk $0xffff, v6  }
0x162: {  	v4 =	vld [tilespmem:s1+$0x40];
	v5 =	vadd.s32 v57, v3  }
0x163: {  	s6 =	simm.s32 $0xB;
	v6 =	vld [tilespmem:s1+$0x50];
	v3 =	vadd.s32 v58, v3  }
0x164: {  	v63 =	vmov s6  }
0x165: {  	v63 =	vshrl.u32 v63, $0x3  }
0x166: {  	v63 =	vshll.u32 v63, v48  }
0x167: {  	[tilespmem:v5+s18+$0x0] =	vst.idx.msk $0xffff, v4;
	v4 =	vbroadcast v63, $0x0  }
0x168: {  	[tilespmem:v3+s18+$0x0] =	vst.idx.msk $0xffff, v6  }
0x169: {  	v3 =	vld [tilespmem:s1+$0x60];
	v5 =	vadd.s32 v55, v4  }
0x16a: {  	s6 =	simm.s32 $0xC;
	v6 =	vld [tilespmem:s1+$0x70];
	v4 =	vadd.s32 v56, v4  }
0x16b: {  	v63 =	vmov s6  }
0x16c: {  	v63 =	vshrl.u32 v63, $0x3  }
0x16d: {  	v63 =	vshll.u32 v63, v48  }
0x16e: {  	[tilespmem:v5+s18+$0x0] =	vst.idx.msk $0xffff, v3;
	v3 =	vbroadcast v63, $0x0  }
0x16f: {  	[tilespmem:v4+s18+$0x0] =	vst.idx.msk $0xffff, v6  }
0x170: {  	v4 =	vld [tilespmem:s1+$0x80];
	v5 =	vadd.s32 v1, v3  }
0x171: {  	s6 =	simm.s32 $0xD;
	v6 =	vld [tilespmem:s1+$0x90];
	v3 =	vadd.s32 v2, v3  }
0x172: {  	v63 =	vmov s6  }
0x173: {  	v63 =	vshrl.u32 v63, $0x3  }
0x174: {  	v63 =	vshll.u32 v63, v48  }
0x175: {  	[tilespmem:v5+s18+$0x0] =	vst.idx.msk $0xffff, v4;
	v4 =	vbroadcast v63, $0x0  }
0x176: {  	[tilespmem:v3+s18+$0x0] =	vst.idx.msk $0xffff, v6  }
0x177: {  	v3 =	vld [tilespmem:s1+$0xA0];
	v5 =	vadd.s32 v53, v4  }
0x178: {  	s6 =	simm.s32 $0xE;
	v6 =	vld [tilespmem:s1+$0xB0];
	v4 =	vadd.s32 v54, v4  }
0x179: {  	v63 =	vmov s6  }
0x17a: {  	v63 =	vshrl.u32 v63, $0x3  }
0x17b: {  	v63 =	vshll.u32 v63, v48  }
0x17c: {  	[tilespmem:v5+s18+$0x0] =	vst.idx.msk $0xffff, v3;
	v3 =	vbroadcast v63, $0x0  }
0x17d: {  	[tilespmem:v4+s18+$0x0] =	vst.idx.msk $0xffff, v6  }
0x17e: {  	v4 =	vld [tilespmem:s1+$0xC0];
	v5 =	vadd.s32 v51, v3  }
0x17f: {  	s6 =	simm.s32 $0xF;
	v6 =	vld [tilespmem:s1+$0xD0];
	v3 =	vadd.s32 v52, v3  }
0x180: {  	v63 =	vmov s6  }
0x181: {  	v63 =	vshrl.u32 v63, $0x3  }
0x182: {  	v63 =	vshll.u32 v63, v48  }
0x183: {  	[tilespmem:v5+s18+$0x0] =	vst.idx.msk $0xffff, v4;
	v4 =	vbroadcast v63, $0x0  }
0x184: {  	[tilespmem:v3+s18+$0x0] =	vst.idx.msk $0xffff, v6  }
0x185: {  	s6 =	simm.s32 $0x10;
	v5 =	vld [tilespmem:s1+$0xE0];
	v6 =	vadd.s32 v49, v4  }
0x186: {  	v3 =	vmov s6  }
0x187: {  	v63 =	vshrl.u32 v3, $0x3;
	v3 =	vld [tilespmem:s1+$0xF0];
	v4 =	vadd.s32 v50, v4;
	_ =	sdelay $0x1  }
0x188: {  	v63 =	vshll.u32 v63, v48  }
0x189: {  	s30 =	simm.s32 $0x1F;
	s31 =	simm.s32 $0x2F;
	s29 =	smov.u32 s1;
	v63 =	vbroadcast v63, $0x0;
	[tilespmem:v6+s18+$0x0] =	vst.idx.msk $0xffff, v5  }
.LBB2_4:
0x18a: {  	p1 =	sne.s32 s31, $0x7F  }
0x18b: {  	[tilespmem:v4+s18+$0x0] =	vst.idx.msk $0xffff, v3;
	s29 =	sadd.s32 $0x200, s29;
	s0 =	smov.u32 s31;
	s31 =	sadd.s32 $0x10, s31  }
0x18c: {  	v3 =	vld [tilespmem:s29+$0xFFFFFF00];
	v4 =	vadd.s32 v62, v63  }
0x18d: {  	v6 =	vadd.s32 v61, v63;
	v5 =	vld [tilespmem:s29+$0xFFFFFF10];
	_ =	sdelay $0x3  }
0x18e: {  	[tilespmem:v4+s18+$0x0] =	vst.idx.msk $0xffff, v3  }
0x18f: {  	[tilespmem:v6+s18+$0x0] =	vst.idx.msk $0xffff, v5  }
0x190: {  	v4 =	vadd.s32 v59, v63;
	v3 =	vld [tilespmem:s29+$0xFFFFFF20]  }
0x191: {  	v6 =	vadd.s32 v60, v63;
	v5 =	vld [tilespmem:s29+$0xFFFFFF30];
	_ =	sdelay $0x3  }
0x192: {  	[tilespmem:v4+s18+$0x0] =	vst.idx.msk $0xffff, v3  }
0x193: {  	[tilespmem:v6+s18+$0x0] =	vst.idx.msk $0xffff, v5  }
0x194: {  	v4 =	vadd.s32 v57, v63;
	v3 =	vld [tilespmem:s29+$0xFFFFFF40]  }
0x195: {  	v6 =	vadd.s32 v58, v63;
	v5 =	vld [tilespmem:s29+$0xFFFFFF50];
	_ =	sdelay $0x3  }
0x196: {  	[tilespmem:v4+s18+$0x0] =	vst.idx.msk $0xffff, v3  }
0x197: {  	[tilespmem:v6+s18+$0x0] =	vst.idx.msk $0xffff, v5  }
0x198: {  	v4 =	vadd.s32 v55, v63;
	v3 =	vld [tilespmem:s29+$0xFFFFFF60]  }
0x199: {  	v6 =	vadd.s32 v56, v63;
	v5 =	vld [tilespmem:s29+$0xFFFFFF70];
	_ =	sdelay $0x3  }
0x19a: {  	[tilespmem:v4+s18+$0x0] =	vst.idx.msk $0xffff, v3  }
0x19b: {  	[tilespmem:v6+s18+$0x0] =	vst.idx.msk $0xffff, v5  }
0x19c: {  	v4 =	vadd.s32 v1, v63;
	v3 =	vld [tilespmem:s29+$0xFFFFFF80]  }
0x19d: {  	v6 =	vadd.s32 v2, v63;
	v5 =	vld [tilespmem:s29+$0xFFFFFF90];
	_ =	sdelay $0x3  }
0x19e: {  	[tilespmem:v4+s18+$0x0] =	vst.idx.msk $0xffff, v3  }
0x19f: {  	[tilespmem:v6+s18+$0x0] =	vst.idx.msk $0xffff, v5  }
0x1a0: {  	v4 =	vadd.s32 v53, v63;
	v3 =	vld [tilespmem:s29+$0xFFFFFFA0]  }
0x1a1: {  	v6 =	vadd.s32 v54, v63;
	v5 =	vld [tilespmem:s29+$0xFFFFFFB0];
	_ =	sdelay $0x3  }
0x1a2: {  	[tilespmem:v4+s18+$0x0] =	vst.idx.msk $0xffff, v3  }
0x1a3: {  	[tilespmem:v6+s18+$0x0] =	vst.idx.msk $0xffff, v5  }
0x1a4: {  	v4 =	vadd.s32 v51, v63;
	v3 =	vld [tilespmem:s29+$0xFFFFFFC0]  }
0x1a5: {  	v6 =	vadd.s32 v52, v63;
	v5 =	vld [tilespmem:s29+$0xFFFFFFD0];
	_ =	sdelay $0x3  }
0x1a6: {  	[tilespmem:v4+s18+$0x0] =	vst.idx.msk $0xffff, v3  }
0x1a7: {  	[tilespmem:v6+s18+$0x0] =	vst.idx.msk $0xffff, v5  }
0x1a8: {  	v4 =	vadd.s32 v49, v63;
	v3 =	vld [tilespmem:s29+$0xFFFFFFE0]  }
0x1a9: {  	s6 =	sadd.s32 $0xFFFFFFF9, s30;
	v6 =	vadd.s32 v50, v63;
	v5 =	vld [tilespmem:s29+$0xFFFFFFF0]  }
0x1aa: {  	v63 =	vmov s6  }
0x1ab: {  	v63 =	vshrl.u32 v63, $0x3  }
0x1ac: {  	v63 =	vshll.u32 v63, v48  }
0x1ad: {  	[tilespmem:v4+s18+$0x0] =	vst.idx.msk $0xffff, v3;
	v3 =	vbroadcast v63, $0x0  }
0x1ae: {  	[tilespmem:v6+s18+$0x0] =	vst.idx.msk $0xffff, v5  }
0x1af: {  	v4 =	vld [tilespmem:s29+$0x0];
	v5 =	vadd.s32 v62, v3  }
0x1b0: {  	s6 =	sadd.s32 $0xFFFFFFFA, s30;
	v3 =	vadd.s32 v61, v3;
	v6 =	vld [tilespmem:s29+$0x10]  }
0x1b1: {  	v63 =	vmov s6  }
0x1b2: {  	v63 =	vshrl.u32 v63, $0x3  }
0x1b3: {  	v63 =	vshll.u32 v63, v48  }
0x1b4: {  	[tilespmem:v5+s18+$0x0] =	vst.idx.msk $0xffff, v4;
	v4 =	vbroadcast v63, $0x0  }
0x1b5: {  	[tilespmem:v3+s18+$0x0] =	vst.idx.msk $0xffff, v6  }
0x1b6: {  	v3 =	vld [tilespmem:s29+$0x20];
	v5 =	vadd.s32 v59, v4  }
0x1b7: {  	s6 =	sadd.s32 $0xFFFFFFFB, s30;
	v4 =	vadd.s32 v60, v4;
	v6 =	vld [tilespmem:s29+$0x30]  }
0x1b8: {  	v63 =	vmov s6  }
0x1b9: {  	v63 =	vshrl.u32 v63, $0x3  }
0x1ba: {  	v63 =	vshll.u32 v63, v48  }
0x1bb: {  	[tilespmem:v5+s18+$0x0] =	vst.idx.msk $0xffff, v3;
	v3 =	vbroadcast v63, $0x0  }
0x1bc: {  	[tilespmem:v4+s18+$0x0] =	vst.idx.msk $0xffff, v6  }
0x1bd: {  	v4 =	vld [tilespmem:s29+$0x40];
	v5 =	vadd.s32 v57, v3  }
0x1be: {  	s6 =	sadd.s32 $0xFFFFFFFC, s30;
	v3 =	vadd.s32 v58, v3;
	v6 =	vld [tilespmem:s29+$0x50]  }
0x1bf: {  	v63 =	vmov s6  }
0x1c0: {  	v63 =	vshrl.u32 v63, $0x3  }
0x1c1: {  	v63 =	vshll.u32 v63, v48  }
0x1c2: {  	[tilespmem:v5+s18+$0x0] =	vst.idx.msk $0xffff, v4;
	v4 =	vbroadcast v63, $0x0  }
0x1c3: {  	[tilespmem:v3+s18+$0x0] =	vst.idx.msk $0xffff, v6  }
0x1c4: {  	v3 =	vld [tilespmem:s29+$0x60];
	v5 =	vadd.s32 v55, v4  }
0x1c5: {  	s6 =	sadd.s32 $0xFFFFFFFD, s30;
	v4 =	vadd.s32 v56, v4;
	v6 =	vld [tilespmem:s29+$0x70]  }
0x1c6: {  	v63 =	vmov s6  }
0x1c7: {  	v63 =	vshrl.u32 v63, $0x3  }
0x1c8: {  	v63 =	vshll.u32 v63, v48  }
0x1c9: {  	[tilespmem:v5+s18+$0x0] =	vst.idx.msk $0xffff, v3;
	v3 =	vbroadcast v63, $0x0  }
0x1ca: {  	[tilespmem:v4+s18+$0x0] =	vst.idx.msk $0xffff, v6  }
0x1cb: {  	v4 =	vld [tilespmem:s29+$0x80];
	v5 =	vadd.s32 v1, v3  }
0x1cc: {  	s6 =	sadd.s32 $0xFFFFFFFE, s30;
	v3 =	vadd.s32 v2, v3;
	v6 =	vld [tilespmem:s29+$0x90]  }
0x1cd: {  	v63 =	vmov s6  }
0x1ce: {  	v63 =	vshrl.u32 v63, $0x3  }
0x1cf: {  	v63 =	vshll.u32 v63, v48  }
0x1d0: {  	[tilespmem:v5+s18+$0x0] =	vst.idx.msk $0xffff, v4;
	v4 =	vbroadcast v63, $0x0  }
0x1d1: {  	[tilespmem:v3+s18+$0x0] =	vst.idx.msk $0xffff, v6  }
0x1d2: {  	v3 =	vld [tilespmem:s29+$0xA0];
	v5 =	vadd.s32 v53, v4  }
0x1d3: {  	s6 =	sadd.s32 $0xFFFFFFFF, s30;
	v4 =	vadd.s32 v54, v4;
	v6 =	vld [tilespmem:s29+$0xB0]  }
0x1d4: {  	v63 =	vmov s6  }
0x1d5: {  	v63 =	vshrl.u32 v63, $0x3  }
0x1d6: {  	v63 =	vshll.u32 v63, v48  }
0x1d7: {  	[tilespmem:v5+s18+$0x0] =	vst.idx.msk $0xffff, v3;
	v3 =	vbroadcast v63, $0x0  }
0x1d8: {  	[tilespmem:v4+s18+$0x0] =	vst.idx.msk $0xffff, v6  }
0x1d9: {  	v4 =	vld [tilespmem:s29+$0xC0];
	v5 =	vadd.s32 v51, v3  }
0x1da: {  	v3 =	vadd.s32 v52, v3;
	v6 =	vld [tilespmem:s29+$0xD0]  }
0x1db: {  	v63 =	vmov s30;
	s30 =	smov.u32 s0  }
0x1dc: {  	v63 =	vshrl.u32 v63, $0x3  }
0x1dd: {  	v63 =	vshll.u32 v63, v48  }
0x1de: {  	[tilespmem:v5+s18+$0x0] =	vst.idx.msk $0xffff, v4;
	v4 =	vbroadcast v63, $0x0  }
0x1df: {  	[tilespmem:v3+s18+$0x0] =	vst.idx.msk $0xffff, v6  }
0x1e0: {  	v5 =	vld [tilespmem:s29+$0xE0];
	v6 =	vadd.s32 v49, v4  }
.Ltmp0:
0x1e1: {  	s0 =	sadd.s32 $0xFFFFFFF1, s30;
	v4 =	vadd.s32 v50, v4;
	v3 =	vld [tilespmem:s29+$0xF0];
	(pc) =	sbr.rel @p1 .LBB2_4-.Ltmp0, $4  }
0x1e2: {  	v63 =	vmov s0  }
0x1e3: {  	v63 =	vshrl.u32 v63, $0x3  }
0x1e4: {  	v63 =	vshll.u32 v63, v48  }
0x1e5: {  	v63 =	vbroadcast v63, $0x0;
	[tilespmem:v6+s18+$0x0] =	vst.idx.msk $0xffff, v5  }
0x1e6: {  	_ =	sdelay $0x3  }
0x1e7: {  	[tilespmem:v4+s18+$0x0] =	vst.idx.msk $0xffff, v3;
	s0 =	sadd.s32 $0x200, s29  }
0x1e8: {  	v3 =	vld [tilespmem:s0+$0xFFFFFF00];
	v4 =	vadd.s32 v62, v63  }
0x1e9: {  	v5 =	vld [tilespmem:s0+$0xFFFFFF10];
	v6 =	vadd.s32 v61, v63;
	_ =	sdelay $0x3  }
0x1ea: {  	[tilespmem:v4+s18+$0x0] =	vst.idx.msk $0xffff, v3  }
0x1eb: {  	[tilespmem:v6+s18+$0x0] =	vst.idx.msk $0xffff, v5  }
0x1ec: {  	v4 =	vadd.s32 v59, v63;
	v3 =	vld [tilespmem:s0+$0xFFFFFF20]  }
0x1ed: {  	v6 =	vadd.s32 v60, v63;
	v5 =	vld [tilespmem:s0+$0xFFFFFF30];
	_ =	sdelay $0x3  }
0x1ee: {  	[tilespmem:v4+s18+$0x0] =	vst.idx.msk $0xffff, v3  }
0x1ef: {  	[tilespmem:v6+s18+$0x0] =	vst.idx.msk $0xffff, v5  }
0x1f0: {  	v4 =	vadd.s32 v57, v63;
	v3 =	vld [tilespmem:s0+$0xFFFFFF40]  }
0x1f1: {  	v6 =	vadd.s32 v58, v63;
	v5 =	vld [tilespmem:s0+$0xFFFFFF50];
	_ =	sdelay $0x3  }
0x1f2: {  	[tilespmem:v4+s18+$0x0] =	vst.idx.msk $0xffff, v3  }
0x1f3: {  	[tilespmem:v6+s18+$0x0] =	vst.idx.msk $0xffff, v5  }
0x1f4: {  	v4 =	vadd.s32 v55, v63;
	v3 =	vld [tilespmem:s0+$0xFFFFFF60]  }
0x1f5: {  	v6 =	vadd.s32 v56, v63;
	v5 =	vld [tilespmem:s0+$0xFFFFFF70];
	_ =	sdelay $0x3  }
0x1f6: {  	[tilespmem:v4+s18+$0x0] =	vst.idx.msk $0xffff, v3  }
0x1f7: {  	[tilespmem:v6+s18+$0x0] =	vst.idx.msk $0xffff, v5  }
0x1f8: {  	v4 =	vadd.s32 v1, v63;
	v3 =	vld [tilespmem:s0+$0xFFFFFF80]  }
0x1f9: {  	v6 =	vadd.s32 v2, v63;
	v5 =	vld [tilespmem:s0+$0xFFFFFF90];
	_ =	sdelay $0x3  }
0x1fa: {  	[tilespmem:v4+s18+$0x0] =	vst.idx.msk $0xffff, v3  }
0x1fb: {  	[tilespmem:v6+s18+$0x0] =	vst.idx.msk $0xffff, v5  }
0x1fc: {  	v4 =	vadd.s32 v53, v63;
	v3 =	vld [tilespmem:s0+$0xFFFFFFA0]  }
0x1fd: {  	v6 =	vadd.s32 v54, v63;
	v5 =	vld [tilespmem:s0+$0xFFFFFFB0];
	_ =	sdelay $0x3  }
0x1fe: {  	[tilespmem:v4+s18+$0x0] =	vst.idx.msk $0xffff, v3  }
0x1ff: {  	[tilespmem:v6+s18+$0x0] =	vst.idx.msk $0xffff, v5  }
0x200: {  	v4 =	vadd.s32 v51, v63;
	v3 =	vld [tilespmem:s0+$0xFFFFFFC0]  }
0x201: {  	v6 =	vadd.s32 v52, v63;
	v5 =	vld [tilespmem:s0+$0xFFFFFFD0];
	_ =	sdelay $0x3  }
0x202: {  	[tilespmem:v4+s18+$0x0] =	vst.idx.msk $0xffff, v3  }
0x203: {  	[tilespmem:v6+s18+$0x0] =	vst.idx.msk $0xffff, v5  }
0x204: {  	v4 =	vadd.s32 v49, v63;
	v3 =	vld [tilespmem:s0+$0xFFFFFFE0]  }
0x205: {  	s6 =	sadd.s32 $0xFFFFFFF9, s30;
	v6 =	vadd.s32 v50, v63;
	v5 =	vld [tilespmem:s0+$0xFFFFFFF0]  }
0x206: {  	v63 =	vmov s6  }
0x207: {  	v63 =	vshrl.u32 v63, $0x3  }
0x208: {  	v63 =	vshll.u32 v63, v48  }
0x209: {  	[tilespmem:v4+s18+$0x0] =	vst.idx.msk $0xffff, v3;
	v3 =	vbroadcast v63, $0x0  }
0x20a: {  	[tilespmem:v6+s18+$0x0] =	vst.idx.msk $0xffff, v5  }
0x20b: {  	v4 =	vld [tilespmem:s0+$0x0];
	v5 =	vadd.s32 v62, v3  }
0x20c: {  	s29 =	sadd.s32 $0xFFFFFFFA, s30;
	v6 =	vld [tilespmem:s0+$0x10];
	v3 =	vadd.s32 v61, v3  }
0x20d: {  	v61 =	vmov s29  }
0x20e: {  	v61 =	vshrl.u32 v61, $0x3  }
0x20f: {  	v61 =	vshll.u32 v61, v48  }
0x210: {  	v62 =	vbroadcast v61, $0x0;
	[tilespmem:v5+s18+$0x0] =	vst.idx.msk $0xffff, v4  }
0x211: {  	[tilespmem:v3+s18+$0x0] =	vst.idx.msk $0xffff, v6  }
0x212: {  	v63 =	vadd.s32 v59, v62;
	v3 =	vld [tilespmem:s0+$0x20]  }
0x213: {  	s31 =	sadd.s32 $0xFFFFFFFB, s30;
	v4 =	vadd.s32 v60, v62;
	v6 =	vld [tilespmem:s0+$0x30]  }
0x214: {  	v61 =	vmov s31  }
0x215: {  	v59 =	vshrl.u32 v61, $0x3  }
0x216: {  	v59 =	vshll.u32 v59, v48  }
0x217: {  	[tilespmem:v63+s18+$0x0] =	vst.idx.msk $0xffff, v3;
	v3 =	vbroadcast v59, $0x0  }
0x218: {  	[tilespmem:v4+s18+$0x0] =	vst.idx.msk $0xffff, v6  }
0x219: {  	v4 =	vld [tilespmem:s0+$0x40];
	v62 =	vadd.s32 v57, v3  }
0x21a: {  	s29 =	sadd.s32 $0xFFFFFFFC, s30;
	v6 =	vld [tilespmem:s0+$0x50];
	v3 =	vadd.s32 v58, v3  }
0x21b: {  	v63 =	vmov s29  }
0x21c: {  	v57 =	vshrl.u32 v63, $0x3  }
0x21d: {  	v57 =	vshll.u32 v57, v48  }
0x21e: {  	v59 =	vbroadcast v57, $0x0;
	[tilespmem:v62+s18+$0x0] =	vst.idx.msk $0xffff, v4  }
0x21f: {  	[tilespmem:v3+s18+$0x0] =	vst.idx.msk $0xffff, v6  }
0x220: {  	v60 =	vadd.s32 v55, v59;
	v3 =	vld [tilespmem:s0+$0x60]  }
0x221: {  	s31 =	sadd.s32 $0xFFFFFFFD, s30;
	v4 =	vadd.s32 v56, v59;
	v6 =	vld [tilespmem:s0+$0x70]  }
0x222: {  	v61 =	vmov s31  }
0x223: {  	v55 =	vshrl.u32 v61, $0x3  }
0x224: {  	v55 =	vshll.u32 v55, v48  }
0x225: {  	[tilespmem:v60+s18+$0x0] =	vst.idx.msk $0xffff, v3;
	v3 =	vbroadcast v55, $0x0  }
0x226: {  	[tilespmem:v4+s18+$0x0] =	vst.idx.msk $0xffff, v6  }
0x227: {  	v4 =	vld [tilespmem:s0+$0x80];
	v1 =	vadd.s32 v1, v3  }
0x228: {  	s29 =	sadd.s32 $0xFFFFFFFE, s30;
	v5 =	vld [tilespmem:s0+$0x90];
	v2 =	vadd.s32 v2, v3  }
0x229: {  	v3 =	vmov s29  }
0x22a: {  	v3 =	vshrl.u32 v3, $0x3  }
0x22b: {  	v3 =	vshll.u32 v3, v48  }
0x22c: {  	[tilespmem:v1+s18+$0x0] =	vst.idx.msk $0xffff, v4;
	v1 =	vbroadcast v3, $0x0  }
0x22d: {  	[tilespmem:v2+s18+$0x0] =	vst.idx.msk $0xffff, v5  }
0x22e: {  	v2 =	vld [tilespmem:s0+$0xA0];
	v3 =	vadd.s32 v53, v1  }
0x22f: {  	s31 =	sadd.s32 $0xFFFFFFFF, s30;
	v4 =	vld [tilespmem:s0+$0xB0];
	v1 =	vadd.s32 v54, v1  }
0x230: {  	v62 =	vmov s31  }
0x231: {  	v5 =	vshrl.u32 v62, $0x3  }
0x232: {  	v5 =	vshll.u32 v5, v48  }
0x233: {  	[tilespmem:v3+s18+$0x0] =	vst.idx.msk $0xffff, v2;
	v2 =	vbroadcast v5, $0x0  }
0x234: {  	[tilespmem:v1+s18+$0x0] =	vst.idx.msk $0xffff, v4  }
0x235: {  	v1 =	vld [tilespmem:s0+$0xC0];
	v3 =	vadd.s32 v51, v2  }
0x236: {  	v4 =	vld [tilespmem:s0+$0xD0];
	v2 =	vadd.s32 v52, v2  }
0x237: {  	v63 =	vmov s30  }
0x238: {  	v5 =	vshrl.u32 v63, $0x3  }
0x239: {  	v5 =	vshll.u32 v5, v48  }
0x23a: {  	[tilespmem:v3+s18+$0x0] =	vst.idx.msk $0xffff, v1;
	v1 =	vbroadcast v5, $0x0  }
0x23b: {  	[tilespmem:v2+s18+$0x0] =	vst.idx.msk $0xffff, v4  }
0x23c: {  	s28 =	sadd.s32 $0x1, s28;
	v2 =	vld [tilespmem:s0+$0xE0];
	v3 =	vadd.s32 v49, v1  }
0x23d: {  	p1 =	sne.s32 s28, $0x4;
	v4 =	vld [tilespmem:s0+$0xF0];
	v1 =	vadd.s32 v50, v1  }
.Ltmp1:
0x23e: {  	_ = 	snop;
	(pc) =	sbr.rel @p1 .LBB2_3-.Ltmp1, $3  }
0x23f: {  	_ =	sdelay $0x1  }
0x240: {  	[tilespmem:v3+s18+$0x0] =	vst.idx.msk $0xffff, v2  }
0x241: {  	s1 =	sadd.s32 $0x1000, s1;
	[tilespmem:v1+s18+$0x0] =	vst.idx.msk $0xffff, v4  }
0x242: {  	s0 =	sshll.u32 s24, $0x14  }
0x243: {  	s1 =	sor.u32 s5, s0  }
0x244: {  	s1 =	sshrl.u32 s1, $0x3  }
0x245: {  	s28 =	simm.s32 $0xF400;
	s1 =	sadd.s32 s2, s1  }
0x246: {  	s29 =	simm.s32 $0x10;
	s30 =	simm.s32 $0xF488;
	s31 =	sadd.s32 $0x0, s1  }
.LBB2_7:
0x247: {  	[hbm4b:s31+s3] =	stream.linear.scatter [tilespmem:s28], [sflag:$0x4], $0x80, $0x38;
	[tilespmem:$0x17C00] =	vst v63  }
0x248: {  	s6 =	smov.u32 s29;
	s28 =	smov.u32 s30;
	p1 =	sne.s32 s29, $0x1F0  }
.Ltmp2:
0x249: {  	s29 =	sadd.s32 $0x10, s29;
	(pc) =	sbr.rel @p1 .LBB2_7-.Ltmp2, $2  }
0x24a: {  	_ =	sdelay $0x2  }
0x24b: {  	s30 =	sadd.s32 $0x88, s30;
	s31 =	sadd.s32 s6, s1  }
0x24c: {  	[hbm4b:s31+s3] =	stream.linear.scatter [tilespmem:s28], [sflag:$0x4], $0x80, $0x38;
	[tilespmem:$0x17C00] =	vst v63  }
0x24d: {  	s1 =	sor.u32 s7, s0  }
0x24e: {  	s1 =	sshrl.u32 s1, $0x3  }
0x24f: {  	s28 =	simm.s32 $0x10500;
	s1 =	sadd.s32 s2, s1  }
0x250: {  	s29 =	simm.s32 $0x10;
	s30 =	simm.s32 $0x10588;
	s31 =	sadd.s32 $0x0, s1  }
.LBB2_9:
0x251: {  	[hbm4b:s31+s3] =	stream.linear.scatter [tilespmem:s28], [sflag:$0x4], $0x80, $0x38;
	[tilespmem:$0x17C00] =	vst v63  }
0x252: {  	s6 =	smov.u32 s29;
	s28 =	smov.u32 s30;
	p1 =	sne.s32 s29, $0x1F0  }
.Ltmp3:
0x253: {  	s29 =	sadd.s32 $0x10, s29;
	(pc) =	sbr.rel @p1 .LBB2_9-.Ltmp3, $2  }
0x254: {  	_ =	sdelay $0x2  }
0x255: {  	s30 =	sadd.s32 $0x88, s30;
	s31 =	sadd.s32 s6, s1  }
0x256: {  	[hbm4b:s31+s3] =	stream.linear.scatter [tilespmem:s28], [sflag:$0x4], $0x80, $0x38;
	[tilespmem:$0x17C00] =	vst v63  }
0x257: {  	s1 =	sor.u32 s8, s0  }
0x258: {  	s1 =	sshrl.u32 s1, $0x3  }
0x259: {  	s28 =	simm.s32 $0x11600;
	s1 =	sadd.s32 s2, s1  }
0x25a: {  	s29 =	simm.s32 $0x10;
	s30 =	simm.s32 $0x11688;
	s31 =	sadd.s32 $0x0, s1  }
.LBB2_11:
0x25b: {  	[hbm4b:s31+s3] =	stream.linear.scatter [tilespmem:s28], [sflag:$0x4], $0x80, $0x38;
	[tilespmem:$0x17C00] =	vst v63  }
0x25c: {  	s6 =	smov.u32 s29;
	s28 =	smov.u32 s30;
	p1 =	sne.s32 s29, $0x1F0  }
.Ltmp4:
0x25d: {  	s29 =	sadd.s32 $0x10, s29;
	(pc) =	sbr.rel @p1 .LBB2_11-.Ltmp4, $2  }
0x25e: {  	_ =	sdelay $0x2  }
0x25f: {  	s30 =	sadd.s32 $0x88, s30;
	s31 =	sadd.s32 s6, s1  }
0x260: {  	[hbm4b:s31+s3] =	stream.linear.scatter [tilespmem:s28], [sflag:$0x4], $0x80, $0x38;
	[tilespmem:$0x17C00] =	vst v63  }
0x261: {  	s0 =	sor.u32 s9, s0  }
0x262: {  	s0 =	sshrl.u32 s0, $0x3  }
0x263: {  	s1 =	simm.s32 $0x12700;
	s0 =	sadd.s32 s2, s0  }
0x264: {  	s28 =	simm.s32 $0x10;
	s29 =	simm.s32 $0x12788;
	s30 =	sadd.s32 $0x0, s0  }
.LBB2_13:
0x265: {  	[hbm4b:s30+s3] =	stream.linear.scatter [tilespmem:s1], [sflag:$0x4], $0x80, $0x38;
	[tilespmem:$0x17C00] =	vst v63  }
0x266: {  	s6 =	smov.u32 s28;
	s1 =	smov.u32 s29;
	p1 =	sne.s32 s28, $0x1F0  }
.Ltmp5:
0x267: {  	s28 =	sadd.s32 $0x10, s28;
	(pc) =	sbr.rel @p1 .LBB2_13-.Ltmp5, $2  }
0x268: {  	_ =	sdelay $0x2  }
0x269: {  	s29 =	sadd.s32 $0x88, s29;
	s30 =	sadd.s32 s6, s0  }
0x26a: {  	p1 =	sne.s32 s24, $0x18  }
.Ltmp6:
0x26b: {  	_ = 	snop;
	(pc) =	sbr.rel @p1 .LBB2_16-.Ltmp6, $2  }
0x26c: {  	_ =	sdelay $0x2  }
0x26d: {  	[hbm4b:s30+s3] =	stream.linear.scatter [tilespmem:s1], [sflag:$0x4], $0x80, $0x38;
	[tilespmem:$0x17C00] =	vst v63  }
.Ltmp7:
0x26e: {  	(pc) =	sbr.rel .LBB2_17-.Ltmp7, $4  }
0x26f: {  	_ = 	snop  }
0x270: {  	_ =	swait.ge [sflag:s19], $0x4000  }
0x271: {  	[sflag:s19] =	ssyncset.done $0x0  }
0x272: {  	[sflag:s19] =	ssyncadd.s32 $0xFFFFC000  }
.LBB2_16:
0x273: {  	s0 =	sadd.s32 $0x2, s26  }
0x274: {  	v1 =	vmov s0  }
0x275: {  	v1 =	vand.u32 $0x7E, v1  }
0x276: {  	v2 =	vadd.s32 v0, v1  }
0x277: {  	v3 =	vld [tilespmem:$0x1FF90];
	_ =	sdelay $0x3  }
0x278: {  	v2 =	vld.idx.msk [tilespmem:v2+s3+$0x0], $0xffff  }
0x279: {  	v3 =	vadd.s32 v3, v1;
	_ =	sdelay $0x3  }
0x27a: {  	[tilespmem:$0x7000] =	vst v2  }
0x27b: {  	v2 =	vld.idx.msk [tilespmem:v3+s3+$0x0], $0xffff  }
0x27c: {  	v3 =	vld [tilespmem:$0x1FFA0];
	_ =	sdelay $0x4  }
0x27d: {  	v3 =	vadd.s32 v3, v1;
	_ =	sdelay $0x3  }
0x27e: {  	[tilespmem:$0x7010] =	vst v2  }
0x27f: {  	v2 =	vld.idx.msk [tilespmem:v3+s3+$0x0], $0xffff  }
0x280: {  	v3 =	vld [tilespmem:$0x1FFB0];
	_ =	sdelay $0x4  }
0x281: {  	v3 =	vadd.s32 v3, v1;
	_ =	sdelay $0x3  }
0x282: {  	[tilespmem:$0x7020] =	vst v2  }
0x283: {  	v2 =	vld.idx.msk [tilespmem:v3+s3+$0x0], $0xffff  }
0x284: {  	v3 =	vld [tilespmem:$0x1FFC0];
	_ =	sdelay $0x4  }
0x285: {  	v3 =	vadd.s32 v3, v1;
	_ =	sdelay $0x3  }
0x286: {  	[tilespmem:$0x7030] =	vst v2  }
0x287: {  	v2 =	vld.idx.msk [tilespmem:v3+s3+$0x0], $0xffff  }
0x288: {  	v3 =	vld [tilespmem:$0x1FFD0];
	_ =	sdelay $0x4  }
0x289: {  	v3 =	vadd.s32 v3, v1;
	_ =	sdelay $0x3  }
0x28a: {  	[tilespmem:$0x7040] =	vst v2  }
0x28b: {  	v2 =	vld.idx.msk [tilespmem:v3+s3+$0x0], $0xffff  }
0x28c: {  	v3 =	vld [tilespmem:$0x1FFE0];
	_ =	sdelay $0x4  }
0x28d: {  	v3 =	vadd.s32 v3, v1;
	_ =	sdelay $0x3  }
0x28e: {  	[tilespmem:$0x7050] =	vst v2  }
0x28f: {  	v2 =	vld.idx.msk [tilespmem:v3+s3+$0x0], $0xffff  }
0x290: {  	v3 =	vld [tilespmem:$0x1FFF0];
	_ =	sdelay $0x4  }
0x291: {  	v3 =	vadd.s32 v3, v1;
	_ =	sdelay $0x3  }
0x292: {  	[tilespmem:$0x7060] =	vst v2  }
0x293: {  	v2 =	vld.idx.msk [tilespmem:v3+s3+$0x0], $0xffff  }
0x294: {  	v3 =	vadd.s32 v8, v1;
	_ =	sdelay $0x3  }
0x295: {  	[tilespmem:$0x7070] =	vst v2  }
0x296: {  	v2 =	vld.idx.msk [tilespmem:v3+s3+$0x0], $0xffff  }
0x297: {  	v3 =	vadd.s32 v9, v1;
	_ =	sdelay $0x3  }
0x298: {  	[tilespmem:$0x7080] =	vst v2  }
0x299: {  	v2 =	vld.idx.msk [tilespmem:v3+s3+$0x0], $0xffff  }
0x29a: {  	v3 =	vadd.s32 v10, v1;
	_ =	sdelay $0x3  }
0x29b: {  	[tilespmem:$0x7090] =	vst v2  }
0x29c: {  	v2 =	vld.idx.msk [tilespmem:v3+s3+$0x0], $0xffff  }
0x29d: {  	v3 =	vadd.s32 v11, v1;
	_ =	sdelay $0x3  }
0x29e: {  	[tilespmem:$0x70A0] =	vst v2  }
0x29f: {  	v2 =	vld.idx.msk [tilespmem:v3+s3+$0x0], $0xffff  }
0x2a0: {  	v3 =	vadd.s32 v12, v1;
	_ =	sdelay $0x3  }
0x2a1: {  	[tilespmem:$0x70B0] =	vst v2  }
0x2a2: {  	v2 =	vld.idx.msk [tilespmem:v3+s3+$0x0], $0xffff  }
0x2a3: {  	v3 =	vadd.s32 v13, v1;
	_ =	sdelay $0x3  }
0x2a4: {  	[tilespmem:$0x70C0] =	vst v2  }
0x2a5: {  	v2 =	vld.idx.msk [tilespmem:v3+s3+$0x0], $0xffff  }
0x2a6: {  	v3 =	vadd.s32 v14, v1;
	_ =	sdelay $0x3  }
0x2a7: {  	[tilespmem:$0x70D0] =	vst v2  }
0x2a8: {  	v2 =	vld.idx.msk [tilespmem:v3+s3+$0x0], $0xffff  }
0x2a9: {  	v3 =	vadd.s32 v15, v1;
	_ =	sdelay $0x3  }
0x2aa: {  	[tilespmem:$0x70E0] =	vst v2  }
0x2ab: {  	v2 =	vld.idx.msk [tilespmem:v3+s3+$0x0], $0xffff  }
0x2ac: {  	v3 =	vadd.s32 v16, v1;
	_ =	sdelay $0x3  }
0x2ad: {  	[tilespmem:$0x70F0] =	vst v2  }
0x2ae: {  	v2 =	vld.idx.msk [tilespmem:v3+s3+$0x0], $0xffff  }
0x2af: {  	v3 =	vadd.s32 v17, v1;
	_ =	sdelay $0x3  }
0x2b0: {  	[tilespmem:$0x7100] =	vst v2  }
0x2b1: {  	v2 =	vld.idx.msk [tilespmem:v3+s3+$0x0], $0xffff  }
0x2b2: {  	v3 =	vadd.s32 v18, v1;
	_ =	sdelay $0x3  }
0x2b3: {  	[tilespmem:$0x7110] =	vst v2  }
0x2b4: {  	v2 =	vld.idx.msk [tilespmem:v3+s3+$0x0], $0xffff  }
0x2b5: {  	v3 =	vadd.s32 v19, v1;
	_ =	sdelay $0x3  }
0x2b6: {  	[tilespmem:$0x7120] =	vst v2  }
0x2b7: {  	v2 =	vld.idx.msk [tilespmem:v3+s3+$0x0], $0xffff  }
0x2b8: {  	v3 =	vadd.s32 v20, v1;
	_ =	sdelay $0x3  }
0x2b9: {  	[tilespmem:$0x7130] =	vst v2  }
0x2ba: {  	v2 =	vld.idx.msk [tilespmem:v3+s3+$0x0], $0xffff  }
0x2bb: {  	v3 =	vadd.s32 v21, v1;
	_ =	sdelay $0x3  }
0x2bc: {  	[tilespmem:$0x7140] =	vst v2  }
0x2bd: {  	v2 =	vld.idx.msk [tilespmem:v3+s3+$0x0], $0xffff  }
0x2be: {  	v3 =	vadd.s32 v22, v1;
	_ =	sdelay $0x3  }
0x2bf: {  	[tilespmem:$0x7150] =	vst v2  }
0x2c0: {  	v2 =	vld.idx.msk [tilespmem:v3+s3+$0x0], $0xffff  }
0x2c1: {  	v3 =	vadd.s32 v23, v1;
	_ =	sdelay $0x3  }
0x2c2: {  	[tilespmem:$0x7160] =	vst v2  }
0x2c3: {  	v2 =	vld.idx.msk [tilespmem:v3+s3+$0x0], $0xffff  }
0x2c4: {  	v3 =	vadd.s32 v24, v1;
	_ =	sdelay $0x3  }
0x2c5: {  	[tilespmem:$0x7170] =	vst v2  }
0x2c6: {  	v2 =	vld.idx.msk [tilespmem:v3+s3+$0x0], $0xffff  }
0x2c7: {  	v3 =	vadd.s32 v25, v1;
	_ =	sdelay $0x3  }
0x2c8: {  	[tilespmem:$0x7180] =	vst v2  }
0x2c9: {  	v2 =	vld.idx.msk [tilespmem:v3+s3+$0x0], $0xffff  }
0x2ca: {  	v3 =	vadd.s32 v26, v1;
	_ =	sdelay $0x3  }
0x2cb: {  	[tilespmem:$0x7190] =	vst v2  }
0x2cc: {  	v2 =	vld.idx.msk [tilespmem:v3+s3+$0x0], $0xffff  }
0x2cd: {  	v3 =	vadd.s32 v27, v1;
	_ =	sdelay $0x3  }
0x2ce: {  	[tilespmem:$0x71A0] =	vst v2  }
0x2cf: {  	v2 =	vld.idx.msk [tilespmem:v3+s3+$0x0], $0xffff  }
0x2d0: {  	v3 =	vadd.s32 v28, v1;
	_ =	sdelay $0x3  }
0x2d1: {  	[tilespmem:$0x71B0] =	vst v2  }
0x2d2: {  	v2 =	vld.idx.msk [tilespmem:v3+s3+$0x0], $0xffff  }
0x2d3: {  	v3 =	vadd.s32 v29, v1;
	_ =	sdelay $0x3  }
0x2d4: {  	[tilespmem:$0x71C0] =	vst v2  }
0x2d5: {  	v2 =	vld.idx.msk [tilespmem:v3+s3+$0x0], $0xffff  }
0x2d6: {  	v3 =	vadd.s32 v30, v1;
	_ =	sdelay $0x3  }
0x2d7: {  	[tilespmem:$0x71D0] =	vst v2  }
0x2d8: {  	v2 =	vld.idx.msk [tilespmem:v3+s3+$0x0], $0xffff  }
0x2d9: {  	v1 =	vadd.s32 v31, v1;
	_ =	sdelay $0x3  }
0x2da: {  	[tilespmem:$0x71E0] =	vst v2  }
0x2db: {  	v1 =	vld.idx.msk [tilespmem:v1+s3+$0x0], $0xffff;
	_ =	sdelay $0x4  }
.Ltmp8:
0x2dc: {  	[tilespmem:$0x71F0] =	vst v1;
	(pc) =	sbr.rel @p0 .LBB2_18-.Ltmp8, $4  }
0x2dd: {  	_ =	swait.ge [sflag:s19], $0x4000  }
0x2de: {  	[sflag:s19] =	ssyncset.done $0x0  }
0x2df: {  	[sflag:s19] =	ssyncadd.s32 $0xFFFFC000  }
0x2e0: {  	[tilespmem:s14], [sflag:$0x2] =	stream.indirect.gather [hbm4b:s4+s12], $0x20, s13, s12, $0xb8;
	[tilespmem:$0x17C00] =	vst v63  }
.LBB2_17:
0x2e1: {  	_ =	swait.ge [sflag:s20], $0x1000  }
0x2e2: {  	[sflag:s20] =	ssyncset.done $0x0  }
0x2e3: {  	[sflag:s20] =	ssyncadd.s32 $0xFFFFF000  }
0x2e4: {  	_ =	swait.ge [sflag:s20], $0x1000  }
0x2e5: {  	[sflag:s20] =	ssyncset.done $0x0  }
0x2e6: {  	[sflag:s20] =	ssyncadd.s32 $0xFFFFF000  }
0x2e7: {  	_ =	swait.ge [sflag:s20], $0x1000  }
0x2e8: {  	[sflag:s20] =	ssyncset.done $0x0  }
0x2e9: {  	[sflag:s20] =	ssyncadd.s32 $0xFFFFF000  }
0x2ea: {  	_ =	swait.ge [sflag:s20], $0x1000  }
0x2eb: {  	[sflag:s20] =	ssyncset.done $0x0  }
0x2ec: {  	[sflag:s20] =	ssyncadd.s32 $0xFFFFF000  }
.LBB2_18:
0x2ed: {  	s26 =	simm.s32 $0x0;
	s28 =	simm.s32 $0x7400  }
.LBB2_19:
0x2ee: {  	s0 =	sshll.u32 s26, $0x3  }
0x2ef: {  	s1 =	simm.s32 $0x0;
	v1 =	vmov s0  }
0x2f0: {  	v49 =	vmov s28;
	v2 =	vmov s1;
	v1 =	vmul.u32 $0x88, v1  }
0x2f1: {  	v2 =	vshrl.u32 v2, $0x3  }
0x2f2: {  	v3 =	vbroadcast v1, $0x0;
	v1 =	vshll.u32 v2, v48  }
0x2f3: {  	v4 =	vbroadcast v1, $0x0  }
0x2f4: {  	s0 =	simm.s32 $0x0;
	v1 =	vadd.s32 v32, v3  }
0x2f5: {  	v5 =	vld.idx.msk [tilespmem:v49+s0+$0x4000 ss:$0x1], $0xffff;
	v2 =	vadd.s32 v40, v3;
	v6 =	vadd.s32 v1, v4  }
0x2f6: {  	v50 =	vld.idx.msk [tilespmem:v49+s0+$0x4010 ss:$0x1], $0xffff;
	v51 =	vadd.s32 v2, v4;
	_ =	sdelay $0x3  }
0x2f7: {  	[tilespmem:v6+s21+$0x0] =	vst.idx.msk $0xffff, v5  }
0x2f8: {  	v62 =	vadd.s32 v33, v3;
	[tilespmem:v51+s21+$0x0] =	vst.idx.msk $0xffff, v50  }
0x2f9: {  	v63 =	vadd.s32 v41, v3;
	v6 =	vadd.s32 v62, v4;
	v5 =	vld.idx.msk [tilespmem:v49+s0+$0x4020 ss:$0x1], $0xffff  }
0x2fa: {  	v54 =	vadd.s32 v63, v4;
	v50 =	vld.idx.msk [tilespmem:v49+s0+$0x4030 ss:$0x1], $0xffff;
	_ =	sdelay $0x3  }
0x2fb: {  	[tilespmem:v6+s21+$0x0] =	vst.idx.msk $0xffff, v5  }
0x2fc: {  	v60 =	vadd.s32 v34, v3;
	[tilespmem:v54+s21+$0x0] =	vst.idx.msk $0xffff, v50  }
0x2fd: {  	v61 =	vadd.s32 v42, v3;
	v6 =	vadd.s32 v60, v4;
	v5 =	vld.idx.msk [tilespmem:v49+s0+$0x4040 ss:$0x1], $0xffff  }
0x2fe: {  	v55 =	vadd.s32 v61, v4;
	v50 =	vld.idx.msk [tilespmem:v49+s0+$0x4050 ss:$0x1], $0xffff;
	_ =	sdelay $0x3  }
0x2ff: {  	[tilespmem:v6+s21+$0x0] =	vst.idx.msk $0xffff, v5  }
0x300: {  	v58 =	vadd.s32 v35, v3;
	[tilespmem:v55+s21+$0x0] =	vst.idx.msk $0xffff, v50  }
0x301: {  	v59 =	vadd.s32 v43, v3;
	v6 =	vadd.s32 v58, v4;
	v5 =	vld.idx.msk [tilespmem:v49+s0+$0x4060 ss:$0x1], $0xffff  }
0x302: {  	v51 =	vadd.s32 v59, v4;
	v50 =	vld.idx.msk [tilespmem:v49+s0+$0x4070 ss:$0x1], $0xffff;
	_ =	sdelay $0x3  }
0x303: {  	[tilespmem:v6+s21+$0x0] =	vst.idx.msk $0xffff, v5  }
0x304: {  	v56 =	vadd.s32 v36, v3;
	[tilespmem:v51+s21+$0x0] =	vst.idx.msk $0xffff, v50  }
0x305: {  	v57 =	vadd.s32 v44, v3;
	v6 =	vadd.s32 v56, v4;
	v5 =	vld.idx.msk [tilespmem:v49+s0+$0x4080 ss:$0x1], $0xffff  }
0x306: {  	v51 =	vadd.s32 v57, v4;
	v50 =	vld.idx.msk [tilespmem:v49+s0+$0x4090 ss:$0x1], $0xffff;
	_ =	sdelay $0x3  }
0x307: {  	[tilespmem:v6+s21+$0x0] =	vst.idx.msk $0xffff, v5  }
0x308: {  	v54 =	vadd.s32 v37, v3;
	[tilespmem:v51+s21+$0x0] =	vst.idx.msk $0xffff, v50  }
0x309: {  	v55 =	vadd.s32 v45, v3;
	v6 =	vadd.s32 v54, v4;
	v5 =	vld.idx.msk [tilespmem:v49+s0+$0x40A0 ss:$0x1], $0xffff  }
0x30a: {  	v51 =	vadd.s32 v55, v4;
	v50 =	vld.idx.msk [tilespmem:v49+s0+$0x40B0 ss:$0x1], $0xffff;
	_ =	sdelay $0x3  }
0x30b: {  	[tilespmem:v6+s21+$0x0] =	vst.idx.msk $0xffff, v5  }
0x30c: {  	v52 =	vadd.s32 v38, v3;
	[tilespmem:v51+s21+$0x0] =	vst.idx.msk $0xffff, v50  }
0x30d: {  	v53 =	vadd.s32 v46, v3;
	v6 =	vadd.s32 v52, v4;
	v5 =	vld.idx.msk [tilespmem:v49+s0+$0x40C0 ss:$0x1], $0xffff  }
0x30e: {  	v7 =	vadd.s32 v53, v4;
	v51 =	vld.idx.msk [tilespmem:v49+s0+$0x40D0 ss:$0x1], $0xffff;
	_ =	sdelay $0x3  }
0x30f: {  	[tilespmem:v6+s21+$0x0] =	vst.idx.msk $0xffff, v5  }
0x310: {  	v50 =	vadd.s32 v39, v3;
	[tilespmem:v7+s21+$0x0] =	vst.idx.msk $0xffff, v51  }
0x311: {  	v5 =	vadd.s32 v50, v4;
	v51 =	vadd.s32 v47, v3;
	v3 =	vld.idx.msk [tilespmem:v49+s0+$0x40E0 ss:$0x1], $0xffff  }
0x312: {  	s1 =	simm.s32 $0x8;
	v6 =	vld.idx.msk [tilespmem:v49+s0+$0x40F0 ss:$0x1], $0xffff;
	v4 =	vadd.s32 v51, v4  }
0x313: {  	v7 =	vmov s1  }
0x314: {  	v7 =	vshrl.u32 v7, $0x3  }
0x315: {  	v7 =	vshll.u32 v7, v48  }
0x316: {  	[tilespmem:v5+s21+$0x0] =	vst.idx.msk $0xffff, v3;
	v3 =	vbroadcast v7, $0x0  }
0x317: {  	[tilespmem:v4+s21+$0x0] =	vst.idx.msk $0xffff, v6  }
0x318: {  	v4 =	vld.idx.msk [tilespmem:v49+s0+$0x4100 ss:$0x1], $0xffff;
	v5 =	vadd.s32 v1, v3  }
0x319: {  	s6 =	simm.s32 $0x9;
	v6 =	vld.idx.msk [tilespmem:v49+s0+$0x4110 ss:$0x1], $0xffff;
	v3 =	vadd.s32 v2, v3  }
0x31a: {  	v7 =	vmov s6  }
0x31b: {  	v7 =	vshrl.u32 v7, $0x3  }
0x31c: {  	v7 =	vshll.u32 v7, v48  }
0x31d: {  	[tilespmem:v5+s21+$0x0] =	vst.idx.msk $0xffff, v4;
	v4 =	vbroadcast v7, $0x0  }
0x31e: {  	[tilespmem:v3+s21+$0x0] =	vst.idx.msk $0xffff, v6  }
0x31f: {  	v3 =	vld.idx.msk [tilespmem:v49+s0+$0x4120 ss:$0x1], $0xffff;
	v5 =	vadd.s32 v62, v4  }
0x320: {  	s6 =	simm.s32 $0xA;
	v6 =	vld.idx.msk [tilespmem:v49+s0+$0x4130 ss:$0x1], $0xffff;
	v4 =	vadd.s32 v63, v4  }
0x321: {  	v7 =	vmov s6  }
0x322: {  	v7 =	vshrl.u32 v7, $0x3  }
0x323: {  	v7 =	vshll.u32 v7, v48  }
0x324: {  	[tilespmem:v5+s21+$0x0] =	vst.idx.msk $0xffff, v3;
	v3 =	vbroadcast v7, $0x0  }
0x325: {  	[tilespmem:v4+s21+$0x0] =	vst.idx.msk $0xffff, v6  }
0x326: {  	v4 =	vld.idx.msk [tilespmem:v49+s0+$0x4140 ss:$0x1], $0xffff;
	v5 =	vadd.s32 v60, v3  }
0x327: {  	s6 =	simm.s32 $0xB;
	v6 =	vld.idx.msk [tilespmem:v49+s0+$0x4150 ss:$0x1], $0xffff;
	v3 =	vadd.s32 v61, v3  }
0x328: {  	v7 =	vmov s6  }
0x329: {  	v7 =	vshrl.u32 v7, $0x3  }
0x32a: {  	v7 =	vshll.u32 v7, v48  }
0x32b: {  	[tilespmem:v5+s21+$0x0] =	vst.idx.msk $0xffff, v4;
	v4 =	vbroadcast v7, $0x0  }
0x32c: {  	[tilespmem:v3+s21+$0x0] =	vst.idx.msk $0xffff, v6  }
0x32d: {  	v3 =	vld.idx.msk [tilespmem:v49+s0+$0x4160 ss:$0x1], $0xffff;
	v5 =	vadd.s32 v58, v4  }
0x32e: {  	s6 =	simm.s32 $0xC;
	v6 =	vld.idx.msk [tilespmem:v49+s0+$0x4170 ss:$0x1], $0xffff;
	v4 =	vadd.s32 v59, v4  }
0x32f: {  	v7 =	vmov s6  }
0x330: {  	v7 =	vshrl.u32 v7, $0x3  }
0x331: {  	v7 =	vshll.u32 v7, v48  }
0x332: {  	[tilespmem:v5+s21+$0x0] =	vst.idx.msk $0xffff, v3;
	v3 =	vbroadcast v7, $0x0  }
0x333: {  	[tilespmem:v4+s21+$0x0] =	vst.idx.msk $0xffff, v6  }
0x334: {  	v4 =	vld.idx.msk [tilespmem:v49+s0+$0x4180 ss:$0x1], $0xffff;
	v5 =	vadd.s32 v56, v3  }
0x335: {  	s6 =	simm.s32 $0xD;
	v6 =	vld.idx.msk [tilespmem:v49+s0+$0x4190 ss:$0x1], $0xffff;
	v3 =	vadd.s32 v57, v3  }
0x336: {  	v7 =	vmov s6  }
0x337: {  	v7 =	vshrl.u32 v7, $0x3  }
0x338: {  	v7 =	vshll.u32 v7, v48  }
0x339: {  	[tilespmem:v5+s21+$0x0] =	vst.idx.msk $0xffff, v4;
	v4 =	vbroadcast v7, $0x0  }
0x33a: {  	[tilespmem:v3+s21+$0x0] =	vst.idx.msk $0xffff, v6  }
0x33b: {  	v3 =	vld.idx.msk [tilespmem:v49+s0+$0x41A0 ss:$0x1], $0xffff;
	v5 =	vadd.s32 v54, v4  }
0x33c: {  	s6 =	simm.s32 $0xE;
	v6 =	vld.idx.msk [tilespmem:v49+s0+$0x41B0 ss:$0x1], $0xffff;
	v4 =	vadd.s32 v55, v4  }
0x33d: {  	v7 =	vmov s6  }
0x33e: {  	v7 =	vshrl.u32 v7, $0x3  }
0x33f: {  	v7 =	vshll.u32 v7, v48  }
0x340: {  	[tilespmem:v5+s21+$0x0] =	vst.idx.msk $0xffff, v3;
	v3 =	vbroadcast v7, $0x0  }
0x341: {  	[tilespmem:v4+s21+$0x0] =	vst.idx.msk $0xffff, v6  }
0x342: {  	v4 =	vld.idx.msk [tilespmem:v49+s0+$0x41C0 ss:$0x1], $0xffff;
	v5 =	vadd.s32 v52, v3  }
0x343: {  	s6 =	simm.s32 $0xF;
	v6 =	vld.idx.msk [tilespmem:v49+s0+$0x41D0 ss:$0x1], $0xffff;
	v3 =	vadd.s32 v53, v3  }
0x344: {  	v7 =	vmov s6  }
0x345: {  	v7 =	vshrl.u32 v7, $0x3  }
0x346: {  	v7 =	vshll.u32 v7, v48  }
0x347: {  	[tilespmem:v5+s21+$0x0] =	vst.idx.msk $0xffff, v4;
	v4 =	vbroadcast v7, $0x0  }
0x348: {  	[tilespmem:v3+s21+$0x0] =	vst.idx.msk $0xffff, v6  }
0x349: {  	v6 =	vld.idx.msk [tilespmem:v49+s0+$0x41E0 ss:$0x1], $0xffff;
	v7 =	vadd.s32 v50, v4  }
0x34a: {  	v3 =	vld.idx.msk [tilespmem:v49+s0+$0x41F0 ss:$0x1], $0xffff;
	v4 =	vadd.s32 v51, v4  }
0x34b: {  	s6 =	simm.s32 $0x10  }
0x34c: {  	v5 =	vmov s6  }
0x34d: {  	v5 =	vshrl.u32 v5, $0x3  }
0x34e: {  	s29 =	simm.s32 $0x200;
	s31 =	simm.s32 $0x1000;
	s30 =	simm.s32 $0x1F;
	v5 =	vshll.u32 v5, v48;
	[tilespmem:v7+s21+$0x0] =	vst.idx.msk $0xffff, v6  }
.LBB2_20:
0x34f: {  	s1 =	sshra.s32 s31, $0x2;
	p0 =	sne.s32 s31, $0x3800;
	s31 =	sadd.s32 $0x800, s31;
	v5 =	vbroadcast v5, $0x0;
	[tilespmem:v4+s21+$0x0] =	vst.idx.msk $0xffff, v3  }
0x350: {  	v3 =	vld.idx.msk [tilespmem:v49+s29+$0x4000 ss:$0x1], $0xffff  }
0x351: {  	v4 =	vld.idx.msk [tilespmem:v49+s29+$0x4010 ss:$0x1], $0xffff;
	v6 =	vadd.s32 v1, v5  }
0x352: {  	v7 =	vadd.s32 v2, v5;
	_ =	sdelay $0x3  }
0x353: {  	[tilespmem:v6+s21+$0x0] =	vst.idx.msk $0xffff, v3  }
0x354: {  	[tilespmem:v7+s21+$0x0] =	vst.idx.msk $0xffff, v4  }
0x355: {  	v3 =	vld.idx.msk [tilespmem:v49+s29+$0x4020 ss:$0x1], $0xffff  }
0x356: {  	v6 =	vadd.s32 v62, v5;
	v4 =	vld.idx.msk [tilespmem:v49+s29+$0x4030 ss:$0x1], $0xffff  }
0x357: {  	v7 =	vadd.s32 v63, v5;
	_ =	sdelay $0x3  }
0x358: {  	[tilespmem:v6+s21+$0x0] =	vst.idx.msk $0xffff, v3  }
0x359: {  	[tilespmem:v7+s21+$0x0] =	vst.idx.msk $0xffff, v4  }
0x35a: {  	v3 =	vld.idx.msk [tilespmem:v49+s29+$0x4040 ss:$0x1], $0xffff  }
0x35b: {  	v6 =	vadd.s32 v60, v5;
	v4 =	vld.idx.msk [tilespmem:v49+s29+$0x4050 ss:$0x1], $0xffff  }
0x35c: {  	v7 =	vadd.s32 v61, v5;
	_ =	sdelay $0x3  }
0x35d: {  	[tilespmem:v6+s21+$0x0] =	vst.idx.msk $0xffff, v3  }
0x35e: {  	[tilespmem:v7+s21+$0x0] =	vst.idx.msk $0xffff, v4  }
0x35f: {  	v3 =	vld.idx.msk [tilespmem:v49+s29+$0x4060 ss:$0x1], $0xffff  }
0x360: {  	v6 =	vadd.s32 v58, v5;
	v4 =	vld.idx.msk [tilespmem:v49+s29+$0x4070 ss:$0x1], $0xffff  }
0x361: {  	v7 =	vadd.s32 v59, v5;
	_ =	sdelay $0x3  }
0x362: {  	[tilespmem:v6+s21+$0x0] =	vst.idx.msk $0xffff, v3  }
0x363: {  	[tilespmem:v7+s21+$0x0] =	vst.idx.msk $0xffff, v4  }
0x364: {  	v3 =	vld.idx.msk [tilespmem:v49+s29+$0x4080 ss:$0x1], $0xffff  }
0x365: {  	v6 =	vadd.s32 v56, v5;
	v4 =	vld.idx.msk [tilespmem:v49+s29+$0x4090 ss:$0x1], $0xffff  }
0x366: {  	v7 =	vadd.s32 v57, v5;
	_ =	sdelay $0x3  }
0x367: {  	[tilespmem:v6+s21+$0x0] =	vst.idx.msk $0xffff, v3  }
0x368: {  	[tilespmem:v7+s21+$0x0] =	vst.idx.msk $0xffff, v4  }
0x369: {  	v3 =	vld.idx.msk [tilespmem:v49+s29+$0x40A0 ss:$0x1], $0xffff  }
0x36a: {  	v6 =	vadd.s32 v54, v5;
	v4 =	vld.idx.msk [tilespmem:v49+s29+$0x40B0 ss:$0x1], $0xffff  }
0x36b: {  	v7 =	vadd.s32 v55, v5;
	_ =	sdelay $0x3  }
0x36c: {  	[tilespmem:v6+s21+$0x0] =	vst.idx.msk $0xffff, v3  }
0x36d: {  	[tilespmem:v7+s21+$0x0] =	vst.idx.msk $0xffff, v4  }
0x36e: {  	v3 =	vld.idx.msk [tilespmem:v49+s29+$0x40C0 ss:$0x1], $0xffff  }
0x36f: {  	v6 =	vadd.s32 v52, v5;
	v4 =	vld.idx.msk [tilespmem:v49+s29+$0x40D0 ss:$0x1], $0xffff  }
0x370: {  	v7 =	vadd.s32 v53, v5;
	_ =	sdelay $0x3  }
0x371: {  	[tilespmem:v6+s21+$0x0] =	vst.idx.msk $0xffff, v3  }
0x372: {  	[tilespmem:v7+s21+$0x0] =	vst.idx.msk $0xffff, v4  }
0x373: {  	v3 =	vld.idx.msk [tilespmem:v49+s29+$0x40E0 ss:$0x1], $0xffff  }
0x374: {  	v6 =	vadd.s32 v50, v5;
	v4 =	vld.idx.msk [tilespmem:v49+s29+$0x40F0 ss:$0x1], $0xffff  }
0x375: {  	v5 =	vadd.s32 v51, v5  }
0x376: {  	s0 =	sadd.s32 $0xFFFFFFF9, s30  }
0x377: {  	v7 =	vmov s0  }
0x378: {  	v7 =	vshrl.u32 v7, $0x3  }
0x379: {  	[tilespmem:v6+s21+$0x0] =	vst.idx.msk $0xffff, v3;
	v3 =	vshll.u32 v7, v48  }
0x37a: {  	[tilespmem:v5+s21+$0x0] =	vst.idx.msk $0xffff, v4;
	v3 =	vbroadcast v3, $0x0  }
0x37b: {  	v4 =	vld.idx.msk [tilespmem:v49+s29+$0x4100 ss:$0x1], $0xffff  }
0x37c: {  	v5 =	vld.idx.msk [tilespmem:v49+s29+$0x4110 ss:$0x1], $0xffff;
	v6 =	vadd.s32 v1, v3  }
0x37d: {  	v3 =	vadd.s32 v2, v3  }
0x37e: {  	s0 =	sadd.s32 $0xFFFFFFFA, s30  }
0x37f: {  	v7 =	vmov s0  }
0x380: {  	v7 =	vshrl.u32 v7, $0x3  }
0x381: {  	[tilespmem:v6+s21+$0x0] =	vst.idx.msk $0xffff, v4;
	v4 =	vshll.u32 v7, v48  }
0x382: {  	[tilespmem:v3+s21+$0x0] =	vst.idx.msk $0xffff, v5;
	v3 =	vbroadcast v4, $0x0  }
0x383: {  	v4 =	vld.idx.msk [tilespmem:v49+s29+$0x4120 ss:$0x1], $0xffff  }
0x384: {  	v5 =	vld.idx.msk [tilespmem:v49+s29+$0x4130 ss:$0x1], $0xffff;
	v6 =	vadd.s32 v62, v3  }
0x385: {  	v3 =	vadd.s32 v63, v3  }
0x386: {  	s0 =	sadd.s32 $0xFFFFFFFB, s30  }
0x387: {  	v7 =	vmov s0  }
0x388: {  	v7 =	vshrl.u32 v7, $0x3  }
0x389: {  	[tilespmem:v6+s21+$0x0] =	vst.idx.msk $0xffff, v4;
	v4 =	vshll.u32 v7, v48  }
0x38a: {  	[tilespmem:v3+s21+$0x0] =	vst.idx.msk $0xffff, v5;
	v3 =	vbroadcast v4, $0x0  }
0x38b: {  	v4 =	vld.idx.msk [tilespmem:v49+s29+$0x4140 ss:$0x1], $0xffff  }
0x38c: {  	v5 =	vld.idx.msk [tilespmem:v49+s29+$0x4150 ss:$0x1], $0xffff;
	v6 =	vadd.s32 v60, v3  }
0x38d: {  	v3 =	vadd.s32 v61, v3  }
0x38e: {  	s0 =	sadd.s32 $0xFFFFFFFC, s30  }
0x38f: {  	v7 =	vmov s0  }
0x390: {  	v7 =	vshrl.u32 v7, $0x3  }
0x391: {  	[tilespmem:v6+s21+$0x0] =	vst.idx.msk $0xffff, v4;
	v4 =	vshll.u32 v7, v48  }
0x392: {  	[tilespmem:v3+s21+$0x0] =	vst.idx.msk $0xffff, v5;
	v3 =	vbroadcast v4, $0x0  }
0x393: {  	v4 =	vld.idx.msk [tilespmem:v49+s29+$0x4160 ss:$0x1], $0xffff  }
0x394: {  	v5 =	vld.idx.msk [tilespmem:v49+s29+$0x4170 ss:$0x1], $0xffff;
	v6 =	vadd.s32 v58, v3  }
0x395: {  	v3 =	vadd.s32 v59, v3  }
0x396: {  	s0 =	sadd.s32 $0xFFFFFFFD, s30  }
0x397: {  	v7 =	vmov s0  }
0x398: {  	v7 =	vshrl.u32 v7, $0x3  }
0x399: {  	[tilespmem:v6+s21+$0x0] =	vst.idx.msk $0xffff, v4;
	v4 =	vshll.u32 v7, v48  }
0x39a: {  	[tilespmem:v3+s21+$0x0] =	vst.idx.msk $0xffff, v5;
	v3 =	vbroadcast v4, $0x0  }
0x39b: {  	v4 =	vld.idx.msk [tilespmem:v49+s29+$0x4180 ss:$0x1], $0xffff  }
0x39c: {  	v5 =	vld.idx.msk [tilespmem:v49+s29+$0x4190 ss:$0x1], $0xffff;
	v6 =	vadd.s32 v56, v3  }
0x39d: {  	v3 =	vadd.s32 v57, v3  }
0x39e: {  	s0 =	sadd.s32 $0xFFFFFFFE, s30  }
0x39f: {  	v7 =	vmov s0  }
0x3a0: {  	v7 =	vshrl.u32 v7, $0x3  }
0x3a1: {  	[tilespmem:v6+s21+$0x0] =	vst.idx.msk $0xffff, v4;
	v4 =	vshll.u32 v7, v48  }
0x3a2: {  	[tilespmem:v3+s21+$0x0] =	vst.idx.msk $0xffff, v5;
	v3 =	vbroadcast v4, $0x0  }
0x3a3: {  	v4 =	vld.idx.msk [tilespmem:v49+s29+$0x41A0 ss:$0x1], $0xffff  }
0x3a4: {  	v5 =	vld.idx.msk [tilespmem:v49+s29+$0x41B0 ss:$0x1], $0xffff;
	v6 =	vadd.s32 v54, v3  }
0x3a5: {  	v3 =	vadd.s32 v55, v3  }
0x3a6: {  	s0 =	sadd.s32 $0xFFFFFFFF, s30  }
0x3a7: {  	v7 =	vmov s0  }
0x3a8: {  	v7 =	vshrl.u32 v7, $0x3  }
0x3a9: {  	[tilespmem:v6+s21+$0x0] =	vst.idx.msk $0xffff, v4;
	v4 =	vshll.u32 v7, v48  }
0x3aa: {  	[tilespmem:v3+s21+$0x0] =	vst.idx.msk $0xffff, v5;
	v3 =	vbroadcast v4, $0x0  }
0x3ab: {  	v4 =	vld.idx.msk [tilespmem:v49+s29+$0x41C0 ss:$0x1], $0xffff  }
0x3ac: {  	v5 =	vld.idx.msk [tilespmem:v49+s29+$0x41D0 ss:$0x1], $0xffff;
	v6 =	vadd.s32 v52, v3  }
0x3ad: {  	v3 =	vadd.s32 v53, v3;
	_ =	sdelay $0x1  }
0x3ae: {  	v7 =	vmov s30  }
0x3af: {  	v7 =	vshrl.u32 v7, $0x3  }
0x3b0: {  	[tilespmem:v6+s21+$0x0] =	vst.idx.msk $0xffff, v4;
	v4 =	vshll.u32 v7, v48  }
0x3b1: {  	[tilespmem:v3+s21+$0x0] =	vst.idx.msk $0xffff, v5;
	v4 =	vbroadcast v4, $0x0  }
0x3b2: {  	v6 =	vld.idx.msk [tilespmem:v49+s29+$0x41E0 ss:$0x1], $0xffff  }
0x3b3: {  	v3 =	vld.idx.msk [tilespmem:v49+s29+$0x41F0 ss:$0x1], $0xffff;
	v7 =	vadd.s32 v50, v4;
	s29 =	smov.u32 s1  }
.Ltmp9:
0x3b4: {  	s30 =	sadd.s32 $0x10, s30;
	v4 =	vadd.s32 v51, v4;
	(pc) =	sbr.rel @p0 .LBB2_20-.Ltmp9, $4  }
0x3b5: {  	s0 =	sadd.s32 $0xFFFFFFF1, s30  }
0x3b6: {  	v5 =	vmov s0  }
0x3b7: {  	v5 =	vshrl.u32 v5, $0x3  }
0x3b8: {  	v5 =	vshll.u32 v5, v48;
	[tilespmem:v7+s21+$0x0] =	vst.idx.msk $0xffff, v6  }
0x3b9: {  	_ =	sdelay $0x2  }
0x3ba: {  	v5 =	vbroadcast v5, $0x0  }
0x3bb: {  	[tilespmem:v4+s21+$0x0] =	vst.idx.msk $0xffff, v3  }
0x3bc: {  	v3 =	vld.idx.msk [tilespmem:v49+s29+$0x4000 ss:$0x1], $0xffff;
	v4 =	vadd.s32 v1, v5  }
0x3bd: {  	v6 =	vld.idx.msk [tilespmem:v49+s29+$0x4010 ss:$0x1], $0xffff;
	v7 =	vadd.s32 v2, v5;
	_ =	sdelay $0x3  }
0x3be: {  	[tilespmem:v4+s21+$0x0] =	vst.idx.msk $0xffff, v3  }
0x3bf: {  	[tilespmem:v7+s21+$0x0] =	vst.idx.msk $0xffff, v6  }
0x3c0: {  	v4 =	vadd.s32 v62, v5;
	v3 =	vld.idx.msk [tilespmem:v49+s29+$0x4020 ss:$0x1], $0xffff  }
0x3c1: {  	v7 =	vadd.s32 v63, v5;
	v6 =	vld.idx.msk [tilespmem:v49+s29+$0x4030 ss:$0x1], $0xffff;
	_ =	sdelay $0x3  }
0x3c2: {  	[tilespmem:v4+s21+$0x0] =	vst.idx.msk $0xffff, v3  }
0x3c3: {  	[tilespmem:v7+s21+$0x0] =	vst.idx.msk $0xffff, v6  }
0x3c4: {  	v4 =	vadd.s32 v60, v5;
	v3 =	vld.idx.msk [tilespmem:v49+s29+$0x4040 ss:$0x1], $0xffff  }
0x3c5: {  	v7 =	vadd.s32 v61, v5;
	v6 =	vld.idx.msk [tilespmem:v49+s29+$0x4050 ss:$0x1], $0xffff;
	_ =	sdelay $0x3  }
0x3c6: {  	[tilespmem:v4+s21+$0x0] =	vst.idx.msk $0xffff, v3  }
0x3c7: {  	[tilespmem:v7+s21+$0x0] =	vst.idx.msk $0xffff, v6  }
0x3c8: {  	v4 =	vadd.s32 v58, v5;
	v3 =	vld.idx.msk [tilespmem:v49+s29+$0x4060 ss:$0x1], $0xffff  }
0x3c9: {  	v7 =	vadd.s32 v59, v5;
	v6 =	vld.idx.msk [tilespmem:v49+s29+$0x4070 ss:$0x1], $0xffff;
	_ =	sdelay $0x3  }
0x3ca: {  	[tilespmem:v4+s21+$0x0] =	vst.idx.msk $0xffff, v3  }
0x3cb: {  	[tilespmem:v7+s21+$0x0] =	vst.idx.msk $0xffff, v6  }
0x3cc: {  	v4 =	vadd.s32 v56, v5;
	v3 =	vld.idx.msk [tilespmem:v49+s29+$0x4080 ss:$0x1], $0xffff  }
0x3cd: {  	v7 =	vadd.s32 v57, v5;
	v6 =	vld.idx.msk [tilespmem:v49+s29+$0x4090 ss:$0x1], $0xffff;
	_ =	sdelay $0x3  }
0x3ce: {  	[tilespmem:v4+s21+$0x0] =	vst.idx.msk $0xffff, v3  }
0x3cf: {  	[tilespmem:v7+s21+$0x0] =	vst.idx.msk $0xffff, v6  }
0x3d0: {  	v4 =	vadd.s32 v54, v5;
	v3 =	vld.idx.msk [tilespmem:v49+s29+$0x40A0 ss:$0x1], $0xffff  }
0x3d1: {  	v7 =	vadd.s32 v55, v5;
	v6 =	vld.idx.msk [tilespmem:v49+s29+$0x40B0 ss:$0x1], $0xffff;
	_ =	sdelay $0x3  }
0x3d2: {  	[tilespmem:v4+s21+$0x0] =	vst.idx.msk $0xffff, v3  }
0x3d3: {  	[tilespmem:v7+s21+$0x0] =	vst.idx.msk $0xffff, v6  }
0x3d4: {  	v4 =	vadd.s32 v52, v5;
	v3 =	vld.idx.msk [tilespmem:v49+s29+$0x40C0 ss:$0x1], $0xffff  }
0x3d5: {  	v7 =	vadd.s32 v53, v5;
	v6 =	vld.idx.msk [tilespmem:v49+s29+$0x40D0 ss:$0x1], $0xffff;
	_ =	sdelay $0x3  }
0x3d6: {  	[tilespmem:v4+s21+$0x0] =	vst.idx.msk $0xffff, v3  }
0x3d7: {  	[tilespmem:v7+s21+$0x0] =	vst.idx.msk $0xffff, v6  }
0x3d8: {  	v4 =	vadd.s32 v50, v5;
	v3 =	vld.idx.msk [tilespmem:v49+s29+$0x40E0 ss:$0x1], $0xffff  }
0x3d9: {  	s0 =	sadd.s32 $0xFFFFFFF9, s30;
	v5 =	vadd.s32 v51, v5;
	v6 =	vld.idx.msk [tilespmem:v49+s29+$0x40F0 ss:$0x1], $0xffff  }
0x3da: {  	v7 =	vmov s0  }
0x3db: {  	v7 =	vshrl.u32 v7, $0x3  }
0x3dc: {  	v7 =	vshll.u32 v7, v48  }
0x3dd: {  	[tilespmem:v4+s21+$0x0] =	vst.idx.msk $0xffff, v3;
	v3 =	vbroadcast v7, $0x0  }
0x3de: {  	[tilespmem:v5+s21+$0x0] =	vst.idx.msk $0xffff, v6  }
0x3df: {  	v4 =	vld.idx.msk [tilespmem:v49+s29+$0x4100 ss:$0x1], $0xffff;
	v1 =	vadd.s32 v1, v3  }
0x3e0: {  	s1 =	sadd.s32 $0xFFFFFFFA, s30;
	v5 =	vld.idx.msk [tilespmem:v49+s29+$0x4110 ss:$0x1], $0xffff;
	v2 =	vadd.s32 v2, v3  }
0x3e1: {  	v3 =	vmov s1  }
0x3e2: {  	v3 =	vshrl.u32 v3, $0x3  }
0x3e3: {  	v3 =	vshll.u32 v3, v48  }
0x3e4: {  	[tilespmem:v1+s21+$0x0] =	vst.idx.msk $0xffff, v4;
	v1 =	vbroadcast v3, $0x0  }
0x3e5: {  	[tilespmem:v2+s21+$0x0] =	vst.idx.msk $0xffff, v5  }
0x3e6: {  	v2 =	vld.idx.msk [tilespmem:v49+s29+$0x4120 ss:$0x1], $0xffff;
	v3 =	vadd.s32 v62, v1  }
0x3e7: {  	s6 =	sadd.s32 $0xFFFFFFFB, s30;
	v4 =	vld.idx.msk [tilespmem:v49+s29+$0x4130 ss:$0x1], $0xffff;
	v1 =	vadd.s32 v63, v1  }
0x3e8: {  	v62 =	vmov s6  }
0x3e9: {  	v5 =	vshrl.u32 v62, $0x3  }
0x3ea: {  	v5 =	vshll.u32 v5, v48  }
0x3eb: {  	[tilespmem:v3+s21+$0x0] =	vst.idx.msk $0xffff, v2;
	v2 =	vbroadcast v5, $0x0  }
0x3ec: {  	[tilespmem:v1+s21+$0x0] =	vst.idx.msk $0xffff, v4  }
0x3ed: {  	v1 =	vld.idx.msk [tilespmem:v49+s29+$0x4140 ss:$0x1], $0xffff;
	v3 =	vadd.s32 v60, v2  }
0x3ee: {  	s31 =	sadd.s32 $0xFFFFFFFC, s30;
	v4 =	vld.idx.msk [tilespmem:v49+s29+$0x4150 ss:$0x1], $0xffff;
	v2 =	vadd.s32 v61, v2  }
0x3ef: {  	v63 =	vmov s31  }
0x3f0: {  	v5 =	vshrl.u32 v63, $0x3  }
0x3f1: {  	v5 =	vshll.u32 v5, v48  }
0x3f2: {  	[tilespmem:v3+s21+$0x0] =	vst.idx.msk $0xffff, v1;
	v1 =	vbroadcast v5, $0x0  }
0x3f3: {  	[tilespmem:v2+s21+$0x0] =	vst.idx.msk $0xffff, v4  }
0x3f4: {  	v2 =	vld.idx.msk [tilespmem:v49+s29+$0x4160 ss:$0x1], $0xffff;
	v3 =	vadd.s32 v58, v1  }
0x3f5: {  	s1 =	sadd.s32 $0xFFFFFFFD, s30;
	v4 =	vld.idx.msk [tilespmem:v49+s29+$0x4170 ss:$0x1], $0xffff;
	v1 =	vadd.s32 v59, v1  }
0x3f6: {  	v60 =	vmov s1  }
0x3f7: {  	v5 =	vshrl.u32 v60, $0x3  }
0x3f8: {  	v5 =	vshll.u32 v5, v48  }
0x3f9: {  	[tilespmem:v3+s21+$0x0] =	vst.idx.msk $0xffff, v2;
	v2 =	vbroadcast v5, $0x0  }
0x3fa: {  	[tilespmem:v1+s21+$0x0] =	vst.idx.msk $0xffff, v4  }
0x3fb: {  	v1 =	vld.idx.msk [tilespmem:v49+s29+$0x4180 ss:$0x1], $0xffff;
	v3 =	vadd.s32 v56, v2  }
0x3fc: {  	s6 =	sadd.s32 $0xFFFFFFFE, s30;
	v4 =	vld.idx.msk [tilespmem:v49+s29+$0x4190 ss:$0x1], $0xffff;
	v2 =	vadd.s32 v57, v2  }
0x3fd: {  	v61 =	vmov s6  }
0x3fe: {  	v5 =	vshrl.u32 v61, $0x3  }
0x3ff: {  	v5 =	vshll.u32 v5, v48  }
0x400: {  	[tilespmem:v3+s21+$0x0] =	vst.idx.msk $0xffff, v1;
	v1 =	vbroadcast v5, $0x0  }
0x401: {  	[tilespmem:v2+s21+$0x0] =	vst.idx.msk $0xffff, v4  }
0x402: {  	v2 =	vld.idx.msk [tilespmem:v49+s29+$0x41A0 ss:$0x1], $0xffff;
	v3 =	vadd.s32 v54, v1  }
0x403: {  	s31 =	sadd.s32 $0xFFFFFFFF, s30;
	v4 =	vld.idx.msk [tilespmem:v49+s29+$0x41B0 ss:$0x1], $0xffff;
	v1 =	vadd.s32 v55, v1  }
0x404: {  	v62 =	vmov s31  }
0x405: {  	v5 =	vshrl.u32 v62, $0x3  }
0x406: {  	v5 =	vshll.u32 v5, v48  }
0x407: {  	[tilespmem:v3+s21+$0x0] =	vst.idx.msk $0xffff, v2;
	v2 =	vbroadcast v5, $0x0  }
0x408: {  	[tilespmem:v1+s21+$0x0] =	vst.idx.msk $0xffff, v4  }
0x409: {  	v1 =	vld.idx.msk [tilespmem:v49+s29+$0x41C0 ss:$0x1], $0xffff;
	v3 =	vadd.s32 v52, v2  }
0x40a: {  	v4 =	vld.idx.msk [tilespmem:v49+s29+$0x41D0 ss:$0x1], $0xffff;
	v2 =	vadd.s32 v53, v2  }
0x40b: {  	v63 =	vmov s30  }
0x40c: {  	v5 =	vshrl.u32 v63, $0x3  }
0x40d: {  	v5 =	vshll.u32 v5, v48  }
0x40e: {  	[tilespmem:v3+s21+$0x0] =	vst.idx.msk $0xffff, v1;
	v1 =	vbroadcast v5, $0x0  }
0x40f: {  	[tilespmem:v2+s21+$0x0] =	vst.idx.msk $0xffff, v4  }
0x410: {  	s26 =	sadd.s32 $0x1, s26;
	v2 =	vld.idx.msk [tilespmem:v49+s29+$0x41E0 ss:$0x1], $0xffff;
	v3 =	vadd.s32 v50, v1  }
0x411: {  	p0 =	sne.s32 s26, $0x4;
	v4 =	vld.idx.msk [tilespmem:v49+s29+$0x41F0 ss:$0x1], $0xffff;
	v1 =	vadd.s32 v51, v1  }
.Ltmp10:
0x412: {  	_ = 	snop;
	(pc) =	sbr.rel @p0 .LBB2_19-.Ltmp10, $3  }
0x413: {  	_ =	sdelay $0x1  }
0x414: {  	[tilespmem:v3+s21+$0x0] =	vst.idx.msk $0xffff, v2  }
0x415: {  	s28 =	sadd.s32 $0x1000, s28;
	[tilespmem:v1+s21+$0x0] =	vst.idx.msk $0xffff, v4  }
0x416: {  	s0 =	sshll.u32 s25, $0x13  }
0x417: {  	s1 =	sor.u32 s5, s0  }
0x418: {  	s1 =	sshrl.u32 s1, $0x3  }
0x419: {  	s25 =	simm.s32 $0x13800;
	s1 =	sadd.s32 s2, s1  }
0x41a: {  	s26 =	simm.s32 $0x10;
	s28 =	simm.s32 $0x13888;
	s29 =	sadd.s32 $0x0, s1  }
.LBB2_23:
0x41b: {  	[hbm4b:s29+s3] =	stream.linear.scatter [tilespmem:s25], [sflag:$0x5], $0x80, $0x38;
	[tilespmem:$0x17C00] =	vst v63  }
0x41c: {  	s6 =	smov.u32 s26;
	s25 =	smov.u32 s28;
	p0 =	sne.s32 s26, $0x1F0  }
.Ltmp11:
0x41d: {  	s26 =	sadd.s32 $0x10, s26;
	(pc) =	sbr.rel @p0 .LBB2_23-.Ltmp11, $2  }
0x41e: {  	_ =	sdelay $0x2  }
0x41f: {  	s28 =	sadd.s32 $0x88, s28;
	s29 =	sadd.s32 s6, s1  }
0x420: {  	[hbm4b:s29+s3] =	stream.linear.scatter [tilespmem:s25], [sflag:$0x5], $0x80, $0x38;
	[tilespmem:$0x17C00] =	vst v63  }
0x421: {  	s1 =	sor.u32 s7, s0  }
0x422: {  	s1 =	sshrl.u32 s1, $0x3  }
0x423: {  	s25 =	simm.s32 $0x14900;
	s1 =	sadd.s32 s2, s1  }
0x424: {  	s26 =	simm.s32 $0x10;
	s28 =	simm.s32 $0x14988;
	s29 =	sadd.s32 $0x0, s1  }
.LBB2_25:
0x425: {  	[hbm4b:s29+s3] =	stream.linear.scatter [tilespmem:s25], [sflag:$0x5], $0x80, $0x38;
	[tilespmem:$0x17C00] =	vst v63  }
0x426: {  	s6 =	smov.u32 s26;
	s25 =	smov.u32 s28;
	p0 =	sne.s32 s26, $0x1F0  }
.Ltmp12:
0x427: {  	s26 =	sadd.s32 $0x10, s26;
	(pc) =	sbr.rel @p0 .LBB2_25-.Ltmp12, $2  }
0x428: {  	_ =	sdelay $0x2  }
0x429: {  	s28 =	sadd.s32 $0x88, s28;
	s29 =	sadd.s32 s6, s1  }
0x42a: {  	[hbm4b:s29+s3] =	stream.linear.scatter [tilespmem:s25], [sflag:$0x5], $0x80, $0x38;
	[tilespmem:$0x17C00] =	vst v63  }
0x42b: {  	s1 =	sor.u32 s8, s0  }
0x42c: {  	s1 =	sshrl.u32 s1, $0x3  }
0x42d: {  	s25 =	simm.s32 $0x15A00;
	s1 =	sadd.s32 s2, s1  }
0x42e: {  	s26 =	simm.s32 $0x10;
	s28 =	simm.s32 $0x15A88;
	s29 =	sadd.s32 $0x0, s1  }
.LBB2_27:
0x42f: {  	[hbm4b:s29+s3] =	stream.linear.scatter [tilespmem:s25], [sflag:$0x5], $0x80, $0x38;
	[tilespmem:$0x17C00] =	vst v63  }
0x430: {  	s6 =	smov.u32 s26;
	s25 =	smov.u32 s28;
	p0 =	sne.s32 s26, $0x1F0  }
.Ltmp13:
0x431: {  	s26 =	sadd.s32 $0x10, s26;
	(pc) =	sbr.rel @p0 .LBB2_27-.Ltmp13, $2  }
0x432: {  	_ =	sdelay $0x2  }
0x433: {  	s28 =	sadd.s32 $0x88, s28;
	s29 =	sadd.s32 s6, s1  }
0x434: {  	[hbm4b:s29+s3] =	stream.linear.scatter [tilespmem:s25], [sflag:$0x5], $0x80, $0x38;
	[tilespmem:$0x17C00] =	vst v63  }
0x435: {  	s0 =	sor.u32 s9, s0  }
0x436: {  	s0 =	sshrl.u32 s0, $0x3  }
0x437: {  	s1 =	simm.s32 $0x16B00;
	s0 =	sadd.s32 s2, s0  }
0x438: {  	s25 =	simm.s32 $0x10;
	s26 =	simm.s32 $0x16B88;
	s28 =	sadd.s32 $0x0, s0  }
.LBB2_29:
0x439: {  	[hbm4b:s28+s3] =	stream.linear.scatter [tilespmem:s1], [sflag:$0x5], $0x80, $0x38;
	[tilespmem:$0x17C00] =	vst v63  }
0x43a: {  	s6 =	smov.u32 s25;
	s1 =	smov.u32 s26;
	p0 =	sne.s32 s25, $0x1F0  }
.Ltmp14:
0x43b: {  	s25 =	sadd.s32 $0x10, s25;
	(pc) =	sbr.rel @p0 .LBB2_29-.Ltmp14, $2  }
0x43c: {  	_ =	sdelay $0x2  }
0x43d: {  	s26 =	sadd.s32 $0x88, s26;
	s28 =	sadd.s32 s6, s0  }
0x43e: {  	s24 =	sadd.s32 $0x1, s24  }
0x43f: {  	p0 =	sne.s32 s24, $0x19  }
.Ltmp15:
0x440: {  	_ = 	snop;
	(pc) =	sbr.rel @p0 .LBB2_2-.Ltmp15, $2  }
0x441: {  	_ =	sdelay $0x2  }
0x442: {  	[hbm4b:s28+s3] =	stream.linear.scatter [tilespmem:s1], [sflag:$0x5], $0x80, $0x38;
	[tilespmem:$0x17C00] =	vst v63  }
0x443: {  	_ =	swait.ge [sflag:s22], $0x1000  }
0x444: {  	[sflag:s22] =	ssyncset.done $0x0  }
0x445: {  	[sflag:s22] =	ssyncadd.s32 $0xFFFFF000  }
0x446: {  	_ =	swait.ge [sflag:s22], $0x1000  }
0x447: {  	[sflag:s22] =	ssyncset.done $0x0  }
0x448: {  	[sflag:s22] =	ssyncadd.s32 $0xFFFFF000  }
0x449: {  	_ =	swait.ge [sflag:s22], $0x1000  }
0x44a: {  	[sflag:s22] =	ssyncset.done $0x0  }
0x44b: {  	[sflag:s22] =	ssyncadd.s32 $0xFFFFF000  }
0x44c: {  	_ =	swait.ge [sflag:s22], $0x1000  }
0x44d: {  	[sflag:s22] =	ssyncset.done $0x0  }
0x44e: {  	[sflag:s22] =	ssyncadd.s32 $0xFFFFF000  }
0x44f: {  	_ =	swait.ge [sflag:s20], $0x1000  }
0x450: {  	[sflag:s20] =	ssyncset.done $0x0  }
0x451: {  	[sflag:s20] =	ssyncadd.s32 $0xFFFFF000  }
0x452: {  	_ =	swait.ge [sflag:s20], $0x1000  }
0x453: {  	[sflag:s20] =	ssyncset.done $0x0  }
0x454: {  	s23 =	sadd.s32 $0x1, s23;
	[sflag:s20] =	ssyncadd.s32 $0xFFFFF000  }
0x455: {  	p0 =	sne.s32 s23, s10;
	_ =	swait.ge [sflag:s20], $0x1000  }
.Ltmp16:
0x456: {  	[sflag:s20] =	ssyncset.done $0x0;
	(pc) =	sbr.rel @p0 .LBB2_1-.Ltmp16, $4  }
0x457: {  	[sflag:s20] =	ssyncadd.s32 $0xFFFFF000  }
0x458: {  	_ =	swait.ge [sflag:s20], $0x1000  }
0x459: {  	[sflag:s20] =	ssyncset.done $0x0  }
0x45a: {  	[sflag:s20] =	ssyncadd.s32 $0xFFFFF000  }
0x45b: {  	_ =	sfence.sel $0x180000  }
0x45c: {  	[bflag:$0x0] =	sbarrier.arrive $0xFFFF  }
0x45d: {  	_ =	strace $0x90000047  }
0x45e: {  	s0 =	stileid.u32;
	[bflag:$0x2] =	sbarrier.arrive $0xFFFF  }
0x45f: {  	p0 =	sne.s32 s0, $0x0;
	s0 =	rddreg [dreg:$0x2]  }
0x460: {  	s0 =	sadd.s32 @!p0 $0x100000, s0  }
0x461: {  	[sflag:s0] =	ssyncadd.tile.s32 @!p0 $0x1;
	_ =	shalt  }
.Lfunc_end2:
_tile_overlayer_lowered:
.L_overlay_start_2:
0x462: {  	(tag) =	ssettag $0x2  }
0x463: {  	s0 =	rddreg [dreg:$0x0];
	s2 =	stileid.u32  }
0x464: {  	s1 =	rddreg [dreg:$0x1];
	p0 =	sne.s32 s2, $0x0  }
0x465: {  	s3 =	rddreg [dreg:$0x2];
	[bflag:$0x3] =	sbarrier.arrive $0xFFFF;
	s2 =	simm.s32 @!p0 $0x1C06  }
0x466: {  	[timem:s3], [sflag:s2] =	dma.local @!p0 [hbm:s0], s1  }
0x467: {  	s0 =	simm.s32 @!p0 $0x6  }
0x468: {  	_ =	swait.ge @!p0 [sflag:s0], s1  }
0x469: {  	s1 =	ssub.s32 @!p0 $0x0, s1;
	[sflag:s0] =	ssyncset.done @!p0 $0x0  }
0x46a: {  	[sflag:s0] =	ssyncadd.s32 @!p0 s1  }
0x46b: {  	[bflag:$0x3] =	sbarrier.arrive $0xFFFF  }
0x46c: {  	_ =	shalt  }

</sc_bundles>
